<compile_context>
chip_gen: v7x
topology: tpu7x:2x2x1
jax: 0.10.2.dev20260603
libtpu: 0.0.44.dev20260713+nightly
codegen_flags: <defaults>
</compile_context>

<pallas_src>
import dataclasses
import functools
import math

import jax
import jax.numpy as jnp
from jax import lax
from jax.experimental import pallas as pl
from jax.experimental.pallas import tpu as pltpu
from jax.experimental.pallas import tpu_sc as plsc

B = 1024
D = 128
K = 1025
OUT = 100000
T = 0.07
MOM = 0.5

KP = 1056
C = 96
NCH = KP // C
NC = 2
NS = 16
NW = NC * NS
BPW = B // NW
L = 16
NT = BPW * NCH


def _dot_chunk(rows_ref, vslices, dst_ref, lane):

    @pl.loop(0, C // L)
    def _(g):
        dvec = jnp.zeros((L,), jnp.float32)
        for rr in range(L):
            r = g * L + rr
            acc = rows_ref[r, pl.ds(0, L)] * vslices[0]
            for t in range(1, D // L):
                acc = acc + rows_ref[r, pl.ds(t * L, L)] * vslices[t]
            dvec = jnp.where(lane == rr, jnp.sum(acc), dvec)
        dst_ref[pl.ds(g * L, L)] = dvec


def _sc_gather_dots(mem1r, mem2r, mem1, mem2, idx_flat, y, v1, v2):
    mesh = plsc.VectorSubcoreMesh(core_axis_name="c", subcore_axis_name="s")
    cp = pltpu.CompilerParams()
    if "needs_layout_passes" in pltpu.CompilerParams.__dataclass_fields__:
        cp = dataclasses.replace(cp, needs_layout_passes=False)

    @functools.partial(
        pl.kernel,
        mesh=mesh,
        compiler_params=cp,
        out_type=[
            jax.ShapeDtypeStruct((B * KP,), jnp.float32),
            jax.ShapeDtypeStruct((B * KP,), jnp.float32),
            jax.ShapeDtypeStruct((B, D), jnp.float32),
            jax.ShapeDtypeStruct((B, D), jnp.float32),
        ],
        scratch_types=[
            pltpu.VMEM((NT * C,), jnp.int32),
            pltpu.VMEM((C, D), jnp.float32),
            pltpu.VMEM((C, D), jnp.float32),
            pltpu.VMEM((C, D), jnp.float32),
            pltpu.VMEM((C, D), jnp.float32),
            pltpu.VMEM((BPW, D), jnp.float32),
            pltpu.VMEM((BPW, D), jnp.float32),
            pltpu.VMEM((C,), jnp.float32),
            pltpu.VMEM((C,), jnp.float32),
            pltpu.VMEM((C,), jnp.float32),
            pltpu.VMEM((C,), jnp.float32),
            pltpu.VMEM((BPW,), jnp.int32),
            pltpu.VMEM((BPW, D), jnp.float32),
            pltpu.SemaphoreType.DMA,
            pltpu.SemaphoreType.DMA,
            pltpu.SemaphoreType.DMA,
            pltpu.SemaphoreType.DMA,
            pltpu.SemaphoreType.DMA,
            pltpu.SemaphoreType.DMA,
        ],
    )
    def k(mem1r_hbm, mem2r_hbm, mem1_hbm, mem2_hbm, idx_hbm, y_hbm,
          v1_hbm, v2_hbm,
          dots1_hbm, dots2_hbm, pos1_hbm, pos2_hbm,
          idxw_v, r1a_v, r2a_v, r1b_v, r2b_v, v1w_v, v2w_v,
          d1a_v, d2a_v, d1b_v, d2b_v, y_v, pos_v,
          sa1, sa2, sb1, sb2, dsema, dsemb):
        wid = lax.axis_index("s") * NC + lax.axis_index("c")
        lane = lax.iota(jnp.int32, L)
        wbase = wid * BPW
        dots_base = wbase * KP

        pltpu.sync_copy(y_hbm.at[pl.ds(wbase, BPW)], y_v)
        pltpu.async_copy(mem1_hbm.at[y_v], pos_v, sa1).wait()
        pltpu.sync_copy(pos_v, pos1_hbm.at[pl.ds(wbase, BPW)])
        pltpu.async_copy(mem2_hbm.at[y_v], pos_v, sa1).wait()
        pltpu.sync_copy(pos_v, pos2_hbm.at[pl.ds(wbase, BPW)])

        pltpu.sync_copy(idx_hbm.at[pl.ds(wbase * KP, NT * C)], idxw_v)
        pltpu.sync_copy(v1_hbm.at[pl.ds(wbase, BPW)], v1w_v)
        pltpu.sync_copy(v2_hbm.at[pl.ds(wbase, BPW)], v2w_v)

        def start(t, r1, r2, s1, s2):
            src = idxw_v.at[pl.ds(t * C, C)]
            pltpu.async_copy(mem1r_hbm.at[src], r1, s1)
            pltpu.async_copy(mem2r_hbm.at[src], r2, s2)

        def wait_gathers(r1, r2, s1, s2):
            src = idxw_v.at[pl.ds(0, C)]
            pltpu.make_async_copy(mem1r_hbm.at[src], r1, s1).wait()
            pltpu.make_async_copy(mem2r_hbm.at[src], r2, s2).wait()

        def wait_emits(d1, d2, ds_):
            pltpu.make_async_copy(d1, dots1_hbm.at[pl.ds(dots_base, C)], ds_).wait()
            pltpu.make_async_copy(d2, dots2_hbm.at[pl.ds(dots_base, C)], ds_).wait()

        def compute_emit(t, r1, r2, d1, d2, ds_):
            bb = t // NCH
            v1s = [v1w_v[bb, pl.ds(u * L, L)] for u in range(D // L)]
            v2s = [v2w_v[bb, pl.ds(u * L, L)] for u in range(D // L)]
            _dot_chunk(r1, v2s, d1, lane)
            _dot_chunk(r2, v1s, d2, lane)
            pltpu.async_copy(d1, dots1_hbm.at[pl.ds(dots_base + t * C, C)], ds_)
            pltpu.async_copy(d2, dots2_hbm.at[pl.ds(dots_base + t * C, C)], ds_)

        start(0, r1a_v, r2a_v, sa1, sa2)

        @pl.loop(0, NT // 2)
        def _(tt):
            t0 = 2 * tt

            start(t0 + 1, r1b_v, r2b_v, sb1, sb2)
            wait_gathers(r1a_v, r2a_v, sa1, sa2)

            @pl.when(tt > 0)
            def _():
                wait_emits(d1a_v, d2a_v, dsema)

            compute_emit(t0, r1a_v, r2a_v, d1a_v, d2a_v, dsema)

            @pl.when(t0 + 2 < NT)
            def _():
                start(t0 + 2, r1a_v, r2a_v, sa1, sa2)

            wait_gathers(r1b_v, r2b_v, sb1, sb2)

            @pl.when(tt > 0)
            def _():
                wait_emits(d1b_v, d2b_v, dsemb)

            compute_emit(t0 + 1, r1b_v, r2b_v, d1b_v, d2b_v, dsemb)

        wait_emits(d1a_v, d2a_v, dsema)
        wait_emits(d1b_v, d2b_v, dsemb)

    return k(mem1r, mem2r, mem1, mem2, idx_flat, y, v1, v2)


def _tc_round_banks(mem1, mem2):
    RB = 1000

    def body(m1_ref, m2_ref, o1_ref, o2_ref):
        o1_ref[...] = m1_ref[...].astype(jnp.bfloat16).astype(jnp.float32)
        o2_ref[...] = m2_ref[...].astype(jnp.bfloat16).astype(jnp.float32)

    return pl.pallas_call(
        body,
        grid=(OUT // RB,),
        in_specs=[pl.BlockSpec((RB, D), lambda i: (i, 0)),
                  pl.BlockSpec((RB, D), lambda i: (i, 0))],
        out_specs=[pl.BlockSpec((RB, D), lambda i: (i, 0)),
                   pl.BlockSpec((RB, D), lambda i: (i, 0))],
        out_shape=[jax.ShapeDtypeStruct((OUT, D), jnp.float32),
                   jax.ShapeDtypeStruct((OUT, D), jnp.float32)],
    )(mem1, mem2)


def _tc_round_v(v1, v2):

    def body(a_ref, b_ref, oa_ref, ob_ref):
        oa_ref[...] = a_ref[...].astype(jnp.bfloat16).astype(jnp.float32)
        ob_ref[...] = b_ref[...].astype(jnp.bfloat16).astype(jnp.float32)

    return pl.pallas_call(
        body,
        out_shape=[jax.ShapeDtypeStruct((B, D), jnp.float32),
                   jax.ShapeDtypeStruct((B, D), jnp.float32)],
    )(v1, v2)


def _tc_merge(dots1, dots2, pos1, pos2, v1, v2):

    def body(d1_ref, d2_ref, p1_ref, p2_ref, v1_ref, v2_ref,
             o2_ref, o1_ref, u1_ref, u2_ref):
        col = lax.broadcasted_iota(jnp.int32, (B, KP), 1)
        mask = col < K
        e1 = jnp.where(mask, jnp.exp(d1_ref[...] / T), 0.0)
        e2 = jnp.where(mask, jnp.exp(d2_ref[...] / T), 0.0)
        z_v2 = jnp.sum(e1) / (B * K) * OUT
        z_v1 = jnp.sum(e2) / (B * K) * OUT
        o2_ref[...] = e1 / z_v2
        o1_ref[...] = e2 / z_v1

        l1 = p1_ref[...] * MOM + v1_ref[...] * (1.0 - MOM)
        n1 = jnp.sqrt(jnp.sum(l1 * l1, axis=1, keepdims=True))
        u1_ref[...] = l1 / n1
        l2 = p2_ref[...] * MOM + v2_ref[...] * (1.0 - MOM)
        n2 = jnp.sqrt(jnp.sum(l2 * l2, axis=1, keepdims=True))
        u2_ref[...] = l2 / n2

    return pl.pallas_call(
        body,
        out_shape=[
            jax.ShapeDtypeStruct((B, KP), jnp.float32),
            jax.ShapeDtypeStruct((B, KP), jnp.float32),
            jax.ShapeDtypeStruct((B, D), jnp.float32),
            jax.ShapeDtypeStruct((B, D), jnp.float32),
        ],
    )(dots1, dots2, pos1, pos2, v1, v2)


def _tc_scatter2(y, winner, bank1, bank2, upd1, upd2):

    def body(y_ref, w_ref, u1_ref, u2_ref, b1_ref, b2_ref,
             o1_ref, o2_ref, sem):
        def issue(i, carry):
            yi = y_ref[i]
            wi = w_ref[i]
            pltpu.make_async_copy(u1_ref.at[wi], o1_ref.at[yi], sem).start()
            pltpu.make_async_copy(u2_ref.at[wi], o2_ref.at[yi], sem).start()
            return carry

        lax.fori_loop(0, B, issue, 0)

        def drain(i, carry):
            pltpu.make_async_copy(u1_ref.at[0], o1_ref.at[0], sem).wait()
            pltpu.make_async_copy(u2_ref.at[0], o2_ref.at[0], sem).wait()
            return carry

        lax.fori_loop(0, B, drain, 0)

    return pl.pallas_call(
        body,
        in_specs=[
            pl.BlockSpec(memory_space=pltpu.SMEM),
            pl.BlockSpec(memory_space=pltpu.SMEM),
            pl.BlockSpec(memory_space=pltpu.VMEM),
            pl.BlockSpec(memory_space=pltpu.VMEM),
            pl.BlockSpec(memory_space=pl.ANY),
            pl.BlockSpec(memory_space=pl.ANY),
        ],
        out_specs=[
            pl.BlockSpec(memory_space=pl.ANY),
            pl.BlockSpec(memory_space=pl.ANY),
        ],
        out_shape=[
            jax.ShapeDtypeStruct((OUT, D), jnp.float32),
            jax.ShapeDtypeStruct((OUT, D), jnp.float32),
        ],
        input_output_aliases={4: 0, 5: 1},
        scratch_shapes=[pltpu.SemaphoreType.DMA],
    )(y, winner, upd1, upd2, bank1, bank2)


@jax.jit
def kernel(v1, v2, y, idx, memory_v1, memory_v2):
    y = y.astype(jnp.int32)
    idx_full = jnp.concatenate([y[:, None], idx[:, 1:].astype(jnp.int32)], axis=1)
    idx_pad = jnp.pad(idx_full, ((0, 0), (0, KP - K)))
    idx_flat = idx_pad.reshape(-1)

    mem1r, mem2r = _tc_round_banks(memory_v1, memory_v2)
    v1r, v2r = _tc_round_v(v1, v2)
    dots1, dots2, pos1, pos2 = _sc_gather_dots(
        mem1r, mem2r, memory_v1, memory_v2, idx_flat, y, v1r, v2r)
    dots1 = dots1.reshape(B, KP)
    dots2 = dots2.reshape(B, KP)

    o_v2, o_v1, u1, u2 = _tc_merge(dots1, dots2, pos1, pos2, v1, v2)

    jj = jnp.arange(B, dtype=jnp.int32)
    winner = jnp.max(jnp.where(y[:, None] == y[None, :], jj[None, :], -1),
                     axis=1).astype(jnp.int32)

    new_mem1, new_mem2 = _tc_scatter2(y, winner, memory_v1, memory_v2, u1, u2)

    out_v1 = o_v1[:, :K, None]
    out_v2 = o_v2[:, :K, None]
    return (out_v1, out_v2, new_mem1, new_mem2)

# --- scband reference (transcript-rebuilt; emitter-appended) ---
"""Pipeline reference for scband-contrast-memory-1726576855224 (READ-ONLY COPY).

The authoritative reference and input builder live on the scoring server;
editing this copy changes nothing except your own understanding.
"""

import jax, jax.numpy as jnp
import numpy as np
import math

BATCH = 1024
INPUT_SIZE = 128
OUTPUT_SIZE = 100000
K_NEG = 1024
T = 0.07
MOMENTUM = 0.5


def setup_inputs(seed: int = 0) -> dict:
    key = jax.random.key(seed)
    k1, k2, k3, k4, k5, k6 = jax.random.split(key, 6)
    stdv = 1.0 / math.sqrt(INPUT_SIZE / 3)
    v1 = jax.random.normal(k1, (BATCH, INPUT_SIZE), dtype=jnp.float32)
    v2 = jax.random.normal(k2, (BATCH, INPUT_SIZE), dtype=jnp.float32)
    y = jax.random.randint(k3, (BATCH,), 0, OUTPUT_SIZE)
    idx = jax.random.randint(k4, (BATCH, K_NEG + 1), 0, OUTPUT_SIZE)
    memory_v1 = jax.random.uniform(k5, (OUTPUT_SIZE, INPUT_SIZE), dtype=jnp.float32, minval=-stdv, maxval=stdv)
    memory_v2 = jax.random.uniform(k6, (OUTPUT_SIZE, INPUT_SIZE), dtype=jnp.float32, minval=-stdv, maxval=stdv)
    return {"v1": v1, "v2": v2, "y": y, "idx": idx, "memory_v1": memory_v1, "memory_v2": memory_v2}


def reference(v1, v2, y, idx, memory_v1, memory_v2):
    batchSize, inputSize = v1.shape
    outputSize = memory_v1.shape[0]
    # idx column 0 is overwritten with the positive sample index y
    idx = idx.at[:, 0].set(y)
    flat_idx = idx.reshape(-1)

    # gather negatives+positive from memory_v1, score against v2
    weight_v1 = jnp.take(memory_v1, flat_idx, axis=0).reshape(batchSize, K_NEG + 1, inputSize)
    out_v2 = jnp.einsum('bki,bi->bk', weight_v1, v2)[:, :, None]
    out_v2 = jnp.exp(out_v2 / T)

    # gather from memory_v2, score against v1
    weight_v2 = jnp.take(memory_v2, flat_idx, axis=0).reshape(batchSize, K_NEG + 1, inputSize)
    out_v1 = jnp.einsum('bki,bi->bk', weight_v2, v1)[:, :, None]
    out_v1 = jnp.exp(out_v1 / T)

    # normalization constants computed on first pass (Z_v1 / Z_v2 start at -1)
    Z_v1 = out_v1.mean() * outputSize
    Z_v2 = out_v2.mean() * outputSize
    out_v1 = out_v1 / Z_v1
    out_v2 = out_v2 / Z_v2

    # momentum update of the memory banks (torch: no_grad + index_copy_)
    l_pos = jnp.take(memory_v1, y, axis=0) * MOMENTUM + v1 * (1.0 - MOMENTUM)
    l_norm = jnp.sqrt(jnp.sum(l_pos ** 2, axis=1, keepdims=True))
    updated_v1 = l_pos / l_norm
    new_memory_v1 = memory_v1.at[y].set(updated_v1)

    ab_pos = jnp.take(memory_v2, y, axis=0) * MOMENTUM + v2 * (1.0 - MOMENTUM)
    ab_norm = jnp.sqrt(jnp.sum(ab_pos ** 2, axis=1, keepdims=True))
    updated_v2 = ab_pos / ab_norm
    new_memory_v2 = memory_v2.at[y].set(updated_v2)

    return (out_v1, out_v2, new_memory_v1, new_memory_v2)

if __name__ == "__main__":
    import jax
    _d = setup_inputs()
    print(jax.jit(kernel)(*tuple(_d.values())))

</pallas_src>

<mosaic_0001>
#map = affine_map<(d0, d1) -> (0, 0)>
#map1 = affine_map<(d0, d1) -> (0)>
module attributes {stable_mosaic.version = 14 : i64} {
  func.func @k(%arg0: i32, %arg1: i32, %arg2: memref<100000x128xf32, #tpu.memory_space<hbm>>, %arg3: memref<100000x128xf32, #tpu.memory_space<hbm>>, %arg4: memref<100000x128xf32, #tpu.memory_space<hbm>>, %arg5: memref<100000x128xf32, #tpu.memory_space<hbm>>, %arg6: memref<1081344xi32, #tpu.memory_space<hbm>>, %arg7: memref<1024xi32, #tpu.memory_space<hbm>>, %arg8: memref<1024x128xf32, #tpu.memory_space<hbm>>, %arg9: memref<1024x128xf32, #tpu.memory_space<hbm>>, %arg10: memref<1081344xf32, #tpu.memory_space<hbm>>, %arg11: memref<1081344xf32, #tpu.memory_space<hbm>>, %arg12: memref<1024x128xf32, #tpu.memory_space<hbm>>, %arg13: memref<1024x128xf32, #tpu.memory_space<hbm>>, %arg14: memref<33792xi32, #tpu.memory_space<vmem>>, %arg15: memref<96x128xf32, #tpu.memory_space<vmem>>, %arg16: memref<96x128xf32, #tpu.memory_space<vmem>>, %arg17: memref<96x128xf32, #tpu.memory_space<vmem>>, %arg18: memref<96x128xf32, #tpu.memory_space<vmem>>, %arg19: memref<32x128xf32, #tpu.memory_space<vmem>>, %arg20: memref<32x128xf32, #tpu.memory_space<vmem>>, %arg21: memref<96xf32, #tpu.memory_space<vmem>>, %arg22: memref<96xf32, #tpu.memory_space<vmem>>, %arg23: memref<96xf32, #tpu.memory_space<vmem>>, %arg24: memref<96xf32, #tpu.memory_space<vmem>>, %arg25: memref<32xi32, #tpu.memory_space<vmem>>, %arg26: memref<32x128xf32, #tpu.memory_space<vmem>>, %arg27: memref<!tpu.dma_semaphore, #tpu.memory_space<semaphore_mem>>, %arg28: memref<!tpu.dma_semaphore, #tpu.memory_space<semaphore_mem>>, %arg29: memref<!tpu.dma_semaphore, #tpu.memory_space<semaphore_mem>>, %arg30: memref<!tpu.dma_semaphore, #tpu.memory_space<semaphore_mem>>, %arg31: memref<!tpu.dma_semaphore, #tpu.memory_space<semaphore_mem>>, %arg32: memref<!tpu.dma_semaphore, #tpu.memory_space<semaphore_mem>>) attributes {dimension_semantics = [#tpu.dimension_semantics<core_parallel>, #tpu.dimension_semantics<subcore_parallel>], iteration_bounds = array<i64: 2, 16>, scalar_prefetch = 0 : i64, scratch_operands = 19 : i64, tpu.core_type = #tpu.core_type<sc_vector_subcore>, window_params = [{transform_indices = #map}, {transform_indices = #map}, {transform_indices = #map}, {transform_indices = #map}, {transform_indices = #map1}, {transform_indices = #map1}, {transform_indices = #map}, {transform_indices = #map}, {transform_indices = #map1}, {transform_indices = #map1}, {transform_indices = #map}, {transform_indices = #map}]} {
    %mul3A = arith.constant 2 : i32
    %mul3A_0 = arith.muli %arg1, %mul3A : i32
    %add3A = arith.addi %mul3A_0, %arg0 : i32
    %iota3A = tpu.iota {dimensions = array<i32: 0>} : vector<16xi32>
    %mul3A_1 = arith.constant 32 : i32
    %mul3A_2 = arith.muli %add3A, %mul3A_1 : i32
    %mul3A_3 = arith.constant 1056 : i32
    %mul3A_4 = arith.muli %mul3A_2, %mul3A_3 : i32
    "tpu.region"() ({
      %run_scoped3A = tpu.sem_alloc : memref<!tpu.dma_semaphore, #tpu.memory_space<semaphore_mem>>
      %dma_start3A_39 = tpu.memref_slice %arg7[%mul3A_2] : memref<1024xi32, #tpu.memory_space<hbm>> -> memref<32xi32, #tpu.memory_space<hbm>>
      %dma_start3A_40 = tpu.memref_slice %arg7[%mul3A_2] : memref<1024xi32, #tpu.memory_space<hbm>> -> memref<32xi32, #tpu.memory_space<hbm>>
      tpu.enqueue_dma source(%dma_start3A_40 : memref<32xi32, #tpu.memory_space<hbm>>) target(%arg25 : memref<32xi32, #tpu.memory_space<vmem>>) target_semaphore(%run_scoped3A : memref<!tpu.dma_semaphore, #tpu.memory_space<semaphore_mem>>)
      %dma_wait3A_41 = tpu.memref_slice %arg7[%mul3A_2] : memref<1024xi32, #tpu.memory_space<hbm>> -> memref<32xi32, #tpu.memory_space<hbm>>
      %dma_wait3A_42 = tpu.memref_slice %arg7[%mul3A_2] : memref<1024xi32, #tpu.memory_space<hbm>> -> memref<32xi32, #tpu.memory_space<hbm>>
      tpu.wait_dma2 semaphore(%run_scoped3A : memref<!tpu.dma_semaphore, #tpu.memory_space<semaphore_mem>>) src(%dma_wait3A_42 : memref<32xi32, #tpu.memory_space<hbm>>) dst(%arg25 : memref<32xi32, #tpu.memory_space<vmem>>)
      tpu.yield
    }) : () -> ()
    %dma_start3A = arith.constant 0 : i32
    %dma_start3A_5 = arith.constant 0 : i32
    %dma_start3A_6 = tpu.memref_slice %arg4[%dma_start3A, %dma_start3A_5] : memref<100000x128xf32, #tpu.memory_space<hbm>> -> memref<100000x128xf32, #tpu.memory_space<hbm>>
    tpu.enqueue_indirect_dma source(%dma_start3A_6 : memref<100000x128xf32, #tpu.memory_space<hbm>>) target(%arg26 : memref<32x128xf32, #tpu.memory_space<vmem>>) offsets(%arg25 : memref<32xi32, #tpu.memory_space<vmem>>) semaphore(%arg27 : memref<!tpu.dma_semaphore, #tpu.memory_space<semaphore_mem>>)
    %dma_wait3A = arith.constant 0 : i32
    %dma_wait3A_7 = arith.constant 0 : i32
    %dma_wait3A_8 = tpu.memref_slice %arg4[%dma_wait3A, %dma_wait3A_7] : memref<100000x128xf32, #tpu.memory_space<hbm>> -> memref<100000x128xf32, #tpu.memory_space<hbm>>
    tpu.wait_indirect_dma semaphore(%arg27 : memref<!tpu.dma_semaphore, #tpu.memory_space<semaphore_mem>>) src(%dma_wait3A_8 : memref<100000x128xf32, #tpu.memory_space<hbm>>) dst(%arg26 : memref<32x128xf32, #tpu.memory_space<vmem>>)
    "tpu.region"() ({
      %run_scoped3A = tpu.sem_alloc : memref<!tpu.dma_semaphore, #tpu.memory_space<semaphore_mem>>
      %dma_start3A_39 = arith.constant 0 : i32
      %dma_start3A_40 = tpu.memref_slice %arg12[%mul3A_2, %dma_start3A_39] : memref<1024x128xf32, #tpu.memory_space<hbm>> -> memref<32x128xf32, #tpu.memory_space<hbm>>
      %dma_start3A_41 = arith.constant 0 : i32
      %dma_start3A_42 = tpu.memref_slice %arg12[%mul3A_2, %dma_start3A_41] : memref<1024x128xf32, #tpu.memory_space<hbm>> -> memref<32x128xf32, #tpu.memory_space<hbm>>
      tpu.enqueue_dma source(%arg26 : memref<32x128xf32, #tpu.memory_space<vmem>>) target(%dma_start3A_42 : memref<32x128xf32, #tpu.memory_space<hbm>>) target_semaphore(%run_scoped3A : memref<!tpu.dma_semaphore, #tpu.memory_space<semaphore_mem>>)
      %dma_wait3A_43 = arith.constant 0 : i32
      %dma_wait3A_44 = tpu.memref_slice %arg12[%mul3A_2, %dma_wait3A_43] : memref<1024x128xf32, #tpu.memory_space<hbm>> -> memref<32x128xf32, #tpu.memory_space<hbm>>
      %dma_wait3A_45 = arith.constant 0 : i32
      %dma_wait3A_46 = tpu.memref_slice %arg12[%mul3A_2, %dma_wait3A_45] : memref<1024x128xf32, #tpu.memory_space<hbm>> -> memref<32x128xf32, #tpu.memory_space<hbm>>
      tpu.wait_dma2 semaphore(%run_scoped3A : memref<!tpu.dma_semaphore, #tpu.memory_space<semaphore_mem>>) src(%arg26 : memref<32x128xf32, #tpu.memory_space<vmem>>) dst(%dma_wait3A_46 : memref<32x128xf32, #tpu.memory_space<hbm>>)
      tpu.yield
    }) : () -> ()
    %dma_start3A_9 = arith.constant 0 : i32
    %dma_start3A_10 = arith.constant 0 : i32
    %dma_start3A_11 = tpu.memref_slice %arg5[%dma_start3A_9, %dma_start3A_10] : memref<100000x128xf32, #tpu.memory_space<hbm>> -> memref<100000x128xf32, #tpu.memory_space<hbm>>
    tpu.enqueue_indirect_dma source(%dma_start3A_11 : memref<100000x128xf32, #tpu.memory_space<hbm>>) target(%arg26 : memref<32x128xf32, #tpu.memory_space<vmem>>) offsets(%arg25 : memref<32xi32, #tpu.memory_space<vmem>>) semaphore(%arg27 : memref<!tpu.dma_semaphore, #tpu.memory_space<semaphore_mem>>)
    %dma_wait3A_12 = arith.constant 0 : i32
    %dma_wait3A_13 = arith.constant 0 : i32
    %dma_wait3A_14 = tpu.memref_slice %arg5[%dma_wait3A_12, %dma_wait3A_13] : memref<100000x128xf32, #tpu.memory_space<hbm>> -> memref<100000x128xf32, #tpu.memory_space<hbm>>
    tpu.wait_indirect_dma semaphore(%arg27 : memref<!tpu.dma_semaphore, #tpu.memory_space<semaphore_mem>>) src(%dma_wait3A_14 : memref<100000x128xf32, #tpu.memory_space<hbm>>) dst(%arg26 : memref<32x128xf32, #tpu.memory_space<vmem>>)
    "tpu.region"() ({
      %run_scoped3A = tpu.sem_alloc : memref<!tpu.dma_semaphore, #tpu.memory_space<semaphore_mem>>
      %dma_start3A_39 = arith.constant 0 : i32
      %dma_start3A_40 = tpu.memref_slice %arg13[%mul3A_2, %dma_start3A_39] : memref<1024x128xf32, #tpu.memory_space<hbm>> -> memref<32x128xf32, #tpu.memory_space<hbm>>
      %dma_start3A_41 = arith.constant 0 : i32
      %dma_start3A_42 = tpu.memref_slice %arg13[%mul3A_2, %dma_start3A_41] : memref<1024x128xf32, #tpu.memory_space<hbm>> -> memref<32x128xf32, #tpu.memory_space<hbm>>
      tpu.enqueue_dma source(%arg26 : memref<32x128xf32, #tpu.memory_space<vmem>>) target(%dma_start3A_42 : memref<32x128xf32, #tpu.memory_space<hbm>>) target_semaphore(%run_scoped3A : memref<!tpu.dma_semaphore, #tpu.memory_space<semaphore_mem>>)
      %dma_wait3A_43 = arith.constant 0 : i32
      %dma_wait3A_44 = tpu.memref_slice %arg13[%mul3A_2, %dma_wait3A_43] : memref<1024x128xf32, #tpu.memory_space<hbm>> -> memref<32x128xf32, #tpu.memory_space<hbm>>
      %dma_wait3A_45 = arith.constant 0 : i32
      %dma_wait3A_46 = tpu.memref_slice %arg13[%mul3A_2, %dma_wait3A_45] : memref<1024x128xf32, #tpu.memory_space<hbm>> -> memref<32x128xf32, #tpu.memory_space<hbm>>
      tpu.wait_dma2 semaphore(%run_scoped3A : memref<!tpu.dma_semaphore, #tpu.memory_space<semaphore_mem>>) src(%arg26 : memref<32x128xf32, #tpu.memory_space<vmem>>) dst(%dma_wait3A_46 : memref<32x128xf32, #tpu.memory_space<hbm>>)
      tpu.yield
    }) : () -> ()
    %mul3A_15 = arith.constant 1056 : i32
    %mul3A_16 = arith.muli %mul3A_2, %mul3A_15 : i32
    "tpu.region"() ({
      %run_scoped3A = tpu.sem_alloc : memref<!tpu.dma_semaphore, #tpu.memory_space<semaphore_mem>>
      %dma_start3A_39 = tpu.memref_slice %arg6[%mul3A_16] : memref<1081344xi32, #tpu.memory_space<hbm>> -> memref<33792xi32, #tpu.memory_space<hbm>>
      %dma_start3A_40 = tpu.memref_slice %arg6[%mul3A_16] : memref<1081344xi32, #tpu.memory_space<hbm>> -> memref<33792xi32, #tpu.memory_space<hbm>>
      tpu.enqueue_dma source(%dma_start3A_40 : memref<33792xi32, #tpu.memory_space<hbm>>) target(%arg14 : memref<33792xi32, #tpu.memory_space<vmem>>) target_semaphore(%run_scoped3A : memref<!tpu.dma_semaphore, #tpu.memory_space<semaphore_mem>>)
      %dma_wait3A_41 = tpu.memref_slice %arg6[%mul3A_16] : memref<1081344xi32, #tpu.memory_space<hbm>> -> memref<33792xi32, #tpu.memory_space<hbm>>
      %dma_wait3A_42 = tpu.memref_slice %arg6[%mul3A_16] : memref<1081344xi32, #tpu.memory_space<hbm>> -> memref<33792xi32, #tpu.memory_space<hbm>>
      tpu.wait_dma2 semaphore(%run_scoped3A : memref<!tpu.dma_semaphore, #tpu.memory_space<semaphore_mem>>) src(%dma_wait3A_42 : memref<33792xi32, #tpu.memory_space<hbm>>) dst(%arg14 : memref<33792xi32, #tpu.memory_space<vmem>>)
      tpu.yield
    }) : () -> ()
    "tpu.region"() ({
      %run_scoped3A = tpu.sem_alloc : memref<!tpu.dma_semaphore, #tpu.memory_space<semaphore_mem>>
      %dma_start3A_39 = arith.constant 0 : i32
      %dma_start3A_40 = tpu.memref_slice %arg8[%mul3A_2, %dma_start3A_39] : memref<1024x128xf32, #tpu.memory_space<hbm>> -> memref<32x128xf32, #tpu.memory_space<hbm>>
      %dma_start3A_41 = arith.constant 0 : i32
      %dma_start3A_42 = tpu.memref_slice %arg8[%mul3A_2, %dma_start3A_41] : memref<1024x128xf32, #tpu.memory_space<hbm>> -> memref<32x128xf32, #tpu.memory_space<hbm>>
      tpu.enqueue_dma source(%dma_start3A_42 : memref<32x128xf32, #tpu.memory_space<hbm>>) target(%arg19 : memref<32x128xf32, #tpu.memory_space<vmem>>) target_semaphore(%run_scoped3A : memref<!tpu.dma_semaphore, #tpu.memory_space<semaphore_mem>>)
      %dma_wait3A_43 = arith.constant 0 : i32
      %dma_wait3A_44 = tpu.memref_slice %arg8[%mul3A_2, %dma_wait3A_43] : memref<1024x128xf32, #tpu.memory_space<hbm>> -> memref<32x128xf32, #tpu.memory_space<hbm>>
      %dma_wait3A_45 = arith.constant 0 : i32
      %dma_wait3A_46 = tpu.memref_slice %arg8[%mul3A_2, %dma_wait3A_45] : memref<1024x128xf32, #tpu.memory_space<hbm>> -> memref<32x128xf32, #tpu.memory_space<hbm>>
      tpu.wait_dma2 semaphore(%run_scoped3A : memref<!tpu.dma_semaphore, #tpu.memory_space<semaphore_mem>>) src(%dma_wait3A_46 : memref<32x128xf32, #tpu.memory_space<hbm>>) dst(%arg19 : memref<32x128xf32, #tpu.memory_space<vmem>>)
      tpu.yield
    }) : () -> ()
    "tpu.region"() ({
      %run_scoped3A = tpu.sem_alloc : memref<!tpu.dma_semaphore, #tpu.memory_space<semaphore_mem>>
      %dma_start3A_39 = arith.constant 0 : i32
      %dma_start3A_40 = tpu.memref_slice %arg9[%mul3A_2, %dma_start3A_39] : memref<1024x128xf32, #tpu.memory_space<hbm>> -> memref<32x128xf32, #tpu.memory_space<hbm>>
      %dma_start3A_41 = arith.constant 0 : i32
      %dma_start3A_42 = tpu.memref_slice %arg9[%mul3A_2, %dma_start3A_41] : memref<1024x128xf32, #tpu.memory_space<hbm>> -> memref<32x128xf32, #tpu.memory_space<hbm>>
      tpu.enqueue_dma source(%dma_start3A_42 : memref<32x128xf32, #tpu.memory_space<hbm>>) target(%arg20 : memref<32x128xf32, #tpu.memory_space<vmem>>) target_semaphore(%run_scoped3A : memref<!tpu.dma_semaphore, #tpu.memory_space<semaphore_mem>>)
      %dma_wait3A_43 = arith.constant 0 : i32
      %dma_wait3A_44 = tpu.memref_slice %arg9[%mul3A_2, %dma_wait3A_43] : memref<1024x128xf32, #tpu.memory_space<hbm>> -> memref<32x128xf32, #tpu.memory_space<hbm>>
      %dma_wait3A_45 = arith.constant 0 : i32
      %dma_wait3A_46 = tpu.memref_slice %arg9[%mul3A_2, %dma_wait3A_45] : memref<1024x128xf32, #tpu.memory_space<hbm>> -> memref<32x128xf32, #tpu.memory_space<hbm>>
      tpu.wait_dma2 semaphore(%run_scoped3A : memref<!tpu.dma_semaphore, #tpu.memory_space<semaphore_mem>>) src(%dma_wait3A_46 : memref<32x128xf32, #tpu.memory_space<hbm>>) dst(%arg20 : memref<32x128xf32, #tpu.memory_space<vmem>>)
      tpu.yield
    }) : () -> ()
    %dma_start3A_17 = arith.constant 0 : i32
    %dma_start3A_18 = tpu.memref_slice %arg14[%dma_start3A_17] : memref<33792xi32, #tpu.memory_space<vmem>> -> memref<96xi32, #tpu.memory_space<vmem>>
    %dma_start3A_19 = arith.constant 0 : i32
    %dma_start3A_20 = arith.constant 0 : i32
    %dma_start3A_21 = tpu.memref_slice %arg2[%dma_start3A_19, %dma_start3A_20] : memref<100000x128xf32, #tpu.memory_space<hbm>> -> memref<100000x128xf32, #tpu.memory_space<hbm>>
    tpu.enqueue_indirect_dma source(%dma_start3A_21 : memref<100000x128xf32, #tpu.memory_space<hbm>>) target(%arg15 : memref<96x128xf32, #tpu.memory_space<vmem>>) offsets(%dma_start3A_18 : memref<96xi32, #tpu.memory_space<vmem>>) semaphore(%arg27 : memref<!tpu.dma_semaphore, #tpu.memory_space<semaphore_mem>>)
    %dma_start3A_22 = arith.constant 0 : i32
    %dma_start3A_23 = tpu.memref_slice %arg14[%dma_start3A_22] : memref<33792xi32, #tpu.memory_space<vmem>> -> memref<96xi32, #tpu.memory_space<vmem>>
    %dma_start3A_24 = arith.constant 0 : i32
    %dma_start3A_25 = arith.constant 0 : i32
    %dma_start3A_26 = tpu.memref_slice %arg3[%dma_start3A_24, %dma_start3A_25] : memref<100000x128xf32, #tpu.memory_space<hbm>> -> memref<100000x128xf32, #tpu.memory_space<hbm>>
    tpu.enqueue_indirect_dma source(%dma_start3A_26 : memref<100000x128xf32, #tpu.memory_space<hbm>>) target(%arg16 : memref<96x128xf32, #tpu.memory_space<vmem>>) offsets(%dma_start3A_23 : memref<96xi32, #tpu.memory_space<vmem>>) semaphore(%arg28 : memref<!tpu.dma_semaphore, #tpu.memory_space<semaphore_mem>>)
    %scan3A = arith.constant 0 : i32
    %scan3A_27 = arith.constant 176 : i32
    %scan3A_28 = arith.addi %scan3A, %scan3A_27 : i32
    %scan3A_29 = arith.constant 1 : i32
    scf.for %scan3A_39 = %scan3A to %scan3A_28 step %scan3A_29  : i32 {
      %mul3A_40 = arith.constant 1 : i32
      %mul3A_41 = arith.muli %scan3A_39, %mul3A_40 : i32
      %add3A_42 = arith.constant 0 : i32
      %add3A_43 = arith.addi %add3A_42, %mul3A_41 : i32
      %mul3A_44 = arith.constant 2 : i32
      %mul3A_45 = arith.muli %mul3A_44, %add3A_43 : i32
      %add3A_46 = arith.constant 1 : i32
      %add3A_47 = arith.addi %mul3A_45, %add3A_46 : i32
      %mul3A_48 = arith.constant 96 : i32
      %mul3A_49 = arith.muli %add3A_47, %mul3A_48 : i32
      %dma_start3A_50 = tpu.memref_slice %arg14[%mul3A_49] : memref<33792xi32, #tpu.memory_space<vmem>> -> memref<96xi32, #tpu.memory_space<vmem>>
      %dma_start3A_51 = arith.constant 0 : i32
      %dma_start3A_52 = arith.constant 0 : i32
      %dma_start3A_53 = tpu.memref_slice %arg2[%dma_start3A_51, %dma_start3A_52] : memref<100000x128xf32, #tpu.memory_space<hbm>> -> memref<100000x128xf32, #tpu.memory_space<hbm>>
      tpu.enqueue_indirect_dma source(%dma_start3A_53 : memref<100000x128xf32, #tpu.memory_space<hbm>>) target(%arg17 : memref<96x128xf32, #tpu.memory_space<vmem>>) offsets(%dma_start3A_50 : memref<96xi32, #tpu.memory_space<vmem>>) semaphore(%arg29 : memref<!tpu.dma_semaphore, #tpu.memory_space<semaphore_mem>>)
      %dma_start3A_54 = tpu.memref_slice %arg14[%mul3A_49] : memref<33792xi32, #tpu.memory_space<vmem>> -> memref<96xi32, #tpu.memory_space<vmem>>
      %dma_start3A_55 = arith.constant 0 : i32
      %dma_start3A_56 = arith.constant 0 : i32
      %dma_start3A_57 = tpu.memref_slice %arg3[%dma_start3A_55, %dma_start3A_56] : memref<100000x128xf32, #tpu.memory_space<hbm>> -> memref<100000x128xf32, #tpu.memory_space<hbm>>
      tpu.enqueue_indirect_dma source(%dma_start3A_57 : memref<100000x128xf32, #tpu.memory_space<hbm>>) target(%arg18 : memref<96x128xf32, #tpu.memory_space<vmem>>) offsets(%dma_start3A_54 : memref<96xi32, #tpu.memory_space<vmem>>) semaphore(%arg30 : memref<!tpu.dma_semaphore, #tpu.memory_space<semaphore_mem>>)
      %dma_wait3A_58 = arith.constant 0 : i32
      %dma_wait3A_59 = tpu.memref_slice %arg14[%dma_wait3A_58] : memref<33792xi32, #tpu.memory_space<vmem>> -> memref<96xi32, #tpu.memory_space<vmem>>
      %dma_wait3A_60 = arith.constant 0 : i32
      %dma_wait3A_61 = arith.constant 0 : i32
      %dma_wait3A_62 = tpu.memref_slice %arg2[%dma_wait3A_60, %dma_wait3A_61] : memref<100000x128xf32, #tpu.memory_space<hbm>> -> memref<100000x128xf32, #tpu.memory_space<hbm>>
      tpu.wait_indirect_dma semaphore(%arg27 : memref<!tpu.dma_semaphore, #tpu.memory_space<semaphore_mem>>) src(%dma_wait3A_62 : memref<100000x128xf32, #tpu.memory_space<hbm>>) dst(%arg15 : memref<96x128xf32, #tpu.memory_space<vmem>>)
      %dma_wait3A_63 = arith.constant 0 : i32
      %dma_wait3A_64 = tpu.memref_slice %arg14[%dma_wait3A_63] : memref<33792xi32, #tpu.memory_space<vmem>> -> memref<96xi32, #tpu.memory_space<vmem>>
      %dma_wait3A_65 = arith.constant 0 : i32
      %dma_wait3A_66 = arith.constant 0 : i32
      %dma_wait3A_67 = tpu.memref_slice %arg3[%dma_wait3A_65, %dma_wait3A_66] : memref<100000x128xf32, #tpu.memory_space<hbm>> -> memref<100000x128xf32, #tpu.memory_space<hbm>>
      tpu.wait_indirect_dma semaphore(%arg28 : memref<!tpu.dma_semaphore, #tpu.memory_space<semaphore_mem>>) src(%dma_wait3A_67 : memref<100000x128xf32, #tpu.memory_space<hbm>>) dst(%arg16 : memref<96x128xf32, #tpu.memory_space<vmem>>)
      %gt3A = arith.constant 0 : i32
      %gt3A_68 = arith.cmpi sgt, %add3A_43, %gt3A : i32
      %convert_element_type3A = arith.extui %gt3A_68 : i1 to i32
      %cond3A = arith.constant 0 : i32
      %cond3A_69 = arith.cmpi ne, %convert_element_type3A, %cond3A : i32
      scf.if %cond3A_69 {
        %dma_wait3A_268 = tpu.memref_slice %arg10[%mul3A_4] : memref<1081344xf32, #tpu.memory_space<hbm>> -> memref<96xf32, #tpu.memory_space<hbm>>
        %dma_wait3A_269 = tpu.memref_slice %arg10[%mul3A_4] : memref<1081344xf32, #tpu.memory_space<hbm>> -> memref<96xf32, #tpu.memory_space<hbm>>
        tpu.wait_dma2 semaphore(%arg31 : memref<!tpu.dma_semaphore, #tpu.memory_space<semaphore_mem>>) src(%arg21 : memref<96xf32, #tpu.memory_space<vmem>>) dst(%dma_wait3A_269 : memref<96xf32, #tpu.memory_space<hbm>>)
        %dma_wait3A_270 = tpu.memref_slice %arg11[%mul3A_4] : memref<1081344xf32, #tpu.memory_space<hbm>> -> memref<96xf32, #tpu.memory_space<hbm>>
        %dma_wait3A_271 = tpu.memref_slice %arg11[%mul3A_4] : memref<1081344xf32, #tpu.memory_space<hbm>> -> memref<96xf32, #tpu.memory_space<hbm>>
        tpu.wait_dma2 semaphore(%arg31 : memref<!tpu.dma_semaphore, #tpu.memory_space<semaphore_mem>>) src(%arg22 : memref<96xf32, #tpu.memory_space<vmem>>) dst(%dma_wait3A_271 : memref<96xf32, #tpu.memory_space<hbm>>)
      } else {
      }
      %jit3A = arith.constant 11 : i32
      %div3A = arith.divsi %mul3A_45, %jit3A : i32
      %sign3A = arith.constant 0 : i32
      %sign3A_70 = arith.cmpi sgt, %mul3A_45, %sign3A : i32
      %sign3A_71 = arith.extui %sign3A_70 : i1 to i32
      %sign3A_72 = arith.constant 0 : i32
      %sign3A_73 = arith.cmpi slt, %mul3A_45, %sign3A_72 : i32
      %sign3A_74 = arith.extui %sign3A_73 : i1 to i32
      %sign3A_75 = arith.subi %sign3A_71, %sign3A_74 : i32
      %sign3A_76 = arith.constant 0 : i32
      %sign3A_77 = arith.cmpi sgt, %jit3A, %sign3A_76 : i32
      %sign3A_78 = arith.extui %sign3A_77 : i1 to i32
      %sign3A_79 = arith.constant 0 : i32
      %sign3A_80 = arith.cmpi slt, %jit3A, %sign3A_79 : i32
      %sign3A_81 = arith.extui %sign3A_80 : i1 to i32
      %sign3A_82 = arith.subi %sign3A_78, %sign3A_81 : i32
      %ne3A = arith.cmpi ne, %sign3A_75, %sign3A_82 : i32
      %rem3A = arith.remsi %mul3A_45, %jit3A : i32
      %ne3A_83 = arith.constant 0 : i32
      %ne3A_84 = arith.cmpi ne, %rem3A, %ne3A_83 : i32
      %and3A = arith.andi %ne3A, %ne3A_84 : i1
      %sub3A = arith.constant 1 : i32
      %sub3A_85 = arith.subi %div3A, %sub3A : i32
      %select_n3A = arith.select %and3A, %sub3A_85, %div3A : i32
      %get3A = arith.index_cast %select_n3A : i32 to index
      %get3A_86 = arith.constant 0 : index
      %get3A_87 = tpu.vector_load %arg19[%get3A, %get3A_86] {strides = array<i32>} : memref<32x128xf32, #tpu.memory_space<vmem>>, vector<16xf32>,
      %get3A_88 = arith.index_cast %select_n3A : i32 to index
      %get3A_89 = arith.constant 16 : index
      %get3A_90 = tpu.vector_load %arg19[%get3A_88, %get3A_89] {strides = array<i32>} : memref<32x128xf32, #tpu.memory_space<vmem>>, vector<16xf32>,
      %get3A_91 = arith.index_cast %select_n3A : i32 to index
      %get3A_92 = arith.constant 32 : index
      %get3A_93 = tpu.vector_load %arg19[%get3A_91, %get3A_92] {strides = array<i32>} : memref<32x128xf32, #tpu.memory_space<vmem>>, vector<16xf32>,
      %get3A_94 = arith.index_cast %select_n3A : i32 to index
      %get3A_95 = arith.constant 48 : index
      %get3A_96 = tpu.vector_load %arg19[%get3A_94, %get3A_95] {strides = array<i32>} : memref<32x128xf32, #tpu.memory_space<vmem>>, vector<16xf32>,
      %get3A_97 = arith.index_cast %select_n3A : i32 to index
      %get3A_98 = arith.constant 64 : index
      %get3A_99 = tpu.vector_load %arg19[%get3A_97, %get3A_98] {strides = array<i32>} : memref<32x128xf32, #tpu.memory_space<vmem>>, vector<16xf32>,
      %get3A_100 = arith.index_cast %select_n3A : i32 to index
      %get3A_101 = arith.constant 80 : index
      %get3A_102 = tpu.vector_load %arg19[%get3A_100, %get3A_101] {strides = array<i32>} : memref<32x128xf32, #tpu.memory_space<vmem>>, vector<16xf32>,
      %get3A_103 = arith.index_cast %select_n3A : i32 to index
      %get3A_104 = arith.constant 96 : index
      %get3A_105 = tpu.vector_load %arg19[%get3A_103, %get3A_104] {strides = array<i32>} : memref<32x128xf32, #tpu.memory_space<vmem>>, vector<16xf32>,
      %get3A_106 = arith.index_cast %select_n3A : i32 to index
      %get3A_107 = arith.constant 112 : index
      %get3A_108 = tpu.vector_load %arg19[%get3A_106, %get3A_107] {strides = array<i32>} : memref<32x128xf32, #tpu.memory_space<vmem>>, vector<16xf32>,
      %get3A_109 = arith.index_cast %select_n3A : i32 to index
      %get3A_110 = arith.constant 0 : index
      %get3A_111 = tpu.vector_load %arg20[%get3A_109, %get3A_110] {strides = array<i32>} : memref<32x128xf32, #tpu.memory_space<vmem>>, vector<16xf32>,
      %get3A_112 = arith.index_cast %select_n3A : i32 to index
      %get3A_113 = arith.constant 16 : index
      %get3A_114 = tpu.vector_load %arg20[%get3A_112, %get3A_113] {strides = array<i32>} : memref<32x128xf32, #tpu.memory_space<vmem>>, vector<16xf32>,
      %get3A_115 = arith.index_cast %select_n3A : i32 to index
      %get3A_116 = arith.constant 32 : index
      %get3A_117 = tpu.vector_load %arg20[%get3A_115, %get3A_116] {strides = array<i32>} : memref<32x128xf32, #tpu.memory_space<vmem>>, vector<16xf32>,
      %get3A_118 = arith.index_cast %select_n3A : i32 to index
      %get3A_119 = arith.constant 48 : index
      %get3A_120 = tpu.vector_load %arg20[%get3A_118, %get3A_119] {strides = array<i32>} : memref<32x128xf32, #tpu.memory_space<vmem>>, vector<16xf32>,
      %get3A_121 = arith.index_cast %select_n3A : i32 to index
      %get3A_122 = arith.constant 64 : index
      %get3A_123 = tpu.vector_load %arg20[%get3A_121, %get3A_122] {strides = array<i32>} : memref<32x128xf32, #tpu.memory_space<vmem>>, vector<16xf32>,
      %get3A_124 = arith.index_cast %select_n3A : i32 to index
      %get3A_125 = arith.constant 80 : index
      %get3A_126 = tpu.vector_load %arg20[%get3A_124, %get3A_125] {strides = array<i32>} : memref<32x128xf32, #tpu.memory_space<vmem>>, vector<16xf32>,
      %get3A_127 = arith.index_cast %select_n3A : i32 to index
      %get3A_128 = arith.constant 96 : index
      %get3A_129 = tpu.vector_load %arg20[%get3A_127, %get3A_128] {strides = array<i32>} : memref<32x128xf32, #tpu.memory_space<vmem>>, vector<16xf32>,
      %get3A_130 = arith.index_cast %select_n3A : i32 to index
      %get3A_131 = arith.constant 112 : index
      %get3A_132 = tpu.vector_load %arg20[%get3A_130, %get3A_131] {strides = array<i32>} : memref<32x128xf32, #tpu.memory_space<vmem>>, vector<16xf32>,
      %scan3A_133 = arith.constant 0 : i32
      %scan3A_134 = arith.constant 6 : i32
      %scan3A_135 = arith.addi %scan3A_133, %scan3A_134 : i32
      %scan3A_136 = arith.constant 1 : i32
      scf.for %scan3A_268 = %scan3A_133 to %scan3A_135 step %scan3A_136  : i32 {
        %mul3A_269 = arith.constant 1 : i32
        %mul3A_270 = arith.muli %scan3A_268, %mul3A_269 : i32
        %add3A_271 = arith.constant 0 : i32
        %add3A_272 = arith.addi %add3A_271, %mul3A_270 : i32
        %broadcast_in_dim3A = arith.constant 0.000000e+00 : f32
        %broadcast_in_dim3A_273 = vector.broadcast %broadcast_in_dim3A : f32 to vector<16xf32>
        %mul3A_274 = arith.constant 16 : i32
        %mul3A_275 = arith.muli %add3A_272, %mul3A_274 : i32
        %add3A_276 = arith.constant 0 : i32
        %add3A_277 = arith.addi %mul3A_275, %add3A_276 : i32
        %get3A_278 = arith.index_cast %add3A_277 : i32 to index
        %get3A_279 = arith.constant 0 : index
        %get3A_280 = tpu.vector_load %arg15[%get3A_278, %get3A_279] {strides = array<i32>} : memref<96x128xf32, #tpu.memory_space<vmem>>, vector<16xf32>,
        %mul3A_281 = arith.mulf %get3A_280, %get3A_111 : vector<16xf32>
        %get3A_282 = arith.index_cast %add3A_277 : i32 to index
        %get3A_283 = arith.constant 16 : index
        %get3A_284 = tpu.vector_load %arg15[%get3A_282, %get3A_283] {strides = array<i32>} : memref<96x128xf32, #tpu.memory_space<vmem>>, vector<16xf32>,
        %mul3A_285 = arith.mulf %get3A_284, %get3A_114 : vector<16xf32>
        %add3A_286 = arith.addf %mul3A_281, %mul3A_285 : vector<16xf32>
        %get3A_287 = arith.index_cast %add3A_277 : i32 to index
        %get3A_288 = arith.constant 32 : index
        %get3A_289 = tpu.vector_load %arg15[%get3A_287, %get3A_288] {strides = array<i32>} : memref<96x128xf32, #tpu.memory_space<vmem>>, vector<16xf32>,
        %mul3A_290 = arith.mulf %get3A_289, %get3A_117 : vector<16xf32>
        %add3A_291 = arith.addf %add3A_286, %mul3A_290 : vector<16xf32>
        %get3A_292 = arith.index_cast %add3A_277 : i32 to index
        %get3A_293 = arith.constant 48 : index
        %get3A_294 = tpu.vector_load %arg15[%get3A_292, %get3A_293] {strides = array<i32>} : memref<96x128xf32, #tpu.memory_space<vmem>>, vector<16xf32>,
        %mul3A_295 = arith.mulf %get3A_294, %get3A_120 : vector<16xf32>
        %add3A_296 = arith.addf %add3A_291, %mul3A_295 : vector<16xf32>
        %get3A_297 = arith.index_cast %add3A_277 : i32 to index
        %get3A_298 = arith.constant 64 : index
        %get3A_299 = tpu.vector_load %arg15[%get3A_297, %get3A_298] {strides = array<i32>} : memref<96x128xf32, #tpu.memory_space<vmem>>, vector<16xf32>,
        %mul3A_300 = arith.mulf %get3A_299, %get3A_123 : vector<16xf32>
        %add3A_301 = arith.addf %add3A_296, %mul3A_300 : vector<16xf32>
        %get3A_302 = arith.index_cast %add3A_277 : i32 to index
        %get3A_303 = arith.constant 80 : index
        %get3A_304 = tpu.vector_load %arg15[%get3A_302, %get3A_303] {strides = array<i32>} : memref<96x128xf32, #tpu.memory_space<vmem>>, vector<16xf32>,
        %mul3A_305 = arith.mulf %get3A_304, %get3A_126 : vector<16xf32>
        %add3A_306 = arith.addf %add3A_301, %mul3A_305 : vector<16xf32>
        %get3A_307 = arith.index_cast %add3A_277 : i32 to index
        %get3A_308 = arith.constant 96 : index
        %get3A_309 = tpu.vector_load %arg15[%get3A_307, %get3A_308] {strides = array<i32>} : memref<96x128xf32, #tpu.memory_space<vmem>>, vector<16xf32>,
        %mul3A_310 = arith.mulf %get3A_309, %get3A_129 : vector<16xf32>
        %add3A_311 = arith.addf %add3A_306, %mul3A_310 : vector<16xf32>
        %get3A_312 = arith.index_cast %add3A_277 : i32 to index
        %get3A_313 = arith.constant 112 : index
        %get3A_314 = tpu.vector_load %arg15[%get3A_312, %get3A_313] {strides = array<i32>} : memref<96x128xf32, #tpu.memory_space<vmem>>, vector<16xf32>,
        %mul3A_315 = arith.mulf %get3A_314, %get3A_132 : vector<16xf32>
        %add3A_316 = arith.addf %add3A_311, %mul3A_315 : vector<16xf32>
        %eq3A = arith.constant 0 : i32
        %eq3A_317 = vector.broadcast %eq3A : i32 to vector<16xi32>
        %eq3A_318 = arith.cmpi eq, %iota3A, %eq3A_317 : vector<16xi32>
        %reduce_sum3A = arith.constant true
        %reduce_sum3A_319 = vector.broadcast %reduce_sum3A : i1 to vector<16xi1>
        %reduce_sum3A_320 = tpu.scan <sum>, %add3A_316 masked %reduce_sum3A_319 : vector<16xf32>, vector<16xi1> -> vector<16xf32>
        %reduce_sum3A_321 = vector.extract %reduce_sum3A_320[15] : f32 from vector<16xf32>
        %broadcast_in_dim3A_322 = vector.broadcast %reduce_sum3A_321 : f32 to vector<16xf32>
        %select_n3A_323 = arith.select %eq3A_318, %broadcast_in_dim3A_322, %broadcast_in_dim3A_273 : vector<16xi1>, vector<16xf32>
        %mul3A_324 = arith.constant 16 : i32
        %mul3A_325 = arith.muli %add3A_272, %mul3A_324 : i32
        %add3A_326 = arith.constant 1 : i32
        %add3A_327 = arith.addi %mul3A_325, %add3A_326 : i32
        %get3A_328 = arith.index_cast %add3A_327 : i32 to index
        %get3A_329 = arith.constant 0 : index
        %get3A_330 = tpu.vector_load %arg15[%get3A_328, %get3A_329] {strides = array<i32>} : memref<96x128xf32, #tpu.memory_space<vmem>>, vector<16xf32>,
        %mul3A_331 = arith.mulf %get3A_330, %get3A_111 : vector<16xf32>
        %get3A_332 = arith.index_cast %add3A_327 : i32 to index
        %get3A_333 = arith.constant 16 : index
        %get3A_334 = tpu.vector_load %arg15[%get3A_332, %get3A_333] {strides = array<i32>} : memref<96x128xf32, #tpu.memory_space<vmem>>, vector<16xf32>,
        %mul3A_335 = arith.mulf %get3A_334, %get3A_114 : vector<16xf32>
        %add3A_336 = arith.addf %mul3A_331, %mul3A_335 : vector<16xf32>
        %get3A_337 = arith.index_cast %add3A_327 : i32 to index
        %get3A_338 = arith.constant 32 : index
        %get3A_339 = tpu.vector_load %arg15[%get3A_337, %get3A_338] {strides = array<i32>} : memref<96x128xf32, #tpu.memory_space<vmem>>, vector<16xf32>,
        %mul3A_340 = arith.mulf %get3A_339, %get3A_117 : vector<16xf32>
        %add3A_341 = arith.addf %add3A_336, %mul3A_340 : vector<16xf32>
        %get3A_342 = arith.index_cast %add3A_327 : i32 to index
        %get3A_343 = arith.constant 48 : index
        %get3A_344 = tpu.vector_load %arg15[%get3A_342, %get3A_343] {strides = array<i32>} : memref<96x128xf32, #tpu.memory_space<vmem>>, vector<16xf32>,
        %mul3A_345 = arith.mulf %get3A_344, %get3A_120 : vector<16xf32>
        %add3A_346 = arith.addf %add3A_341, %mul3A_345 : vector<16xf32>
        %get3A_347 = arith.index_cast %add3A_327 : i32 to index
        %get3A_348 = arith.constant 64 : index
        %get3A_349 = tpu.vector_load %arg15[%get3A_347, %get3A_348] {strides = array<i32>} : memref<96x128xf32, #tpu.memory_space<vmem>>, vector<16xf32>,
        %mul3A_350 = arith.mulf %get3A_349, %get3A_123 : vector<16xf32>
        %add3A_351 = arith.addf %add3A_346, %mul3A_350 : vector<16xf32>
        %get3A_352 = arith.index_cast %add3A_327 : i32 to index
        %get3A_353 = arith.constant 80 : index
        %get3A_354 = tpu.vector_load %arg15[%get3A_352, %get3A_353] {strides = array<i32>} : memref<96x128xf32, #tpu.memory_space<vmem>>, vector<16xf32>,
        %mul3A_355 = arith.mulf %get3A_354, %get3A_126 : vector<16xf32>
        %add3A_356 = arith.addf %add3A_351, %mul3A_355 : vector<16xf32>
        %get3A_357 = arith.index_cast %add3A_327 : i32 to index
        %get3A_358 = arith.constant 96 : index
        %get3A_359 = tpu.vector_load %arg15[%get3A_357, %get3A_358] {strides = array<i32>} : memref<96x128xf32, #tpu.memory_space<vmem>>, vector<16xf32>,
        %mul3A_360 = arith.mulf %get3A_359, %get3A_129 : vector<16xf32>
        %add3A_361 = arith.addf %add3A_356, %mul3A_360 : vector<16xf32>
        %get3A_362 = arith.index_cast %add3A_327 : i32 to index
        %get3A_363 = arith.constant 112 : index
        %get3A_364 = tpu.vector_load %arg15[%get3A_362, %get3A_363] {strides = array<i32>} : memref<96x128xf32, #tpu.memory_space<vmem>>, vector<16xf32>,
        %mul3A_365 = arith.mulf %get3A_364, %get3A_132 : vector<16xf32>
        %add3A_366 = arith.addf %add3A_361, %mul3A_365 : vector<16xf32>
        %eq3A_367 = arith.constant 1 : i32
        %eq3A_368 = vector.broadcast %eq3A_367 : i32 to vector<16xi32>
        %eq3A_369 = arith.cmpi eq, %iota3A, %eq3A_368 : vector<16xi32>
        %reduce_sum3A_370 = arith.constant true
        %reduce_sum3A_371 = vector.broadcast %reduce_sum3A_370 : i1 to vector<16xi1>
        %reduce_sum3A_372 = tpu.scan <sum>, %add3A_366 masked %reduce_sum3A_371 : vector<16xf32>, vector<16xi1> -> vector<16xf32>
        %reduce_sum3A_373 = vector.extract %reduce_sum3A_372[15] : f32 from vector<16xf32>
        %broadcast_in_dim3A_374 = vector.broadcast %reduce_sum3A_373 : f32 to vector<16xf32>
        %select_n3A_375 = arith.select %eq3A_369, %broadcast_in_dim3A_374, %select_n3A_323 : vector<16xi1>, vector<16xf32>
        %mul3A_376 = arith.constant 16 : i32
        %mul3A_377 = arith.muli %add3A_272, %mul3A_376 : i32
        %add3A_378 = arith.constant 2 : i32
        %add3A_379 = arith.addi %mul3A_377, %add3A_378 : i32
        %get3A_380 = arith.index_cast %add3A_379 : i32 to index
        %get3A_381 = arith.constant 0 : index
        %get3A_382 = tpu.vector_load %arg15[%get3A_380, %get3A_381] {strides = array<i32>} : memref<96x128xf32, #tpu.memory_space<vmem>>, vector<16xf32>,
        %mul3A_383 = arith.mulf %get3A_382, %get3A_111 : vector<16xf32>
        %get3A_384 = arith.index_cast %add3A_379 : i32 to index
        %get3A_385 = arith.constant 16 : index
        %get3A_386 = tpu.vector_load %arg15[%get3A_384, %get3A_385] {strides = array<i32>} : memref<96x128xf32, #tpu.memory_space<vmem>>, vector<16xf32>,
        %mul3A_387 = arith.mulf %get3A_386, %get3A_114 : vector<16xf32>
        %add3A_388 = arith.addf %mul3A_383, %mul3A_387 : vector<16xf32>
        %get3A_389 = arith.index_cast %add3A_379 : i32 to index
        %get3A_390 = arith.constant 32 : index
        %get3A_391 = tpu.vector_load %arg15[%get3A_389, %get3A_390] {strides = array<i32>} : memref<96x128xf32, #tpu.memory_space<vmem>>, vector<16xf32>,
        %mul3A_392 = arith.mulf %get3A_391, %get3A_117 : vector<16xf32>
        %add3A_393 = arith.addf %add3A_388, %mul3A_392 : vector<16xf32>
        %get3A_394 = arith.index_cast %add3A_379 : i32 to index
        %get3A_395 = arith.constant 48 : index
        %get3A_396 = tpu.vector_load %arg15[%get3A_394, %get3A_395] {strides = array<i32>} : memref<96x128xf32, #tpu.memory_space<vmem>>, vector<16xf32>,
        %mul3A_397 = arith.mulf %get3A_396, %get3A_120 : vector<16xf32>
        %add3A_398 = arith.addf %add3A_393, %mul3A_397 : vector<16xf32>
        %get3A_399 = arith.index_cast %add3A_379 : i32 to index
        %get3A_400 = arith.constant 64 : index
        %get3A_401 = tpu.vector_load %arg15[%get3A_399, %get3A_400] {strides = array<i32>} : memref<96x128xf32, #tpu.memory_space<vmem>>, vector<16xf32>,
        %mul3A_402 = arith.mulf %get3A_401, %get3A_123 : vector<16xf32>
        %add3A_403 = arith.addf %add3A_398, %mul3A_402 : vector<16xf32>
        %get3A_404 = arith.index_cast %add3A_379 : i32 to index
        %get3A_405 = arith.constant 80 : index
        %get3A_406 = tpu.vector_load %arg15[%get3A_404, %get3A_405] {strides = array<i32>} : memref<96x128xf32, #tpu.memory_space<vmem>>, vector<16xf32>,
        %mul3A_407 = arith.mulf %get3A_406, %get3A_126 : vector<16xf32>
        %add3A_408 = arith.addf %add3A_403, %mul3A_407 : vector<16xf32>
        %get3A_409 = arith.index_cast %add3A_379 : i32 to index
        %get3A_410 = arith.constant 96 : index
        %get3A_411 = tpu.vector_load %arg15[%get3A_409, %get3A_410] {strides = array<i32>} : memref<96x128xf32, #tpu.memory_space<vmem>>, vector<16xf32>,
        %mul3A_412 = arith.mulf %get3A_411, %get3A_129 : vector<16xf32>
        %add3A_413 = arith.addf %add3A_408, %mul3A_412 : vector<16xf32>
        %get3A_414 = arith.index_cast %add3A_379 : i32 to index
        %get3A_415 = arith.constant 112 : index
        %get3A_416 = tpu.vector_load %arg15[%get3A_414, %get3A_415] {strides = array<i32>} : memref<96x128xf32, #tpu.memory_space<vmem>>, vector<16xf32>,
        %mul3A_417 = arith.mulf %get3A_416, %get3A_132 : vector<16xf32>
        %add3A_418 = arith.addf %add3A_413, %mul3A_417 : vector<16xf32>
        %eq3A_419 = arith.constant 2 : i32
        %eq3A_420 = vector.broadcast %eq3A_419 : i32 to vector<16xi32>
        %eq3A_421 = arith.cmpi eq, %iota3A, %eq3A_420 : vector<16xi32>
        %reduce_sum3A_422 = arith.constant true
        %reduce_sum3A_423 = vector.broadcast %reduce_sum3A_422 : i1 to vector<16xi1>
        %reduce_sum3A_424 = tpu.scan <sum>, %add3A_418 masked %reduce_sum3A_423 : vector<16xf32>, vector<16xi1> -> vector<16xf32>
        %reduce_sum3A_425 = vector.extract %reduce_sum3A_424[15] : f32 from vector<16xf32>
        %broadcast_in_dim3A_426 = vector.broadcast %reduce_sum3A_425 : f32 to vector<16xf32>
        %select_n3A_427 = arith.select %eq3A_421, %broadcast_in_dim3A_426, %select_n3A_375 : vector<16xi1>, vector<16xf32>
        %mul3A_428 = arith.constant 16 : i32
        %mul3A_429 = arith.muli %add3A_272, %mul3A_428 : i32
        %add3A_430 = arith.constant 3 : i32
        %add3A_431 = arith.addi %mul3A_429, %add3A_430 : i32
        %get3A_432 = arith.index_cast %add3A_431 : i32 to index
        %get3A_433 = arith.constant 0 : index
        %get3A_434 = tpu.vector_load %arg15[%get3A_432, %get3A_433] {strides = array<i32>} : memref<96x128xf32, #tpu.memory_space<vmem>>, vector<16xf32>,
        %mul3A_435 = arith.mulf %get3A_434, %get3A_111 : vector<16xf32>
        %get3A_436 = arith.index_cast %add3A_431 : i32 to index
        %get3A_437 = arith.constant 16 : index
        %get3A_438 = tpu.vector_load %arg15[%get3A_436, %get3A_437] {strides = array<i32>} : memref<96x128xf32, #tpu.memory_space<vmem>>, vector<16xf32>,
        %mul3A_439 = arith.mulf %get3A_438, %get3A_114 : vector<16xf32>
        %add3A_440 = arith.addf %mul3A_435, %mul3A_439 : vector<16xf32>
        %get3A_441 = arith.index_cast %add3A_431 : i32 to index
        %get3A_442 = arith.constant 32 : index
        %get3A_443 = tpu.vector_load %arg15[%get3A_441, %get3A_442] {strides = array<i32>} : memref<96x128xf32, #tpu.memory_space<vmem>>, vector<16xf32>,
        %mul3A_444 = arith.mulf %get3A_443, %get3A_117 : vector<16xf32>
        %add3A_445 = arith.addf %add3A_440, %mul3A_444 : vector<16xf32>
        %get3A_446 = arith.index_cast %add3A_431 : i32 to index
        %get3A_447 = arith.constant 48 : index
        %get3A_448 = tpu.vector_load %arg15[%get3A_446, %get3A_447] {strides = array<i32>} : memref<96x128xf32, #tpu.memory_space<vmem>>, vector<16xf32>,
        %mul3A_449 = arith.mulf %get3A_448, %get3A_120 : vector<16xf32>
        %add3A_450 = arith.addf %add3A_445, %mul3A_449 : vector<16xf32>
        %get3A_451 = arith.index_cast %add3A_431 : i32 to index
        %get3A_452 = arith.constant 64 : index
        %get3A_453 = tpu.vector_load %arg15[%get3A_451, %get3A_452] {strides = array<i32>} : memref<96x128xf32, #tpu.memory_space<vmem>>, vector<16xf32>,
        %mul3A_454 = arith.mulf %get3A_453, %get3A_123 : vector<16xf32>
        %add3A_455 = arith.addf %add3A_450, %mul3A_454 : vector<16xf32>
        %get3A_456 = arith.index_cast %add3A_431 : i32 to index
        %get3A_457 = arith.constant 80 : index
        %get3A_458 = tpu.vector_load %arg15[%get3A_456, %get3A_457] {strides = array<i32>} : memref<96x128xf32, #tpu.memory_space<vmem>>, vector<16xf32>,
        %mul3A_459 = arith.mulf %get3A_458, %get3A_126 : vector<16xf32>
        %add3A_460 = arith.addf %add3A_455, %mul3A_459 : vector<16xf32>
        %get3A_461 = arith.index_cast %add3A_431 : i32 to index
        %get3A_462 = arith.constant 96 : index
        %get3A_463 = tpu.vector_load %arg15[%get3A_461, %get3A_462] {strides = array<i32>} : memref<96x128xf32, #tpu.memory_space<vmem>>, vector<16xf32>,
        %mul3A_464 = arith.mulf %get3A_463, %get3A_129 : vector<16xf32>
        %add3A_465 = arith.addf %add3A_460, %mul3A_464 : vector<16xf32>
        %get3A_466 = arith.index_cast %add3A_431 : i32 to index
        %get3A_467 = arith.constant 112 : index
        %get3A_468 = tpu.vector_load %arg15[%get3A_466, %get3A_467] {strides = array<i32>} : memref<96x128xf32, #tpu.memory_space<vmem>>, vector<16xf32>,
        %mul3A_469 = arith.mulf %get3A_468, %get3A_132 : vector<16xf32>
        %add3A_470 = arith.addf %add3A_465, %mul3A_469 : vector<16xf32>
        %eq3A_471 = arith.constant 3 : i32
        %eq3A_472 = vector.broadcast %eq3A_471 : i32 to vector<16xi32>
        %eq3A_473 = arith.cmpi eq, %iota3A, %eq3A_472 : vector<16xi32>
        %reduce_sum3A_474 = arith.constant true
        %reduce_sum3A_475 = vector.broadcast %reduce_sum3A_474 : i1 to vector<16xi1>
        %reduce_sum3A_476 = tpu.scan <sum>, %add3A_470 masked %reduce_sum3A_475 : vector<16xf32>, vector<16xi1> -> vector<16xf32>
        %reduce_sum3A_477 = vector.extract %reduce_sum3A_476[15] : f32 from vector<16xf32>
        %broadcast_in_dim3A_478 = vector.broadcast %reduce_sum3A_477 : f32 to vector<16xf32>
        %select_n3A_479 = arith.select %eq3A_473, %broadcast_in_dim3A_478, %select_n3A_427 : vector<16xi1>, vector<16xf32>
        %mul3A_480 = arith.constant 16 : i32
        %mul3A_481 = arith.muli %add3A_272, %mul3A_480 : i32
        %add3A_482 = arith.constant 4 : i32
        %add3A_483 = arith.addi %mul3A_481, %add3A_482 : i32
        %get3A_484 = arith.index_cast %add3A_483 : i32 to index
        %get3A_485 = arith.constant 0 : index
        %get3A_486 = tpu.vector_load %arg15[%get3A_484, %get3A_485] {strides = array<i32>} : memref<96x128xf32, #tpu.memory_space<vmem>>, vector<16xf32>,
        %mul3A_487 = arith.mulf %get3A_486, %get3A_111 : vector<16xf32>
        %get3A_488 = arith.index_cast %add3A_483 : i32 to index
        %get3A_489 = arith.constant 16 : index
        %get3A_490 = tpu.vector_load %arg15[%get3A_488, %get3A_489] {strides = array<i32>} : memref<96x128xf32, #tpu.memory_space<vmem>>, vector<16xf32>,
        %mul3A_491 = arith.mulf %get3A_490, %get3A_114 : vector<16xf32>
        %add3A_492 = arith.addf %mul3A_487, %mul3A_491 : vector<16xf32>
        %get3A_493 = arith.index_cast %add3A_483 : i32 to index
        %get3A_494 = arith.constant 32 : index
        %get3A_495 = tpu.vector_load %arg15[%get3A_493, %get3A_494] {strides = array<i32>} : memref<96x128xf32, #tpu.memory_space<vmem>>, vector<16xf32>,
        %mul3A_496 = arith.mulf %get3A_495, %get3A_117 : vector<16xf32>
        %add3A_497 = arith.addf %add3A_492, %mul3A_496 : vector<16xf32>
        %get3A_498 = arith.index_cast %add3A_483 : i32 to index
        %get3A_499 = arith.constant 48 : index
        %get3A_500 = tpu.vector_load %arg15[%get3A_498, %get3A_499] {strides = array<i32>} : memref<96x128xf32, #tpu.memory_space<vmem>>, vector<16xf32>,
        %mul3A_501 = arith.mulf %get3A_500, %get3A_120 : vector<16xf32>
        %add3A_502 = arith.addf %add3A_497, %mul3A_501 : vector<16xf32>
        %get3A_503 = arith.index_cast %add3A_483 : i32 to index
        %get3A_504 = arith.constant 64 : index
        %get3A_505 = tpu.vector_load %arg15[%get3A_503, %get3A_504] {strides = array<i32>} : memref<96x128xf32, #tpu.memory_space<vmem>>, vector<16xf32>,
        %mul3A_506 = arith.mulf %get3A_505, %get3A_123 : vector<16xf32>
        %add3A_507 = arith.addf %add3A_502, %mul3A_506 : vector<16xf32>
        %get3A_508 = arith.index_cast %add3A_483 : i32 to index
        %get3A_509 = arith.constant 80 : index
        %get3A_510 = tpu.vector_load %arg15[%get3A_508, %get3A_509] {strides = array<i32>} : memref<96x128xf32, #tpu.memory_space<vmem>>, vector<16xf32>,
        %mul3A_511 = arith.mulf %get3A_510, %get3A_126 : vector<16xf32>
        %add3A_512 = arith.addf %add3A_507, %mul3A_511 : vector<16xf32>
        %get3A_513 = arith.index_cast %add3A_483 : i32 to index
        %get3A_514 = arith.constant 96 : index
        %get3A_515 = tpu.vector_load %arg15[%get3A_513, %get3A_514] {strides = array<i32>} : memref<96x128xf32, #tpu.memory_space<vmem>>, vector<16xf32>,
        %mul3A_516 = arith.mulf %get3A_515, %get3A_129 : vector<16xf32>
        %add3A_517 = arith.addf %add3A_512, %mul3A_516 : vector<16xf32>
        %get3A_518 = arith.index_cast %add3A_483 : i32 to index
        %get3A_519 = arith.constant 112 : index
        %get3A_520 = tpu.vector_load %arg15[%get3A_518, %get3A_519] {strides = array<i32>} : memref<96x128xf32, #tpu.memory_space<vmem>>, vector<16xf32>,
        %mul3A_521 = arith.mulf %get3A_520, %get3A_132 : vector<16xf32>
        %add3A_522 = arith.addf %add3A_517, %mul3A_521 : vector<16xf32>
        %eq3A_523 = arith.constant 4 : i32
        %eq3A_524 = vector.broadcast %eq3A_523 : i32 to vector<16xi32>
        %eq3A_525 = arith.cmpi eq, %iota3A, %eq3A_524 : vector<16xi32>
        %reduce_sum3A_526 = arith.constant true
        %reduce_sum3A_527 = vector.broadcast %reduce_sum3A_526 : i1 to vector<16xi1>
        %reduce_sum3A_528 = tpu.scan <sum>, %add3A_522 masked %reduce_sum3A_527 : vector<16xf32>, vector<16xi1> -> vector<16xf32>
        %reduce_sum3A_529 = vector.extract %reduce_sum3A_528[15] : f32 from vector<16xf32>
        %broadcast_in_dim3A_530 = vector.broadcast %reduce_sum3A_529 : f32 to vector<16xf32>
        %select_n3A_531 = arith.select %eq3A_525, %broadcast_in_dim3A_530, %select_n3A_479 : vector<16xi1>, vector<16xf32>
        %mul3A_532 = arith.constant 16 : i32
        %mul3A_533 = arith.muli %add3A_272, %mul3A_532 : i32
        %add3A_534 = arith.constant 5 : i32
        %add3A_535 = arith.addi %mul3A_533, %add3A_534 : i32
        %get3A_536 = arith.index_cast %add3A_535 : i32 to index
        %get3A_537 = arith.constant 0 : index
        %get3A_538 = tpu.vector_load %arg15[%get3A_536, %get3A_537] {strides = array<i32>} : memref<96x128xf32, #tpu.memory_space<vmem>>, vector<16xf32>,
        %mul3A_539 = arith.mulf %get3A_538, %get3A_111 : vector<16xf32>
        %get3A_540 = arith.index_cast %add3A_535 : i32 to index
        %get3A_541 = arith.constant 16 : index
        %get3A_542 = tpu.vector_load %arg15[%get3A_540, %get3A_541] {strides = array<i32>} : memref<96x128xf32, #tpu.memory_space<vmem>>, vector<16xf32>,
        %mul3A_543 = arith.mulf %get3A_542, %get3A_114 : vector<16xf32>
        %add3A_544 = arith.addf %mul3A_539, %mul3A_543 : vector<16xf32>
        %get3A_545 = arith.index_cast %add3A_535 : i32 to index
        %get3A_546 = arith.constant 32 : index
        %get3A_547 = tpu.vector_load %arg15[%get3A_545, %get3A_546] {strides = array<i32>} : memref<96x128xf32, #tpu.memory_space<vmem>>, vector<16xf32>,
        %mul3A_548 = arith.mulf %get3A_547, %get3A_117 : vector<16xf32>
        %add3A_549 = arith.addf %add3A_544, %mul3A_548 : vector<16xf32>
        %get3A_550 = arith.index_cast %add3A_535 : i32 to index
        %get3A_551 = arith.constant 48 : index
        %get3A_552 = tpu.vector_load %arg15[%get3A_550, %get3A_551] {strides = array<i32>} : memref<96x128xf32, #tpu.memory_space<vmem>>, vector<16xf32>,
        %mul3A_553 = arith.mulf %get3A_552, %get3A_120 : vector<16xf32>
        %add3A_554 = arith.addf %add3A_549, %mul3A_553 : vector<16xf32>
        %get3A_555 = arith.index_cast %add3A_535 : i32 to index
        %get3A_556 = arith.constant 64 : index
        %get3A_557 = tpu.vector_load %arg15[%get3A_555, %get3A_556] {strides = array<i32>} : memref<96x128xf32, #tpu.memory_space<vmem>>, vector<16xf32>,
        %mul3A_558 = arith.mulf %get3A_557, %get3A_123 : vector<16xf32>
        %add3A_559 = arith.addf %add3A_554, %mul3A_558 : vector<16xf32>
        %get3A_560 = arith.index_cast %add3A_535 : i32 to index
        %get3A_561 = arith.constant 80 : index
        %get3A_562 = tpu.vector_load %arg15[%get3A_560, %get3A_561] {strides = array<i32>} : memref<96x128xf32, #tpu.memory_space<vmem>>, vector<16xf32>,
        %mul3A_563 = arith.mulf %get3A_562, %get3A_126 : vector<16xf32>
        %add3A_564 = arith.addf %add3A_559, %mul3A_563 : vector<16xf32>
        %get3A_565 = arith.index_cast %add3A_535 : i32 to index
        %get3A_566 = arith.constant 96 : index
        %get3A_567 = tpu.vector_load %arg15[%get3A_565, %get3A_566] {strides = array<i32>} : memref<96x128xf32, #tpu.memory_space<vmem>>, vector<16xf32>,
        %mul3A_568 = arith.mulf %get3A_567, %get3A_129 : vector<16xf32>
        %add3A_569 = arith.addf %add3A_564, %mul3A_568 : vector<16xf32>
        %get3A_570 = arith.index_cast %add3A_535 : i32 to index
        %get3A_571 = arith.constant 112 : index
        %get3A_572 = tpu.vector_load %arg15[%get3A_570, %get3A_571] {strides = array<i32>} : memref<96x128xf32, #tpu.memory_space<vmem>>, vector<16xf32>,
        %mul3A_573 = arith.mulf %get3A_572, %get3A_132 : vector<16xf32>
        %add3A_574 = arith.addf %add3A_569, %mul3A_573 : vector<16xf32>
        %eq3A_575 = arith.constant 5 : i32
        %eq3A_576 = vector.broadcast %eq3A_575 : i32 to vector<16xi32>
        %eq3A_577 = arith.cmpi eq, %iota3A, %eq3A_576 : vector<16xi32>
        %reduce_sum3A_578 = arith.constant true
        %reduce_sum3A_579 = vector.broadcast %reduce_sum3A_578 : i1 to vector<16xi1>
        %reduce_sum3A_580 = tpu.scan <sum>, %add3A_574 masked %reduce_sum3A_579 : vector<16xf32>, vector<16xi1> -> vector<16xf32>
        %reduce_sum3A_581 = vector.extract %reduce_sum3A_580[15] : f32 from vector<16xf32>
        %broadcast_in_dim3A_582 = vector.broadcast %reduce_sum3A_581 : f32 to vector<16xf32>
        %select_n3A_583 = arith.select %eq3A_577, %broadcast_in_dim3A_582, %select_n3A_531 : vector<16xi1>, vector<16xf32>
        %mul3A_584 = arith.constant 16 : i32
        %mul3A_585 = arith.muli %add3A_272, %mul3A_584 : i32
        %add3A_586 = arith.constant 6 : i32
        %add3A_587 = arith.addi %mul3A_585, %add3A_586 : i32
        %get3A_588 = arith.index_cast %add3A_587 : i32 to index
        %get3A_589 = arith.constant 0 : index
        %get3A_590 = tpu.vector_load %arg15[%get3A_588, %get3A_589] {strides = array<i32>} : memref<96x128xf32, #tpu.memory_space<vmem>>, vector<16xf32>,
        %mul3A_591 = arith.mulf %get3A_590, %get3A_111 : vector<16xf32>
        %get3A_592 = arith.index_cast %add3A_587 : i32 to index
        %get3A_593 = arith.constant 16 : index
        %get3A_594 = tpu.vector_load %arg15[%get3A_592, %get3A_593] {strides = array<i32>} : memref<96x128xf32, #tpu.memory_space<vmem>>, vector<16xf32>,
        %mul3A_595 = arith.mulf %get3A_594, %get3A_114 : vector<16xf32>
        %add3A_596 = arith.addf %mul3A_591, %mul3A_595 : vector<16xf32>
        %get3A_597 = arith.index_cast %add3A_587 : i32 to index
        %get3A_598 = arith.constant 32 : index
        %get3A_599 = tpu.vector_load %arg15[%get3A_597, %get3A_598] {strides = array<i32>} : memref<96x128xf32, #tpu.memory_space<vmem>>, vector<16xf32>,
        %mul3A_600 = arith.mulf %get3A_599, %get3A_117 : vector<16xf32>
        %add3A_601 = arith.addf %add3A_596, %mul3A_600 : vector<16xf32>
        %get3A_602 = arith.index_cast %add3A_587 : i32 to index
        %get3A_603 = arith.constant 48 : index
        %get3A_604 = tpu.vector_load %arg15[%get3A_602, %get3A_603] {strides = array<i32>} : memref<96x128xf32, #tpu.memory_space<vmem>>, vector<16xf32>,
        %mul3A_605 = arith.mulf %get3A_604, %get3A_120 : vector<16xf32>
        %add3A_606 = arith.addf %add3A_601, %mul3A_605 : vector<16xf32>
        %get3A_607 = arith.index_cast %add3A_587 : i32 to index
        %get3A_608 = arith.constant 64 : index
        %get3A_609 = tpu.vector_load %arg15[%get3A_607, %get3A_608] {strides = array<i32>} : memref<96x128xf32, #tpu.memory_space<vmem>>, vector<16xf32>,
        %mul3A_610 = arith.mulf %get3A_609, %get3A_123 : vector<16xf32>
        %add3A_611 = arith.addf %add3A_606, %mul3A_610 : vector<16xf32>
        %get3A_612 = arith.index_cast %add3A_587 : i32 to index
        %get3A_613 = arith.constant 80 : index
        %get3A_614 = tpu.vector_load %arg15[%get3A_612, %get3A_613] {strides = array<i32>} : memref<96x128xf32, #tpu.memory_space<vmem>>, vector<16xf32>,
        %mul3A_615 = arith.mulf %get3A_614, %get3A_126 : vector<16xf32>
        %add3A_616 = arith.addf %add3A_611, %mul3A_615 : vector<16xf32>
        %get3A_617 = arith.index_cast %add3A_587 : i32 to index
        %get3A_618 = arith.constant 96 : index
        %get3A_619 = tpu.vector_load %arg15[%get3A_617, %get3A_618] {strides = array<i32>} : memref<96x128xf32, #tpu.memory_space<vmem>>, vector<16xf32>,
        %mul3A_620 = arith.mulf %get3A_619, %get3A_129 : vector<16xf32>
        %add3A_621 = arith.addf %add3A_616, %mul3A_620 : vector<16xf32>
        %get3A_622 = arith.index_cast %add3A_587 : i32 to index
        %get3A_623 = arith.constant 112 : index
        %get3A_624 = tpu.vector_load %arg15[%get3A_622, %get3A_623] {strides = array<i32>} : memref<96x128xf32, #tpu.memory_space<vmem>>, vector<16xf32>,
        %mul3A_625 = arith.mulf %get3A_624, %get3A_132 : vector<16xf32>
        %add3A_626 = arith.addf %add3A_621, %mul3A_625 : vector<16xf32>
        %eq3A_627 = arith.constant 6 : i32
        %eq3A_628 = vector.broadcast %eq3A_627 : i32 to vector<16xi32>
        %eq3A_629 = arith.cmpi eq, %iota3A, %eq3A_628 : vector<16xi32>
        %reduce_sum3A_630 = arith.constant true
        %reduce_sum3A_631 = vector.broadcast %reduce_sum3A_630 : i1 to vector<16xi1>
        %reduce_sum3A_632 = tpu.scan <sum>, %add3A_626 masked %reduce_sum3A_631 : vector<16xf32>, vector<16xi1> -> vector<16xf32>
        %reduce_sum3A_633 = vector.extract %reduce_sum3A_632[15] : f32 from vector<16xf32>
        %broadcast_in_dim3A_634 = vector.broadcast %reduce_sum3A_633 : f32 to vector<16xf32>
        %select_n3A_635 = arith.select %eq3A_629, %broadcast_in_dim3A_634, %select_n3A_583 : vector<16xi1>, vector<16xf32>
        %mul3A_636 = arith.constant 16 : i32
        %mul3A_637 = arith.muli %add3A_272, %mul3A_636 : i32
        %add3A_638 = arith.constant 7 : i32
        %add3A_639 = arith.addi %mul3A_637, %add3A_638 : i32
        %get3A_640 = arith.index_cast %add3A_639 : i32 to index
        %get3A_641 = arith.constant 0 : index
        %get3A_642 = tpu.vector_load %arg15[%get3A_640, %get3A_641] {strides = array<i32>} : memref<96x128xf32, #tpu.memory_space<vmem>>, vector<16xf32>,
        %mul3A_643 = arith.mulf %get3A_642, %get3A_111 : vector<16xf32>
        %get3A_644 = arith.index_cast %add3A_639 : i32 to index
        %get3A_645 = arith.constant 16 : index
        %get3A_646 = tpu.vector_load %arg15[%get3A_644, %get3A_645] {strides = array<i32>} : memref<96x128xf32, #tpu.memory_space<vmem>>, vector<16xf32>,
        %mul3A_647 = arith.mulf %get3A_646, %get3A_114 : vector<16xf32>
        %add3A_648 = arith.addf %mul3A_643, %mul3A_647 : vector<16xf32>
        %get3A_649 = arith.index_cast %add3A_639 : i32 to index
        %get3A_650 = arith.constant 32 : index
        %get3A_651 = tpu.vector_load %arg15[%get3A_649, %get3A_650] {strides = array<i32>} : memref<96x128xf32, #tpu.memory_space<vmem>>, vector<16xf32>,
        %mul3A_652 = arith.mulf %get3A_651, %get3A_117 : vector<16xf32>
        %add3A_653 = arith.addf %add3A_648, %mul3A_652 : vector<16xf32>
        %get3A_654 = arith.index_cast %add3A_639 : i32 to index
        %get3A_655 = arith.constant 48 : index
        %get3A_656 = tpu.vector_load %arg15[%get3A_654, %get3A_655] {strides = array<i32>} : memref<96x128xf32, #tpu.memory_space<vmem>>, vector<16xf32>,
        %mul3A_657 = arith.mulf %get3A_656, %get3A_120 : vector<16xf32>
        %add3A_658 = arith.addf %add3A_653, %mul3A_657 : vector<16xf32>
        %get3A_659 = arith.index_cast %add3A_639 : i32 to index
        %get3A_660 = arith.constant 64 : index
        %get3A_661 = tpu.vector_load %arg15[%get3A_659, %get3A_660] {strides = array<i32>} : memref<96x128xf32, #tpu.memory_space<vmem>>, vector<16xf32>,
        %mul3A_662 = arith.mulf %get3A_661, %get3A_123 : vector<16xf32>
        %add3A_663 = arith.addf %add3A_658, %mul3A_662 : vector<16xf32>
        %get3A_664 = arith.index_cast %add3A_639 : i32 to index
        %get3A_665 = arith.constant 80 : index
        %get3A_666 = tpu.vector_load %arg15[%get3A_664, %get3A_665] {strides = array<i32>} : memref<96x128xf32, #tpu.memory_space<vmem>>, vector<16xf32>,
        %mul3A_667 = arith.mulf %get3A_666, %get3A_126 : vector<16xf32>
        %add3A_668 = arith.addf %add3A_663, %mul3A_667 : vector<16xf32>
        %get3A_669 = arith.index_cast %add3A_639 : i32 to index
        %get3A_670 = arith.constant 96 : index
        %get3A_671 = tpu.vector_load %arg15[%get3A_669, %get3A_670] {strides = array<i32>} : memref<96x128xf32, #tpu.memory_space<vmem>>, vector<16xf32>,
        %mul3A_672 = arith.mulf %get3A_671, %get3A_129 : vector<16xf32>
        %add3A_673 = arith.addf %add3A_668, %mul3A_672 : vector<16xf32>
        %get3A_674 = arith.index_cast %add3A_639 : i32 to index
        %get3A_675 = arith.constant 112 : index
        %get3A_676 = tpu.vector_load %arg15[%get3A_674, %get3A_675] {strides = array<i32>} : memref<96x128xf32, #tpu.memory_space<vmem>>, vector<16xf32>,
        %mul3A_677 = arith.mulf %get3A_676, %get3A_132 : vector<16xf32>
        %add3A_678 = arith.addf %add3A_673, %mul3A_677 : vector<16xf32>
        %eq3A_679 = arith.constant 7 : i32
        %eq3A_680 = vector.broadcast %eq3A_679 : i32 to vector<16xi32>
        %eq3A_681 = arith.cmpi eq, %iota3A, %eq3A_680 : vector<16xi32>
        %reduce_sum3A_682 = arith.constant true
        %reduce_sum3A_683 = vector.broadcast %reduce_sum3A_682 : i1 to vector<16xi1>
        %reduce_sum3A_684 = tpu.scan <sum>, %add3A_678 masked %reduce_sum3A_683 : vector<16xf32>, vector<16xi1> -> vector<16xf32>
        %reduce_sum3A_685 = vector.extract %reduce_sum3A_684[15] : f32 from vector<16xf32>
        %broadcast_in_dim3A_686 = vector.broadcast %reduce_sum3A_685 : f32 to vector<16xf32>
        %select_n3A_687 = arith.select %eq3A_681, %broadcast_in_dim3A_686, %select_n3A_635 : vector<16xi1>, vector<16xf32>
        %mul3A_688 = arith.constant 16 : i32
        %mul3A_689 = arith.muli %add3A_272, %mul3A_688 : i32
        %add3A_690 = arith.constant 8 : i32
        %add3A_691 = arith.addi %mul3A_689, %add3A_690 : i32
        %get3A_692 = arith.index_cast %add3A_691 : i32 to index
        %get3A_693 = arith.constant 0 : index
        %get3A_694 = tpu.vector_load %arg15[%get3A_692, %get3A_693] {strides = array<i32>} : memref<96x128xf32, #tpu.memory_space<vmem>>, vector<16xf32>,
        %mul3A_695 = arith.mulf %get3A_694, %get3A_111 : vector<16xf32>
        %get3A_696 = arith.index_cast %add3A_691 : i32 to index
        %get3A_697 = arith.constant 16 : index
        %get3A_698 = tpu.vector_load %arg15[%get3A_696, %get3A_697] {strides = array<i32>} : memref<96x128xf32, #tpu.memory_space<vmem>>, vector<16xf32>,
        %mul3A_699 = arith.mulf %get3A_698, %get3A_114 : vector<16xf32>
        %add3A_700 = arith.addf %mul3A_695, %mul3A_699 : vector<16xf32>
        %get3A_701 = arith.index_cast %add3A_691 : i32 to index
        %get3A_702 = arith.constant 32 : index
        %get3A_703 = tpu.vector_load %arg15[%get3A_701, %get3A_702] {strides = array<i32>} : memref<96x128xf32, #tpu.memory_space<vmem>>, vector<16xf32>,
        %mul3A_704 = arith.mulf %get3A_703, %get3A_117 : vector<16xf32>
        %add3A_705 = arith.addf %add3A_700, %mul3A_704 : vector<16xf32>
        %get3A_706 = arith.index_cast %add3A_691 : i32 to index
        %get3A_707 = arith.constant 48 : index
        %get3A_708 = tpu.vector_load %arg15[%get3A_706, %get3A_707] {strides = array<i32>} : memref<96x128xf32, #tpu.memory_space<vmem>>, vector<16xf32>,
        %mul3A_709 = arith.mulf %get3A_708, %get3A_120 : vector<16xf32>
        %add3A_710 = arith.addf %add3A_705, %mul3A_709 : vector<16xf32>
        %get3A_711 = arith.index_cast %add3A_691 : i32 to index
        %get3A_712 = arith.constant 64 : index
        %get3A_713 = tpu.vector_load %arg15[%get3A_711, %get3A_712] {strides = array<i32>} : memref<96x128xf32, #tpu.memory_space<vmem>>, vector<16xf32>,
        %mul3A_714 = arith.mulf %get3A_713, %get3A_123 : vector<16xf32>
        %add3A_715 = arith.addf %add3A_710, %mul3A_714 : vector<16xf32>
        %get3A_716 = arith.index_cast %add3A_691 : i32 to index
        %get3A_717 = arith.constant 80 : index
        %get3A_718 = tpu.vector_load %arg15[%get3A_716, %get3A_717] {strides = array<i32>} : memref<96x128xf32, #tpu.memory_space<vmem>>, vector<16xf32>,
        %mul3A_719 = arith.mulf %get3A_718, %get3A_126 : vector<16xf32>
        %add3A_720 = arith.addf %add3A_715, %mul3A_719 : vector<16xf32>
        %get3A_721 = arith.index_cast %add3A_691 : i32 to index
        %get3A_722 = arith.constant 96 : index
        %get3A_723 = tpu.vector_load %arg15[%get3A_721, %get3A_722] {strides = array<i32>} : memref<96x128xf32, #tpu.memory_space<vmem>>, vector<16xf32>,
        %mul3A_724 = arith.mulf %get3A_723, %get3A_129 : vector<16xf32>
        %add3A_725 = arith.addf %add3A_720, %mul3A_724 : vector<16xf32>
        %get3A_726 = arith.index_cast %add3A_691 : i32 to index
        %get3A_727 = arith.constant 112 : index
        %get3A_728 = tpu.vector_load %arg15[%get3A_726, %get3A_727] {strides = array<i32>} : memref<96x128xf32, #tpu.memory_space<vmem>>, vector<16xf32>,
        %mul3A_729 = arith.mulf %get3A_728, %get3A_132 : vector<16xf32>
        %add3A_730 = arith.addf %add3A_725, %mul3A_729 : vector<16xf32>
        %eq3A_731 = arith.constant 8 : i32
        %eq3A_732 = vector.broadcast %eq3A_731 : i32 to vector<16xi32>
        %eq3A_733 = arith.cmpi eq, %iota3A, %eq3A_732 : vector<16xi32>
        %reduce_sum3A_734 = arith.constant true
        %reduce_sum3A_735 = vector.broadcast %reduce_sum3A_734 : i1 to vector<16xi1>
        %reduce_sum3A_736 = tpu.scan <sum>, %add3A_730 masked %reduce_sum3A_735 : vector<16xf32>, vector<16xi1> -> vector<16xf32>
        %reduce_sum3A_737 = vector.extract %reduce_sum3A_736[15] : f32 from vector<16xf32>
        %broadcast_in_dim3A_738 = vector.broadcast %reduce_sum3A_737 : f32 to vector<16xf32>
        %select_n3A_739 = arith.select %eq3A_733, %broadcast_in_dim3A_738, %select_n3A_687 : vector<16xi1>, vector<16xf32>
        %mul3A_740 = arith.constant 16 : i32
        %mul3A_741 = arith.muli %add3A_272, %mul3A_740 : i32
        %add3A_742 = arith.constant 9 : i32
        %add3A_743 = arith.addi %mul3A_741, %add3A_742 : i32
        %get3A_744 = arith.index_cast %add3A_743 : i32 to index
        %get3A_745 = arith.constant 0 : index
        %get3A_746 = tpu.vector_load %arg15[%get3A_744, %get3A_745] {strides = array<i32>} : memref<96x128xf32, #tpu.memory_space<vmem>>, vector<16xf32>,
        %mul3A_747 = arith.mulf %get3A_746, %get3A_111 : vector<16xf32>
        %get3A_748 = arith.index_cast %add3A_743 : i32 to index
        %get3A_749 = arith.constant 16 : index
        %get3A_750 = tpu.vector_load %arg15[%get3A_748, %get3A_749] {strides = array<i32>} : memref<96x128xf32, #tpu.memory_space<vmem>>, vector<16xf32>,
        %mul3A_751 = arith.mulf %get3A_750, %get3A_114 : vector<16xf32>
        %add3A_752 = arith.addf %mul3A_747, %mul3A_751 : vector<16xf32>
        %get3A_753 = arith.index_cast %add3A_743 : i32 to index
        %get3A_754 = arith.constant 32 : index
        %get3A_755 = tpu.vector_load %arg15[%get3A_753, %get3A_754] {strides = array<i32>} : memref<96x128xf32, #tpu.memory_space<vmem>>, vector<16xf32>,
        %mul3A_756 = arith.mulf %get3A_755, %get3A_117 : vector<16xf32>
        %add3A_757 = arith.addf %add3A_752, %mul3A_756 : vector<16xf32>
        %get3A_758 = arith.index_cast %add3A_743 : i32 to index
        %get3A_759 = arith.constant 48 : index
        %get3A_760 = tpu.vector_load %arg15[%get3A_758, %get3A_759] {strides = array<i32>} : memref<96x128xf32, #tpu.memory_space<vmem>>, vector<16xf32>,
        %mul3A_761 = arith.mulf %get3A_760, %get3A_120 : vector<16xf32>
        %add3A_762 = arith.addf %add3A_757, %mul3A_761 : vector<16xf32>
        %get3A_763 = arith.index_cast %add3A_743 : i32 to index
        %get3A_764 = arith.constant 64 : index
        %get3A_765 = tpu.vector_load %arg15[%get3A_763, %get3A_764] {strides = array<i32>} : memref<96x128xf32, #tpu.memory_space<vmem>>, vector<16xf32>,
        %mul3A_766 = arith.mulf %get3A_765, %get3A_123 : vector<16xf32>
        %add3A_767 = arith.addf %add3A_762, %mul3A_766 : vector<16xf32>
        %get3A_768 = arith.index_cast %add3A_743 : i32 to index
        %get3A_769 = arith.constant 80 : index
        %get3A_770 = tpu.vector_load %arg15[%get3A_768, %get3A_769] {strides = array<i32>} : memref<96x128xf32, #tpu.memory_space<vmem>>, vector<16xf32>,
        %mul3A_771 = arith.mulf %get3A_770, %get3A_126 : vector<16xf32>
        %add3A_772 = arith.addf %add3A_767, %mul3A_771 : vector<16xf32>
        %get3A_773 = arith.index_cast %add3A_743 : i32 to index
        %get3A_774 = arith.constant 96 : index
        %get3A_775 = tpu.vector_load %arg15[%get3A_773, %get3A_774] {strides = array<i32>} : memref<96x128xf32, #tpu.memory_space<vmem>>, vector<16xf32>,
        %mul3A_776 = arith.mulf %get3A_775, %get3A_129 : vector<16xf32>
        %add3A_777 = arith.addf %add3A_772, %mul3A_776 : vector<16xf32>
        %get3A_778 = arith.index_cast %add3A_743 : i32 to index
        %get3A_779 = arith.constant 112 : index
        %get3A_780 = tpu.vector_load %arg15[%get3A_778, %get3A_779] {strides = array<i32>} : memref<96x128xf32, #tpu.memory_space<vmem>>, vector<16xf32>,
        %mul3A_781 = arith.mulf %get3A_780, %get3A_132 : vector<16xf32>
        %add3A_782 = arith.addf %add3A_777, %mul3A_781 : vector<16xf32>
        %eq3A_783 = arith.constant 9 : i32
        %eq3A_784 = vector.broadcast %eq3A_783 : i32 to vector<16xi32>
        %eq3A_785 = arith.cmpi eq, %iota3A, %eq3A_784 : vector<16xi32>
        %reduce_sum3A_786 = arith.constant true
        %reduce_sum3A_787 = vector.broadcast %reduce_sum3A_786 : i1 to vector<16xi1>
        %reduce_sum3A_788 = tpu.scan <sum>, %add3A_782 masked %reduce_sum3A_787 : vector<16xf32>, vector<16xi1> -> vector<16xf32>
        %reduce_sum3A_789 = vector.extract %reduce_sum3A_788[15] : f32 from vector<16xf32>
        %broadcast_in_dim3A_790 = vector.broadcast %reduce_sum3A_789 : f32 to vector<16xf32>
        %select_n3A_791 = arith.select %eq3A_785, %broadcast_in_dim3A_790, %select_n3A_739 : vector<16xi1>, vector<16xf32>
        %mul3A_792 = arith.constant 16 : i32
        %mul3A_793 = arith.muli %add3A_272, %mul3A_792 : i32
        %add3A_794 = arith.constant 10 : i32
        %add3A_795 = arith.addi %mul3A_793, %add3A_794 : i32
        %get3A_796 = arith.index_cast %add3A_795 : i32 to index
        %get3A_797 = arith.constant 0 : index
        %get3A_798 = tpu.vector_load %arg15[%get3A_796, %get3A_797] {strides = array<i32>} : memref<96x128xf32, #tpu.memory_space<vmem>>, vector<16xf32>,
        %mul3A_799 = arith.mulf %get3A_798, %get3A_111 : vector<16xf32>
        %get3A_800 = arith.index_cast %add3A_795 : i32 to index
        %get3A_801 = arith.constant 16 : index
        %get3A_802 = tpu.vector_load %arg15[%get3A_800, %get3A_801] {strides = array<i32>} : memref<96x128xf32, #tpu.memory_space<vmem>>, vector<16xf32>,
        %mul3A_803 = arith.mulf %get3A_802, %get3A_114 : vector<16xf32>
        %add3A_804 = arith.addf %mul3A_799, %mul3A_803 : vector<16xf32>
        %get3A_805 = arith.index_cast %add3A_795 : i32 to index
        %get3A_806 = arith.constant 32 : index
        %get3A_807 = tpu.vector_load %arg15[%get3A_805, %get3A_806] {strides = array<i32>} : memref<96x128xf32, #tpu.memory_space<vmem>>, vector<16xf32>,
        %mul3A_808 = arith.mulf %get3A_807, %get3A_117 : vector<16xf32>
        %add3A_809 = arith.addf %add3A_804, %mul3A_808 : vector<16xf32>
        %get3A_810 = arith.index_cast %add3A_795 : i32 to index
        %get3A_811 = arith.constant 48 : index
        %get3A_812 = tpu.vector_load %arg15[%get3A_810, %get3A_811] {strides = array<i32>} : memref<96x128xf32, #tpu.memory_space<vmem>>, vector<16xf32>,
        %mul3A_813 = arith.mulf %get3A_812, %get3A_120 : vector<16xf32>
        %add3A_814 = arith.addf %add3A_809, %mul3A_813 : vector<16xf32>
        %get3A_815 = arith.index_cast %add3A_795 : i32 to index
        %get3A_816 = arith.constant 64 : index
        %get3A_817 = tpu.vector_load %arg15[%get3A_815, %get3A_816] {strides = array<i32>} : memref<96x128xf32, #tpu.memory_space<vmem>>, vector<16xf32>,
        %mul3A_818 = arith.mulf %get3A_817, %get3A_123 : vector<16xf32>
        %add3A_819 = arith.addf %add3A_814, %mul3A_818 : vector<16xf32>
        %get3A_820 = arith.index_cast %add3A_795 : i32 to index
        %get3A_821 = arith.constant 80 : index
        %get3A_822 = tpu.vector_load %arg15[%get3A_820, %get3A_821] {strides = array<i32>} : memref<96x128xf32, #tpu.memory_space<vmem>>, vector<16xf32>,
        %mul3A_823 = arith.mulf %get3A_822, %get3A_126 : vector<16xf32>
        %add3A_824 = arith.addf %add3A_819, %mul3A_823 : vector<16xf32>
        %get3A_825 = arith.index_cast %add3A_795 : i32 to index
        %get3A_826 = arith.constant 96 : index
        %get3A_827 = tpu.vector_load %arg15[%get3A_825, %get3A_826] {strides = array<i32>} : memref<96x128xf32, #tpu.memory_space<vmem>>, vector<16xf32>,
        %mul3A_828 = arith.mulf %get3A_827, %get3A_129 : vector<16xf32>
        %add3A_829 = arith.addf %add3A_824, %mul3A_828 : vector<16xf32>
        %get3A_830 = arith.index_cast %add3A_795 : i32 to index
        %get3A_831 = arith.constant 112 : index
        %get3A_832 = tpu.vector_load %arg15[%get3A_830, %get3A_831] {strides = array<i32>} : memref<96x128xf32, #tpu.memory_space<vmem>>, vector<16xf32>,
        %mul3A_833 = arith.mulf %get3A_832, %get3A_132 : vector<16xf32>
        %add3A_834 = arith.addf %add3A_829, %mul3A_833 : vector<16xf32>
        %eq3A_835 = arith.constant 10 : i32
        %eq3A_836 = vector.broadcast %eq3A_835 : i32 to vector<16xi32>
        %eq3A_837 = arith.cmpi eq, %iota3A, %eq3A_836 : vector<16xi32>
        %reduce_sum3A_838 = arith.constant true
        %reduce_sum3A_839 = vector.broadcast %reduce_sum3A_838 : i1 to vector<16xi1>
        %reduce_sum3A_840 = tpu.scan <sum>, %add3A_834 masked %reduce_sum3A_839 : vector<16xf32>, vector<16xi1> -> vector<16xf32>
        %reduce_sum3A_841 = vector.extract %reduce_sum3A_840[15] : f32 from vector<16xf32>
        %broadcast_in_dim3A_842 = vector.broadcast %reduce_sum3A_841 : f32 to vector<16xf32>
        %select_n3A_843 = arith.select %eq3A_837, %broadcast_in_dim3A_842, %select_n3A_791 : vector<16xi1>, vector<16xf32>
        %mul3A_844 = arith.constant 16 : i32
        %mul3A_845 = arith.muli %add3A_272, %mul3A_844 : i32
        %add3A_846 = arith.constant 11 : i32
        %add3A_847 = arith.addi %mul3A_845, %add3A_846 : i32
        %get3A_848 = arith.index_cast %add3A_847 : i32 to index
        %get3A_849 = arith.constant 0 : index
        %get3A_850 = tpu.vector_load %arg15[%get3A_848, %get3A_849] {strides = array<i32>} : memref<96x128xf32, #tpu.memory_space<vmem>>, vector<16xf32>,
        %mul3A_851 = arith.mulf %get3A_850, %get3A_111 : vector<16xf32>
        %get3A_852 = arith.index_cast %add3A_847 : i32 to index
        %get3A_853 = arith.constant 16 : index
        %get3A_854 = tpu.vector_load %arg15[%get3A_852, %get3A_853] {strides = array<i32>} : memref<96x128xf32, #tpu.memory_space<vmem>>, vector<16xf32>,
        %mul3A_855 = arith.mulf %get3A_854, %get3A_114 : vector<16xf32>
        %add3A_856 = arith.addf %mul3A_851, %mul3A_855 : vector<16xf32>
        %get3A_857 = arith.index_cast %add3A_847 : i32 to index
        %get3A_858 = arith.constant 32 : index
        %get3A_859 = tpu.vector_load %arg15[%get3A_857, %get3A_858] {strides = array<i32>} : memref<96x128xf32, #tpu.memory_space<vmem>>, vector<16xf32>,
        %mul3A_860 = arith.mulf %get3A_859, %get3A_117 : vector<16xf32>
        %add3A_861 = arith.addf %add3A_856, %mul3A_860 : vector<16xf32>
        %get3A_862 = arith.index_cast %add3A_847 : i32 to index
        %get3A_863 = arith.constant 48 : index
        %get3A_864 = tpu.vector_load %arg15[%get3A_862, %get3A_863] {strides = array<i32>} : memref<96x128xf32, #tpu.memory_space<vmem>>, vector<16xf32>,
        %mul3A_865 = arith.mulf %get3A_864, %get3A_120 : vector<16xf32>
        %add3A_866 = arith.addf %add3A_861, %mul3A_865 : vector<16xf32>
        %get3A_867 = arith.index_cast %add3A_847 : i32 to index
        %get3A_868 = arith.constant 64 : index
        %get3A_869 = tpu.vector_load %arg15[%get3A_867, %get3A_868] {strides = array<i32>} : memref<96x128xf32, #tpu.memory_space<vmem>>, vector<16xf32>,
        %mul3A_870 = arith.mulf %get3A_869, %get3A_123 : vector<16xf32>
        %add3A_871 = arith.addf %add3A_866, %mul3A_870 : vector<16xf32>
        %get3A_872 = arith.index_cast %add3A_847 : i32 to index
        %get3A_873 = arith.constant 80 : index
        %get3A_874 = tpu.vector_load %arg15[%get3A_872, %get3A_873] {strides = array<i32>} : memref<96x128xf32, #tpu.memory_space<vmem>>, vector<16xf32>,
        %mul3A_875 = arith.mulf %get3A_874, %get3A_126 : vector<16xf32>
        %add3A_876 = arith.addf %add3A_871, %mul3A_875 : vector<16xf32>
        %get3A_877 = arith.index_cast %add3A_847 : i32 to index
        %get3A_878 = arith.constant 96 : index
        %get3A_879 = tpu.vector_load %arg15[%get3A_877, %get3A_878] {strides = array<i32>} : memref<96x128xf32, #tpu.memory_space<vmem>>, vector<16xf32>,
        %mul3A_880 = arith.mulf %get3A_879, %get3A_129 : vector<16xf32>
        %add3A_881 = arith.addf %add3A_876, %mul3A_880 : vector<16xf32>
        %get3A_882 = arith.index_cast %add3A_847 : i32 to index
        %get3A_883 = arith.constant 112 : index
        %get3A_884 = tpu.vector_load %arg15[%get3A_882, %get3A_883] {strides = array<i32>} : memref<96x128xf32, #tpu.memory_space<vmem>>, vector<16xf32>,
        %mul3A_885 = arith.mulf %get3A_884, %get3A_132 : vector<16xf32>
        %add3A_886 = arith.addf %add3A_881, %mul3A_885 : vector<16xf32>
        %eq3A_887 = arith.constant 11 : i32
        %eq3A_888 = vector.broadcast %eq3A_887 : i32 to vector<16xi32>
        %eq3A_889 = arith.cmpi eq, %iota3A, %eq3A_888 : vector<16xi32>
        %reduce_sum3A_890 = arith.constant true
        %reduce_sum3A_891 = vector.broadcast %reduce_sum3A_890 : i1 to vector<16xi1>
        %reduce_sum3A_892 = tpu.scan <sum>, %add3A_886 masked %reduce_sum3A_891 : vector<16xf32>, vector<16xi1> -> vector<16xf32>
        %reduce_sum3A_893 = vector.extract %reduce_sum3A_892[15] : f32 from vector<16xf32>
        %broadcast_in_dim3A_894 = vector.broadcast %reduce_sum3A_893 : f32 to vector<16xf32>
        %select_n3A_895 = arith.select %eq3A_889, %broadcast_in_dim3A_894, %select_n3A_843 : vector<16xi1>, vector<16xf32>
        %mul3A_896 = arith.constant 16 : i32
        %mul3A_897 = arith.muli %add3A_272, %mul3A_896 : i32
        %add3A_898 = arith.constant 12 : i32
        %add3A_899 = arith.addi %mul3A_897, %add3A_898 : i32
        %get3A_900 = arith.index_cast %add3A_899 : i32 to index
        %get3A_901 = arith.constant 0 : index
        %get3A_902 = tpu.vector_load %arg15[%get3A_900, %get3A_901] {strides = array<i32>} : memref<96x128xf32, #tpu.memory_space<vmem>>, vector<16xf32>,
        %mul3A_903 = arith.mulf %get3A_902, %get3A_111 : vector<16xf32>
        %get3A_904 = arith.index_cast %add3A_899 : i32 to index
        %get3A_905 = arith.constant 16 : index
        %get3A_906 = tpu.vector_load %arg15[%get3A_904, %get3A_905] {strides = array<i32>} : memref<96x128xf32, #tpu.memory_space<vmem>>, vector<16xf32>,
        %mul3A_907 = arith.mulf %get3A_906, %get3A_114 : vector<16xf32>
        %add3A_908 = arith.addf %mul3A_903, %mul3A_907 : vector<16xf32>
        %get3A_909 = arith.index_cast %add3A_899 : i32 to index
        %get3A_910 = arith.constant 32 : index
        %get3A_911 = tpu.vector_load %arg15[%get3A_909, %get3A_910] {strides = array<i32>} : memref<96x128xf32, #tpu.memory_space<vmem>>, vector<16xf32>,
        %mul3A_912 = arith.mulf %get3A_911, %get3A_117 : vector<16xf32>
        %add3A_913 = arith.addf %add3A_908, %mul3A_912 : vector<16xf32>
        %get3A_914 = arith.index_cast %add3A_899 : i32 to index
        %get3A_915 = arith.constant 48 : index
        %get3A_916 = tpu.vector_load %arg15[%get3A_914, %get3A_915] {strides = array<i32>} : memref<96x128xf32, #tpu.memory_space<vmem>>, vector<16xf32>,
        %mul3A_917 = arith.mulf %get3A_916, %get3A_120 : vector<16xf32>
        %add3A_918 = arith.addf %add3A_913, %mul3A_917 : vector<16xf32>
        %get3A_919 = arith.index_cast %add3A_899 : i32 to index
        %get3A_920 = arith.constant 64 : index
        %get3A_921 = tpu.vector_load %arg15[%get3A_919, %get3A_920] {strides = array<i32>} : memref<96x128xf32, #tpu.memory_space<vmem>>, vector<16xf32>,
        %mul3A_922 = arith.mulf %get3A_921, %get3A_123 : vector<16xf32>
        %add3A_923 = arith.addf %add3A_918, %mul3A_922 : vector<16xf32>
        %get3A_924 = arith.index_cast %add3A_899 : i32 to index
        %get3A_925 = arith.constant 80 : index
        %get3A_926 = tpu.vector_load %arg15[%get3A_924, %get3A_925] {strides = array<i32>} : memref<96x128xf32, #tpu.memory_space<vmem>>, vector<16xf32>,
        %mul3A_927 = arith.mulf %get3A_926, %get3A_126 : vector<16xf32>
        %add3A_928 = arith.addf %add3A_923, %mul3A_927 : vector<16xf32>
        %get3A_929 = arith.index_cast %add3A_899 : i32 to index
        %get3A_930 = arith.constant 96 : index
        %get3A_931 = tpu.vector_load %arg15[%get3A_929, %get3A_930] {strides = array<i32>} : memref<96x128xf32, #tpu.memory_space<vmem>>, vector<16xf32>,
        %mul3A_932 = arith.mulf %get3A_931, %get3A_129 : vector<16xf32>
        %add3A_933 = arith.addf %add3A_928, %mul3A_932 : vector<16xf32>
        %get3A_934 = arith.index_cast %add3A_899 : i32 to index
        %get3A_935 = arith.constant 112 : index
        %get3A_936 = tpu.vector_load %arg15[%get3A_934, %get3A_935] {strides = array<i32>} : memref<96x128xf32, #tpu.memory_space<vmem>>, vector<16xf32>,
        %mul3A_937 = arith.mulf %get3A_936, %get3A_132 : vector<16xf32>
        %add3A_938 = arith.addf %add3A_933, %mul3A_937 : vector<16xf32>
        %eq3A_939 = arith.constant 12 : i32
        %eq3A_940 = vector.broadcast %eq3A_939 : i32 to vector<16xi32>
        %eq3A_941 = arith.cmpi eq, %iota3A, %eq3A_940 : vector<16xi32>
        %reduce_sum3A_942 = arith.constant true
        %reduce_sum3A_943 = vector.broadcast %reduce_sum3A_942 : i1 to vector<16xi1>
        %reduce_sum3A_944 = tpu.scan <sum>, %add3A_938 masked %reduce_sum3A_943 : vector<16xf32>, vector<16xi1> -> vector<16xf32>
        %reduce_sum3A_945 = vector.extract %reduce_sum3A_944[15] : f32 from vector<16xf32>
        %broadcast_in_dim3A_946 = vector.broadcast %reduce_sum3A_945 : f32 to vector<16xf32>
        %select_n3A_947 = arith.select %eq3A_941, %broadcast_in_dim3A_946, %select_n3A_895 : vector<16xi1>, vector<16xf32>
        %mul3A_948 = arith.constant 16 : i32
        %mul3A_949 = arith.muli %add3A_272, %mul3A_948 : i32
        %add3A_950 = arith.constant 13 : i32
        %add3A_951 = arith.addi %mul3A_949, %add3A_950 : i32
        %get3A_952 = arith.index_cast %add3A_951 : i32 to index
        %get3A_953 = arith.constant 0 : index
        %get3A_954 = tpu.vector_load %arg15[%get3A_952, %get3A_953] {strides = array<i32>} : memref<96x128xf32, #tpu.memory_space<vmem>>, vector<16xf32>,
        %mul3A_955 = arith.mulf %get3A_954, %get3A_111 : vector<16xf32>
        %get3A_956 = arith.index_cast %add3A_951 : i32 to index
        %get3A_957 = arith.constant 16 : index
        %get3A_958 = tpu.vector_load %arg15[%get3A_956, %get3A_957] {strides = array<i32>} : memref<96x128xf32, #tpu.memory_space<vmem>>, vector<16xf32>,
        %mul3A_959 = arith.mulf %get3A_958, %get3A_114 : vector<16xf32>
        %add3A_960 = arith.addf %mul3A_955, %mul3A_959 : vector<16xf32>
        %get3A_961 = arith.index_cast %add3A_951 : i32 to index
        %get3A_962 = arith.constant 32 : index
        %get3A_963 = tpu.vector_load %arg15[%get3A_961, %get3A_962] {strides = array<i32>} : memref<96x128xf32, #tpu.memory_space<vmem>>, vector<16xf32>,
        %mul3A_964 = arith.mulf %get3A_963, %get3A_117 : vector<16xf32>
        %add3A_965 = arith.addf %add3A_960, %mul3A_964 : vector<16xf32>
        %get3A_966 = arith.index_cast %add3A_951 : i32 to index
        %get3A_967 = arith.constant 48 : index
        %get3A_968 = tpu.vector_load %arg15[%get3A_966, %get3A_967] {strides = array<i32>} : memref<96x128xf32, #tpu.memory_space<vmem>>, vector<16xf32>,
        %mul3A_969 = arith.mulf %get3A_968, %get3A_120 : vector<16xf32>
        %add3A_970 = arith.addf %add3A_965, %mul3A_969 : vector<16xf32>
        %get3A_971 = arith.index_cast %add3A_951 : i32 to index
        %get3A_972 = arith.constant 64 : index
        %get3A_973 = tpu.vector_load %arg15[%get3A_971, %get3A_972] {strides = array<i32>} : memref<96x128xf32, #tpu.memory_space<vmem>>, vector<16xf32>,
        %mul3A_974 = arith.mulf %get3A_973, %get3A_123 : vector<16xf32>
        %add3A_975 = arith.addf %add3A_970, %mul3A_974 : vector<16xf32>
        %get3A_976 = arith.index_cast %add3A_951 : i32 to index
        %get3A_977 = arith.constant 80 : index
        %get3A_978 = tpu.vector_load %arg15[%get3A_976, %get3A_977] {strides = array<i32>} : memref<96x128xf32, #tpu.memory_space<vmem>>, vector<16xf32>,
        %mul3A_979 = arith.mulf %get3A_978, %get3A_126 : vector<16xf32>
        %add3A_980 = arith.addf %add3A_975, %mul3A_979 : vector<16xf32>
        %get3A_981 = arith.index_cast %add3A_951 : i32 to index
        %get3A_982 = arith.constant 96 : index
        %get3A_983 = tpu.vector_load %arg15[%get3A_981, %get3A_982] {strides = array<i32>} : memref<96x128xf32, #tpu.memory_space<vmem>>, vector<16xf32>,
        %mul3A_984 = arith.mulf %get3A_983, %get3A_129 : vector<16xf32>
        %add3A_985 = arith.addf %add3A_980, %mul3A_984 : vector<16xf32>
        %get3A_986 = arith.index_cast %add3A_951 : i32 to index
        %get3A_987 = arith.constant 112 : index
        %get3A_988 = tpu.vector_load %arg15[%get3A_986, %get3A_987] {strides = array<i32>} : memref<96x128xf32, #tpu.memory_space<vmem>>, vector<16xf32>,
        %mul3A_989 = arith.mulf %get3A_988, %get3A_132 : vector<16xf32>
        %add3A_990 = arith.addf %add3A_985, %mul3A_989 : vector<16xf32>
        %eq3A_991 = arith.constant 13 : i32
        %eq3A_992 = vector.broadcast %eq3A_991 : i32 to vector<16xi32>
        %eq3A_993 = arith.cmpi eq, %iota3A, %eq3A_992 : vector<16xi32>
        %reduce_sum3A_994 = arith.constant true
        %reduce_sum3A_995 = vector.broadcast %reduce_sum3A_994 : i1 to vector<16xi1>
        %reduce_sum3A_996 = tpu.scan <sum>, %add3A_990 masked %reduce_sum3A_995 : vector<16xf32>, vector<16xi1> -> vector<16xf32>
        %reduce_sum3A_997 = vector.extract %reduce_sum3A_996[15] : f32 from vector<16xf32>
        %broadcast_in_dim3A_998 = vector.broadcast %reduce_sum3A_997 : f32 to vector<16xf32>
        %select_n3A_999 = arith.select %eq3A_993, %broadcast_in_dim3A_998, %select_n3A_947 : vector<16xi1>, vector<16xf32>
        %mul3A_1000 = arith.constant 16 : i32
        %mul3A_1001 = arith.muli %add3A_272, %mul3A_1000 : i32
        %add3A_1002 = arith.constant 14 : i32
        %add3A_1003 = arith.addi %mul3A_1001, %add3A_1002 : i32
        %get3A_1004 = arith.index_cast %add3A_1003 : i32 to index
        %get3A_1005 = arith.constant 0 : index
        %get3A_1006 = tpu.vector_load %arg15[%get3A_1004, %get3A_1005] {strides = array<i32>} : memref<96x128xf32, #tpu.memory_space<vmem>>, vector<16xf32>,
        %mul3A_1007 = arith.mulf %get3A_1006, %get3A_111 : vector<16xf32>
        %get3A_1008 = arith.index_cast %add3A_1003 : i32 to index
        %get3A_1009 = arith.constant 16 : index
        %get3A_1010 = tpu.vector_load %arg15[%get3A_1008, %get3A_1009] {strides = array<i32>} : memref<96x128xf32, #tpu.memory_space<vmem>>, vector<16xf32>,
        %mul3A_1011 = arith.mulf %get3A_1010, %get3A_114 : vector<16xf32>
        %add3A_1012 = arith.addf %mul3A_1007, %mul3A_1011 : vector<16xf32>
        %get3A_1013 = arith.index_cast %add3A_1003 : i32 to index
        %get3A_1014 = arith.constant 32 : index
        %get3A_1015 = tpu.vector_load %arg15[%get3A_1013, %get3A_1014] {strides = array<i32>} : memref<96x128xf32, #tpu.memory_space<vmem>>, vector<16xf32>,
        %mul3A_1016 = arith.mulf %get3A_1015, %get3A_117 : vector<16xf32>
        %add3A_1017 = arith.addf %add3A_1012, %mul3A_1016 : vector<16xf32>
        %get3A_1018 = arith.index_cast %add3A_1003 : i32 to index
        %get3A_1019 = arith.constant 48 : index
        %get3A_1020 = tpu.vector_load %arg15[%get3A_1018, %get3A_1019] {strides = array<i32>} : memref<96x128xf32, #tpu.memory_space<vmem>>, vector<16xf32>,
        %mul3A_1021 = arith.mulf %get3A_1020, %get3A_120 : vector<16xf32>
        %add3A_1022 = arith.addf %add3A_1017, %mul3A_1021 : vector<16xf32>
        %get3A_1023 = arith.index_cast %add3A_1003 : i32 to index
        %get3A_1024 = arith.constant 64 : index
        %get3A_1025 = tpu.vector_load %arg15[%get3A_1023, %get3A_1024] {strides = array<i32>} : memref<96x128xf32, #tpu.memory_space<vmem>>, vector<16xf32>,
        %mul3A_1026 = arith.mulf %get3A_1025, %get3A_123 : vector<16xf32>
        %add3A_1027 = arith.addf %add3A_1022, %mul3A_1026 : vector<16xf32>
        %get3A_1028 = arith.index_cast %add3A_1003 : i32 to index
        %get3A_1029 = arith.constant 80 : index
        %get3A_1030 = tpu.vector_load %arg15[%get3A_1028, %get3A_1029] {strides = array<i32>} : memref<96x128xf32, #tpu.memory_space<vmem>>, vector<16xf32>,
        %mul3A_1031 = arith.mulf %get3A_1030, %get3A_126 : vector<16xf32>
        %add3A_1032 = arith.addf %add3A_1027, %mul3A_1031 : vector<16xf32>
        %get3A_1033 = arith.index_cast %add3A_1003 : i32 to index
        %get3A_1034 = arith.constant 96 : index
        %get3A_1035 = tpu.vector_load %arg15[%get3A_1033, %get3A_1034] {strides = array<i32>} : memref<96x128xf32, #tpu.memory_space<vmem>>, vector<16xf32>,
        %mul3A_1036 = arith.mulf %get3A_1035, %get3A_129 : vector<16xf32>
        %add3A_1037 = arith.addf %add3A_1032, %mul3A_1036 : vector<16xf32>
        %get3A_1038 = arith.index_cast %add3A_1003 : i32 to index
        %get3A_1039 = arith.constant 112 : index
        %get3A_1040 = tpu.vector_load %arg15[%get3A_1038, %get3A_1039] {strides = array<i32>} : memref<96x128xf32, #tpu.memory_space<vmem>>, vector<16xf32>,
        %mul3A_1041 = arith.mulf %get3A_1040, %get3A_132 : vector<16xf32>
        %add3A_1042 = arith.addf %add3A_1037, %mul3A_1041 : vector<16xf32>
        %eq3A_1043 = arith.constant 14 : i32
        %eq3A_1044 = vector.broadcast %eq3A_1043 : i32 to vector<16xi32>
        %eq3A_1045 = arith.cmpi eq, %iota3A, %eq3A_1044 : vector<16xi32>
        %reduce_sum3A_1046 = arith.constant true
        %reduce_sum3A_1047 = vector.broadcast %reduce_sum3A_1046 : i1 to vector<16xi1>
        %reduce_sum3A_1048 = tpu.scan <sum>, %add3A_1042 masked %reduce_sum3A_1047 : vector<16xf32>, vector<16xi1> -> vector<16xf32>
        %reduce_sum3A_1049 = vector.extract %reduce_sum3A_1048[15] : f32 from vector<16xf32>
        %broadcast_in_dim3A_1050 = vector.broadcast %reduce_sum3A_1049 : f32 to vector<16xf32>
        %select_n3A_1051 = arith.select %eq3A_1045, %broadcast_in_dim3A_1050, %select_n3A_999 : vector<16xi1>, vector<16xf32>
        %mul3A_1052 = arith.constant 16 : i32
        %mul3A_1053 = arith.muli %add3A_272, %mul3A_1052 : i32
        %add3A_1054 = arith.constant 15 : i32
        %add3A_1055 = arith.addi %mul3A_1053, %add3A_1054 : i32
        %get3A_1056 = arith.index_cast %add3A_1055 : i32 to index
        %get3A_1057 = arith.constant 0 : index
        %get3A_1058 = tpu.vector_load %arg15[%get3A_1056, %get3A_1057] {strides = array<i32>} : memref<96x128xf32, #tpu.memory_space<vmem>>, vector<16xf32>,
        %mul3A_1059 = arith.mulf %get3A_1058, %get3A_111 : vector<16xf32>
        %get3A_1060 = arith.index_cast %add3A_1055 : i32 to index
        %get3A_1061 = arith.constant 16 : index
        %get3A_1062 = tpu.vector_load %arg15[%get3A_1060, %get3A_1061] {strides = array<i32>} : memref<96x128xf32, #tpu.memory_space<vmem>>, vector<16xf32>,
        %mul3A_1063 = arith.mulf %get3A_1062, %get3A_114 : vector<16xf32>
        %add3A_1064 = arith.addf %mul3A_1059, %mul3A_1063 : vector<16xf32>
        %get3A_1065 = arith.index_cast %add3A_1055 : i32 to index
        %get3A_1066 = arith.constant 32 : index
        %get3A_1067 = tpu.vector_load %arg15[%get3A_1065, %get3A_1066] {strides = array<i32>} : memref<96x128xf32, #tpu.memory_space<vmem>>, vector<16xf32>,
        %mul3A_1068 = arith.mulf %get3A_1067, %get3A_117 : vector<16xf32>
        %add3A_1069 = arith.addf %add3A_1064, %mul3A_1068 : vector<16xf32>
        %get3A_1070 = arith.index_cast %add3A_1055 : i32 to index
        %get3A_1071 = arith.constant 48 : index
        %get3A_1072 = tpu.vector_load %arg15[%get3A_1070, %get3A_1071] {strides = array<i32>} : memref<96x128xf32, #tpu.memory_space<vmem>>, vector<16xf32>,
        %mul3A_1073 = arith.mulf %get3A_1072, %get3A_120 : vector<16xf32>
        %add3A_1074 = arith.addf %add3A_1069, %mul3A_1073 : vector<16xf32>
        %get3A_1075 = arith.index_cast %add3A_1055 : i32 to index
        %get3A_1076 = arith.constant 64 : index
        %get3A_1077 = tpu.vector_load %arg15[%get3A_1075, %get3A_1076] {strides = array<i32>} : memref<96x128xf32, #tpu.memory_space<vmem>>, vector<16xf32>,
        %mul3A_1078 = arith.mulf %get3A_1077, %get3A_123 : vector<16xf32>
        %add3A_1079 = arith.addf %add3A_1074, %mul3A_1078 : vector<16xf32>
        %get3A_1080 = arith.index_cast %add3A_1055 : i32 to index
        %get3A_1081 = arith.constant 80 : index
        %get3A_1082 = tpu.vector_load %arg15[%get3A_1080, %get3A_1081] {strides = array<i32>} : memref<96x128xf32, #tpu.memory_space<vmem>>, vector<16xf32>,
        %mul3A_1083 = arith.mulf %get3A_1082, %get3A_126 : vector<16xf32>
        %add3A_1084 = arith.addf %add3A_1079, %mul3A_1083 : vector<16xf32>
        %get3A_1085 = arith.index_cast %add3A_1055 : i32 to index
        %get3A_1086 = arith.constant 96 : index
        %get3A_1087 = tpu.vector_load %arg15[%get3A_1085, %get3A_1086] {strides = array<i32>} : memref<96x128xf32, #tpu.memory_space<vmem>>, vector<16xf32>,
        %mul3A_1088 = arith.mulf %get3A_1087, %get3A_129 : vector<16xf32>
        %add3A_1089 = arith.addf %add3A_1084, %mul3A_1088 : vector<16xf32>
        %get3A_1090 = arith.index_cast %add3A_1055 : i32 to index
        %get3A_1091 = arith.constant 112 : index
        %get3A_1092 = tpu.vector_load %arg15[%get3A_1090, %get3A_1091] {strides = array<i32>} : memref<96x128xf32, #tpu.memory_space<vmem>>, vector<16xf32>,
        %mul3A_1093 = arith.mulf %get3A_1092, %get3A_132 : vector<16xf32>
        %add3A_1094 = arith.addf %add3A_1089, %mul3A_1093 : vector<16xf32>
        %eq3A_1095 = arith.constant 15 : i32
        %eq3A_1096 = vector.broadcast %eq3A_1095 : i32 to vector<16xi32>
        %eq3A_1097 = arith.cmpi eq, %iota3A, %eq3A_1096 : vector<16xi32>
        %reduce_sum3A_1098 = arith.constant true
        %reduce_sum3A_1099 = vector.broadcast %reduce_sum3A_1098 : i1 to vector<16xi1>
        %reduce_sum3A_1100 = tpu.scan <sum>, %add3A_1094 masked %reduce_sum3A_1099 : vector<16xf32>, vector<16xi1> -> vector<16xf32>
        %reduce_sum3A_1101 = vector.extract %reduce_sum3A_1100[15] : f32 from vector<16xf32>
        %broadcast_in_dim3A_1102 = vector.broadcast %reduce_sum3A_1101 : f32 to vector<16xf32>
        %select_n3A_1103 = arith.select %eq3A_1097, %broadcast_in_dim3A_1102, %select_n3A_1051 : vector<16xi1>, vector<16xf32>
        %mul3A_1104 = arith.constant 16 : i32
        %mul3A_1105 = arith.muli %add3A_272, %mul3A_1104 : i32
        %swap3A = arith.index_cast %mul3A_1105 : i32 to index
        %swap3A_1106 = tpu.vector_load %arg21[%swap3A] {strides = array<i32>} : memref<96xf32, #tpu.memory_space<vmem>>, vector<16xf32>,
        tpu.vector_store %arg21[%swap3A], %select_n3A_1103 {strides = array<i32>} : memref<96xf32, #tpu.memory_space<vmem>>, vector<16xf32>,
      }
      %scan3A_137 = arith.constant 6 : i32
      %scan3A_138 = arith.constant 0 : i32
      %scan3A_139 = arith.constant 6 : i32
      %scan3A_140 = arith.addi %scan3A_138, %scan3A_139 : i32
      %scan3A_141 = arith.constant 1 : i32
      scf.for %scan3A_268 = %scan3A_138 to %scan3A_140 step %scan3A_141  : i32 {
        %mul3A_269 = arith.constant 1 : i32
        %mul3A_270 = arith.muli %scan3A_268, %mul3A_269 : i32
        %add3A_271 = arith.constant 0 : i32
        %add3A_272 = arith.addi %add3A_271, %mul3A_270 : i32
        %broadcast_in_dim3A = arith.constant 0.000000e+00 : f32
        %broadcast_in_dim3A_273 = vector.broadcast %broadcast_in_dim3A : f32 to vector<16xf32>
        %mul3A_274 = arith.constant 16 : i32
        %mul3A_275 = arith.muli %add3A_272, %mul3A_274 : i32
        %add3A_276 = arith.constant 0 : i32
        %add3A_277 = arith.addi %mul3A_275, %add3A_276 : i32
        %get3A_278 = arith.index_cast %add3A_277 : i32 to index
        %get3A_279 = arith.constant 0 : index
        %get3A_280 = tpu.vector_load %arg16[%get3A_278, %get3A_279] {strides = array<i32>} : memref<96x128xf32, #tpu.memory_space<vmem>>, vector<16xf32>,
        %mul3A_281 = arith.mulf %get3A_280, %get3A_87 : vector<16xf32>
        %get3A_282 = arith.index_cast %add3A_277 : i32 to index
        %get3A_283 = arith.constant 16 : index
        %get3A_284 = tpu.vector_load %arg16[%get3A_282, %get3A_283] {strides = array<i32>} : memref<96x128xf32, #tpu.memory_space<vmem>>, vector<16xf32>,
        %mul3A_285 = arith.mulf %get3A_284, %get3A_90 : vector<16xf32>
        %add3A_286 = arith.addf %mul3A_281, %mul3A_285 : vector<16xf32>
        %get3A_287 = arith.index_cast %add3A_277 : i32 to index
        %get3A_288 = arith.constant 32 : index
        %get3A_289 = tpu.vector_load %arg16[%get3A_287, %get3A_288] {strides = array<i32>} : memref<96x128xf32, #tpu.memory_space<vmem>>, vector<16xf32>,
        %mul3A_290 = arith.mulf %get3A_289, %get3A_93 : vector<16xf32>
        %add3A_291 = arith.addf %add3A_286, %mul3A_290 : vector<16xf32>
        %get3A_292 = arith.index_cast %add3A_277 : i32 to index
        %get3A_293 = arith.constant 48 : index
        %get3A_294 = tpu.vector_load %arg16[%get3A_292, %get3A_293] {strides = array<i32>} : memref<96x128xf32, #tpu.memory_space<vmem>>, vector<16xf32>,
        %mul3A_295 = arith.mulf %get3A_294, %get3A_96 : vector<16xf32>
        %add3A_296 = arith.addf %add3A_291, %mul3A_295 : vector<16xf32>
        %get3A_297 = arith.index_cast %add3A_277 : i32 to index
        %get3A_298 = arith.constant 64 : index
        %get3A_299 = tpu.vector_load %arg16[%get3A_297, %get3A_298] {strides = array<i32>} : memref<96x128xf32, #tpu.memory_space<vmem>>, vector<16xf32>,
        %mul3A_300 = arith.mulf %get3A_299, %get3A_99 : vector<16xf32>
        %add3A_301 = arith.addf %add3A_296, %mul3A_300 : vector<16xf32>
        %get3A_302 = arith.index_cast %add3A_277 : i32 to index
        %get3A_303 = arith.constant 80 : index
        %get3A_304 = tpu.vector_load %arg16[%get3A_302, %get3A_303] {strides = array<i32>} : memref<96x128xf32, #tpu.memory_space<vmem>>, vector<16xf32>,
        %mul3A_305 = arith.mulf %get3A_304, %get3A_102 : vector<16xf32>
        %add3A_306 = arith.addf %add3A_301, %mul3A_305 : vector<16xf32>
        %get3A_307 = arith.index_cast %add3A_277 : i32 to index
        %get3A_308 = arith.constant 96 : index
        %get3A_309 = tpu.vector_load %arg16[%get3A_307, %get3A_308] {strides = array<i32>} : memref<96x128xf32, #tpu.memory_space<vmem>>, vector<16xf32>,
        %mul3A_310 = arith.mulf %get3A_309, %get3A_105 : vector<16xf32>
        %add3A_311 = arith.addf %add3A_306, %mul3A_310 : vector<16xf32>
        %get3A_312 = arith.index_cast %add3A_277 : i32 to index
        %get3A_313 = arith.constant 112 : index
        %get3A_314 = tpu.vector_load %arg16[%get3A_312, %get3A_313] {strides = array<i32>} : memref<96x128xf32, #tpu.memory_space<vmem>>, vector<16xf32>,
        %mul3A_315 = arith.mulf %get3A_314, %get3A_108 : vector<16xf32>
        %add3A_316 = arith.addf %add3A_311, %mul3A_315 : vector<16xf32>
        %eq3A = arith.constant 0 : i32
        %eq3A_317 = vector.broadcast %eq3A : i32 to vector<16xi32>
        %eq3A_318 = arith.cmpi eq, %iota3A, %eq3A_317 : vector<16xi32>
        %reduce_sum3A = arith.constant true
        %reduce_sum3A_319 = vector.broadcast %reduce_sum3A : i1 to vector<16xi1>
        %reduce_sum3A_320 = tpu.scan <sum>, %add3A_316 masked %reduce_sum3A_319 : vector<16xf32>, vector<16xi1> -> vector<16xf32>
        %reduce_sum3A_321 = vector.extract %reduce_sum3A_320[15] : f32 from vector<16xf32>
        %broadcast_in_dim3A_322 = vector.broadcast %reduce_sum3A_321 : f32 to vector<16xf32>
        %select_n3A_323 = arith.select %eq3A_318, %broadcast_in_dim3A_322, %broadcast_in_dim3A_273 : vector<16xi1>, vector<16xf32>
        %mul3A_324 = arith.constant 16 : i32
        %mul3A_325 = arith.muli %add3A_272, %mul3A_324 : i32
        %add3A_326 = arith.constant 1 : i32
        %add3A_327 = arith.addi %mul3A_325, %add3A_326 : i32
        %get3A_328 = arith.index_cast %add3A_327 : i32 to index
        %get3A_329 = arith.constant 0 : index
        %get3A_330 = tpu.vector_load %arg16[%get3A_328, %get3A_329] {strides = array<i32>} : memref<96x128xf32, #tpu.memory_space<vmem>>, vector<16xf32>,
        %mul3A_331 = arith.mulf %get3A_330, %get3A_87 : vector<16xf32>
        %get3A_332 = arith.index_cast %add3A_327 : i32 to index
        %get3A_333 = arith.constant 16 : index
        %get3A_334 = tpu.vector_load %arg16[%get3A_332, %get3A_333] {strides = array<i32>} : memref<96x128xf32, #tpu.memory_space<vmem>>, vector<16xf32>,
        %mul3A_335 = arith.mulf %get3A_334, %get3A_90 : vector<16xf32>
        %add3A_336 = arith.addf %mul3A_331, %mul3A_335 : vector<16xf32>
        %get3A_337 = arith.index_cast %add3A_327 : i32 to index
        %get3A_338 = arith.constant 32 : index
        %get3A_339 = tpu.vector_load %arg16[%get3A_337, %get3A_338] {strides = array<i32>} : memref<96x128xf32, #tpu.memory_space<vmem>>, vector<16xf32>,
        %mul3A_340 = arith.mulf %get3A_339, %get3A_93 : vector<16xf32>
        %add3A_341 = arith.addf %add3A_336, %mul3A_340 : vector<16xf32>
        %get3A_342 = arith.index_cast %add3A_327 : i32 to index
        %get3A_343 = arith.constant 48 : index
        %get3A_344 = tpu.vector_load %arg16[%get3A_342, %get3A_343] {strides = array<i32>} : memref<96x128xf32, #tpu.memory_space<vmem>>, vector<16xf32>,
        %mul3A_345 = arith.mulf %get3A_344, %get3A_96 : vector<16xf32>
        %add3A_346 = arith.addf %add3A_341, %mul3A_345 : vector<16xf32>
        %get3A_347 = arith.index_cast %add3A_327 : i32 to index
        %get3A_348 = arith.constant 64 : index
        %get3A_349 = tpu.vector_load %arg16[%get3A_347, %get3A_348] {strides = array<i32>} : memref<96x128xf32, #tpu.memory_space<vmem>>, vector<16xf32>,
        %mul3A_350 = arith.mulf %get3A_349, %get3A_99 : vector<16xf32>
        %add3A_351 = arith.addf %add3A_346, %mul3A_350 : vector<16xf32>
        %get3A_352 = arith.index_cast %add3A_327 : i32 to index
        %get3A_353 = arith.constant 80 : index
        %get3A_354 = tpu.vector_load %arg16[%get3A_352, %get3A_353] {strides = array<i32>} : memref<96x128xf32, #tpu.memory_space<vmem>>, vector<16xf32>,
        %mul3A_355 = arith.mulf %get3A_354, %get3A_102 : vector<16xf32>
        %add3A_356 = arith.addf %add3A_351, %mul3A_355 : vector<16xf32>
        %get3A_357 = arith.index_cast %add3A_327 : i32 to index
        %get3A_358 = arith.constant 96 : index
        %get3A_359 = tpu.vector_load %arg16[%get3A_357, %get3A_358] {strides = array<i32>} : memref<96x128xf32, #tpu.memory_space<vmem>>, vector<16xf32>,
        %mul3A_360 = arith.mulf %get3A_359, %get3A_105 : vector<16xf32>
        %add3A_361 = arith.addf %add3A_356, %mul3A_360 : vector<16xf32>
        %get3A_362 = arith.index_cast %add3A_327 : i32 to index
        %get3A_363 = arith.constant 112 : index
        %get3A_364 = tpu.vector_load %arg16[%get3A_362, %get3A_363] {strides = array<i32>} : memref<96x128xf32, #tpu.memory_space<vmem>>, vector<16xf32>,
        %mul3A_365 = arith.mulf %get3A_364, %get3A_108 : vector<16xf32>
        %add3A_366 = arith.addf %add3A_361, %mul3A_365 : vector<16xf32>
        %eq3A_367 = arith.constant 1 : i32
        %eq3A_368 = vector.broadcast %eq3A_367 : i32 to vector<16xi32>
        %eq3A_369 = arith.cmpi eq, %iota3A, %eq3A_368 : vector<16xi32>
        %reduce_sum3A_370 = arith.constant true
        %reduce_sum3A_371 = vector.broadcast %reduce_sum3A_370 : i1 to vector<16xi1>
        %reduce_sum3A_372 = tpu.scan <sum>, %add3A_366 masked %reduce_sum3A_371 : vector<16xf32>, vector<16xi1> -> vector<16xf32>
        %reduce_sum3A_373 = vector.extract %reduce_sum3A_372[15] : f32 from vector<16xf32>
        %broadcast_in_dim3A_374 = vector.broadcast %reduce_sum3A_373 : f32 to vector<16xf32>
        %select_n3A_375 = arith.select %eq3A_369, %broadcast_in_dim3A_374, %select_n3A_323 : vector<16xi1>, vector<16xf32>
        %mul3A_376 = arith.constant 16 : i32
        %mul3A_377 = arith.muli %add3A_272, %mul3A_376 : i32
        %add3A_378 = arith.constant 2 : i32
        %add3A_379 = arith.addi %mul3A_377, %add3A_378 : i32
        %get3A_380 = arith.index_cast %add3A_379 : i32 to index
        %get3A_381 = arith.constant 0 : index
        %get3A_382 = tpu.vector_load %arg16[%get3A_380, %get3A_381] {strides = array<i32>} : memref<96x128xf32, #tpu.memory_space<vmem>>, vector<16xf32>,
        %mul3A_383 = arith.mulf %get3A_382, %get3A_87 : vector<16xf32>
        %get3A_384 = arith.index_cast %add3A_379 : i32 to index
        %get3A_385 = arith.constant 16 : index
        %get3A_386 = tpu.vector_load %arg16[%get3A_384, %get3A_385] {strides = array<i32>} : memref<96x128xf32, #tpu.memory_space<vmem>>, vector<16xf32>,
        %mul3A_387 = arith.mulf %get3A_386, %get3A_90 : vector<16xf32>
        %add3A_388 = arith.addf %mul3A_383, %mul3A_387 : vector<16xf32>
        %get3A_389 = arith.index_cast %add3A_379 : i32 to index
        %get3A_390 = arith.constant 32 : index
        %get3A_391 = tpu.vector_load %arg16[%get3A_389, %get3A_390] {strides = array<i32>} : memref<96x128xf32, #tpu.memory_space<vmem>>, vector<16xf32>,
        %mul3A_392 = arith.mulf %get3A_391, %get3A_93 : vector<16xf32>
        %add3A_393 = arith.addf %add3A_388, %mul3A_392 : vector<16xf32>
        %get3A_394 = arith.index_cast %add3A_379 : i32 to index
        %get3A_395 = arith.constant 48 : index
        %get3A_396 = tpu.vector_load %arg16[%get3A_394, %get3A_395] {strides = array<i32>} : memref<96x128xf32, #tpu.memory_space<vmem>>, vector<16xf32>,
        %mul3A_397 = arith.mulf %get3A_396, %get3A_96 : vector<16xf32>
        %add3A_398 = arith.addf %add3A_393, %mul3A_397 : vector<16xf32>
        %get3A_399 = arith.index_cast %add3A_379 : i32 to index
        %get3A_400 = arith.constant 64 : index
        %get3A_401 = tpu.vector_load %arg16[%get3A_399, %get3A_400] {strides = array<i32>} : memref<96x128xf32, #tpu.memory_space<vmem>>, vector<16xf32>,
        %mul3A_402 = arith.mulf %get3A_401, %get3A_99 : vector<16xf32>
        %add3A_403 = arith.addf %add3A_398, %mul3A_402 : vector<16xf32>
        %get3A_404 = arith.index_cast %add3A_379 : i32 to index
        %get3A_405 = arith.constant 80 : index
        %get3A_406 = tpu.vector_load %arg16[%get3A_404, %get3A_405] {strides = array<i32>} : memref<96x128xf32, #tpu.memory_space<vmem>>, vector<16xf32>,
        %mul3A_407 = arith.mulf %get3A_406, %get3A_102 : vector<16xf32>
        %add3A_408 = arith.addf %add3A_403, %mul3A_407 : vector<16xf32>
        %get3A_409 = arith.index_cast %add3A_379 : i32 to index
        %get3A_410 = arith.constant 96 : index
        %get3A_411 = tpu.vector_load %arg16[%get3A_409, %get3A_410] {strides = array<i32>} : memref<96x128xf32, #tpu.memory_space<vmem>>, vector<16xf32>,
        %mul3A_412 = arith.mulf %get3A_411, %get3A_105 : vector<16xf32>
        %add3A_413 = arith.addf %add3A_408, %mul3A_412 : vector<16xf32>
        %get3A_414 = arith.index_cast %add3A_379 : i32 to index
        %get3A_415 = arith.constant 112 : index
        %get3A_416 = tpu.vector_load %arg16[%get3A_414, %get3A_415] {strides = array<i32>} : memref<96x128xf32, #tpu.memory_space<vmem>>, vector<16xf32>,
        %mul3A_417 = arith.mulf %get3A_416, %get3A_108 : vector<16xf32>
        %add3A_418 = arith.addf %add3A_413, %mul3A_417 : vector<16xf32>
        %eq3A_419 = arith.constant 2 : i32
        %eq3A_420 = vector.broadcast %eq3A_419 : i32 to vector<16xi32>
        %eq3A_421 = arith.cmpi eq, %iota3A, %eq3A_420 : vector<16xi32>
        %reduce_sum3A_422 = arith.constant true
        %reduce_sum3A_423 = vector.broadcast %reduce_sum3A_422 : i1 to vector<16xi1>
        %reduce_sum3A_424 = tpu.scan <sum>, %add3A_418 masked %reduce_sum3A_423 : vector<16xf32>, vector<16xi1> -> vector<16xf32>
        %reduce_sum3A_425 = vector.extract %reduce_sum3A_424[15] : f32 from vector<16xf32>
        %broadcast_in_dim3A_426 = vector.broadcast %reduce_sum3A_425 : f32 to vector<16xf32>
        %select_n3A_427 = arith.select %eq3A_421, %broadcast_in_dim3A_426, %select_n3A_375 : vector<16xi1>, vector<16xf32>
        %mul3A_428 = arith.constant 16 : i32
        %mul3A_429 = arith.muli %add3A_272, %mul3A_428 : i32
        %add3A_430 = arith.constant 3 : i32
        %add3A_431 = arith.addi %mul3A_429, %add3A_430 : i32
        %get3A_432 = arith.index_cast %add3A_431 : i32 to index
        %get3A_433 = arith.constant 0 : index
        %get3A_434 = tpu.vector_load %arg16[%get3A_432, %get3A_433] {strides = array<i32>} : memref<96x128xf32, #tpu.memory_space<vmem>>, vector<16xf32>,
        %mul3A_435 = arith.mulf %get3A_434, %get3A_87 : vector<16xf32>
        %get3A_436 = arith.index_cast %add3A_431 : i32 to index
        %get3A_437 = arith.constant 16 : index
        %get3A_438 = tpu.vector_load %arg16[%get3A_436, %get3A_437] {strides = array<i32>} : memref<96x128xf32, #tpu.memory_space<vmem>>, vector<16xf32>,
        %mul3A_439 = arith.mulf %get3A_438, %get3A_90 : vector<16xf32>
        %add3A_440 = arith.addf %mul3A_435, %mul3A_439 : vector<16xf32>
        %get3A_441 = arith.index_cast %add3A_431 : i32 to index
        %get3A_442 = arith.constant 32 : index
        %get3A_443 = tpu.vector_load %arg16[%get3A_441, %get3A_442] {strides = array<i32>} : memref<96x128xf32, #tpu.memory_space<vmem>>, vector<16xf32>,
        %mul3A_444 = arith.mulf %get3A_443, %get3A_93 : vector<16xf32>
        %add3A_445 = arith.addf %add3A_440, %mul3A_444 : vector<16xf32>
        %get3A_446 = arith.index_cast %add3A_431 : i32 to index
        %get3A_447 = arith.constant 48 : index
        %get3A_448 = tpu.vector_load %arg16[%get3A_446, %get3A_447] {strides = array<i32>} : memref<96x128xf32, #tpu.memory_space<vmem>>, vector<16xf32>,
        %mul3A_449 = arith.mulf %get3A_448, %get3A_96 : vector<16xf32>
        %add3A_450 = arith.addf %add3A_445, %mul3A_449 : vector<16xf32>
        %get3A_451 = arith.index_cast %add3A_431 : i32 to index
        %get3A_452 = arith.constant 64 : index
        %get3A_453 = tpu.vector_load %arg16[%get3A_451, %get3A_452] {strides = array<i32>} : memref<96x128xf32, #tpu.memory_space<vmem>>, vector<16xf32>,
        %mul3A_454 = arith.mulf %get3A_453, %get3A_99 : vector<16xf32>
        %add3A_455 = arith.addf %add3A_450, %mul3A_454 : vector<16xf32>
        %get3A_456 = arith.index_cast %add3A_431 : i32 to index
        %get3A_457 = arith.constant 80 : index
        %get3A_458 = tpu.vector_load %arg16[%get3A_456, %get3A_457] {strides = array<i32>} : memref<96x128xf32, #tpu.memory_space<vmem>>, vector<16xf32>,
        %mul3A_459 = arith.mulf %get3A_458, %get3A_102 : vector<16xf32>
        %add3A_460 = arith.addf %add3A_455, %mul3A_459 : vector<16xf32>
        %get3A_461 = arith.index_cast %add3A_431 : i32 to index
        %get3A_462 = arith.constant 96 : index
        %get3A_463 = tpu.vector_load %arg16[%get3A_461, %get3A_462] {strides = array<i32>} : memref<96x128xf32, #tpu.memory_space<vmem>>, vector<16xf32>,
        %mul3A_464 = arith.mulf %get3A_463, %get3A_105 : vector<16xf32>
        %add3A_465 = arith.addf %add3A_460, %mul3A_464 : vector<16xf32>
        %get3A_466 = arith.index_cast %add3A_431 : i32 to index
        %get3A_467 = arith.constant 112 : index
        %get3A_468 = tpu.vector_load %arg16[%get3A_466, %get3A_467] {strides = array<i32>} : memref<96x128xf32, #tpu.memory_space<vmem>>, vector<16xf32>,
        %mul3A_469 = arith.mulf %get3A_468, %get3A_108 : vector<16xf32>
        %add3A_470 = arith.addf %add3A_465, %mul3A_469 : vector<16xf32>
        %eq3A_471 = arith.constant 3 : i32
        %eq3A_472 = vector.broadcast %eq3A_471 : i32 to vector<16xi32>
        %eq3A_473 = arith.cmpi eq, %iota3A, %eq3A_472 : vector<16xi32>
        %reduce_sum3A_474 = arith.constant true
        %reduce_sum3A_475 = vector.broadcast %reduce_sum3A_474 : i1 to vector<16xi1>
        %reduce_sum3A_476 = tpu.scan <sum>, %add3A_470 masked %reduce_sum3A_475 : vector<16xf32>, vector<16xi1> -> vector<16xf32>
        %reduce_sum3A_477 = vector.extract %reduce_sum3A_476[15] : f32 from vector<16xf32>
        %broadcast_in_dim3A_478 = vector.broadcast %reduce_sum3A_477 : f32 to vector<16xf32>
        %select_n3A_479 = arith.select %eq3A_473, %broadcast_in_dim3A_478, %select_n3A_427 : vector<16xi1>, vector<16xf32>
        %mul3A_480 = arith.constant 16 : i32
        %mul3A_481 = arith.muli %add3A_272, %mul3A_480 : i32
        %add3A_482 = arith.constant 4 : i32
        %add3A_483 = arith.addi %mul3A_481, %add3A_482 : i32
        %get3A_484 = arith.index_cast %add3A_483 : i32 to index
        %get3A_485 = arith.constant 0 : index
        %get3A_486 = tpu.vector_load %arg16[%get3A_484, %get3A_485] {strides = array<i32>} : memref<96x128xf32, #tpu.memory_space<vmem>>, vector<16xf32>,
        %mul3A_487 = arith.mulf %get3A_486, %get3A_87 : vector<16xf32>
        %get3A_488 = arith.index_cast %add3A_483 : i32 to index
        %get3A_489 = arith.constant 16 : index
        %get3A_490 = tpu.vector_load %arg16[%get3A_488, %get3A_489] {strides = array<i32>} : memref<96x128xf32, #tpu.memory_space<vmem>>, vector<16xf32>,
        %mul3A_491 = arith.mulf %get3A_490, %get3A_90 : vector<16xf32>
        %add3A_492 = arith.addf %mul3A_487, %mul3A_491 : vector<16xf32>
        %get3A_493 = arith.index_cast %add3A_483 : i32 to index
        %get3A_494 = arith.constant 32 : index
        %get3A_495 = tpu.vector_load %arg16[%get3A_493, %get3A_494] {strides = array<i32>} : memref<96x128xf32, #tpu.memory_space<vmem>>, vector<16xf32>,
        %mul3A_496 = arith.mulf %get3A_495, %get3A_93 : vector<16xf32>
        %add3A_497 = arith.addf %add3A_492, %mul3A_496 : vector<16xf32>
        %get3A_498 = arith.index_cast %add3A_483 : i32 to index
        %get3A_499 = arith.constant 48 : index
        %get3A_500 = tpu.vector_load %arg16[%get3A_498, %get3A_499] {strides = array<i32>} : memref<96x128xf32, #tpu.memory_space<vmem>>, vector<16xf32>,
        %mul3A_501 = arith.mulf %get3A_500, %get3A_96 : vector<16xf32>
        %add3A_502 = arith.addf %add3A_497, %mul3A_501 : vector<16xf32>
        %get3A_503 = arith.index_cast %add3A_483 : i32 to index
        %get3A_504 = arith.constant 64 : index
        %get3A_505 = tpu.vector_load %arg16[%get3A_503, %get3A_504] {strides = array<i32>} : memref<96x128xf32, #tpu.memory_space<vmem>>, vector<16xf32>,
        %mul3A_506 = arith.mulf %get3A_505, %get3A_99 : vector<16xf32>
        %add3A_507 = arith.addf %add3A_502, %mul3A_506 : vector<16xf32>
        %get3A_508 = arith.index_cast %add3A_483 : i32 to index
        %get3A_509 = arith.constant 80 : index
        %get3A_510 = tpu.vector_load %arg16[%get3A_508, %get3A_509] {strides = array<i32>} : memref<96x128xf32, #tpu.memory_space<vmem>>, vector<16xf32>,
        %mul3A_511 = arith.mulf %get3A_510, %get3A_102 : vector<16xf32>
        %add3A_512 = arith.addf %add3A_507, %mul3A_511 : vector<16xf32>
        %get3A_513 = arith.index_cast %add3A_483 : i32 to index
        %get3A_514 = arith.constant 96 : index
        %get3A_515 = tpu.vector_load %arg16[%get3A_513, %get3A_514] {strides = array<i32>} : memref<96x128xf32, #tpu.memory_space<vmem>>, vector<16xf32>,
        %mul3A_516 = arith.mulf %get3A_515, %get3A_105 : vector<16xf32>
        %add3A_517 = arith.addf %add3A_512, %mul3A_516 : vector<16xf32>
        %get3A_518 = arith.index_cast %add3A_483 : i32 to index
        %get3A_519 = arith.constant 112 : index
        %get3A_520 = tpu.vector_load %arg16[%get3A_518, %get3A_519] {strides = array<i32>} : memref<96x128xf32, #tpu.memory_space<vmem>>, vector<16xf32>,
        %mul3A_521 = arith.mulf %get3A_520, %get3A_108 : vector<16xf32>
        %add3A_522 = arith.addf %add3A_517, %mul3A_521 : vector<16xf32>
        %eq3A_523 = arith.constant 4 : i32
        %eq3A_524 = vector.broadcast %eq3A_523 : i32 to vector<16xi32>
        %eq3A_525 = arith.cmpi eq, %iota3A, %eq3A_524 : vector<16xi32>
        %reduce_sum3A_526 = arith.constant true
        %reduce_sum3A_527 = vector.broadcast %reduce_sum3A_526 : i1 to vector<16xi1>
        %reduce_sum3A_528 = tpu.scan <sum>, %add3A_522 masked %reduce_sum3A_527 : vector<16xf32>, vector<16xi1> -> vector<16xf32>
        %reduce_sum3A_529 = vector.extract %reduce_sum3A_528[15] : f32 from vector<16xf32>
        %broadcast_in_dim3A_530 = vector.broadcast %reduce_sum3A_529 : f32 to vector<16xf32>
        %select_n3A_531 = arith.select %eq3A_525, %broadcast_in_dim3A_530, %select_n3A_479 : vector<16xi1>, vector<16xf32>
        %mul3A_532 = arith.constant 16 : i32
        %mul3A_533 = arith.muli %add3A_272, %mul3A_532 : i32
        %add3A_534 = arith.constant 5 : i32
        %add3A_535 = arith.addi %mul3A_533, %add3A_534 : i32
        %get3A_536 = arith.index_cast %add3A_535 : i32 to index
        %get3A_537 = arith.constant 0 : index
        %get3A_538 = tpu.vector_load %arg16[%get3A_536, %get3A_537] {strides = array<i32>} : memref<96x128xf32, #tpu.memory_space<vmem>>, vector<16xf32>,
        %mul3A_539 = arith.mulf %get3A_538, %get3A_87 : vector<16xf32>
        %get3A_540 = arith.index_cast %add3A_535 : i32 to index
        %get3A_541 = arith.constant 16 : index
        %get3A_542 = tpu.vector_load %arg16[%get3A_540, %get3A_541] {strides = array<i32>} : memref<96x128xf32, #tpu.memory_space<vmem>>, vector<16xf32>,
        %mul3A_543 = arith.mulf %get3A_542, %get3A_90 : vector<16xf32>
        %add3A_544 = arith.addf %mul3A_539, %mul3A_543 : vector<16xf32>
        %get3A_545 = arith.index_cast %add3A_535 : i32 to index
        %get3A_546 = arith.constant 32 : index
        %get3A_547 = tpu.vector_load %arg16[%get3A_545, %get3A_546] {strides = array<i32>} : memref<96x128xf32, #tpu.memory_space<vmem>>, vector<16xf32>,
        %mul3A_548 = arith.mulf %get3A_547, %get3A_93 : vector<16xf32>
        %add3A_549 = arith.addf %add3A_544, %mul3A_548 : vector<16xf32>
        %get3A_550 = arith.index_cast %add3A_535 : i32 to index
        %get3A_551 = arith.constant 48 : index
        %get3A_552 = tpu.vector_load %arg16[%get3A_550, %get3A_551] {strides = array<i32>} : memref<96x128xf32, #tpu.memory_space<vmem>>, vector<16xf32>,
        %mul3A_553 = arith.mulf %get3A_552, %get3A_96 : vector<16xf32>
        %add3A_554 = arith.addf %add3A_549, %mul3A_553 : vector<16xf32>
        %get3A_555 = arith.index_cast %add3A_535 : i32 to index
        %get3A_556 = arith.constant 64 : index
        %get3A_557 = tpu.vector_load %arg16[%get3A_555, %get3A_556] {strides = array<i32>} : memref<96x128xf32, #tpu.memory_space<vmem>>, vector<16xf32>,
        %mul3A_558 = arith.mulf %get3A_557, %get3A_99 : vector<16xf32>
        %add3A_559 = arith.addf %add3A_554, %mul3A_558 : vector<16xf32>
        %get3A_560 = arith.index_cast %add3A_535 : i32 to index
        %get3A_561 = arith.constant 80 : index
        %get3A_562 = tpu.vector_load %arg16[%get3A_560, %get3A_561] {strides = array<i32>} : memref<96x128xf32, #tpu.memory_space<vmem>>, vector<16xf32>,
        %mul3A_563 = arith.mulf %get3A_562, %get3A_102 : vector<16xf32>
        %add3A_564 = arith.addf %add3A_559, %mul3A_563 : vector<16xf32>
        %get3A_565 = arith.index_cast %add3A_535 : i32 to index
        %get3A_566 = arith.constant 96 : index
        %get3A_567 = tpu.vector_load %arg16[%get3A_565, %get3A_566] {strides = array<i32>} : memref<96x128xf32, #tpu.memory_space<vmem>>, vector<16xf32>,
        %mul3A_568 = arith.mulf %get3A_567, %get3A_105 : vector<16xf32>
        %add3A_569 = arith.addf %add3A_564, %mul3A_568 : vector<16xf32>
        %get3A_570 = arith.index_cast %add3A_535 : i32 to index
        %get3A_571 = arith.constant 112 : index
        %get3A_572 = tpu.vector_load %arg16[%get3A_570, %get3A_571] {strides = array<i32>} : memref<96x128xf32, #tpu.memory_space<vmem>>, vector<16xf32>,
        %mul3A_573 = arith.mulf %get3A_572, %get3A_108 : vector<16xf32>
        %add3A_574 = arith.addf %add3A_569, %mul3A_573 : vector<16xf32>
        %eq3A_575 = arith.constant 5 : i32
        %eq3A_576 = vector.broadcast %eq3A_575 : i32 to vector<16xi32>
        %eq3A_577 = arith.cmpi eq, %iota3A, %eq3A_576 : vector<16xi32>
        %reduce_sum3A_578 = arith.constant true
        %reduce_sum3A_579 = vector.broadcast %reduce_sum3A_578 : i1 to vector<16xi1>
        %reduce_sum3A_580 = tpu.scan <sum>, %add3A_574 masked %reduce_sum3A_579 : vector<16xf32>, vector<16xi1> -> vector<16xf32>
        %reduce_sum3A_581 = vector.extract %reduce_sum3A_580[15] : f32 from vector<16xf32>
        %broadcast_in_dim3A_582 = vector.broadcast %reduce_sum3A_581 : f32 to vector<16xf32>
        %select_n3A_583 = arith.select %eq3A_577, %broadcast_in_dim3A_582, %select_n3A_531 : vector<16xi1>, vector<16xf32>
        %mul3A_584 = arith.constant 16 : i32
        %mul3A_585 = arith.muli %add3A_272, %mul3A_584 : i32
        %add3A_586 = arith.constant 6 : i32
        %add3A_587 = arith.addi %mul3A_585, %add3A_586 : i32
        %get3A_588 = arith.index_cast %add3A_587 : i32 to index
        %get3A_589 = arith.constant 0 : index
        %get3A_590 = tpu.vector_load %arg16[%get3A_588, %get3A_589] {strides = array<i32>} : memref<96x128xf32, #tpu.memory_space<vmem>>, vector<16xf32>,
        %mul3A_591 = arith.mulf %get3A_590, %get3A_87 : vector<16xf32>
        %get3A_592 = arith.index_cast %add3A_587 : i32 to index
        %get3A_593 = arith.constant 16 : index
        %get3A_594 = tpu.vector_load %arg16[%get3A_592, %get3A_593] {strides = array<i32>} : memref<96x128xf32, #tpu.memory_space<vmem>>, vector<16xf32>,
        %mul3A_595 = arith.mulf %get3A_594, %get3A_90 : vector<16xf32>
        %add3A_596 = arith.addf %mul3A_591, %mul3A_595 : vector<16xf32>
        %get3A_597 = arith.index_cast %add3A_587 : i32 to index
        %get3A_598 = arith.constant 32 : index
        %get3A_599 = tpu.vector_load %arg16[%get3A_597, %get3A_598] {strides = array<i32>} : memref<96x128xf32, #tpu.memory_space<vmem>>, vector<16xf32>,
        %mul3A_600 = arith.mulf %get3A_599, %get3A_93 : vector<16xf32>
        %add3A_601 = arith.addf %add3A_596, %mul3A_600 : vector<16xf32>
        %get3A_602 = arith.index_cast %add3A_587 : i32 to index
        %get3A_603 = arith.constant 48 : index
        %get3A_604 = tpu.vector_load %arg16[%get3A_602, %get3A_603] {strides = array<i32>} : memref<96x128xf32, #tpu.memory_space<vmem>>, vector<16xf32>,
        %mul3A_605 = arith.mulf %get3A_604, %get3A_96 : vector<16xf32>
        %add3A_606 = arith.addf %add3A_601, %mul3A_605 : vector<16xf32>
        %get3A_607 = arith.index_cast %add3A_587 : i32 to index
        %get3A_608 = arith.constant 64 : index
        %get3A_609 = tpu.vector_load %arg16[%get3A_607, %get3A_608] {strides = array<i32>} : memref<96x128xf32, #tpu.memory_space<vmem>>, vector<16xf32>,
        %mul3A_610 = arith.mulf %get3A_609, %get3A_99 : vector<16xf32>
        %add3A_611 = arith.addf %add3A_606, %mul3A_610 : vector<16xf32>
        %get3A_612 = arith.index_cast %add3A_587 : i32 to index
        %get3A_613 = arith.constant 80 : index
        %get3A_614 = tpu.vector_load %arg16[%get3A_612, %get3A_613] {strides = array<i32>} : memref<96x128xf32, #tpu.memory_space<vmem>>, vector<16xf32>,
        %mul3A_615 = arith.mulf %get3A_614, %get3A_102 : vector<16xf32>
        %add3A_616 = arith.addf %add3A_611, %mul3A_615 : vector<16xf32>
        %get3A_617 = arith.index_cast %add3A_587 : i32 to index
        %get3A_618 = arith.constant 96 : index
        %get3A_619 = tpu.vector_load %arg16[%get3A_617, %get3A_618] {strides = array<i32>} : memref<96x128xf32, #tpu.memory_space<vmem>>, vector<16xf32>,
        %mul3A_620 = arith.mulf %get3A_619, %get3A_105 : vector<16xf32>
        %add3A_621 = arith.addf %add3A_616, %mul3A_620 : vector<16xf32>
        %get3A_622 = arith.index_cast %add3A_587 : i32 to index
        %get3A_623 = arith.constant 112 : index
        %get3A_624 = tpu.vector_load %arg16[%get3A_622, %get3A_623] {strides = array<i32>} : memref<96x128xf32, #tpu.memory_space<vmem>>, vector<16xf32>,
        %mul3A_625 = arith.mulf %get3A_624, %get3A_108 : vector<16xf32>
        %add3A_626 = arith.addf %add3A_621, %mul3A_625 : vector<16xf32>
        %eq3A_627 = arith.constant 6 : i32
        %eq3A_628 = vector.broadcast %eq3A_627 : i32 to vector<16xi32>
        %eq3A_629 = arith.cmpi eq, %iota3A, %eq3A_628 : vector<16xi32>
        %reduce_sum3A_630 = arith.constant true
        %reduce_sum3A_631 = vector.broadcast %reduce_sum3A_630 : i1 to vector<16xi1>
        %reduce_sum3A_632 = tpu.scan <sum>, %add3A_626 masked %reduce_sum3A_631 : vector<16xf32>, vector<16xi1> -> vector<16xf32>
        %reduce_sum3A_633 = vector.extract %reduce_sum3A_632[15] : f32 from vector<16xf32>
        %broadcast_in_dim3A_634 = vector.broadcast %reduce_sum3A_633 : f32 to vector<16xf32>
        %select_n3A_635 = arith.select %eq3A_629, %broadcast_in_dim3A_634, %select_n3A_583 : vector<16xi1>, vector<16xf32>
        %mul3A_636 = arith.constant 16 : i32
        %mul3A_637 = arith.muli %add3A_272, %mul3A_636 : i32
        %add3A_638 = arith.constant 7 : i32
        %add3A_639 = arith.addi %mul3A_637, %add3A_638 : i32
        %get3A_640 = arith.index_cast %add3A_639 : i32 to index
        %get3A_641 = arith.constant 0 : index
        %get3A_642 = tpu.vector_load %arg16[%get3A_640, %get3A_641] {strides = array<i32>} : memref<96x128xf32, #tpu.memory_space<vmem>>, vector<16xf32>,
        %mul3A_643 = arith.mulf %get3A_642, %get3A_87 : vector<16xf32>
        %get3A_644 = arith.index_cast %add3A_639 : i32 to index
        %get3A_645 = arith.constant 16 : index
        %get3A_646 = tpu.vector_load %arg16[%get3A_644, %get3A_645] {strides = array<i32>} : memref<96x128xf32, #tpu.memory_space<vmem>>, vector<16xf32>,
        %mul3A_647 = arith.mulf %get3A_646, %get3A_90 : vector<16xf32>
        %add3A_648 = arith.addf %mul3A_643, %mul3A_647 : vector<16xf32>
        %get3A_649 = arith.index_cast %add3A_639 : i32 to index
        %get3A_650 = arith.constant 32 : index
        %get3A_651 = tpu.vector_load %arg16[%get3A_649, %get3A_650] {strides = array<i32>} : memref<96x128xf32, #tpu.memory_space<vmem>>, vector<16xf32>,
        %mul3A_652 = arith.mulf %get3A_651, %get3A_93 : vector<16xf32>
        %add3A_653 = arith.addf %add3A_648, %mul3A_652 : vector<16xf32>
        %get3A_654 = arith.index_cast %add3A_639 : i32 to index
        %get3A_655 = arith.constant 48 : index
        %get3A_656 = tpu.vector_load %arg16[%get3A_654, %get3A_655] {strides = array<i32>} : memref<96x128xf32, #tpu.memory_space<vmem>>, vector<16xf32>,
        %mul3A_657 = arith.mulf %get3A_656, %get3A_96 : vector<16xf32>
        %add3A_658 = arith.addf %add3A_653, %mul3A_657 : vector<16xf32>
        %get3A_659 = arith.index_cast %add3A_639 : i32 to index
        %get3A_660 = arith.constant 64 : index
        %get3A_661 = tpu.vector_load %arg16[%get3A_659, %get3A_660] {strides = array<i32>} : memref<96x128xf32, #tpu.memory_space<vmem>>, vector<16xf32>,
        %mul3A_662 = arith.mulf %get3A_661, %get3A_99 : vector<16xf32>
        %add3A_663 = arith.addf %add3A_658, %mul3A_662 : vector<16xf32>
        %get3A_664 = arith.index_cast %add3A_639 : i32 to index
        %get3A_665 = arith.constant 80 : index
        %get3A_666 = tpu.vector_load %arg16[%get3A_664, %get3A_665] {strides = array<i32>} : memref<96x128xf32, #tpu.memory_space<vmem>>, vector<16xf32>,
        %mul3A_667 = arith.mulf %get3A_666, %get3A_102 : vector<16xf32>
        %add3A_668 = arith.addf %add3A_663, %mul3A_667 : vector<16xf32>
        %get3A_669 = arith.index_cast %add3A_639 : i32 to index
        %get3A_670 = arith.constant 96 : index
        %get3A_671 = tpu.vector_load %arg16[%get3A_669, %get3A_670] {strides = array<i32>} : memref<96x128xf32, #tpu.memory_space<vmem>>, vector<16xf32>,
        %mul3A_672 = arith.mulf %get3A_671, %get3A_105 : vector<16xf32>
        %add3A_673 = arith.addf %add3A_668, %mul3A_672 : vector<16xf32>
        %get3A_674 = arith.index_cast %add3A_639 : i32 to index
        %get3A_675 = arith.constant 112 : index
        %get3A_676 = tpu.vector_load %arg16[%get3A_674, %get3A_675] {strides = array<i32>} : memref<96x128xf32, #tpu.memory_space<vmem>>, vector<16xf32>,
        %mul3A_677 = arith.mulf %get3A_676, %get3A_108 : vector<16xf32>
        %add3A_678 = arith.addf %add3A_673, %mul3A_677 : vector<16xf32>
        %eq3A_679 = arith.constant 7 : i32
        %eq3A_680 = vector.broadcast %eq3A_679 : i32 to vector<16xi32>
        %eq3A_681 = arith.cmpi eq, %iota3A, %eq3A_680 : vector<16xi32>
        %reduce_sum3A_682 = arith.constant true
        %reduce_sum3A_683 = vector.broadcast %reduce_sum3A_682 : i1 to vector<16xi1>
        %reduce_sum3A_684 = tpu.scan <sum>, %add3A_678 masked %reduce_sum3A_683 : vector<16xf32>, vector<16xi1> -> vector<16xf32>
        %reduce_sum3A_685 = vector.extract %reduce_sum3A_684[15] : f32 from vector<16xf32>
        %broadcast_in_dim3A_686 = vector.broadcast %reduce_sum3A_685 : f32 to vector<16xf32>
        %select_n3A_687 = arith.select %eq3A_681, %broadcast_in_dim3A_686, %select_n3A_635 : vector<16xi1>, vector<16xf32>
        %mul3A_688 = arith.constant 16 : i32
        %mul3A_689 = arith.muli %add3A_272, %mul3A_688 : i32
        %add3A_690 = arith.constant 8 : i32
        %add3A_691 = arith.addi %mul3A_689, %add3A_690 : i32
        %get3A_692 = arith.index_cast %add3A_691 : i32 to index
        %get3A_693 = arith.constant 0 : index
        %get3A_694 = tpu.vector_load %arg16[%get3A_692, %get3A_693] {strides = array<i32>} : memref<96x128xf32, #tpu.memory_space<vmem>>, vector<16xf32>,
        %mul3A_695 = arith.mulf %get3A_694, %get3A_87 : vector<16xf32>
        %get3A_696 = arith.index_cast %add3A_691 : i32 to index
        %get3A_697 = arith.constant 16 : index
        %get3A_698 = tpu.vector_load %arg16[%get3A_696, %get3A_697] {strides = array<i32>} : memref<96x128xf32, #tpu.memory_space<vmem>>, vector<16xf32>,
        %mul3A_699 = arith.mulf %get3A_698, %get3A_90 : vector<16xf32>
        %add3A_700 = arith.addf %mul3A_695, %mul3A_699 : vector<16xf32>
        %get3A_701 = arith.index_cast %add3A_691 : i32 to index
        %get3A_702 = arith.constant 32 : index
        %get3A_703 = tpu.vector_load %arg16[%get3A_701, %get3A_702] {strides = array<i32>} : memref<96x128xf32, #tpu.memory_space<vmem>>, vector<16xf32>,
        %mul3A_704 = arith.mulf %get3A_703, %get3A_93 : vector<16xf32>
        %add3A_705 = arith.addf %add3A_700, %mul3A_704 : vector<16xf32>
        %get3A_706 = arith.index_cast %add3A_691 : i32 to index
        %get3A_707 = arith.constant 48 : index
        %get3A_708 = tpu.vector_load %arg16[%get3A_706, %get3A_707] {strides = array<i32>} : memref<96x128xf32, #tpu.memory_space<vmem>>, vector<16xf32>,
        %mul3A_709 = arith.mulf %get3A_708, %get3A_96 : vector<16xf32>
        %add3A_710 = arith.addf %add3A_705, %mul3A_709 : vector<16xf32>
        %get3A_711 = arith.index_cast %add3A_691 : i32 to index
        %get3A_712 = arith.constant 64 : index
        %get3A_713 = tpu.vector_load %arg16[%get3A_711, %get3A_712] {strides = array<i32>} : memref<96x128xf32, #tpu.memory_space<vmem>>, vector<16xf32>,
        %mul3A_714 = arith.mulf %get3A_713, %get3A_99 : vector<16xf32>
        %add3A_715 = arith.addf %add3A_710, %mul3A_714 : vector<16xf32>
        %get3A_716 = arith.index_cast %add3A_691 : i32 to index
        %get3A_717 = arith.constant 80 : index
        %get3A_718 = tpu.vector_load %arg16[%get3A_716, %get3A_717] {strides = array<i32>} : memref<96x128xf32, #tpu.memory_space<vmem>>, vector<16xf32>,
        %mul3A_719 = arith.mulf %get3A_718, %get3A_102 : vector<16xf32>
        %add3A_720 = arith.addf %add3A_715, %mul3A_719 : vector<16xf32>
        %get3A_721 = arith.index_cast %add3A_691 : i32 to index
        %get3A_722 = arith.constant 96 : index
        %get3A_723 = tpu.vector_load %arg16[%get3A_721, %get3A_722] {strides = array<i32>} : memref<96x128xf32, #tpu.memory_space<vmem>>, vector<16xf32>,
        %mul3A_724 = arith.mulf %get3A_723, %get3A_105 : vector<16xf32>
        %add3A_725 = arith.addf %add3A_720, %mul3A_724 : vector<16xf32>
        %get3A_726 = arith.index_cast %add3A_691 : i32 to index
        %get3A_727 = arith.constant 112 : index
        %get3A_728 = tpu.vector_load %arg16[%get3A_726, %get3A_727] {strides = array<i32>} : memref<96x128xf32, #tpu.memory_space<vmem>>, vector<16xf32>,
        %mul3A_729 = arith.mulf %get3A_728, %get3A_108 : vector<16xf32>
        %add3A_730 = arith.addf %add3A_725, %mul3A_729 : vector<16xf32>
        %eq3A_731 = arith.constant 8 : i32
        %eq3A_732 = vector.broadcast %eq3A_731 : i32 to vector<16xi32>
        %eq3A_733 = arith.cmpi eq, %iota3A, %eq3A_732 : vector<16xi32>
        %reduce_sum3A_734 = arith.constant true
        %reduce_sum3A_735 = vector.broadcast %reduce_sum3A_734 : i1 to vector<16xi1>
        %reduce_sum3A_736 = tpu.scan <sum>, %add3A_730 masked %reduce_sum3A_735 : vector<16xf32>, vector<16xi1> -> vector<16xf32>
        %reduce_sum3A_737 = vector.extract %reduce_sum3A_736[15] : f32 from vector<16xf32>
        %broadcast_in_dim3A_738 = vector.broadcast %reduce_sum3A_737 : f32 to vector<16xf32>
        %select_n3A_739 = arith.select %eq3A_733, %broadcast_in_dim3A_738, %select_n3A_687 : vector<16xi1>, vector<16xf32>
        %mul3A_740 = arith.constant 16 : i32
        %mul3A_741 = arith.muli %add3A_272, %mul3A_740 : i32
        %add3A_742 = arith.constant 9 : i32
        %add3A_743 = arith.addi %mul3A_741, %add3A_742 : i32
        %get3A_744 = arith.index_cast %add3A_743 : i32 to index
        %get3A_745 = arith.constant 0 : index
        %get3A_746 = tpu.vector_load %arg16[%get3A_744, %get3A_745] {strides = array<i32>} : memref<96x128xf32, #tpu.memory_space<vmem>>, vector<16xf32>,
        %mul3A_747 = arith.mulf %get3A_746, %get3A_87 : vector<16xf32>
        %get3A_748 = arith.index_cast %add3A_743 : i32 to index
        %get3A_749 = arith.constant 16 : index
        %get3A_750 = tpu.vector_load %arg16[%get3A_748, %get3A_749] {strides = array<i32>} : memref<96x128xf32, #tpu.memory_space<vmem>>, vector<16xf32>,
        %mul3A_751 = arith.mulf %get3A_750, %get3A_90 : vector<16xf32>
        %add3A_752 = arith.addf %mul3A_747, %mul3A_751 : vector<16xf32>
        %get3A_753 = arith.index_cast %add3A_743 : i32 to index
        %get3A_754 = arith.constant 32 : index
        %get3A_755 = tpu.vector_load %arg16[%get3A_753, %get3A_754] {strides = array<i32>} : memref<96x128xf32, #tpu.memory_space<vmem>>, vector<16xf32>,
        %mul3A_756 = arith.mulf %get3A_755, %get3A_93 : vector<16xf32>
        %add3A_757 = arith.addf %add3A_752, %mul3A_756 : vector<16xf32>
        %get3A_758 = arith.index_cast %add3A_743 : i32 to index
        %get3A_759 = arith.constant 48 : index
        %get3A_760 = tpu.vector_load %arg16[%get3A_758, %get3A_759] {strides = array<i32>} : memref<96x128xf32, #tpu.memory_space<vmem>>, vector<16xf32>,
        %mul3A_761 = arith.mulf %get3A_760, %get3A_96 : vector<16xf32>
        %add3A_762 = arith.addf %add3A_757, %mul3A_761 : vector<16xf32>
        %get3A_763 = arith.index_cast %add3A_743 : i32 to index
        %get3A_764 = arith.constant 64 : index
        %get3A_765 = tpu.vector_load %arg16[%get3A_763, %get3A_764] {strides = array<i32>} : memref<96x128xf32, #tpu.memory_space<vmem>>, vector<16xf32>,
        %mul3A_766 = arith.mulf %get3A_765, %get3A_99 : vector<16xf32>
        %add3A_767 = arith.addf %add3A_762, %mul3A_766 : vector<16xf32>
        %get3A_768 = arith.index_cast %add3A_743 : i32 to index
        %get3A_769 = arith.constant 80 : index
        %get3A_770 = tpu.vector_load %arg16[%get3A_768, %get3A_769] {strides = array<i32>} : memref<96x128xf32, #tpu.memory_space<vmem>>, vector<16xf32>,
        %mul3A_771 = arith.mulf %get3A_770, %get3A_102 : vector<16xf32>
        %add3A_772 = arith.addf %add3A_767, %mul3A_771 : vector<16xf32>
        %get3A_773 = arith.index_cast %add3A_743 : i32 to index
        %get3A_774 = arith.constant 96 : index
        %get3A_775 = tpu.vector_load %arg16[%get3A_773, %get3A_774] {strides = array<i32>} : memref<96x128xf32, #tpu.memory_space<vmem>>, vector<16xf32>,
        %mul3A_776 = arith.mulf %get3A_775, %get3A_105 : vector<16xf32>
        %add3A_777 = arith.addf %add3A_772, %mul3A_776 : vector<16xf32>
        %get3A_778 = arith.index_cast %add3A_743 : i32 to index
        %get3A_779 = arith.constant 112 : index
        %get3A_780 = tpu.vector_load %arg16[%get3A_778, %get3A_779] {strides = array<i32>} : memref<96x128xf32, #tpu.memory_space<vmem>>, vector<16xf32>,
        %mul3A_781 = arith.mulf %get3A_780, %get3A_108 : vector<16xf32>
        %add3A_782 = arith.addf %add3A_777, %mul3A_781 : vector<16xf32>
        %eq3A_783 = arith.constant 9 : i32
        %eq3A_784 = vector.broadcast %eq3A_783 : i32 to vector<16xi32>
        %eq3A_785 = arith.cmpi eq, %iota3A, %eq3A_784 : vector<16xi32>
        %reduce_sum3A_786 = arith.constant true
        %reduce_sum3A_787 = vector.broadcast %reduce_sum3A_786 : i1 to vector<16xi1>
        %reduce_sum3A_788 = tpu.scan <sum>, %add3A_782 masked %reduce_sum3A_787 : vector<16xf32>, vector<16xi1> -> vector<16xf32>
        %reduce_sum3A_789 = vector.extract %reduce_sum3A_788[15] : f32 from vector<16xf32>
        %broadcast_in_dim3A_790 = vector.broadcast %reduce_sum3A_789 : f32 to vector<16xf32>
        %select_n3A_791 = arith.select %eq3A_785, %broadcast_in_dim3A_790, %select_n3A_739 : vector<16xi1>, vector<16xf32>
        %mul3A_792 = arith.constant 16 : i32
        %mul3A_793 = arith.muli %add3A_272, %mul3A_792 : i32
        %add3A_794 = arith.constant 10 : i32
        %add3A_795 = arith.addi %mul3A_793, %add3A_794 : i32
        %get3A_796 = arith.index_cast %add3A_795 : i32 to index
        %get3A_797 = arith.constant 0 : index
        %get3A_798 = tpu.vector_load %arg16[%get3A_796, %get3A_797] {strides = array<i32>} : memref<96x128xf32, #tpu.memory_space<vmem>>, vector<16xf32>,
        %mul3A_799 = arith.mulf %get3A_798, %get3A_87 : vector<16xf32>
        %get3A_800 = arith.index_cast %add3A_795 : i32 to index
        %get3A_801 = arith.constant 16 : index
        %get3A_802 = tpu.vector_load %arg16[%get3A_800, %get3A_801] {strides = array<i32>} : memref<96x128xf32, #tpu.memory_space<vmem>>, vector<16xf32>,
        %mul3A_803 = arith.mulf %get3A_802, %get3A_90 : vector<16xf32>
        %add3A_804 = arith.addf %mul3A_799, %mul3A_803 : vector<16xf32>
        %get3A_805 = arith.index_cast %add3A_795 : i32 to index
        %get3A_806 = arith.constant 32 : index
        %get3A_807 = tpu.vector_load %arg16[%get3A_805, %get3A_806] {strides = array<i32>} : memref<96x128xf32, #tpu.memory_space<vmem>>, vector<16xf32>,
        %mul3A_808 = arith.mulf %get3A_807, %get3A_93 : vector<16xf32>
        %add3A_809 = arith.addf %add3A_804, %mul3A_808 : vector<16xf32>
        %get3A_810 = arith.index_cast %add3A_795 : i32 to index
        %get3A_811 = arith.constant 48 : index
        %get3A_812 = tpu.vector_load %arg16[%get3A_810, %get3A_811] {strides = array<i32>} : memref<96x128xf32, #tpu.memory_space<vmem>>, vector<16xf32>,
        %mul3A_813 = arith.mulf %get3A_812, %get3A_96 : vector<16xf32>
        %add3A_814 = arith.addf %add3A_809, %mul3A_813 : vector<16xf32>
        %get3A_815 = arith.index_cast %add3A_795 : i32 to index
        %get3A_816 = arith.constant 64 : index
        %get3A_817 = tpu.vector_load %arg16[%get3A_815, %get3A_816] {strides = array<i32>} : memref<96x128xf32, #tpu.memory_space<vmem>>, vector<16xf32>,
        %mul3A_818 = arith.mulf %get3A_817, %get3A_99 : vector<16xf32>
        %add3A_819 = arith.addf %add3A_814, %mul3A_818 : vector<16xf32>
        %get3A_820 = arith.index_cast %add3A_795 : i32 to index
        %get3A_821 = arith.constant 80 : index
        %get3A_822 = tpu.vector_load %arg16[%get3A_820, %get3A_821] {strides = array<i32>} : memref<96x128xf32, #tpu.memory_space<vmem>>, vector<16xf32>,
        %mul3A_823 = arith.mulf %get3A_822, %get3A_102 : vector<16xf32>
        %add3A_824 = arith.addf %add3A_819, %mul3A_823 : vector<16xf32>
        %get3A_825 = arith.index_cast %add3A_795 : i32 to index
        %get3A_826 = arith.constant 96 : index
        %get3A_827 = tpu.vector_load %arg16[%get3A_825, %get3A_826] {strides = array<i32>} : memref<96x128xf32, #tpu.memory_space<vmem>>, vector<16xf32>,
        %mul3A_828 = arith.mulf %get3A_827, %get3A_105 : vector<16xf32>
        %add3A_829 = arith.addf %add3A_824, %mul3A_828 : vector<16xf32>
        %get3A_830 = arith.index_cast %add3A_795 : i32 to index
        %get3A_831 = arith.constant 112 : index
        %get3A_832 = tpu.vector_load %arg16[%get3A_830, %get3A_831] {strides = array<i32>} : memref<96x128xf32, #tpu.memory_space<vmem>>, vector<16xf32>,
        %mul3A_833 = arith.mulf %get3A_832, %get3A_108 : vector<16xf32>
        %add3A_834 = arith.addf %add3A_829, %mul3A_833 : vector<16xf32>
        %eq3A_835 = arith.constant 10 : i32
        %eq3A_836 = vector.broadcast %eq3A_835 : i32 to vector<16xi32>
        %eq3A_837 = arith.cmpi eq, %iota3A, %eq3A_836 : vector<16xi32>
        %reduce_sum3A_838 = arith.constant true
        %reduce_sum3A_839 = vector.broadcast %reduce_sum3A_838 : i1 to vector<16xi1>
        %reduce_sum3A_840 = tpu.scan <sum>, %add3A_834 masked %reduce_sum3A_839 : vector<16xf32>, vector<16xi1> -> vector<16xf32>
        %reduce_sum3A_841 = vector.extract %reduce_sum3A_840[15] : f32 from vector<16xf32>
        %broadcast_in_dim3A_842 = vector.broadcast %reduce_sum3A_841 : f32 to vector<16xf32>
        %select_n3A_843 = arith.select %eq3A_837, %broadcast_in_dim3A_842, %select_n3A_791 : vector<16xi1>, vector<16xf32>
        %mul3A_844 = arith.constant 16 : i32
        %mul3A_845 = arith.muli %add3A_272, %mul3A_844 : i32
        %add3A_846 = arith.constant 11 : i32
        %add3A_847 = arith.addi %mul3A_845, %add3A_846 : i32
        %get3A_848 = arith.index_cast %add3A_847 : i32 to index
        %get3A_849 = arith.constant 0 : index
        %get3A_850 = tpu.vector_load %arg16[%get3A_848, %get3A_849] {strides = array<i32>} : memref<96x128xf32, #tpu.memory_space<vmem>>, vector<16xf32>,
        %mul3A_851 = arith.mulf %get3A_850, %get3A_87 : vector<16xf32>
        %get3A_852 = arith.index_cast %add3A_847 : i32 to index
        %get3A_853 = arith.constant 16 : index
        %get3A_854 = tpu.vector_load %arg16[%get3A_852, %get3A_853] {strides = array<i32>} : memref<96x128xf32, #tpu.memory_space<vmem>>, vector<16xf32>,
        %mul3A_855 = arith.mulf %get3A_854, %get3A_90 : vector<16xf32>
        %add3A_856 = arith.addf %mul3A_851, %mul3A_855 : vector<16xf32>
        %get3A_857 = arith.index_cast %add3A_847 : i32 to index
        %get3A_858 = arith.constant 32 : index
        %get3A_859 = tpu.vector_load %arg16[%get3A_857, %get3A_858] {strides = array<i32>} : memref<96x128xf32, #tpu.memory_space<vmem>>, vector<16xf32>,
        %mul3A_860 = arith.mulf %get3A_859, %get3A_93 : vector<16xf32>
        %add3A_861 = arith.addf %add3A_856, %mul3A_860 : vector<16xf32>
        %get3A_862 = arith.index_cast %add3A_847 : i32 to index
        %get3A_863 = arith.constant 48 : index
        %get3A_864 = tpu.vector_load %arg16[%get3A_862, %get3A_863] {strides = array<i32>} : memref<96x128xf32, #tpu.memory_space<vmem>>, vector<16xf32>,
        %mul3A_865 = arith.mulf %get3A_864, %get3A_96 : vector<16xf32>
        %add3A_866 = arith.addf %add3A_861, %mul3A_865 : vector<16xf32>
        %get3A_867 = arith.index_cast %add3A_847 : i32 to index
        %get3A_868 = arith.constant 64 : index
        %get3A_869 = tpu.vector_load %arg16[%get3A_867, %get3A_868] {strides = array<i32>} : memref<96x128xf32, #tpu.memory_space<vmem>>, vector<16xf32>,
        %mul3A_870 = arith.mulf %get3A_869, %get3A_99 : vector<16xf32>
        %add3A_871 = arith.addf %add3A_866, %mul3A_870 : vector<16xf32>
        %get3A_872 = arith.index_cast %add3A_847 : i32 to index
        %get3A_873 = arith.constant 80 : index
        %get3A_874 = tpu.vector_load %arg16[%get3A_872, %get3A_873] {strides = array<i32>} : memref<96x128xf32, #tpu.memory_space<vmem>>, vector<16xf32>,
        %mul3A_875 = arith.mulf %get3A_874, %get3A_102 : vector<16xf32>
        %add3A_876 = arith.addf %add3A_871, %mul3A_875 : vector<16xf32>
        %get3A_877 = arith.index_cast %add3A_847 : i32 to index
        %get3A_878 = arith.constant 96 : index
        %get3A_879 = tpu.vector_load %arg16[%get3A_877, %get3A_878] {strides = array<i32>} : memref<96x128xf32, #tpu.memory_space<vmem>>, vector<16xf32>,
        %mul3A_880 = arith.mulf %get3A_879, %get3A_105 : vector<16xf32>
        %add3A_881 = arith.addf %add3A_876, %mul3A_880 : vector<16xf32>
        %get3A_882 = arith.index_cast %add3A_847 : i32 to index
        %get3A_883 = arith.constant 112 : index
        %get3A_884 = tpu.vector_load %arg16[%get3A_882, %get3A_883] {strides = array<i32>} : memref<96x128xf32, #tpu.memory_space<vmem>>, vector<16xf32>,
        %mul3A_885 = arith.mulf %get3A_884, %get3A_108 : vector<16xf32>
        %add3A_886 = arith.addf %add3A_881, %mul3A_885 : vector<16xf32>
        %eq3A_887 = arith.constant 11 : i32
        %eq3A_888 = vector.broadcast %eq3A_887 : i32 to vector<16xi32>
        %eq3A_889 = arith.cmpi eq, %iota3A, %eq3A_888 : vector<16xi32>
        %reduce_sum3A_890 = arith.constant true
        %reduce_sum3A_891 = vector.broadcast %reduce_sum3A_890 : i1 to vector<16xi1>
        %reduce_sum3A_892 = tpu.scan <sum>, %add3A_886 masked %reduce_sum3A_891 : vector<16xf32>, vector<16xi1> -> vector<16xf32>
        %reduce_sum3A_893 = vector.extract %reduce_sum3A_892[15] : f32 from vector<16xf32>
        %broadcast_in_dim3A_894 = vector.broadcast %reduce_sum3A_893 : f32 to vector<16xf32>
        %select_n3A_895 = arith.select %eq3A_889, %broadcast_in_dim3A_894, %select_n3A_843 : vector<16xi1>, vector<16xf32>
        %mul3A_896 = arith.constant 16 : i32
        %mul3A_897 = arith.muli %add3A_272, %mul3A_896 : i32
        %add3A_898 = arith.constant 12 : i32
        %add3A_899 = arith.addi %mul3A_897, %add3A_898 : i32
        %get3A_900 = arith.index_cast %add3A_899 : i32 to index
        %get3A_901 = arith.constant 0 : index
        %get3A_902 = tpu.vector_load %arg16[%get3A_900, %get3A_901] {strides = array<i32>} : memref<96x128xf32, #tpu.memory_space<vmem>>, vector<16xf32>,
        %mul3A_903 = arith.mulf %get3A_902, %get3A_87 : vector<16xf32>
        %get3A_904 = arith.index_cast %add3A_899 : i32 to index
        %get3A_905 = arith.constant 16 : index
        %get3A_906 = tpu.vector_load %arg16[%get3A_904, %get3A_905] {strides = array<i32>} : memref<96x128xf32, #tpu.memory_space<vmem>>, vector<16xf32>,
        %mul3A_907 = arith.mulf %get3A_906, %get3A_90 : vector<16xf32>
        %add3A_908 = arith.addf %mul3A_903, %mul3A_907 : vector<16xf32>
        %get3A_909 = arith.index_cast %add3A_899 : i32 to index
        %get3A_910 = arith.constant 32 : index
        %get3A_911 = tpu.vector_load %arg16[%get3A_909, %get3A_910] {strides = array<i32>} : memref<96x128xf32, #tpu.memory_space<vmem>>, vector<16xf32>,
        %mul3A_912 = arith.mulf %get3A_911, %get3A_93 : vector<16xf32>
        %add3A_913 = arith.addf %add3A_908, %mul3A_912 : vector<16xf32>
        %get3A_914 = arith.index_cast %add3A_899 : i32 to index
        %get3A_915 = arith.constant 48 : index
        %get3A_916 = tpu.vector_load %arg16[%get3A_914, %get3A_915] {strides = array<i32>} : memref<96x128xf32, #tpu.memory_space<vmem>>, vector<16xf32>,
        %mul3A_917 = arith.mulf %get3A_916, %get3A_96 : vector<16xf32>
        %add3A_918 = arith.addf %add3A_913, %mul3A_917 : vector<16xf32>
        %get3A_919 = arith.index_cast %add3A_899 : i32 to index
        %get3A_920 = arith.constant 64 : index
        %get3A_921 = tpu.vector_load %arg16[%get3A_919, %get3A_920] {strides = array<i32>} : memref<96x128xf32, #tpu.memory_space<vmem>>, vector<16xf32>,
        %mul3A_922 = arith.mulf %get3A_921, %get3A_99 : vector<16xf32>
        %add3A_923 = arith.addf %add3A_918, %mul3A_922 : vector<16xf32>
        %get3A_924 = arith.index_cast %add3A_899 : i32 to index
        %get3A_925 = arith.constant 80 : index
        %get3A_926 = tpu.vector_load %arg16[%get3A_924, %get3A_925] {strides = array<i32>} : memref<96x128xf32, #tpu.memory_space<vmem>>, vector<16xf32>,
        %mul3A_927 = arith.mulf %get3A_926, %get3A_102 : vector<16xf32>
        %add3A_928 = arith.addf %add3A_923, %mul3A_927 : vector<16xf32>
        %get3A_929 = arith.index_cast %add3A_899 : i32 to index
        %get3A_930 = arith.constant 96 : index
        %get3A_931 = tpu.vector_load %arg16[%get3A_929, %get3A_930] {strides = array<i32>} : memref<96x128xf32, #tpu.memory_space<vmem>>, vector<16xf32>,
        %mul3A_932 = arith.mulf %get3A_931, %get3A_105 : vector<16xf32>
        %add3A_933 = arith.addf %add3A_928, %mul3A_932 : vector<16xf32>
        %get3A_934 = arith.index_cast %add3A_899 : i32 to index
        %get3A_935 = arith.constant 112 : index
        %get3A_936 = tpu.vector_load %arg16[%get3A_934, %get3A_935] {strides = array<i32>} : memref<96x128xf32, #tpu.memory_space<vmem>>, vector<16xf32>,
        %mul3A_937 = arith.mulf %get3A_936, %get3A_108 : vector<16xf32>
        %add3A_938 = arith.addf %add3A_933, %mul3A_937 : vector<16xf32>
        %eq3A_939 = arith.constant 12 : i32
        %eq3A_940 = vector.broadcast %eq3A_939 : i32 to vector<16xi32>
        %eq3A_941 = arith.cmpi eq, %iota3A, %eq3A_940 : vector<16xi32>
        %reduce_sum3A_942 = arith.constant true
        %reduce_sum3A_943 = vector.broadcast %reduce_sum3A_942 : i1 to vector<16xi1>
        %reduce_sum3A_944 = tpu.scan <sum>, %add3A_938 masked %reduce_sum3A_943 : vector<16xf32>, vector<16xi1> -> vector<16xf32>
        %reduce_sum3A_945 = vector.extract %reduce_sum3A_944[15] : f32 from vector<16xf32>
        %broadcast_in_dim3A_946 = vector.broadcast %reduce_sum3A_945 : f32 to vector<16xf32>
        %select_n3A_947 = arith.select %eq3A_941, %broadcast_in_dim3A_946, %select_n3A_895 : vector<16xi1>, vector<16xf32>
        %mul3A_948 = arith.constant 16 : i32
        %mul3A_949 = arith.muli %add3A_272, %mul3A_948 : i32
        %add3A_950 = arith.constant 13 : i32
        %add3A_951 = arith.addi %mul3A_949, %add3A_950 : i32
        %get3A_952 = arith.index_cast %add3A_951 : i32 to index
        %get3A_953 = arith.constant 0 : index
        %get3A_954 = tpu.vector_load %arg16[%get3A_952, %get3A_953] {strides = array<i32>} : memref<96x128xf32, #tpu.memory_space<vmem>>, vector<16xf32>,
        %mul3A_955 = arith.mulf %get3A_954, %get3A_87 : vector<16xf32>
        %get3A_956 = arith.index_cast %add3A_951 : i32 to index
        %get3A_957 = arith.constant 16 : index
        %get3A_958 = tpu.vector_load %arg16[%get3A_956, %get3A_957] {strides = array<i32>} : memref<96x128xf32, #tpu.memory_space<vmem>>, vector<16xf32>,
        %mul3A_959 = arith.mulf %get3A_958, %get3A_90 : vector<16xf32>
        %add3A_960 = arith.addf %mul3A_955, %mul3A_959 : vector<16xf32>
        %get3A_961 = arith.index_cast %add3A_951 : i32 to index
        %get3A_962 = arith.constant 32 : index
        %get3A_963 = tpu.vector_load %arg16[%get3A_961, %get3A_962] {strides = array<i32>} : memref<96x128xf32, #tpu.memory_space<vmem>>, vector<16xf32>,
        %mul3A_964 = arith.mulf %get3A_963, %get3A_93 : vector<16xf32>
        %add3A_965 = arith.addf %add3A_960, %mul3A_964 : vector<16xf32>
        %get3A_966 = arith.index_cast %add3A_951 : i32 to index
        %get3A_967 = arith.constant 48 : index
        %get3A_968 = tpu.vector_load %arg16[%get3A_966, %get3A_967] {strides = array<i32>} : memref<96x128xf32, #tpu.memory_space<vmem>>, vector<16xf32>,
        %mul3A_969 = arith.mulf %get3A_968, %get3A_96 : vector<16xf32>
        %add3A_970 = arith.addf %add3A_965, %mul3A_969 : vector<16xf32>
        %get3A_971 = arith.index_cast %add3A_951 : i32 to index
        %get3A_972 = arith.constant 64 : index
        %get3A_973 = tpu.vector_load %arg16[%get3A_971, %get3A_972] {strides = array<i32>} : memref<96x128xf32, #tpu.memory_space<vmem>>, vector<16xf32>,
        %mul3A_974 = arith.mulf %get3A_973, %get3A_99 : vector<16xf32>
        %add3A_975 = arith.addf %add3A_970, %mul3A_974 : vector<16xf32>
        %get3A_976 = arith.index_cast %add3A_951 : i32 to index
        %get3A_977 = arith.constant 80 : index
        %get3A_978 = tpu.vector_load %arg16[%get3A_976, %get3A_977] {strides = array<i32>} : memref<96x128xf32, #tpu.memory_space<vmem>>, vector<16xf32>,
        %mul3A_979 = arith.mulf %get3A_978, %get3A_102 : vector<16xf32>
        %add3A_980 = arith.addf %add3A_975, %mul3A_979 : vector<16xf32>
        %get3A_981 = arith.index_cast %add3A_951 : i32 to index
        %get3A_982 = arith.constant 96 : index
        %get3A_983 = tpu.vector_load %arg16[%get3A_981, %get3A_982] {strides = array<i32>} : memref<96x128xf32, #tpu.memory_space<vmem>>, vector<16xf32>,
        %mul3A_984 = arith.mulf %get3A_983, %get3A_105 : vector<16xf32>
        %add3A_985 = arith.addf %add3A_980, %mul3A_984 : vector<16xf32>
        %get3A_986 = arith.index_cast %add3A_951 : i32 to index
        %get3A_987 = arith.constant 112 : index
        %get3A_988 = tpu.vector_load %arg16[%get3A_986, %get3A_987] {strides = array<i32>} : memref<96x128xf32, #tpu.memory_space<vmem>>, vector<16xf32>,
        %mul3A_989 = arith.mulf %get3A_988, %get3A_108 : vector<16xf32>
        %add3A_990 = arith.addf %add3A_985, %mul3A_989 : vector<16xf32>
        %eq3A_991 = arith.constant 13 : i32
        %eq3A_992 = vector.broadcast %eq3A_991 : i32 to vector<16xi32>
        %eq3A_993 = arith.cmpi eq, %iota3A, %eq3A_992 : vector<16xi32>
        %reduce_sum3A_994 = arith.constant true
        %reduce_sum3A_995 = vector.broadcast %reduce_sum3A_994 : i1 to vector<16xi1>
        %reduce_sum3A_996 = tpu.scan <sum>, %add3A_990 masked %reduce_sum3A_995 : vector<16xf32>, vector<16xi1> -> vector<16xf32>
        %reduce_sum3A_997 = vector.extract %reduce_sum3A_996[15] : f32 from vector<16xf32>
        %broadcast_in_dim3A_998 = vector.broadcast %reduce_sum3A_997 : f32 to vector<16xf32>
        %select_n3A_999 = arith.select %eq3A_993, %broadcast_in_dim3A_998, %select_n3A_947 : vector<16xi1>, vector<16xf32>
        %mul3A_1000 = arith.constant 16 : i32
        %mul3A_1001 = arith.muli %add3A_272, %mul3A_1000 : i32
        %add3A_1002 = arith.constant 14 : i32
        %add3A_1003 = arith.addi %mul3A_1001, %add3A_1002 : i32
        %get3A_1004 = arith.index_cast %add3A_1003 : i32 to index
        %get3A_1005 = arith.constant 0 : index
        %get3A_1006 = tpu.vector_load %arg16[%get3A_1004, %get3A_1005] {strides = array<i32>} : memref<96x128xf32, #tpu.memory_space<vmem>>, vector<16xf32>,
        %mul3A_1007 = arith.mulf %get3A_1006, %get3A_87 : vector<16xf32>
        %get3A_1008 = arith.index_cast %add3A_1003 : i32 to index
        %get3A_1009 = arith.constant 16 : index
        %get3A_1010 = tpu.vector_load %arg16[%get3A_1008, %get3A_1009] {strides = array<i32>} : memref<96x128xf32, #tpu.memory_space<vmem>>, vector<16xf32>,
        %mul3A_1011 = arith.mulf %get3A_1010, %get3A_90 : vector<16xf32>
        %add3A_1012 = arith.addf %mul3A_1007, %mul3A_1011 : vector<16xf32>
        %get3A_1013 = arith.index_cast %add3A_1003 : i32 to index
        %get3A_1014 = arith.constant 32 : index
        %get3A_1015 = tpu.vector_load %arg16[%get3A_1013, %get3A_1014] {strides = array<i32>} : memref<96x128xf32, #tpu.memory_space<vmem>>, vector<16xf32>,
        %mul3A_1016 = arith.mulf %get3A_1015, %get3A_93 : vector<16xf32>
        %add3A_1017 = arith.addf %add3A_1012, %mul3A_1016 : vector<16xf32>
        %get3A_1018 = arith.index_cast %add3A_1003 : i32 to index
        %get3A_1019 = arith.constant 48 : index
        %get3A_1020 = tpu.vector_load %arg16[%get3A_1018, %get3A_1019] {strides = array<i32>} : memref<96x128xf32, #tpu.memory_space<vmem>>, vector<16xf32>,
        %mul3A_1021 = arith.mulf %get3A_1020, %get3A_96 : vector<16xf32>
        %add3A_1022 = arith.addf %add3A_1017, %mul3A_1021 : vector<16xf32>
        %get3A_1023 = arith.index_cast %add3A_1003 : i32 to index
        %get3A_1024 = arith.constant 64 : index
        %get3A_1025 = tpu.vector_load %arg16[%get3A_1023, %get3A_1024] {strides = array<i32>} : memref<96x128xf32, #tpu.memory_space<vmem>>, vector<16xf32>,
        %mul3A_1026 = arith.mulf %get3A_1025, %get3A_99 : vector<16xf32>
        %add3A_1027 = arith.addf %add3A_1022, %mul3A_1026 : vector<16xf32>
        %get3A_1028 = arith.index_cast %add3A_1003 : i32 to index
        %get3A_1029 = arith.constant 80 : index
        %get3A_1030 = tpu.vector_load %arg16[%get3A_1028, %get3A_1029] {strides = array<i32>} : memref<96x128xf32, #tpu.memory_space<vmem>>, vector<16xf32>,
        %mul3A_1031 = arith.mulf %get3A_1030, %get3A_102 : vector<16xf32>
        %add3A_1032 = arith.addf %add3A_1027, %mul3A_1031 : vector<16xf32>
        %get3A_1033 = arith.index_cast %add3A_1003 : i32 to index
        %get3A_1034 = arith.constant 96 : index
        %get3A_1035 = tpu.vector_load %arg16[%get3A_1033, %get3A_1034] {strides = array<i32>} : memref<96x128xf32, #tpu.memory_space<vmem>>, vector<16xf32>,
        %mul3A_1036 = arith.mulf %get3A_1035, %get3A_105 : vector<16xf32>
        %add3A_1037 = arith.addf %add3A_1032, %mul3A_1036 : vector<16xf32>
        %get3A_1038 = arith.index_cast %add3A_1003 : i32 to index
        %get3A_1039 = arith.constant 112 : index
        %get3A_1040 = tpu.vector_load %arg16[%get3A_1038, %get3A_1039] {strides = array<i32>} : memref<96x128xf32, #tpu.memory_space<vmem>>, vector<16xf32>,
        %mul3A_1041 = arith.mulf %get3A_1040, %get3A_108 : vector<16xf32>
        %add3A_1042 = arith.addf %add3A_1037, %mul3A_1041 : vector<16xf32>
        %eq3A_1043 = arith.constant 14 : i32
        %eq3A_1044 = vector.broadcast %eq3A_1043 : i32 to vector<16xi32>
        %eq3A_1045 = arith.cmpi eq, %iota3A, %eq3A_1044 : vector<16xi32>
        %reduce_sum3A_1046 = arith.constant true
        %reduce_sum3A_1047 = vector.broadcast %reduce_sum3A_1046 : i1 to vector<16xi1>
        %reduce_sum3A_1048 = tpu.scan <sum>, %add3A_1042 masked %reduce_sum3A_1047 : vector<16xf32>, vector<16xi1> -> vector<16xf32>
        %reduce_sum3A_1049 = vector.extract %reduce_sum3A_1048[15] : f32 from vector<16xf32>
        %broadcast_in_dim3A_1050 = vector.broadcast %reduce_sum3A_1049 : f32 to vector<16xf32>
        %select_n3A_1051 = arith.select %eq3A_1045, %broadcast_in_dim3A_1050, %select_n3A_999 : vector<16xi1>, vector<16xf32>
        %mul3A_1052 = arith.constant 16 : i32
        %mul3A_1053 = arith.muli %add3A_272, %mul3A_1052 : i32
        %add3A_1054 = arith.constant 15 : i32
        %add3A_1055 = arith.addi %mul3A_1053, %add3A_1054 : i32
        %get3A_1056 = arith.index_cast %add3A_1055 : i32 to index
        %get3A_1057 = arith.constant 0 : index
        %get3A_1058 = tpu.vector_load %arg16[%get3A_1056, %get3A_1057] {strides = array<i32>} : memref<96x128xf32, #tpu.memory_space<vmem>>, vector<16xf32>,
        %mul3A_1059 = arith.mulf %get3A_1058, %get3A_87 : vector<16xf32>
        %get3A_1060 = arith.index_cast %add3A_1055 : i32 to index
        %get3A_1061 = arith.constant 16 : index
        %get3A_1062 = tpu.vector_load %arg16[%get3A_1060, %get3A_1061] {strides = array<i32>} : memref<96x128xf32, #tpu.memory_space<vmem>>, vector<16xf32>,
        %mul3A_1063 = arith.mulf %get3A_1062, %get3A_90 : vector<16xf32>
        %add3A_1064 = arith.addf %mul3A_1059, %mul3A_1063 : vector<16xf32>
        %get3A_1065 = arith.index_cast %add3A_1055 : i32 to index
        %get3A_1066 = arith.constant 32 : index
        %get3A_1067 = tpu.vector_load %arg16[%get3A_1065, %get3A_1066] {strides = array<i32>} : memref<96x128xf32, #tpu.memory_space<vmem>>, vector<16xf32>,
        %mul3A_1068 = arith.mulf %get3A_1067, %get3A_93 : vector<16xf32>
        %add3A_1069 = arith.addf %add3A_1064, %mul3A_1068 : vector<16xf32>
        %get3A_1070 = arith.index_cast %add3A_1055 : i32 to index
        %get3A_1071 = arith.constant 48 : index
        %get3A_1072 = tpu.vector_load %arg16[%get3A_1070, %get3A_1071] {strides = array<i32>} : memref<96x128xf32, #tpu.memory_space<vmem>>, vector<16xf32>,
        %mul3A_1073 = arith.mulf %get3A_1072, %get3A_96 : vector<16xf32>
        %add3A_1074 = arith.addf %add3A_1069, %mul3A_1073 : vector<16xf32>
        %get3A_1075 = arith.index_cast %add3A_1055 : i32 to index
        %get3A_1076 = arith.constant 64 : index
        %get3A_1077 = tpu.vector_load %arg16[%get3A_1075, %get3A_1076] {strides = array<i32>} : memref<96x128xf32, #tpu.memory_space<vmem>>, vector<16xf32>,
        %mul3A_1078 = arith.mulf %get3A_1077, %get3A_99 : vector<16xf32>
        %add3A_1079 = arith.addf %add3A_1074, %mul3A_1078 : vector<16xf32>
        %get3A_1080 = arith.index_cast %add3A_1055 : i32 to index
        %get3A_1081 = arith.constant 80 : index
        %get3A_1082 = tpu.vector_load %arg16[%get3A_1080, %get3A_1081] {strides = array<i32>} : memref<96x128xf32, #tpu.memory_space<vmem>>, vector<16xf32>,
        %mul3A_1083 = arith.mulf %get3A_1082, %get3A_102 : vector<16xf32>
        %add3A_1084 = arith.addf %add3A_1079, %mul3A_1083 : vector<16xf32>
        %get3A_1085 = arith.index_cast %add3A_1055 : i32 to index
        %get3A_1086 = arith.constant 96 : index
        %get3A_1087 = tpu.vector_load %arg16[%get3A_1085, %get3A_1086] {strides = array<i32>} : memref<96x128xf32, #tpu.memory_space<vmem>>, vector<16xf32>,
        %mul3A_1088 = arith.mulf %get3A_1087, %get3A_105 : vector<16xf32>
        %add3A_1089 = arith.addf %add3A_1084, %mul3A_1088 : vector<16xf32>
        %get3A_1090 = arith.index_cast %add3A_1055 : i32 to index
        %get3A_1091 = arith.constant 112 : index
        %get3A_1092 = tpu.vector_load %arg16[%get3A_1090, %get3A_1091] {strides = array<i32>} : memref<96x128xf32, #tpu.memory_space<vmem>>, vector<16xf32>,
        %mul3A_1093 = arith.mulf %get3A_1092, %get3A_108 : vector<16xf32>
        %add3A_1094 = arith.addf %add3A_1089, %mul3A_1093 : vector<16xf32>
        %eq3A_1095 = arith.constant 15 : i32
        %eq3A_1096 = vector.broadcast %eq3A_1095 : i32 to vector<16xi32>
        %eq3A_1097 = arith.cmpi eq, %iota3A, %eq3A_1096 : vector<16xi32>
        %reduce_sum3A_1098 = arith.constant true
        %reduce_sum3A_1099 = vector.broadcast %reduce_sum3A_1098 : i1 to vector<16xi1>
        %reduce_sum3A_1100 = tpu.scan <sum>, %add3A_1094 masked %reduce_sum3A_1099 : vector<16xf32>, vector<16xi1> -> vector<16xf32>
        %reduce_sum3A_1101 = vector.extract %reduce_sum3A_1100[15] : f32 from vector<16xf32>
        %broadcast_in_dim3A_1102 = vector.broadcast %reduce_sum3A_1101 : f32 to vector<16xf32>
        %select_n3A_1103 = arith.select %eq3A_1097, %broadcast_in_dim3A_1102, %select_n3A_1051 : vector<16xi1>, vector<16xf32>
        %mul3A_1104 = arith.constant 16 : i32
        %mul3A_1105 = arith.muli %add3A_272, %mul3A_1104 : i32
        %swap3A = arith.index_cast %mul3A_1105 : i32 to index
        %swap3A_1106 = tpu.vector_load %arg22[%swap3A] {strides = array<i32>} : memref<96xf32, #tpu.memory_space<vmem>>, vector<16xf32>,
        tpu.vector_store %arg22[%swap3A], %select_n3A_1103 {strides = array<i32>} : memref<96xf32, #tpu.memory_space<vmem>>, vector<16xf32>,
      }
      %scan3A_142 = arith.constant 6 : i32
      %mul3A_143 = arith.constant 96 : i32
      %mul3A_144 = arith.muli %mul3A_45, %mul3A_143 : i32
      %add3A_145 = arith.addi %mul3A_4, %mul3A_144 : i32
      %dma_start3A_146 = tpu.memref_slice %arg10[%add3A_145] : memref<1081344xf32, #tpu.memory_space<hbm>> -> memref<96xf32, #tpu.memory_space<hbm>>
      %dma_start3A_147 = tpu.memref_slice %arg10[%add3A_145] : memref<1081344xf32, #tpu.memory_space<hbm>> -> memref<96xf32, #tpu.memory_space<hbm>>
      tpu.enqueue_dma source(%arg21 : memref<96xf32, #tpu.memory_space<vmem>>) target(%dma_start3A_147 : memref<96xf32, #tpu.memory_space<hbm>>) target_semaphore(%arg31 : memref<!tpu.dma_semaphore, #tpu.memory_space<semaphore_mem>>)
      %mul3A_148 = arith.constant 96 : i32
      %mul3A_149 = arith.muli %mul3A_45, %mul3A_148 : i32
      %add3A_150 = arith.addi %mul3A_4, %mul3A_149 : i32
      %dma_start3A_151 = tpu.memref_slice %arg11[%add3A_150] : memref<1081344xf32, #tpu.memory_space<hbm>> -> memref<96xf32, #tpu.memory_space<hbm>>
      %dma_start3A_152 = tpu.memref_slice %arg11[%add3A_150] : memref<1081344xf32, #tpu.memory_space<hbm>> -> memref<96xf32, #tpu.memory_space<hbm>>
      tpu.enqueue_dma source(%arg22 : memref<96xf32, #tpu.memory_space<vmem>>) target(%dma_start3A_152 : memref<96xf32, #tpu.memory_space<hbm>>) target_semaphore(%arg31 : memref<!tpu.dma_semaphore, #tpu.memory_space<semaphore_mem>>)
      %add3A_153 = arith.constant 2 : i32
      %add3A_154 = arith.addi %mul3A_45, %add3A_153 : i32
      %lt3A = arith.constant 352 : i32
      %lt3A_155 = arith.cmpi slt, %add3A_154, %lt3A : i32
      %convert_element_type3A_156 = arith.extui %lt3A_155 : i1 to i32
      %cond3A_157 = arith.constant 0 : i32
      %cond3A_158 = arith.cmpi ne, %convert_element_type3A_156, %cond3A_157 : i32
      scf.if %cond3A_158 {
        %add3A_268 = arith.constant 2 : i32
        %add3A_269 = arith.addi %mul3A_45, %add3A_268 : i32
        %mul3A_270 = arith.constant 96 : i32
        %mul3A_271 = arith.muli %add3A_269, %mul3A_270 : i32
        %dma_start3A_272 = tpu.memref_slice %arg14[%mul3A_271] : memref<33792xi32, #tpu.memory_space<vmem>> -> memref<96xi32, #tpu.memory_space<vmem>>
        %dma_start3A_273 = arith.constant 0 : i32
        %dma_start3A_274 = arith.constant 0 : i32
        %dma_start3A_275 = tpu.memref_slice %arg2[%dma_start3A_273, %dma_start3A_274] : memref<100000x128xf32, #tpu.memory_space<hbm>> -> memref<100000x128xf32, #tpu.memory_space<hbm>>
        tpu.enqueue_indirect_dma source(%dma_start3A_275 : memref<100000x128xf32, #tpu.memory_space<hbm>>) target(%arg15 : memref<96x128xf32, #tpu.memory_space<vmem>>) offsets(%dma_start3A_272 : memref<96xi32, #tpu.memory_space<vmem>>) semaphore(%arg27 : memref<!tpu.dma_semaphore, #tpu.memory_space<semaphore_mem>>)
        %dma_start3A_276 = tpu.memref_slice %arg14[%mul3A_271] : memref<33792xi32, #tpu.memory_space<vmem>> -> memref<96xi32, #tpu.memory_space<vmem>>
        %dma_start3A_277 = arith.constant 0 : i32
        %dma_start3A_278 = arith.constant 0 : i32
        %dma_start3A_279 = tpu.memref_slice %arg3[%dma_start3A_277, %dma_start3A_278] : memref<100000x128xf32, #tpu.memory_space<hbm>> -> memref<100000x128xf32, #tpu.memory_space<hbm>>
        tpu.enqueue_indirect_dma source(%dma_start3A_279 : memref<100000x128xf32, #tpu.memory_space<hbm>>) target(%arg16 : memref<96x128xf32, #tpu.memory_space<vmem>>) offsets(%dma_start3A_276 : memref<96xi32, #tpu.memory_space<vmem>>) semaphore(%arg28 : memref<!tpu.dma_semaphore, #tpu.memory_space<semaphore_mem>>)
      } else {
      }
      %dma_wait3A_159 = arith.constant 0 : i32
      %dma_wait3A_160 = tpu.memref_slice %arg14[%dma_wait3A_159] : memref<33792xi32, #tpu.memory_space<vmem>> -> memref<96xi32, #tpu.memory_space<vmem>>
      %dma_wait3A_161 = arith.constant 0 : i32
      %dma_wait3A_162 = arith.constant 0 : i32
      %dma_wait3A_163 = tpu.memref_slice %arg2[%dma_wait3A_161, %dma_wait3A_162] : memref<100000x128xf32, #tpu.memory_space<hbm>> -> memref<100000x128xf32, #tpu.memory_space<hbm>>
      tpu.wait_indirect_dma semaphore(%arg29 : memref<!tpu.dma_semaphore, #tpu.memory_space<semaphore_mem>>) src(%dma_wait3A_163 : memref<100000x128xf32, #tpu.memory_space<hbm>>) dst(%arg17 : memref<96x128xf32, #tpu.memory_space<vmem>>)
      %dma_wait3A_164 = arith.constant 0 : i32
      %dma_wait3A_165 = tpu.memref_slice %arg14[%dma_wait3A_164] : memref<33792xi32, #tpu.memory_space<vmem>> -> memref<96xi32, #tpu.memory_space<vmem>>
      %dma_wait3A_166 = arith.constant 0 : i32
      %dma_wait3A_167 = arith.constant 0 : i32
      %dma_wait3A_168 = tpu.memref_slice %arg3[%dma_wait3A_166, %dma_wait3A_167] : memref<100000x128xf32, #tpu.memory_space<hbm>> -> memref<100000x128xf32, #tpu.memory_space<hbm>>
      tpu.wait_indirect_dma semaphore(%arg30 : memref<!tpu.dma_semaphore, #tpu.memory_space<semaphore_mem>>) src(%dma_wait3A_168 : memref<100000x128xf32, #tpu.memory_space<hbm>>) dst(%arg18 : memref<96x128xf32, #tpu.memory_space<vmem>>)
      %gt3A_169 = arith.constant 0 : i32
      %gt3A_170 = arith.cmpi sgt, %add3A_43, %gt3A_169 : i32
      %convert_element_type3A_171 = arith.extui %gt3A_170 : i1 to i32
      %cond3A_172 = arith.constant 0 : i32
      %cond3A_173 = arith.cmpi ne, %convert_element_type3A_171, %cond3A_172 : i32
      scf.if %cond3A_173 {
        %dma_wait3A_268 = tpu.memref_slice %arg10[%mul3A_4] : memref<1081344xf32, #tpu.memory_space<hbm>> -> memref<96xf32, #tpu.memory_space<hbm>>
        %dma_wait3A_269 = tpu.memref_slice %arg10[%mul3A_4] : memref<1081344xf32, #tpu.memory_space<hbm>> -> memref<96xf32, #tpu.memory_space<hbm>>
        tpu.wait_dma2 semaphore(%arg32 : memref<!tpu.dma_semaphore, #tpu.memory_space<semaphore_mem>>) src(%arg23 : memref<96xf32, #tpu.memory_space<vmem>>) dst(%dma_wait3A_269 : memref<96xf32, #tpu.memory_space<hbm>>)
        %dma_wait3A_270 = tpu.memref_slice %arg11[%mul3A_4] : memref<1081344xf32, #tpu.memory_space<hbm>> -> memref<96xf32, #tpu.memory_space<hbm>>
        %dma_wait3A_271 = tpu.memref_slice %arg11[%mul3A_4] : memref<1081344xf32, #tpu.memory_space<hbm>> -> memref<96xf32, #tpu.memory_space<hbm>>
        tpu.wait_dma2 semaphore(%arg32 : memref<!tpu.dma_semaphore, #tpu.memory_space<semaphore_mem>>) src(%arg24 : memref<96xf32, #tpu.memory_space<vmem>>) dst(%dma_wait3A_271 : memref<96xf32, #tpu.memory_space<hbm>>)
      } else {
      }
      %add3A_174 = arith.constant 1 : i32
      %add3A_175 = arith.addi %mul3A_45, %add3A_174 : i32
      %jit3A_176 = arith.constant 11 : i32
      %div3A_177 = arith.divsi %add3A_175, %jit3A_176 : i32
      %sign3A_178 = arith.constant 0 : i32
      %sign3A_179 = arith.cmpi sgt, %add3A_175, %sign3A_178 : i32
      %sign3A_180 = arith.extui %sign3A_179 : i1 to i32
      %sign3A_181 = arith.constant 0 : i32
      %sign3A_182 = arith.cmpi slt, %add3A_175, %sign3A_181 : i32
      %sign3A_183 = arith.extui %sign3A_182 : i1 to i32
      %sign3A_184 = arith.subi %sign3A_180, %sign3A_183 : i32
      %sign3A_185 = arith.constant 0 : i32
      %sign3A_186 = arith.cmpi sgt, %jit3A_176, %sign3A_185 : i32
      %sign3A_187 = arith.extui %sign3A_186 : i1 to i32
      %sign3A_188 = arith.constant 0 : i32
      %sign3A_189 = arith.cmpi slt, %jit3A_176, %sign3A_188 : i32
      %sign3A_190 = arith.extui %sign3A_189 : i1 to i32
      %sign3A_191 = arith.subi %sign3A_187, %sign3A_190 : i32
      %ne3A_192 = arith.cmpi ne, %sign3A_184, %sign3A_191 : i32
      %rem3A_193 = arith.remsi %add3A_175, %jit3A_176 : i32
      %ne3A_194 = arith.constant 0 : i32
      %ne3A_195 = arith.cmpi ne, %rem3A_193, %ne3A_194 : i32
      %and3A_196 = arith.andi %ne3A_192, %ne3A_195 : i1
      %sub3A_197 = arith.constant 1 : i32
      %sub3A_198 = arith.subi %div3A_177, %sub3A_197 : i32
      %select_n3A_199 = arith.select %and3A_196, %sub3A_198, %div3A_177 : i32
      %get3A_200 = arith.index_cast %select_n3A_199 : i32 to index
      %get3A_201 = arith.constant 0 : index
      %get3A_202 = tpu.vector_load %arg19[%get3A_200, %get3A_201] {strides = array<i32>} : memref<32x128xf32, #tpu.memory_space<vmem>>, vector<16xf32>,
      %get3A_203 = arith.index_cast %select_n3A_199 : i32 to index
      %get3A_204 = arith.constant 16 : index
      %get3A_205 = tpu.vector_load %arg19[%get3A_203, %get3A_204] {strides = array<i32>} : memref<32x128xf32, #tpu.memory_space<vmem>>, vector<16xf32>,
      %get3A_206 = arith.index_cast %select_n3A_199 : i32 to index
      %get3A_207 = arith.constant 32 : index
      %get3A_208 = tpu.vector_load %arg19[%get3A_206, %get3A_207] {strides = array<i32>} : memref<32x128xf32, #tpu.memory_space<vmem>>, vector<16xf32>,
      %get3A_209 = arith.index_cast %select_n3A_199 : i32 to index
      %get3A_210 = arith.constant 48 : index
      %get3A_211 = tpu.vector_load %arg19[%get3A_209, %get3A_210] {strides = array<i32>} : memref<32x128xf32, #tpu.memory_space<vmem>>, vector<16xf32>,
      %get3A_212 = arith.index_cast %select_n3A_199 : i32 to index
      %get3A_213 = arith.constant 64 : index
      %get3A_214 = tpu.vector_load %arg19[%get3A_212, %get3A_213] {strides = array<i32>} : memref<32x128xf32, #tpu.memory_space<vmem>>, vector<16xf32>,
      %get3A_215 = arith.index_cast %select_n3A_199 : i32 to index
      %get3A_216 = arith.constant 80 : index
      %get3A_217 = tpu.vector_load %arg19[%get3A_215, %get3A_216] {strides = array<i32>} : memref<32x128xf32, #tpu.memory_space<vmem>>, vector<16xf32>,
      %get3A_218 = arith.index_cast %select_n3A_199 : i32 to index
      %get3A_219 = arith.constant 96 : index
      %get3A_220 = tpu.vector_load %arg19[%get3A_218, %get3A_219] {strides = array<i32>} : memref<32x128xf32, #tpu.memory_space<vmem>>, vector<16xf32>,
      %get3A_221 = arith.index_cast %select_n3A_199 : i32 to index
      %get3A_222 = arith.constant 112 : index
      %get3A_223 = tpu.vector_load %arg19[%get3A_221, %get3A_222] {strides = array<i32>} : memref<32x128xf32, #tpu.memory_space<vmem>>, vector<16xf32>,
      %get3A_224 = arith.index_cast %select_n3A_199 : i32 to index
      %get3A_225 = arith.constant 0 : index
      %get3A_226 = tpu.vector_load %arg20[%get3A_224, %get3A_225] {strides = array<i32>} : memref<32x128xf32, #tpu.memory_space<vmem>>, vector<16xf32>,
      %get3A_227 = arith.index_cast %select_n3A_199 : i32 to index
      %get3A_228 = arith.constant 16 : index
      %get3A_229 = tpu.vector_load %arg20[%get3A_227, %get3A_228] {strides = array<i32>} : memref<32x128xf32, #tpu.memory_space<vmem>>, vector<16xf32>,
      %get3A_230 = arith.index_cast %select_n3A_199 : i32 to index
      %get3A_231 = arith.constant 32 : index
      %get3A_232 = tpu.vector_load %arg20[%get3A_230, %get3A_231] {strides = array<i32>} : memref<32x128xf32, #tpu.memory_space<vmem>>, vector<16xf32>,
      %get3A_233 = arith.index_cast %select_n3A_199 : i32 to index
      %get3A_234 = arith.constant 48 : index
      %get3A_235 = tpu.vector_load %arg20[%get3A_233, %get3A_234] {strides = array<i32>} : memref<32x128xf32, #tpu.memory_space<vmem>>, vector<16xf32>,
      %get3A_236 = arith.index_cast %select_n3A_199 : i32 to index
      %get3A_237 = arith.constant 64 : index
      %get3A_238 = tpu.vector_load %arg20[%get3A_236, %get3A_237] {strides = array<i32>} : memref<32x128xf32, #tpu.memory_space<vmem>>, vector<16xf32>,
      %get3A_239 = arith.index_cast %select_n3A_199 : i32 to index
      %get3A_240 = arith.constant 80 : index
      %get3A_241 = tpu.vector_load %arg20[%get3A_239, %get3A_240] {strides = array<i32>} : memref<32x128xf32, #tpu.memory_space<vmem>>, vector<16xf32>,
      %get3A_242 = arith.index_cast %select_n3A_199 : i32 to index
      %get3A_243 = arith.constant 96 : index
      %get3A_244 = tpu.vector_load %arg20[%get3A_242, %get3A_243] {strides = array<i32>} : memref<32x128xf32, #tpu.memory_space<vmem>>, vector<16xf32>,
      %get3A_245 = arith.index_cast %select_n3A_199 : i32 to index
      %get3A_246 = arith.constant 112 : index
      %get3A_247 = tpu.vector_load %arg20[%get3A_245, %get3A_246] {strides = array<i32>} : memref<32x128xf32, #tpu.memory_space<vmem>>, vector<16xf32>,
      %scan3A_248 = arith.constant 0 : i32
      %scan3A_249 = arith.constant 6 : i32
      %scan3A_250 = arith.addi %scan3A_248, %scan3A_249 : i32
      %scan3A_251 = arith.constant 1 : i32
      scf.for %scan3A_268 = %scan3A_248 to %scan3A_250 step %scan3A_251  : i32 {
        %mul3A_269 = arith.constant 1 : i32
        %mul3A_270 = arith.muli %scan3A_268, %mul3A_269 : i32
        %add3A_271 = arith.constant 0 : i32
        %add3A_272 = arith.addi %add3A_271, %mul3A_270 : i32
        %broadcast_in_dim3A = arith.constant 0.000000e+00 : f32
        %broadcast_in_dim3A_273 = vector.broadcast %broadcast_in_dim3A : f32 to vector<16xf32>
        %mul3A_274 = arith.constant 16 : i32
        %mul3A_275 = arith.muli %add3A_272, %mul3A_274 : i32
        %add3A_276 = arith.constant 0 : i32
        %add3A_277 = arith.addi %mul3A_275, %add3A_276 : i32
        %get3A_278 = arith.index_cast %add3A_277 : i32 to index
        %get3A_279 = arith.constant 0 : index
        %get3A_280 = tpu.vector_load %arg17[%get3A_278, %get3A_279] {strides = array<i32>} : memref<96x128xf32, #tpu.memory_space<vmem>>, vector<16xf32>,
        %mul3A_281 = arith.mulf %get3A_280, %get3A_226 : vector<16xf32>
        %get3A_282 = arith.index_cast %add3A_277 : i32 to index
        %get3A_283 = arith.constant 16 : index
        %get3A_284 = tpu.vector_load %arg17[%get3A_282, %get3A_283] {strides = array<i32>} : memref<96x128xf32, #tpu.memory_space<vmem>>, vector<16xf32>,
        %mul3A_285 = arith.mulf %get3A_284, %get3A_229 : vector<16xf32>
        %add3A_286 = arith.addf %mul3A_281, %mul3A_285 : vector<16xf32>
        %get3A_287 = arith.index_cast %add3A_277 : i32 to index
        %get3A_288 = arith.constant 32 : index
        %get3A_289 = tpu.vector_load %arg17[%get3A_287, %get3A_288] {strides = array<i32>} : memref<96x128xf32, #tpu.memory_space<vmem>>, vector<16xf32>,
        %mul3A_290 = arith.mulf %get3A_289, %get3A_232 : vector<16xf32>
        %add3A_291 = arith.addf %add3A_286, %mul3A_290 : vector<16xf32>
        %get3A_292 = arith.index_cast %add3A_277 : i32 to index
        %get3A_293 = arith.constant 48 : index
        %get3A_294 = tpu.vector_load %arg17[%get3A_292, %get3A_293] {strides = array<i32>} : memref<96x128xf32, #tpu.memory_space<vmem>>, vector<16xf32>,
        %mul3A_295 = arith.mulf %get3A_294, %get3A_235 : vector<16xf32>
        %add3A_296 = arith.addf %add3A_291, %mul3A_295 : vector<16xf32>
        %get3A_297 = arith.index_cast %add3A_277 : i32 to index
        %get3A_298 = arith.constant 64 : index
        %get3A_299 = tpu.vector_load %arg17[%get3A_297, %get3A_298] {strides = array<i32>} : memref<96x128xf32, #tpu.memory_space<vmem>>, vector<16xf32>,
        %mul3A_300 = arith.mulf %get3A_299, %get3A_238 : vector<16xf32>
        %add3A_301 = arith.addf %add3A_296, %mul3A_300 : vector<16xf32>
        %get3A_302 = arith.index_cast %add3A_277 : i32 to index
        %get3A_303 = arith.constant 80 : index
        %get3A_304 = tpu.vector_load %arg17[%get3A_302, %get3A_303] {strides = array<i32>} : memref<96x128xf32, #tpu.memory_space<vmem>>, vector<16xf32>,
        %mul3A_305 = arith.mulf %get3A_304, %get3A_241 : vector<16xf32>
        %add3A_306 = arith.addf %add3A_301, %mul3A_305 : vector<16xf32>
        %get3A_307 = arith.index_cast %add3A_277 : i32 to index
        %get3A_308 = arith.constant 96 : index
        %get3A_309 = tpu.vector_load %arg17[%get3A_307, %get3A_308] {strides = array<i32>} : memref<96x128xf32, #tpu.memory_space<vmem>>, vector<16xf32>,
        %mul3A_310 = arith.mulf %get3A_309, %get3A_244 : vector<16xf32>
        %add3A_311 = arith.addf %add3A_306, %mul3A_310 : vector<16xf32>
        %get3A_312 = arith.index_cast %add3A_277 : i32 to index
        %get3A_313 = arith.constant 112 : index
        %get3A_314 = tpu.vector_load %arg17[%get3A_312, %get3A_313] {strides = array<i32>} : memref<96x128xf32, #tpu.memory_space<vmem>>, vector<16xf32>,
        %mul3A_315 = arith.mulf %get3A_314, %get3A_247 : vector<16xf32>
        %add3A_316 = arith.addf %add3A_311, %mul3A_315 : vector<16xf32>
        %eq3A = arith.constant 0 : i32
        %eq3A_317 = vector.broadcast %eq3A : i32 to vector<16xi32>
        %eq3A_318 = arith.cmpi eq, %iota3A, %eq3A_317 : vector<16xi32>
        %reduce_sum3A = arith.constant true
        %reduce_sum3A_319 = vector.broadcast %reduce_sum3A : i1 to vector<16xi1>
        %reduce_sum3A_320 = tpu.scan <sum>, %add3A_316 masked %reduce_sum3A_319 : vector<16xf32>, vector<16xi1> -> vector<16xf32>
        %reduce_sum3A_321 = vector.extract %reduce_sum3A_320[15] : f32 from vector<16xf32>
        %broadcast_in_dim3A_322 = vector.broadcast %reduce_sum3A_321 : f32 to vector<16xf32>
        %select_n3A_323 = arith.select %eq3A_318, %broadcast_in_dim3A_322, %broadcast_in_dim3A_273 : vector<16xi1>, vector<16xf32>
        %mul3A_324 = arith.constant 16 : i32
        %mul3A_325 = arith.muli %add3A_272, %mul3A_324 : i32
        %add3A_326 = arith.constant 1 : i32
        %add3A_327 = arith.addi %mul3A_325, %add3A_326 : i32
        %get3A_328 = arith.index_cast %add3A_327 : i32 to index
        %get3A_329 = arith.constant 0 : index
        %get3A_330 = tpu.vector_load %arg17[%get3A_328, %get3A_329] {strides = array<i32>} : memref<96x128xf32, #tpu.memory_space<vmem>>, vector<16xf32>,
        %mul3A_331 = arith.mulf %get3A_330, %get3A_226 : vector<16xf32>
        %get3A_332 = arith.index_cast %add3A_327 : i32 to index
        %get3A_333 = arith.constant 16 : index
        %get3A_334 = tpu.vector_load %arg17[%get3A_332, %get3A_333] {strides = array<i32>} : memref<96x128xf32, #tpu.memory_space<vmem>>, vector<16xf32>,
        %mul3A_335 = arith.mulf %get3A_334, %get3A_229 : vector<16xf32>
        %add3A_336 = arith.addf %mul3A_331, %mul3A_335 : vector<16xf32>
        %get3A_337 = arith.index_cast %add3A_327 : i32 to index
        %get3A_338 = arith.constant 32 : index
        %get3A_339 = tpu.vector_load %arg17[%get3A_337, %get3A_338] {strides = array<i32>} : memref<96x128xf32, #tpu.memory_space<vmem>>, vector<16xf32>,
        %mul3A_340 = arith.mulf %get3A_339, %get3A_232 : vector<16xf32>
        %add3A_341 = arith.addf %add3A_336, %mul3A_340 : vector<16xf32>
        %get3A_342 = arith.index_cast %add3A_327 : i32 to index
        %get3A_343 = arith.constant 48 : index
        %get3A_344 = tpu.vector_load %arg17[%get3A_342, %get3A_343] {strides = array<i32>} : memref<96x128xf32, #tpu.memory_space<vmem>>, vector<16xf32>,
        %mul3A_345 = arith.mulf %get3A_344, %get3A_235 : vector<16xf32>
        %add3A_346 = arith.addf %add3A_341, %mul3A_345 : vector<16xf32>
        %get3A_347 = arith.index_cast %add3A_327 : i32 to index
        %get3A_348 = arith.constant 64 : index
        %get3A_349 = tpu.vector_load %arg17[%get3A_347, %get3A_348] {strides = array<i32>} : memref<96x128xf32, #tpu.memory_space<vmem>>, vector<16xf32>,
        %mul3A_350 = arith.mulf %get3A_349, %get3A_238 : vector<16xf32>
        %add3A_351 = arith.addf %add3A_346, %mul3A_350 : vector<16xf32>
        %get3A_352 = arith.index_cast %add3A_327 : i32 to index
        %get3A_353 = arith.constant 80 : index
        %get3A_354 = tpu.vector_load %arg17[%get3A_352, %get3A_353] {strides = array<i32>} : memref<96x128xf32, #tpu.memory_space<vmem>>, vector<16xf32>,
        %mul3A_355 = arith.mulf %get3A_354, %get3A_241 : vector<16xf32>
        %add3A_356 = arith.addf %add3A_351, %mul3A_355 : vector<16xf32>
        %get3A_357 = arith.index_cast %add3A_327 : i32 to index
        %get3A_358 = arith.constant 96 : index
        %get3A_359 = tpu.vector_load %arg17[%get3A_357, %get3A_358] {strides = array<i32>} : memref<96x128xf32, #tpu.memory_space<vmem>>, vector<16xf32>,
        %mul3A_360 = arith.mulf %get3A_359, %get3A_244 : vector<16xf32>
        %add3A_361 = arith.addf %add3A_356, %mul3A_360 : vector<16xf32>
        %get3A_362 = arith.index_cast %add3A_327 : i32 to index
        %get3A_363 = arith.constant 112 : index
        %get3A_364 = tpu.vector_load %arg17[%get3A_362, %get3A_363] {strides = array<i32>} : memref<96x128xf32, #tpu.memory_space<vmem>>, vector<16xf32>,
        %mul3A_365 = arith.mulf %get3A_364, %get3A_247 : vector<16xf32>
        %add3A_366 = arith.addf %add3A_361, %mul3A_365 : vector<16xf32>
        %eq3A_367 = arith.constant 1 : i32
        %eq3A_368 = vector.broadcast %eq3A_367 : i32 to vector<16xi32>
        %eq3A_369 = arith.cmpi eq, %iota3A, %eq3A_368 : vector<16xi32>
        %reduce_sum3A_370 = arith.constant true
        %reduce_sum3A_371 = vector.broadcast %reduce_sum3A_370 : i1 to vector<16xi1>
        %reduce_sum3A_372 = tpu.scan <sum>, %add3A_366 masked %reduce_sum3A_371 : vector<16xf32>, vector<16xi1> -> vector<16xf32>
        %reduce_sum3A_373 = vector.extract %reduce_sum3A_372[15] : f32 from vector<16xf32>
        %broadcast_in_dim3A_374 = vector.broadcast %reduce_sum3A_373 : f32 to vector<16xf32>
        %select_n3A_375 = arith.select %eq3A_369, %broadcast_in_dim3A_374, %select_n3A_323 : vector<16xi1>, vector<16xf32>
        %mul3A_376 = arith.constant 16 : i32
        %mul3A_377 = arith.muli %add3A_272, %mul3A_376 : i32
        %add3A_378 = arith.constant 2 : i32
        %add3A_379 = arith.addi %mul3A_377, %add3A_378 : i32
        %get3A_380 = arith.index_cast %add3A_379 : i32 to index
        %get3A_381 = arith.constant 0 : index
        %get3A_382 = tpu.vector_load %arg17[%get3A_380, %get3A_381] {strides = array<i32>} : memref<96x128xf32, #tpu.memory_space<vmem>>, vector<16xf32>,
        %mul3A_383 = arith.mulf %get3A_382, %get3A_226 : vector<16xf32>
        %get3A_384 = arith.index_cast %add3A_379 : i32 to index
        %get3A_385 = arith.constant 16 : index
        %get3A_386 = tpu.vector_load %arg17[%get3A_384, %get3A_385] {strides = array<i32>} : memref<96x128xf32, #tpu.memory_space<vmem>>, vector<16xf32>,
        %mul3A_387 = arith.mulf %get3A_386, %get3A_229 : vector<16xf32>
        %add3A_388 = arith.addf %mul3A_383, %mul3A_387 : vector<16xf32>
        %get3A_389 = arith.index_cast %add3A_379 : i32 to index
        %get3A_390 = arith.constant 32 : index
        %get3A_391 = tpu.vector_load %arg17[%get3A_389, %get3A_390] {strides = array<i32>} : memref<96x128xf32, #tpu.memory_space<vmem>>, vector<16xf32>,
        %mul3A_392 = arith.mulf %get3A_391, %get3A_232 : vector<16xf32>
        %add3A_393 = arith.addf %add3A_388, %mul3A_392 : vector<16xf32>
        %get3A_394 = arith.index_cast %add3A_379 : i32 to index
        %get3A_395 = arith.constant 48 : index
        %get3A_396 = tpu.vector_load %arg17[%get3A_394, %get3A_395] {strides = array<i32>} : memref<96x128xf32, #tpu.memory_space<vmem>>, vector<16xf32>,
        %mul3A_397 = arith.mulf %get3A_396, %get3A_235 : vector<16xf32>
        %add3A_398 = arith.addf %add3A_393, %mul3A_397 : vector<16xf32>
        %get3A_399 = arith.index_cast %add3A_379 : i32 to index
        %get3A_400 = arith.constant 64 : index
        %get3A_401 = tpu.vector_load %arg17[%get3A_399, %get3A_400] {strides = array<i32>} : memref<96x128xf32, #tpu.memory_space<vmem>>, vector<16xf32>,
        %mul3A_402 = arith.mulf %get3A_401, %get3A_238 : vector<16xf32>
        %add3A_403 = arith.addf %add3A_398, %mul3A_402 : vector<16xf32>
        %get3A_404 = arith.index_cast %add3A_379 : i32 to index
        %get3A_405 = arith.constant 80 : index
        %get3A_406 = tpu.vector_load %arg17[%get3A_404, %get3A_405] {strides = array<i32>} : memref<96x128xf32, #tpu.memory_space<vmem>>, vector<16xf32>,
        %mul3A_407 = arith.mulf %get3A_406, %get3A_241 : vector<16xf32>
        %add3A_408 = arith.addf %add3A_403, %mul3A_407 : vector<16xf32>
        %get3A_409 = arith.index_cast %add3A_379 : i32 to index
        %get3A_410 = arith.constant 96 : index
        %get3A_411 = tpu.vector_load %arg17[%get3A_409, %get3A_410] {strides = array<i32>} : memref<96x128xf32, #tpu.memory_space<vmem>>, vector<16xf32>,
        %mul3A_412 = arith.mulf %get3A_411, %get3A_244 : vector<16xf32>
        %add3A_413 = arith.addf %add3A_408, %mul3A_412 : vector<16xf32>
        %get3A_414 = arith.index_cast %add3A_379 : i32 to index
        %get3A_415 = arith.constant 112 : index
        %get3A_416 = tpu.vector_load %arg17[%get3A_414, %get3A_415] {strides = array<i32>} : memref<96x128xf32, #tpu.memory_space<vmem>>, vector<16xf32>,
        %mul3A_417 = arith.mulf %get3A_416, %get3A_247 : vector<16xf32>
        %add3A_418 = arith.addf %add3A_413, %mul3A_417 : vector<16xf32>
        %eq3A_419 = arith.constant 2 : i32
        %eq3A_420 = vector.broadcast %eq3A_419 : i32 to vector<16xi32>
        %eq3A_421 = arith.cmpi eq, %iota3A, %eq3A_420 : vector<16xi32>
        %reduce_sum3A_422 = arith.constant true
        %reduce_sum3A_423 = vector.broadcast %reduce_sum3A_422 : i1 to vector<16xi1>
        %reduce_sum3A_424 = tpu.scan <sum>, %add3A_418 masked %reduce_sum3A_423 : vector<16xf32>, vector<16xi1> -> vector<16xf32>
        %reduce_sum3A_425 = vector.extract %reduce_sum3A_424[15] : f32 from vector<16xf32>
        %broadcast_in_dim3A_426 = vector.broadcast %reduce_sum3A_425 : f32 to vector<16xf32>
        %select_n3A_427 = arith.select %eq3A_421, %broadcast_in_dim3A_426, %select_n3A_375 : vector<16xi1>, vector<16xf32>
        %mul3A_428 = arith.constant 16 : i32
        %mul3A_429 = arith.muli %add3A_272, %mul3A_428 : i32
        %add3A_430 = arith.constant 3 : i32
        %add3A_431 = arith.addi %mul3A_429, %add3A_430 : i32
        %get3A_432 = arith.index_cast %add3A_431 : i32 to index
        %get3A_433 = arith.constant 0 : index
        %get3A_434 = tpu.vector_load %arg17[%get3A_432, %get3A_433] {strides = array<i32>} : memref<96x128xf32, #tpu.memory_space<vmem>>, vector<16xf32>,
        %mul3A_435 = arith.mulf %get3A_434, %get3A_226 : vector<16xf32>
        %get3A_436 = arith.index_cast %add3A_431 : i32 to index
        %get3A_437 = arith.constant 16 : index
        %get3A_438 = tpu.vector_load %arg17[%get3A_436, %get3A_437] {strides = array<i32>} : memref<96x128xf32, #tpu.memory_space<vmem>>, vector<16xf32>,
        %mul3A_439 = arith.mulf %get3A_438, %get3A_229 : vector<16xf32>
        %add3A_440 = arith.addf %mul3A_435, %mul3A_439 : vector<16xf32>
        %get3A_441 = arith.index_cast %add3A_431 : i32 to index
        %get3A_442 = arith.constant 32 : index
        %get3A_443 = tpu.vector_load %arg17[%get3A_441, %get3A_442] {strides = array<i32>} : memref<96x128xf32, #tpu.memory_space<vmem>>, vector<16xf32>,
        %mul3A_444 = arith.mulf %get3A_443, %get3A_232 : vector<16xf32>
        %add3A_445 = arith.addf %add3A_440, %mul3A_444 : vector<16xf32>
        %get3A_446 = arith.index_cast %add3A_431 : i32 to index
        %get3A_447 = arith.constant 48 : index
        %get3A_448 = tpu.vector_load %arg17[%get3A_446, %get3A_447] {strides = array<i32>} : memref<96x128xf32, #tpu.memory_space<vmem>>, vector<16xf32>,
        %mul3A_449 = arith.mulf %get3A_448, %get3A_235 : vector<16xf32>
        %add3A_450 = arith.addf %add3A_445, %mul3A_449 : vector<16xf32>
        %get3A_451 = arith.index_cast %add3A_431 : i32 to index
        %get3A_452 = arith.constant 64 : index
        %get3A_453 = tpu.vector_load %arg17[%get3A_451, %get3A_452] {strides = array<i32>} : memref<96x128xf32, #tpu.memory_space<vmem>>, vector<16xf32>,
        %mul3A_454 = arith.mulf %get3A_453, %get3A_238 : vector<16xf32>
        %add3A_455 = arith.addf %add3A_450, %mul3A_454 : vector<16xf32>
        %get3A_456 = arith.index_cast %add3A_431 : i32 to index
        %get3A_457 = arith.constant 80 : index
        %get3A_458 = tpu.vector_load %arg17[%get3A_456, %get3A_457] {strides = array<i32>} : memref<96x128xf32, #tpu.memory_space<vmem>>, vector<16xf32>,
        %mul3A_459 = arith.mulf %get3A_458, %get3A_241 : vector<16xf32>
        %add3A_460 = arith.addf %add3A_455, %mul3A_459 : vector<16xf32>
        %get3A_461 = arith.index_cast %add3A_431 : i32 to index
        %get3A_462 = arith.constant 96 : index
        %get3A_463 = tpu.vector_load %arg17[%get3A_461, %get3A_462] {strides = array<i32>} : memref<96x128xf32, #tpu.memory_space<vmem>>, vector<16xf32>,
        %mul3A_464 = arith.mulf %get3A_463, %get3A_244 : vector<16xf32>
        %add3A_465 = arith.addf %add3A_460, %mul3A_464 : vector<16xf32>
        %get3A_466 = arith.index_cast %add3A_431 : i32 to index
        %get3A_467 = arith.constant 112 : index
        %get3A_468 = tpu.vector_load %arg17[%get3A_466, %get3A_467] {strides = array<i32>} : memref<96x128xf32, #tpu.memory_space<vmem>>, vector<16xf32>,
        %mul3A_469 = arith.mulf %get3A_468, %get3A_247 : vector<16xf32>
        %add3A_470 = arith.addf %add3A_465, %mul3A_469 : vector<16xf32>
        %eq3A_471 = arith.constant 3 : i32
        %eq3A_472 = vector.broadcast %eq3A_471 : i32 to vector<16xi32>
        %eq3A_473 = arith.cmpi eq, %iota3A, %eq3A_472 : vector<16xi32>
        %reduce_sum3A_474 = arith.constant true
        %reduce_sum3A_475 = vector.broadcast %reduce_sum3A_474 : i1 to vector<16xi1>
        %reduce_sum3A_476 = tpu.scan <sum>, %add3A_470 masked %reduce_sum3A_475 : vector<16xf32>, vector<16xi1> -> vector<16xf32>
        %reduce_sum3A_477 = vector.extract %reduce_sum3A_476[15] : f32 from vector<16xf32>
        %broadcast_in_dim3A_478 = vector.broadcast %reduce_sum3A_477 : f32 to vector<16xf32>
        %select_n3A_479 = arith.select %eq3A_473, %broadcast_in_dim3A_478, %select_n3A_427 : vector<16xi1>, vector<16xf32>
        %mul3A_480 = arith.constant 16 : i32
        %mul3A_481 = arith.muli %add3A_272, %mul3A_480 : i32
        %add3A_482 = arith.constant 4 : i32
        %add3A_483 = arith.addi %mul3A_481, %add3A_482 : i32
        %get3A_484 = arith.index_cast %add3A_483 : i32 to index
        %get3A_485 = arith.constant 0 : index
        %get3A_486 = tpu.vector_load %arg17[%get3A_484, %get3A_485] {strides = array<i32>} : memref<96x128xf32, #tpu.memory_space<vmem>>, vector<16xf32>,
        %mul3A_487 = arith.mulf %get3A_486, %get3A_226 : vector<16xf32>
        %get3A_488 = arith.index_cast %add3A_483 : i32 to index
        %get3A_489 = arith.constant 16 : index
        %get3A_490 = tpu.vector_load %arg17[%get3A_488, %get3A_489] {strides = array<i32>} : memref<96x128xf32, #tpu.memory_space<vmem>>, vector<16xf32>,
        %mul3A_491 = arith.mulf %get3A_490, %get3A_229 : vector<16xf32>
        %add3A_492 = arith.addf %mul3A_487, %mul3A_491 : vector<16xf32>
        %get3A_493 = arith.index_cast %add3A_483 : i32 to index
        %get3A_494 = arith.constant 32 : index
        %get3A_495 = tpu.vector_load %arg17[%get3A_493, %get3A_494] {strides = array<i32>} : memref<96x128xf32, #tpu.memory_space<vmem>>, vector<16xf32>,
        %mul3A_496 = arith.mulf %get3A_495, %get3A_232 : vector<16xf32>
        %add3A_497 = arith.addf %add3A_492, %mul3A_496 : vector<16xf32>
        %get3A_498 = arith.index_cast %add3A_483 : i32 to index
        %get3A_499 = arith.constant 48 : index
        %get3A_500 = tpu.vector_load %arg17[%get3A_498, %get3A_499] {strides = array<i32>} : memref<96x128xf32, #tpu.memory_space<vmem>>, vector<16xf32>,
        %mul3A_501 = arith.mulf %get3A_500, %get3A_235 : vector<16xf32>
        %add3A_502 = arith.addf %add3A_497, %mul3A_501 : vector<16xf32>
        %get3A_503 = arith.index_cast %add3A_483 : i32 to index
        %get3A_504 = arith.constant 64 : index
        %get3A_505 = tpu.vector_load %arg17[%get3A_503, %get3A_504] {strides = array<i32>} : memref<96x128xf32, #tpu.memory_space<vmem>>, vector<16xf32>,
        %mul3A_506 = arith.mulf %get3A_505, %get3A_238 : vector<16xf32>
        %add3A_507 = arith.addf %add3A_502, %mul3A_506 : vector<16xf32>
        %get3A_508 = arith.index_cast %add3A_483 : i32 to index
        %get3A_509 = arith.constant 80 : index
        %get3A_510 = tpu.vector_load %arg17[%get3A_508, %get3A_509] {strides = array<i32>} : memref<96x128xf32, #tpu.memory_space<vmem>>, vector<16xf32>,
        %mul3A_511 = arith.mulf %get3A_510, %get3A_241 : vector<16xf32>
        %add3A_512 = arith.addf %add3A_507, %mul3A_511 : vector<16xf32>
        %get3A_513 = arith.index_cast %add3A_483 : i32 to index
        %get3A_514 = arith.constant 96 : index
        %get3A_515 = tpu.vector_load %arg17[%get3A_513, %get3A_514] {strides = array<i32>} : memref<96x128xf32, #tpu.memory_space<vmem>>, vector<16xf32>,
        %mul3A_516 = arith.mulf %get3A_515, %get3A_244 : vector<16xf32>
        %add3A_517 = arith.addf %add3A_512, %mul3A_516 : vector<16xf32>
        %get3A_518 = arith.index_cast %add3A_483 : i32 to index
        %get3A_519 = arith.constant 112 : index
        %get3A_520 = tpu.vector_load %arg17[%get3A_518, %get3A_519] {strides = array<i32>} : memref<96x128xf32, #tpu.memory_space<vmem>>, vector<16xf32>,
        %mul3A_521 = arith.mulf %get3A_520, %get3A_247 : vector<16xf32>
        %add3A_522 = arith.addf %add3A_517, %mul3A_521 : vector<16xf32>
        %eq3A_523 = arith.constant 4 : i32
        %eq3A_524 = vector.broadcast %eq3A_523 : i32 to vector<16xi32>
        %eq3A_525 = arith.cmpi eq, %iota3A, %eq3A_524 : vector<16xi32>
        %reduce_sum3A_526 = arith.constant true
        %reduce_sum3A_527 = vector.broadcast %reduce_sum3A_526 : i1 to vector<16xi1>
        %reduce_sum3A_528 = tpu.scan <sum>, %add3A_522 masked %reduce_sum3A_527 : vector<16xf32>, vector<16xi1> -> vector<16xf32>
        %reduce_sum3A_529 = vector.extract %reduce_sum3A_528[15] : f32 from vector<16xf32>
        %broadcast_in_dim3A_530 = vector.broadcast %reduce_sum3A_529 : f32 to vector<16xf32>
        %select_n3A_531 = arith.select %eq3A_525, %broadcast_in_dim3A_530, %select_n3A_479 : vector<16xi1>, vector<16xf32>
        %mul3A_532 = arith.constant 16 : i32
        %mul3A_533 = arith.muli %add3A_272, %mul3A_532 : i32
        %add3A_534 = arith.constant 5 : i32
        %add3A_535 = arith.addi %mul3A_533, %add3A_534 : i32
        %get3A_536 = arith.index_cast %add3A_535 : i32 to index
        %get3A_537 = arith.constant 0 : index
        %get3A_538 = tpu.vector_load %arg17[%get3A_536, %get3A_537] {strides = array<i32>} : memref<96x128xf32, #tpu.memory_space<vmem>>, vector<16xf32>,
        %mul3A_539 = arith.mulf %get3A_538, %get3A_226 : vector<16xf32>
        %get3A_540 = arith.index_cast %add3A_535 : i32 to index
        %get3A_541 = arith.constant 16 : index
        %get3A_542 = tpu.vector_load %arg17[%get3A_540, %get3A_541] {strides = array<i32>} : memref<96x128xf32, #tpu.memory_space<vmem>>, vector<16xf32>,
        %mul3A_543 = arith.mulf %get3A_542, %get3A_229 : vector<16xf32>
        %add3A_544 = arith.addf %mul3A_539, %mul3A_543 : vector<16xf32>
        %get3A_545 = arith.index_cast %add3A_535 : i32 to index
        %get3A_546 = arith.constant 32 : index
        %get3A_547 = tpu.vector_load %arg17[%get3A_545, %get3A_546] {strides = array<i32>} : memref<96x128xf32, #tpu.memory_space<vmem>>, vector<16xf32>,
        %mul3A_548 = arith.mulf %get3A_547, %get3A_232 : vector<16xf32>
        %add3A_549 = arith.addf %add3A_544, %mul3A_548 : vector<16xf32>
        %get3A_550 = arith.index_cast %add3A_535 : i32 to index
        %get3A_551 = arith.constant 48 : index
        %get3A_552 = tpu.vector_load %arg17[%get3A_550, %get3A_551] {strides = array<i32>} : memref<96x128xf32, #tpu.memory_space<vmem>>, vector<16xf32>,
        %mul3A_553 = arith.mulf %get3A_552, %get3A_235 : vector<16xf32>
        %add3A_554 = arith.addf %add3A_549, %mul3A_553 : vector<16xf32>
        %get3A_555 = arith.index_cast %add3A_535 : i32 to index
        %get3A_556 = arith.constant 64 : index
        %get3A_557 = tpu.vector_load %arg17[%get3A_555, %get3A_556] {strides = array<i32>} : memref<96x128xf32, #tpu.memory_space<vmem>>, vector<16xf32>,
        %mul3A_558 = arith.mulf %get3A_557, %get3A_238 : vector<16xf32>
        %add3A_559 = arith.addf %add3A_554, %mul3A_558 : vector<16xf32>
        %get3A_560 = arith.index_cast %add3A_535 : i32 to index
        %get3A_561 = arith.constant 80 : index
        %get3A_562 = tpu.vector_load %arg17[%get3A_560, %get3A_561] {strides = array<i32>} : memref<96x128xf32, #tpu.memory_space<vmem>>, vector<16xf32>,
        %mul3A_563 = arith.mulf %get3A_562, %get3A_241 : vector<16xf32>
        %add3A_564 = arith.addf %add3A_559, %mul3A_563 : vector<16xf32>
        %get3A_565 = arith.index_cast %add3A_535 : i32 to index
        %get3A_566 = arith.constant 96 : index
        %get3A_567 = tpu.vector_load %arg17[%get3A_565, %get3A_566] {strides = array<i32>} : memref<96x128xf32, #tpu.memory_space<vmem>>, vector<16xf32>,
        %mul3A_568 = arith.mulf %get3A_567, %get3A_244 : vector<16xf32>
        %add3A_569 = arith.addf %add3A_564, %mul3A_568 : vector<16xf32>
        %get3A_570 = arith.index_cast %add3A_535 : i32 to index
        %get3A_571 = arith.constant 112 : index
        %get3A_572 = tpu.vector_load %arg17[%get3A_570, %get3A_571] {strides = array<i32>} : memref<96x128xf32, #tpu.memory_space<vmem>>, vector<16xf32>,
        %mul3A_573 = arith.mulf %get3A_572, %get3A_247 : vector<16xf32>
        %add3A_574 = arith.addf %add3A_569, %mul3A_573 : vector<16xf32>
        %eq3A_575 = arith.constant 5 : i32
        %eq3A_576 = vector.broadcast %eq3A_575 : i32 to vector<16xi32>
        %eq3A_577 = arith.cmpi eq, %iota3A, %eq3A_576 : vector<16xi32>
        %reduce_sum3A_578 = arith.constant true
        %reduce_sum3A_579 = vector.broadcast %reduce_sum3A_578 : i1 to vector<16xi1>
        %reduce_sum3A_580 = tpu.scan <sum>, %add3A_574 masked %reduce_sum3A_579 : vector<16xf32>, vector<16xi1> -> vector<16xf32>
        %reduce_sum3A_581 = vector.extract %reduce_sum3A_580[15] : f32 from vector<16xf32>
        %broadcast_in_dim3A_582 = vector.broadcast %reduce_sum3A_581 : f32 to vector<16xf32>
        %select_n3A_583 = arith.select %eq3A_577, %broadcast_in_dim3A_582, %select_n3A_531 : vector<16xi1>, vector<16xf32>
        %mul3A_584 = arith.constant 16 : i32
        %mul3A_585 = arith.muli %add3A_272, %mul3A_584 : i32
        %add3A_586 = arith.constant 6 : i32
        %add3A_587 = arith.addi %mul3A_585, %add3A_586 : i32
        %get3A_588 = arith.index_cast %add3A_587 : i32 to index
        %get3A_589 = arith.constant 0 : index
        %get3A_590 = tpu.vector_load %arg17[%get3A_588, %get3A_589] {strides = array<i32>} : memref<96x128xf32, #tpu.memory_space<vmem>>, vector<16xf32>,
        %mul3A_591 = arith.mulf %get3A_590, %get3A_226 : vector<16xf32>
        %get3A_592 = arith.index_cast %add3A_587 : i32 to index
        %get3A_593 = arith.constant 16 : index
        %get3A_594 = tpu.vector_load %arg17[%get3A_592, %get3A_593] {strides = array<i32>} : memref<96x128xf32, #tpu.memory_space<vmem>>, vector<16xf32>,
        %mul3A_595 = arith.mulf %get3A_594, %get3A_229 : vector<16xf32>
        %add3A_596 = arith.addf %mul3A_591, %mul3A_595 : vector<16xf32>
        %get3A_597 = arith.index_cast %add3A_587 : i32 to index
        %get3A_598 = arith.constant 32 : index
        %get3A_599 = tpu.vector_load %arg17[%get3A_597, %get3A_598] {strides = array<i32>} : memref<96x128xf32, #tpu.memory_space<vmem>>, vector<16xf32>,
        %mul3A_600 = arith.mulf %get3A_599, %get3A_232 : vector<16xf32>
        %add3A_601 = arith.addf %add3A_596, %mul3A_600 : vector<16xf32>
        %get3A_602 = arith.index_cast %add3A_587 : i32 to index
        %get3A_603 = arith.constant 48 : index
        %get3A_604 = tpu.vector_load %arg17[%get3A_602, %get3A_603] {strides = array<i32>} : memref<96x128xf32, #tpu.memory_space<vmem>>, vector<16xf32>,
        %mul3A_605 = arith.mulf %get3A_604, %get3A_235 : vector<16xf32>
        %add3A_606 = arith.addf %add3A_601, %mul3A_605 : vector<16xf32>
        %get3A_607 = arith.index_cast %add3A_587 : i32 to index
        %get3A_608 = arith.constant 64 : index
        %get3A_609 = tpu.vector_load %arg17[%get3A_607, %get3A_608] {strides = array<i32>} : memref<96x128xf32, #tpu.memory_space<vmem>>, vector<16xf32>,
        %mul3A_610 = arith.mulf %get3A_609, %get3A_238 : vector<16xf32>
        %add3A_611 = arith.addf %add3A_606, %mul3A_610 : vector<16xf32>
        %get3A_612 = arith.index_cast %add3A_587 : i32 to index
        %get3A_613 = arith.constant 80 : index
        %get3A_614 = tpu.vector_load %arg17[%get3A_612, %get3A_613] {strides = array<i32>} : memref<96x128xf32, #tpu.memory_space<vmem>>, vector<16xf32>,
        %mul3A_615 = arith.mulf %get3A_614, %get3A_241 : vector<16xf32>
        %add3A_616 = arith.addf %add3A_611, %mul3A_615 : vector<16xf32>
        %get3A_617 = arith.index_cast %add3A_587 : i32 to index
        %get3A_618 = arith.constant 96 : index
        %get3A_619 = tpu.vector_load %arg17[%get3A_617, %get3A_618] {strides = array<i32>} : memref<96x128xf32, #tpu.memory_space<vmem>>, vector<16xf32>,
        %mul3A_620 = arith.mulf %get3A_619, %get3A_244 : vector<16xf32>
        %add3A_621 = arith.addf %add3A_616, %mul3A_620 : vector<16xf32>
        %get3A_622 = arith.index_cast %add3A_587 : i32 to index
        %get3A_623 = arith.constant 112 : index
        %get3A_624 = tpu.vector_load %arg17[%get3A_622, %get3A_623] {strides = array<i32>} : memref<96x128xf32, #tpu.memory_space<vmem>>, vector<16xf32>,
        %mul3A_625 = arith.mulf %get3A_624, %get3A_247 : vector<16xf32>
        %add3A_626 = arith.addf %add3A_621, %mul3A_625 : vector<16xf32>
        %eq3A_627 = arith.constant 6 : i32
        %eq3A_628 = vector.broadcast %eq3A_627 : i32 to vector<16xi32>
        %eq3A_629 = arith.cmpi eq, %iota3A, %eq3A_628 : vector<16xi32>
        %reduce_sum3A_630 = arith.constant true
        %reduce_sum3A_631 = vector.broadcast %reduce_sum3A_630 : i1 to vector<16xi1>
        %reduce_sum3A_632 = tpu.scan <sum>, %add3A_626 masked %reduce_sum3A_631 : vector<16xf32>, vector<16xi1> -> vector<16xf32>
        %reduce_sum3A_633 = vector.extract %reduce_sum3A_632[15] : f32 from vector<16xf32>
        %broadcast_in_dim3A_634 = vector.broadcast %reduce_sum3A_633 : f32 to vector<16xf32>
        %select_n3A_635 = arith.select %eq3A_629, %broadcast_in_dim3A_634, %select_n3A_583 : vector<16xi1>, vector<16xf32>
        %mul3A_636 = arith.constant 16 : i32
        %mul3A_637 = arith.muli %add3A_272, %mul3A_636 : i32
        %add3A_638 = arith.constant 7 : i32
        %add3A_639 = arith.addi %mul3A_637, %add3A_638 : i32
        %get3A_640 = arith.index_cast %add3A_639 : i32 to index
        %get3A_641 = arith.constant 0 : index
        %get3A_642 = tpu.vector_load %arg17[%get3A_640, %get3A_641] {strides = array<i32>} : memref<96x128xf32, #tpu.memory_space<vmem>>, vector<16xf32>,
        %mul3A_643 = arith.mulf %get3A_642, %get3A_226 : vector<16xf32>
        %get3A_644 = arith.index_cast %add3A_639 : i32 to index
        %get3A_645 = arith.constant 16 : index
        %get3A_646 = tpu.vector_load %arg17[%get3A_644, %get3A_645] {strides = array<i32>} : memref<96x128xf32, #tpu.memory_space<vmem>>, vector<16xf32>,
        %mul3A_647 = arith.mulf %get3A_646, %get3A_229 : vector<16xf32>
        %add3A_648 = arith.addf %mul3A_643, %mul3A_647 : vector<16xf32>
        %get3A_649 = arith.index_cast %add3A_639 : i32 to index
        %get3A_650 = arith.constant 32 : index
        %get3A_651 = tpu.vector_load %arg17[%get3A_649, %get3A_650] {strides = array<i32>} : memref<96x128xf32, #tpu.memory_space<vmem>>, vector<16xf32>,
        %mul3A_652 = arith.mulf %get3A_651, %get3A_232 : vector<16xf32>
        %add3A_653 = arith.addf %add3A_648, %mul3A_652 : vector<16xf32>
        %get3A_654 = arith.index_cast %add3A_639 : i32 to index
        %get3A_655 = arith.constant 48 : index
        %get3A_656 = tpu.vector_load %arg17[%get3A_654, %get3A_655] {strides = array<i32>} : memref<96x128xf32, #tpu.memory_space<vmem>>, vector<16xf32>,
        %mul3A_657 = arith.mulf %get3A_656, %get3A_235 : vector<16xf32>
        %add3A_658 = arith.addf %add3A_653, %mul3A_657 : vector<16xf32>
        %get3A_659 = arith.index_cast %add3A_639 : i32 to index
        %get3A_660 = arith.constant 64 : index
        %get3A_661 = tpu.vector_load %arg17[%get3A_659, %get3A_660] {strides = array<i32>} : memref<96x128xf32, #tpu.memory_space<vmem>>, vector<16xf32>,
        %mul3A_662 = arith.mulf %get3A_661, %get3A_238 : vector<16xf32>
        %add3A_663 = arith.addf %add3A_658, %mul3A_662 : vector<16xf32>
        %get3A_664 = arith.index_cast %add3A_639 : i32 to index
        %get3A_665 = arith.constant 80 : index
        %get3A_666 = tpu.vector_load %arg17[%get3A_664, %get3A_665] {strides = array<i32>} : memref<96x128xf32, #tpu.memory_space<vmem>>, vector<16xf32>,
        %mul3A_667 = arith.mulf %get3A_666, %get3A_241 : vector<16xf32>
        %add3A_668 = arith.addf %add3A_663, %mul3A_667 : vector<16xf32>
        %get3A_669 = arith.index_cast %add3A_639 : i32 to index
        %get3A_670 = arith.constant 96 : index
        %get3A_671 = tpu.vector_load %arg17[%get3A_669, %get3A_670] {strides = array<i32>} : memref<96x128xf32, #tpu.memory_space<vmem>>, vector<16xf32>,
        %mul3A_672 = arith.mulf %get3A_671, %get3A_244 : vector<16xf32>
        %add3A_673 = arith.addf %add3A_668, %mul3A_672 : vector<16xf32>
        %get3A_674 = arith.index_cast %add3A_639 : i32 to index
        %get3A_675 = arith.constant 112 : index
        %get3A_676 = tpu.vector_load %arg17[%get3A_674, %get3A_675] {strides = array<i32>} : memref<96x128xf32, #tpu.memory_space<vmem>>, vector<16xf32>,
        %mul3A_677 = arith.mulf %get3A_676, %get3A_247 : vector<16xf32>
        %add3A_678 = arith.addf %add3A_673, %mul3A_677 : vector<16xf32>
        %eq3A_679 = arith.constant 7 : i32
        %eq3A_680 = vector.broadcast %eq3A_679 : i32 to vector<16xi32>
        %eq3A_681 = arith.cmpi eq, %iota3A, %eq3A_680 : vector<16xi32>
        %reduce_sum3A_682 = arith.constant true
        %reduce_sum3A_683 = vector.broadcast %reduce_sum3A_682 : i1 to vector<16xi1>
        %reduce_sum3A_684 = tpu.scan <sum>, %add3A_678 masked %reduce_sum3A_683 : vector<16xf32>, vector<16xi1> -> vector<16xf32>
        %reduce_sum3A_685 = vector.extract %reduce_sum3A_684[15] : f32 from vector<16xf32>
        %broadcast_in_dim3A_686 = vector.broadcast %reduce_sum3A_685 : f32 to vector<16xf32>
        %select_n3A_687 = arith.select %eq3A_681, %broadcast_in_dim3A_686, %select_n3A_635 : vector<16xi1>, vector<16xf32>
        %mul3A_688 = arith.constant 16 : i32
        %mul3A_689 = arith.muli %add3A_272, %mul3A_688 : i32
        %add3A_690 = arith.constant 8 : i32
        %add3A_691 = arith.addi %mul3A_689, %add3A_690 : i32
        %get3A_692 = arith.index_cast %add3A_691 : i32 to index
        %get3A_693 = arith.constant 0 : index
        %get3A_694 = tpu.vector_load %arg17[%get3A_692, %get3A_693] {strides = array<i32>} : memref<96x128xf32, #tpu.memory_space<vmem>>, vector<16xf32>,
        %mul3A_695 = arith.mulf %get3A_694, %get3A_226 : vector<16xf32>
        %get3A_696 = arith.index_cast %add3A_691 : i32 to index
        %get3A_697 = arith.constant 16 : index
        %get3A_698 = tpu.vector_load %arg17[%get3A_696, %get3A_697] {strides = array<i32>} : memref<96x128xf32, #tpu.memory_space<vmem>>, vector<16xf32>,
        %mul3A_699 = arith.mulf %get3A_698, %get3A_229 : vector<16xf32>
        %add3A_700 = arith.addf %mul3A_695, %mul3A_699 : vector<16xf32>
        %get3A_701 = arith.index_cast %add3A_691 : i32 to index
        %get3A_702 = arith.constant 32 : index
        %get3A_703 = tpu.vector_load %arg17[%get3A_701, %get3A_702] {strides = array<i32>} : memref<96x128xf32, #tpu.memory_space<vmem>>, vector<16xf32>,
        %mul3A_704 = arith.mulf %get3A_703, %get3A_232 : vector<16xf32>
        %add3A_705 = arith.addf %add3A_700, %mul3A_704 : vector<16xf32>
        %get3A_706 = arith.index_cast %add3A_691 : i32 to index
        %get3A_707 = arith.constant 48 : index
        %get3A_708 = tpu.vector_load %arg17[%get3A_706, %get3A_707] {strides = array<i32>} : memref<96x128xf32, #tpu.memory_space<vmem>>, vector<16xf32>,
        %mul3A_709 = arith.mulf %get3A_708, %get3A_235 : vector<16xf32>
        %add3A_710 = arith.addf %add3A_705, %mul3A_709 : vector<16xf32>
        %get3A_711 = arith.index_cast %add3A_691 : i32 to index
        %get3A_712 = arith.constant 64 : index
        %get3A_713 = tpu.vector_load %arg17[%get3A_711, %get3A_712] {strides = array<i32>} : memref<96x128xf32, #tpu.memory_space<vmem>>, vector<16xf32>,
        %mul3A_714 = arith.mulf %get3A_713, %get3A_238 : vector<16xf32>
        %add3A_715 = arith.addf %add3A_710, %mul3A_714 : vector<16xf32>
        %get3A_716 = arith.index_cast %add3A_691 : i32 to index
        %get3A_717 = arith.constant 80 : index
        %get3A_718 = tpu.vector_load %arg17[%get3A_716, %get3A_717] {strides = array<i32>} : memref<96x128xf32, #tpu.memory_space<vmem>>, vector<16xf32>,
        %mul3A_719 = arith.mulf %get3A_718, %get3A_241 : vector<16xf32>
        %add3A_720 = arith.addf %add3A_715, %mul3A_719 : vector<16xf32>
        %get3A_721 = arith.index_cast %add3A_691 : i32 to index
        %get3A_722 = arith.constant 96 : index
        %get3A_723 = tpu.vector_load %arg17[%get3A_721, %get3A_722] {strides = array<i32>} : memref<96x128xf32, #tpu.memory_space<vmem>>, vector<16xf32>,
        %mul3A_724 = arith.mulf %get3A_723, %get3A_244 : vector<16xf32>
        %add3A_725 = arith.addf %add3A_720, %mul3A_724 : vector<16xf32>
        %get3A_726 = arith.index_cast %add3A_691 : i32 to index
        %get3A_727 = arith.constant 112 : index
        %get3A_728 = tpu.vector_load %arg17[%get3A_726, %get3A_727] {strides = array<i32>} : memref<96x128xf32, #tpu.memory_space<vmem>>, vector<16xf32>,
        %mul3A_729 = arith.mulf %get3A_728, %get3A_247 : vector<16xf32>
        %add3A_730 = arith.addf %add3A_725, %mul3A_729 : vector<16xf32>
        %eq3A_731 = arith.constant 8 : i32
        %eq3A_732 = vector.broadcast %eq3A_731 : i32 to vector<16xi32>
        %eq3A_733 = arith.cmpi eq, %iota3A, %eq3A_732 : vector<16xi32>
        %reduce_sum3A_734 = arith.constant true
        %reduce_sum3A_735 = vector.broadcast %reduce_sum3A_734 : i1 to vector<16xi1>
        %reduce_sum3A_736 = tpu.scan <sum>, %add3A_730 masked %reduce_sum3A_735 : vector<16xf32>, vector<16xi1> -> vector<16xf32>
        %reduce_sum3A_737 = vector.extract %reduce_sum3A_736[15] : f32 from vector<16xf32>
        %broadcast_in_dim3A_738 = vector.broadcast %reduce_sum3A_737 : f32 to vector<16xf32>
        %select_n3A_739 = arith.select %eq3A_733, %broadcast_in_dim3A_738, %select_n3A_687 : vector<16xi1>, vector<16xf32>
        %mul3A_740 = arith.constant 16 : i32
        %mul3A_741 = arith.muli %add3A_272, %mul3A_740 : i32
        %add3A_742 = arith.constant 9 : i32
        %add3A_743 = arith.addi %mul3A_741, %add3A_742 : i32
        %get3A_744 = arith.index_cast %add3A_743 : i32 to index
        %get3A_745 = arith.constant 0 : index
        %get3A_746 = tpu.vector_load %arg17[%get3A_744, %get3A_745] {strides = array<i32>} : memref<96x128xf32, #tpu.memory_space<vmem>>, vector<16xf32>,
        %mul3A_747 = arith.mulf %get3A_746, %get3A_226 : vector<16xf32>
        %get3A_748 = arith.index_cast %add3A_743 : i32 to index
        %get3A_749 = arith.constant 16 : index
        %get3A_750 = tpu.vector_load %arg17[%get3A_748, %get3A_749] {strides = array<i32>} : memref<96x128xf32, #tpu.memory_space<vmem>>, vector<16xf32>,
        %mul3A_751 = arith.mulf %get3A_750, %get3A_229 : vector<16xf32>
        %add3A_752 = arith.addf %mul3A_747, %mul3A_751 : vector<16xf32>
        %get3A_753 = arith.index_cast %add3A_743 : i32 to index
        %get3A_754 = arith.constant 32 : index
        %get3A_755 = tpu.vector_load %arg17[%get3A_753, %get3A_754] {strides = array<i32>} : memref<96x128xf32, #tpu.memory_space<vmem>>, vector<16xf32>,
        %mul3A_756 = arith.mulf %get3A_755, %get3A_232 : vector<16xf32>
        %add3A_757 = arith.addf %add3A_752, %mul3A_756 : vector<16xf32>
        %get3A_758 = arith.index_cast %add3A_743 : i32 to index
        %get3A_759 = arith.constant 48 : index
        %get3A_760 = tpu.vector_load %arg17[%get3A_758, %get3A_759] {strides = array<i32>} : memref<96x128xf32, #tpu.memory_space<vmem>>, vector<16xf32>,
        %mul3A_761 = arith.mulf %get3A_760, %get3A_235 : vector<16xf32>
        %add3A_762 = arith.addf %add3A_757, %mul3A_761 : vector<16xf32>
        %get3A_763 = arith.index_cast %add3A_743 : i32 to index
        %get3A_764 = arith.constant 64 : index
        %get3A_765 = tpu.vector_load %arg17[%get3A_763, %get3A_764] {strides = array<i32>} : memref<96x128xf32, #tpu.memory_space<vmem>>, vector<16xf32>,
        %mul3A_766 = arith.mulf %get3A_765, %get3A_238 : vector<16xf32>
        %add3A_767 = arith.addf %add3A_762, %mul3A_766 : vector<16xf32>
        %get3A_768 = arith.index_cast %add3A_743 : i32 to index
        %get3A_769 = arith.constant 80 : index
        %get3A_770 = tpu.vector_load %arg17[%get3A_768, %get3A_769] {strides = array<i32>} : memref<96x128xf32, #tpu.memory_space<vmem>>, vector<16xf32>,
        %mul3A_771 = arith.mulf %get3A_770, %get3A_241 : vector<16xf32>
        %add3A_772 = arith.addf %add3A_767, %mul3A_771 : vector<16xf32>
        %get3A_773 = arith.index_cast %add3A_743 : i32 to index
        %get3A_774 = arith.constant 96 : index
        %get3A_775 = tpu.vector_load %arg17[%get3A_773, %get3A_774] {strides = array<i32>} : memref<96x128xf32, #tpu.memory_space<vmem>>, vector<16xf32>,
        %mul3A_776 = arith.mulf %get3A_775, %get3A_244 : vector<16xf32>
        %add3A_777 = arith.addf %add3A_772, %mul3A_776 : vector<16xf32>
        %get3A_778 = arith.index_cast %add3A_743 : i32 to index
        %get3A_779 = arith.constant 112 : index
        %get3A_780 = tpu.vector_load %arg17[%get3A_778, %get3A_779] {strides = array<i32>} : memref<96x128xf32, #tpu.memory_space<vmem>>, vector<16xf32>,
        %mul3A_781 = arith.mulf %get3A_780, %get3A_247 : vector<16xf32>
        %add3A_782 = arith.addf %add3A_777, %mul3A_781 : vector<16xf32>
        %eq3A_783 = arith.constant 9 : i32
        %eq3A_784 = vector.broadcast %eq3A_783 : i32 to vector<16xi32>
        %eq3A_785 = arith.cmpi eq, %iota3A, %eq3A_784 : vector<16xi32>
        %reduce_sum3A_786 = arith.constant true
        %reduce_sum3A_787 = vector.broadcast %reduce_sum3A_786 : i1 to vector<16xi1>
        %reduce_sum3A_788 = tpu.scan <sum>, %add3A_782 masked %reduce_sum3A_787 : vector<16xf32>, vector<16xi1> -> vector<16xf32>
        %reduce_sum3A_789 = vector.extract %reduce_sum3A_788[15] : f32 from vector<16xf32>
        %broadcast_in_dim3A_790 = vector.broadcast %reduce_sum3A_789 : f32 to vector<16xf32>
        %select_n3A_791 = arith.select %eq3A_785, %broadcast_in_dim3A_790, %select_n3A_739 : vector<16xi1>, vector<16xf32>
        %mul3A_792 = arith.constant 16 : i32
        %mul3A_793 = arith.muli %add3A_272, %mul3A_792 : i32
        %add3A_794 = arith.constant 10 : i32
        %add3A_795 = arith.addi %mul3A_793, %add3A_794 : i32
        %get3A_796 = arith.index_cast %add3A_795 : i32 to index
        %get3A_797 = arith.constant 0 : index
        %get3A_798 = tpu.vector_load %arg17[%get3A_796, %get3A_797] {strides = array<i32>} : memref<96x128xf32, #tpu.memory_space<vmem>>, vector<16xf32>,
        %mul3A_799 = arith.mulf %get3A_798, %get3A_226 : vector<16xf32>
        %get3A_800 = arith.index_cast %add3A_795 : i32 to index
        %get3A_801 = arith.constant 16 : index
        %get3A_802 = tpu.vector_load %arg17[%get3A_800, %get3A_801] {strides = array<i32>} : memref<96x128xf32, #tpu.memory_space<vmem>>, vector<16xf32>,
        %mul3A_803 = arith.mulf %get3A_802, %get3A_229 : vector<16xf32>
        %add3A_804 = arith.addf %mul3A_799, %mul3A_803 : vector<16xf32>
        %get3A_805 = arith.index_cast %add3A_795 : i32 to index
        %get3A_806 = arith.constant 32 : index
        %get3A_807 = tpu.vector_load %arg17[%get3A_805, %get3A_806] {strides = array<i32>} : memref<96x128xf32, #tpu.memory_space<vmem>>, vector<16xf32>,
        %mul3A_808 = arith.mulf %get3A_807, %get3A_232 : vector<16xf32>
        %add3A_809 = arith.addf %add3A_804, %mul3A_808 : vector<16xf32>
        %get3A_810 = arith.index_cast %add3A_795 : i32 to index
        %get3A_811 = arith.constant 48 : index
        %get3A_812 = tpu.vector_load %arg17[%get3A_810, %get3A_811] {strides = array<i32>} : memref<96x128xf32, #tpu.memory_space<vmem>>, vector<16xf32>,
        %mul3A_813 = arith.mulf %get3A_812, %get3A_235 : vector<16xf32>
        %add3A_814 = arith.addf %add3A_809, %mul3A_813 : vector<16xf32>
        %get3A_815 = arith.index_cast %add3A_795 : i32 to index
        %get3A_816 = arith.constant 64 : index
        %get3A_817 = tpu.vector_load %arg17[%get3A_815, %get3A_816] {strides = array<i32>} : memref<96x128xf32, #tpu.memory_space<vmem>>, vector<16xf32>,
        %mul3A_818 = arith.mulf %get3A_817, %get3A_238 : vector<16xf32>
        %add3A_819 = arith.addf %add3A_814, %mul3A_818 : vector<16xf32>
        %get3A_820 = arith.index_cast %add3A_795 : i32 to index
        %get3A_821 = arith.constant 80 : index
        %get3A_822 = tpu.vector_load %arg17[%get3A_820, %get3A_821] {strides = array<i32>} : memref<96x128xf32, #tpu.memory_space<vmem>>, vector<16xf32>,
        %mul3A_823 = arith.mulf %get3A_822, %get3A_241 : vector<16xf32>
        %add3A_824 = arith.addf %add3A_819, %mul3A_823 : vector<16xf32>
        %get3A_825 = arith.index_cast %add3A_795 : i32 to index
        %get3A_826 = arith.constant 96 : index
        %get3A_827 = tpu.vector_load %arg17[%get3A_825, %get3A_826] {strides = array<i32>} : memref<96x128xf32, #tpu.memory_space<vmem>>, vector<16xf32>,
        %mul3A_828 = arith.mulf %get3A_827, %get3A_244 : vector<16xf32>
        %add3A_829 = arith.addf %add3A_824, %mul3A_828 : vector<16xf32>
        %get3A_830 = arith.index_cast %add3A_795 : i32 to index
        %get3A_831 = arith.constant 112 : index
        %get3A_832 = tpu.vector_load %arg17[%get3A_830, %get3A_831] {strides = array<i32>} : memref<96x128xf32, #tpu.memory_space<vmem>>, vector<16xf32>,
        %mul3A_833 = arith.mulf %get3A_832, %get3A_247 : vector<16xf32>
        %add3A_834 = arith.addf %add3A_829, %mul3A_833 : vector<16xf32>
        %eq3A_835 = arith.constant 10 : i32
        %eq3A_836 = vector.broadcast %eq3A_835 : i32 to vector<16xi32>
        %eq3A_837 = arith.cmpi eq, %iota3A, %eq3A_836 : vector<16xi32>
        %reduce_sum3A_838 = arith.constant true
        %reduce_sum3A_839 = vector.broadcast %reduce_sum3A_838 : i1 to vector<16xi1>
        %reduce_sum3A_840 = tpu.scan <sum>, %add3A_834 masked %reduce_sum3A_839 : vector<16xf32>, vector<16xi1> -> vector<16xf32>
        %reduce_sum3A_841 = vector.extract %reduce_sum3A_840[15] : f32 from vector<16xf32>
        %broadcast_in_dim3A_842 = vector.broadcast %reduce_sum3A_841 : f32 to vector<16xf32>
        %select_n3A_843 = arith.select %eq3A_837, %broadcast_in_dim3A_842, %select_n3A_791 : vector<16xi1>, vector<16xf32>
        %mul3A_844 = arith.constant 16 : i32
        %mul3A_845 = arith.muli %add3A_272, %mul3A_844 : i32
        %add3A_846 = arith.constant 11 : i32
        %add3A_847 = arith.addi %mul3A_845, %add3A_846 : i32
        %get3A_848 = arith.index_cast %add3A_847 : i32 to index
        %get3A_849 = arith.constant 0 : index
        %get3A_850 = tpu.vector_load %arg17[%get3A_848, %get3A_849] {strides = array<i32>} : memref<96x128xf32, #tpu.memory_space<vmem>>, vector<16xf32>,
        %mul3A_851 = arith.mulf %get3A_850, %get3A_226 : vector<16xf32>
        %get3A_852 = arith.index_cast %add3A_847 : i32 to index
        %get3A_853 = arith.constant 16 : index
        %get3A_854 = tpu.vector_load %arg17[%get3A_852, %get3A_853] {strides = array<i32>} : memref<96x128xf32, #tpu.memory_space<vmem>>, vector<16xf32>,
        %mul3A_855 = arith.mulf %get3A_854, %get3A_229 : vector<16xf32>
        %add3A_856 = arith.addf %mul3A_851, %mul3A_855 : vector<16xf32>
        %get3A_857 = arith.index_cast %add3A_847 : i32 to index
        %get3A_858 = arith.constant 32 : index
        %get3A_859 = tpu.vector_load %arg17[%get3A_857, %get3A_858] {strides = array<i32>} : memref<96x128xf32, #tpu.memory_space<vmem>>, vector<16xf32>,
        %mul3A_860 = arith.mulf %get3A_859, %get3A_232 : vector<16xf32>
        %add3A_861 = arith.addf %add3A_856, %mul3A_860 : vector<16xf32>
        %get3A_862 = arith.index_cast %add3A_847 : i32 to index
        %get3A_863 = arith.constant 48 : index
        %get3A_864 = tpu.vector_load %arg17[%get3A_862, %get3A_863] {strides = array<i32>} : memref<96x128xf32, #tpu.memory_space<vmem>>, vector<16xf32>,
        %mul3A_865 = arith.mulf %get3A_864, %get3A_235 : vector<16xf32>
        %add3A_866 = arith.addf %add3A_861, %mul3A_865 : vector<16xf32>
        %get3A_867 = arith.index_cast %add3A_847 : i32 to index
        %get3A_868 = arith.constant 64 : index
        %get3A_869 = tpu.vector_load %arg17[%get3A_867, %get3A_868] {strides = array<i32>} : memref<96x128xf32, #tpu.memory_space<vmem>>, vector<16xf32>,
        %mul3A_870 = arith.mulf %get3A_869, %get3A_238 : vector<16xf32>
        %add3A_871 = arith.addf %add3A_866, %mul3A_870 : vector<16xf32>
        %get3A_872 = arith.index_cast %add3A_847 : i32 to index
        %get3A_873 = arith.constant 80 : index
        %get3A_874 = tpu.vector_load %arg17[%get3A_872, %get3A_873] {strides = array<i32>} : memref<96x128xf32, #tpu.memory_space<vmem>>, vector<16xf32>,
        %mul3A_875 = arith.mulf %get3A_874, %get3A_241 : vector<16xf32>
        %add3A_876 = arith.addf %add3A_871, %mul3A_875 : vector<16xf32>
        %get3A_877 = arith.index_cast %add3A_847 : i32 to index
        %get3A_878 = arith.constant 96 : index
        %get3A_879 = tpu.vector_load %arg17[%get3A_877, %get3A_878] {strides = array<i32>} : memref<96x128xf32, #tpu.memory_space<vmem>>, vector<16xf32>,
        %mul3A_880 = arith.mulf %get3A_879, %get3A_244 : vector<16xf32>
        %add3A_881 = arith.addf %add3A_876, %mul3A_880 : vector<16xf32>
        %get3A_882 = arith.index_cast %add3A_847 : i32 to index
        %get3A_883 = arith.constant 112 : index
        %get3A_884 = tpu.vector_load %arg17[%get3A_882, %get3A_883] {strides = array<i32>} : memref<96x128xf32, #tpu.memory_space<vmem>>, vector<16xf32>,
        %mul3A_885 = arith.mulf %get3A_884, %get3A_247 : vector<16xf32>
        %add3A_886 = arith.addf %add3A_881, %mul3A_885 : vector<16xf32>
        %eq3A_887 = arith.constant 11 : i32
        %eq3A_888 = vector.broadcast %eq3A_887 : i32 to vector<16xi32>
        %eq3A_889 = arith.cmpi eq, %iota3A, %eq3A_888 : vector<16xi32>
        %reduce_sum3A_890 = arith.constant true
        %reduce_sum3A_891 = vector.broadcast %reduce_sum3A_890 : i1 to vector<16xi1>
        %reduce_sum3A_892 = tpu.scan <sum>, %add3A_886 masked %reduce_sum3A_891 : vector<16xf32>, vector<16xi1> -> vector<16xf32>
        %reduce_sum3A_893 = vector.extract %reduce_sum3A_892[15] : f32 from vector<16xf32>
        %broadcast_in_dim3A_894 = vector.broadcast %reduce_sum3A_893 : f32 to vector<16xf32>
        %select_n3A_895 = arith.select %eq3A_889, %broadcast_in_dim3A_894, %select_n3A_843 : vector<16xi1>, vector<16xf32>
        %mul3A_896 = arith.constant 16 : i32
        %mul3A_897 = arith.muli %add3A_272, %mul3A_896 : i32
        %add3A_898 = arith.constant 12 : i32
        %add3A_899 = arith.addi %mul3A_897, %add3A_898 : i32
        %get3A_900 = arith.index_cast %add3A_899 : i32 to index
        %get3A_901 = arith.constant 0 : index
        %get3A_902 = tpu.vector_load %arg17[%get3A_900, %get3A_901] {strides = array<i32>} : memref<96x128xf32, #tpu.memory_space<vmem>>, vector<16xf32>,
        %mul3A_903 = arith.mulf %get3A_902, %get3A_226 : vector<16xf32>
        %get3A_904 = arith.index_cast %add3A_899 : i32 to index
        %get3A_905 = arith.constant 16 : index
        %get3A_906 = tpu.vector_load %arg17[%get3A_904, %get3A_905] {strides = array<i32>} : memref<96x128xf32, #tpu.memory_space<vmem>>, vector<16xf32>,
        %mul3A_907 = arith.mulf %get3A_906, %get3A_229 : vector<16xf32>
        %add3A_908 = arith.addf %mul3A_903, %mul3A_907 : vector<16xf32>
        %get3A_909 = arith.index_cast %add3A_899 : i32 to index
        %get3A_910 = arith.constant 32 : index
        %get3A_911 = tpu.vector_load %arg17[%get3A_909, %get3A_910] {strides = array<i32>} : memref<96x128xf32, #tpu.memory_space<vmem>>, vector<16xf32>,
        %mul3A_912 = arith.mulf %get3A_911, %get3A_232 : vector<16xf32>
        %add3A_913 = arith.addf %add3A_908, %mul3A_912 : vector<16xf32>
        %get3A_914 = arith.index_cast %add3A_899 : i32 to index
        %get3A_915 = arith.constant 48 : index
        %get3A_916 = tpu.vector_load %arg17[%get3A_914, %get3A_915] {strides = array<i32>} : memref<96x128xf32, #tpu.memory_space<vmem>>, vector<16xf32>,
        %mul3A_917 = arith.mulf %get3A_916, %get3A_235 : vector<16xf32>
        %add3A_918 = arith.addf %add3A_913, %mul3A_917 : vector<16xf32>
        %get3A_919 = arith.index_cast %add3A_899 : i32 to index
        %get3A_920 = arith.constant 64 : index
        %get3A_921 = tpu.vector_load %arg17[%get3A_919, %get3A_920] {strides = array<i32>} : memref<96x128xf32, #tpu.memory_space<vmem>>, vector<16xf32>,
        %mul3A_922 = arith.mulf %get3A_921, %get3A_238 : vector<16xf32>
        %add3A_923 = arith.addf %add3A_918, %mul3A_922 : vector<16xf32>
        %get3A_924 = arith.index_cast %add3A_899 : i32 to index
        %get3A_925 = arith.constant 80 : index
        %get3A_926 = tpu.vector_load %arg17[%get3A_924, %get3A_925] {strides = array<i32>} : memref<96x128xf32, #tpu.memory_space<vmem>>, vector<16xf32>,
        %mul3A_927 = arith.mulf %get3A_926, %get3A_241 : vector<16xf32>
        %add3A_928 = arith.addf %add3A_923, %mul3A_927 : vector<16xf32>
        %get3A_929 = arith.index_cast %add3A_899 : i32 to index
        %get3A_930 = arith.constant 96 : index
        %get3A_931 = tpu.vector_load %arg17[%get3A_929, %get3A_930] {strides = array<i32>} : memref<96x128xf32, #tpu.memory_space<vmem>>, vector<16xf32>,
        %mul3A_932 = arith.mulf %get3A_931, %get3A_244 : vector<16xf32>
        %add3A_933 = arith.addf %add3A_928, %mul3A_932 : vector<16xf32>
        %get3A_934 = arith.index_cast %add3A_899 : i32 to index
        %get3A_935 = arith.constant 112 : index
        %get3A_936 = tpu.vector_load %arg17[%get3A_934, %get3A_935] {strides = array<i32>} : memref<96x128xf32, #tpu.memory_space<vmem>>, vector<16xf32>,
        %mul3A_937 = arith.mulf %get3A_936, %get3A_247 : vector<16xf32>
        %add3A_938 = arith.addf %add3A_933, %mul3A_937 : vector<16xf32>
        %eq3A_939 = arith.constant 12 : i32
        %eq3A_940 = vector.broadcast %eq3A_939 : i32 to vector<16xi32>
        %eq3A_941 = arith.cmpi eq, %iota3A, %eq3A_940 : vector<16xi32>
        %reduce_sum3A_942 = arith.constant true
        %reduce_sum3A_943 = vector.broadcast %reduce_sum3A_942 : i1 to vector<16xi1>
        %reduce_sum3A_944 = tpu.scan <sum>, %add3A_938 masked %reduce_sum3A_943 : vector<16xf32>, vector<16xi1> -> vector<16xf32>
        %reduce_sum3A_945 = vector.extract %reduce_sum3A_944[15] : f32 from vector<16xf32>
        %broadcast_in_dim3A_946 = vector.broadcast %reduce_sum3A_945 : f32 to vector<16xf32>
        %select_n3A_947 = arith.select %eq3A_941, %broadcast_in_dim3A_946, %select_n3A_895 : vector<16xi1>, vector<16xf32>
        %mul3A_948 = arith.constant 16 : i32
        %mul3A_949 = arith.muli %add3A_272, %mul3A_948 : i32
        %add3A_950 = arith.constant 13 : i32
        %add3A_951 = arith.addi %mul3A_949, %add3A_950 : i32
        %get3A_952 = arith.index_cast %add3A_951 : i32 to index
        %get3A_953 = arith.constant 0 : index
        %get3A_954 = tpu.vector_load %arg17[%get3A_952, %get3A_953] {strides = array<i32>} : memref<96x128xf32, #tpu.memory_space<vmem>>, vector<16xf32>,
        %mul3A_955 = arith.mulf %get3A_954, %get3A_226 : vector<16xf32>
        %get3A_956 = arith.index_cast %add3A_951 : i32 to index
        %get3A_957 = arith.constant 16 : index
        %get3A_958 = tpu.vector_load %arg17[%get3A_956, %get3A_957] {strides = array<i32>} : memref<96x128xf32, #tpu.memory_space<vmem>>, vector<16xf32>,
        %mul3A_959 = arith.mulf %get3A_958, %get3A_229 : vector<16xf32>
        %add3A_960 = arith.addf %mul3A_955, %mul3A_959 : vector<16xf32>
        %get3A_961 = arith.index_cast %add3A_951 : i32 to index
        %get3A_962 = arith.constant 32 : index
        %get3A_963 = tpu.vector_load %arg17[%get3A_961, %get3A_962] {strides = array<i32>} : memref<96x128xf32, #tpu.memory_space<vmem>>, vector<16xf32>,
        %mul3A_964 = arith.mulf %get3A_963, %get3A_232 : vector<16xf32>
        %add3A_965 = arith.addf %add3A_960, %mul3A_964 : vector<16xf32>
        %get3A_966 = arith.index_cast %add3A_951 : i32 to index
        %get3A_967 = arith.constant 48 : index
        %get3A_968 = tpu.vector_load %arg17[%get3A_966, %get3A_967] {strides = array<i32>} : memref<96x128xf32, #tpu.memory_space<vmem>>, vector<16xf32>,
        %mul3A_969 = arith.mulf %get3A_968, %get3A_235 : vector<16xf32>
        %add3A_970 = arith.addf %add3A_965, %mul3A_969 : vector<16xf32>
        %get3A_971 = arith.index_cast %add3A_951 : i32 to index
        %get3A_972 = arith.constant 64 : index
        %get3A_973 = tpu.vector_load %arg17[%get3A_971, %get3A_972] {strides = array<i32>} : memref<96x128xf32, #tpu.memory_space<vmem>>, vector<16xf32>,
        %mul3A_974 = arith.mulf %get3A_973, %get3A_238 : vector<16xf32>
        %add3A_975 = arith.addf %add3A_970, %mul3A_974 : vector<16xf32>
        %get3A_976 = arith.index_cast %add3A_951 : i32 to index
        %get3A_977 = arith.constant 80 : index
        %get3A_978 = tpu.vector_load %arg17[%get3A_976, %get3A_977] {strides = array<i32>} : memref<96x128xf32, #tpu.memory_space<vmem>>, vector<16xf32>,
        %mul3A_979 = arith.mulf %get3A_978, %get3A_241 : vector<16xf32>
        %add3A_980 = arith.addf %add3A_975, %mul3A_979 : vector<16xf32>
        %get3A_981 = arith.index_cast %add3A_951 : i32 to index
        %get3A_982 = arith.constant 96 : index
        %get3A_983 = tpu.vector_load %arg17[%get3A_981, %get3A_982] {strides = array<i32>} : memref<96x128xf32, #tpu.memory_space<vmem>>, vector<16xf32>,
        %mul3A_984 = arith.mulf %get3A_983, %get3A_244 : vector<16xf32>
        %add3A_985 = arith.addf %add3A_980, %mul3A_984 : vector<16xf32>
        %get3A_986 = arith.index_cast %add3A_951 : i32 to index
        %get3A_987 = arith.constant 112 : index
        %get3A_988 = tpu.vector_load %arg17[%get3A_986, %get3A_987] {strides = array<i32>} : memref<96x128xf32, #tpu.memory_space<vmem>>, vector<16xf32>,
        %mul3A_989 = arith.mulf %get3A_988, %get3A_247 : vector<16xf32>
        %add3A_990 = arith.addf %add3A_985, %mul3A_989 : vector<16xf32>
        %eq3A_991 = arith.constant 13 : i32
        %eq3A_992 = vector.broadcast %eq3A_991 : i32 to vector<16xi32>
        %eq3A_993 = arith.cmpi eq, %iota3A, %eq3A_992 : vector<16xi32>
        %reduce_sum3A_994 = arith.constant true
        %reduce_sum3A_995 = vector.broadcast %reduce_sum3A_994 : i1 to vector<16xi1>
        %reduce_sum3A_996 = tpu.scan <sum>, %add3A_990 masked %reduce_sum3A_995 : vector<16xf32>, vector<16xi1> -> vector<16xf32>
        %reduce_sum3A_997 = vector.extract %reduce_sum3A_996[15] : f32 from vector<16xf32>
        %broadcast_in_dim3A_998 = vector.broadcast %reduce_sum3A_997 : f32 to vector<16xf32>
        %select_n3A_999 = arith.select %eq3A_993, %broadcast_in_dim3A_998, %select_n3A_947 : vector<16xi1>, vector<16xf32>
        %mul3A_1000 = arith.constant 16 : i32
        %mul3A_1001 = arith.muli %add3A_272, %mul3A_1000 : i32
        %add3A_1002 = arith.constant 14 : i32
        %add3A_1003 = arith.addi %mul3A_1001, %add3A_1002 : i32
        %get3A_1004 = arith.index_cast %add3A_1003 : i32 to index
        %get3A_1005 = arith.constant 0 : index
        %get3A_1006 = tpu.vector_load %arg17[%get3A_1004, %get3A_1005] {strides = array<i32>} : memref<96x128xf32, #tpu.memory_space<vmem>>, vector<16xf32>,
        %mul3A_1007 = arith.mulf %get3A_1006, %get3A_226 : vector<16xf32>
        %get3A_1008 = arith.index_cast %add3A_1003 : i32 to index
        %get3A_1009 = arith.constant 16 : index
        %get3A_1010 = tpu.vector_load %arg17[%get3A_1008, %get3A_1009] {strides = array<i32>} : memref<96x128xf32, #tpu.memory_space<vmem>>, vector<16xf32>,
        %mul3A_1011 = arith.mulf %get3A_1010, %get3A_229 : vector<16xf32>
        %add3A_1012 = arith.addf %mul3A_1007, %mul3A_1011 : vector<16xf32>
        %get3A_1013 = arith.index_cast %add3A_1003 : i32 to index
        %get3A_1014 = arith.constant 32 : index
        %get3A_1015 = tpu.vector_load %arg17[%get3A_1013, %get3A_1014] {strides = array<i32>} : memref<96x128xf32, #tpu.memory_space<vmem>>, vector<16xf32>,
        %mul3A_1016 = arith.mulf %get3A_1015, %get3A_232 : vector<16xf32>
        %add3A_1017 = arith.addf %add3A_1012, %mul3A_1016 : vector<16xf32>
        %get3A_1018 = arith.index_cast %add3A_1003 : i32 to index
        %get3A_1019 = arith.constant 48 : index
        %get3A_1020 = tpu.vector_load %arg17[%get3A_1018, %get3A_1019] {strides = array<i32>} : memref<96x128xf32, #tpu.memory_space<vmem>>, vector<16xf32>,
        %mul3A_1021 = arith.mulf %get3A_1020, %get3A_235 : vector<16xf32>
        %add3A_1022 = arith.addf %add3A_1017, %mul3A_1021 : vector<16xf32>
        %get3A_1023 = arith.index_cast %add3A_1003 : i32 to index
        %get3A_1024 = arith.constant 64 : index
        %get3A_1025 = tpu.vector_load %arg17[%get3A_1023, %get3A_1024] {strides = array<i32>} : memref<96x128xf32, #tpu.memory_space<vmem>>, vector<16xf32>,
        %mul3A_1026 = arith.mulf %get3A_1025, %get3A_238 : vector<16xf32>
        %add3A_1027 = arith.addf %add3A_1022, %mul3A_1026 : vector<16xf32>
        %get3A_1028 = arith.index_cast %add3A_1003 : i32 to index
        %get3A_1029 = arith.constant 80 : index
        %get3A_1030 = tpu.vector_load %arg17[%get3A_1028, %get3A_1029] {strides = array<i32>} : memref<96x128xf32, #tpu.memory_space<vmem>>, vector<16xf32>,
        %mul3A_1031 = arith.mulf %get3A_1030, %get3A_241 : vector<16xf32>
        %add3A_1032 = arith.addf %add3A_1027, %mul3A_1031 : vector<16xf32>
        %get3A_1033 = arith.index_cast %add3A_1003 : i32 to index
        %get3A_1034 = arith.constant 96 : index
        %get3A_1035 = tpu.vector_load %arg17[%get3A_1033, %get3A_1034] {strides = array<i32>} : memref<96x128xf32, #tpu.memory_space<vmem>>, vector<16xf32>,
        %mul3A_1036 = arith.mulf %get3A_1035, %get3A_244 : vector<16xf32>
        %add3A_1037 = arith.addf %add3A_1032, %mul3A_1036 : vector<16xf32>
        %get3A_1038 = arith.index_cast %add3A_1003 : i32 to index
        %get3A_1039 = arith.constant 112 : index
        %get3A_1040 = tpu.vector_load %arg17[%get3A_1038, %get3A_1039] {strides = array<i32>} : memref<96x128xf32, #tpu.memory_space<vmem>>, vector<16xf32>,
        %mul3A_1041 = arith.mulf %get3A_1040, %get3A_247 : vector<16xf32>
        %add3A_1042 = arith.addf %add3A_1037, %mul3A_1041 : vector<16xf32>
        %eq3A_1043 = arith.constant 14 : i32
        %eq3A_1044 = vector.broadcast %eq3A_1043 : i32 to vector<16xi32>
        %eq3A_1045 = arith.cmpi eq, %iota3A, %eq3A_1044 : vector<16xi32>
        %reduce_sum3A_1046 = arith.constant true
        %reduce_sum3A_1047 = vector.broadcast %reduce_sum3A_1046 : i1 to vector<16xi1>
        %reduce_sum3A_1048 = tpu.scan <sum>, %add3A_1042 masked %reduce_sum3A_1047 : vector<16xf32>, vector<16xi1> -> vector<16xf32>
        %reduce_sum3A_1049 = vector.extract %reduce_sum3A_1048[15] : f32 from vector<16xf32>
        %broadcast_in_dim3A_1050 = vector.broadcast %reduce_sum3A_1049 : f32 to vector<16xf32>
        %select_n3A_1051 = arith.select %eq3A_1045, %broadcast_in_dim3A_1050, %select_n3A_999 : vector<16xi1>, vector<16xf32>
        %mul3A_1052 = arith.constant 16 : i32
        %mul3A_1053 = arith.muli %add3A_272, %mul3A_1052 : i32
        %add3A_1054 = arith.constant 15 : i32
        %add3A_1055 = arith.addi %mul3A_1053, %add3A_1054 : i32
        %get3A_1056 = arith.index_cast %add3A_1055 : i32 to index
        %get3A_1057 = arith.constant 0 : index
        %get3A_1058 = tpu.vector_load %arg17[%get3A_1056, %get3A_1057] {strides = array<i32>} : memref<96x128xf32, #tpu.memory_space<vmem>>, vector<16xf32>,
        %mul3A_1059 = arith.mulf %get3A_1058, %get3A_226 : vector<16xf32>
        %get3A_1060 = arith.index_cast %add3A_1055 : i32 to index
        %get3A_1061 = arith.constant 16 : index
        %get3A_1062 = tpu.vector_load %arg17[%get3A_1060, %get3A_1061] {strides = array<i32>} : memref<96x128xf32, #tpu.memory_space<vmem>>, vector<16xf32>,
        %mul3A_1063 = arith.mulf %get3A_1062, %get3A_229 : vector<16xf32>
        %add3A_1064 = arith.addf %mul3A_1059, %mul3A_1063 : vector<16xf32>
        %get3A_1065 = arith.index_cast %add3A_1055 : i32 to index
        %get3A_1066 = arith.constant 32 : index
        %get3A_1067 = tpu.vector_load %arg17[%get3A_1065, %get3A_1066] {strides = array<i32>} : memref<96x128xf32, #tpu.memory_space<vmem>>, vector<16xf32>,
        %mul3A_1068 = arith.mulf %get3A_1067, %get3A_232 : vector<16xf32>
        %add3A_1069 = arith.addf %add3A_1064, %mul3A_1068 : vector<16xf32>
        %get3A_1070 = arith.index_cast %add3A_1055 : i32 to index
        %get3A_1071 = arith.constant 48 : index
        %get3A_1072 = tpu.vector_load %arg17[%get3A_1070, %get3A_1071] {strides = array<i32>} : memref<96x128xf32, #tpu.memory_space<vmem>>, vector<16xf32>,
        %mul3A_1073 = arith.mulf %get3A_1072, %get3A_235 : vector<16xf32>
        %add3A_1074 = arith.addf %add3A_1069, %mul3A_1073 : vector<16xf32>
        %get3A_1075 = arith.index_cast %add3A_1055 : i32 to index
        %get3A_1076 = arith.constant 64 : index
        %get3A_1077 = tpu.vector_load %arg17[%get3A_1075, %get3A_1076] {strides = array<i32>} : memref<96x128xf32, #tpu.memory_space<vmem>>, vector<16xf32>,
        %mul3A_1078 = arith.mulf %get3A_1077, %get3A_238 : vector<16xf32>
        %add3A_1079 = arith.addf %add3A_1074, %mul3A_1078 : vector<16xf32>
        %get3A_1080 = arith.index_cast %add3A_1055 : i32 to index
        %get3A_1081 = arith.constant 80 : index
        %get3A_1082 = tpu.vector_load %arg17[%get3A_1080, %get3A_1081] {strides = array<i32>} : memref<96x128xf32, #tpu.memory_space<vmem>>, vector<16xf32>,
        %mul3A_1083 = arith.mulf %get3A_1082, %get3A_241 : vector<16xf32>
        %add3A_1084 = arith.addf %add3A_1079, %mul3A_1083 : vector<16xf32>
        %get3A_1085 = arith.index_cast %add3A_1055 : i32 to index
        %get3A_1086 = arith.constant 96 : index
        %get3A_1087 = tpu.vector_load %arg17[%get3A_1085, %get3A_1086] {strides = array<i32>} : memref<96x128xf32, #tpu.memory_space<vmem>>, vector<16xf32>,
        %mul3A_1088 = arith.mulf %get3A_1087, %get3A_244 : vector<16xf32>
        %add3A_1089 = arith.addf %add3A_1084, %mul3A_1088 : vector<16xf32>
        %get3A_1090 = arith.index_cast %add3A_1055 : i32 to index
        %get3A_1091 = arith.constant 112 : index
        %get3A_1092 = tpu.vector_load %arg17[%get3A_1090, %get3A_1091] {strides = array<i32>} : memref<96x128xf32, #tpu.memory_space<vmem>>, vector<16xf32>,
        %mul3A_1093 = arith.mulf %get3A_1092, %get3A_247 : vector<16xf32>
        %add3A_1094 = arith.addf %add3A_1089, %mul3A_1093 : vector<16xf32>
        %eq3A_1095 = arith.constant 15 : i32
        %eq3A_1096 = vector.broadcast %eq3A_1095 : i32 to vector<16xi32>
        %eq3A_1097 = arith.cmpi eq, %iota3A, %eq3A_1096 : vector<16xi32>
        %reduce_sum3A_1098 = arith.constant true
        %reduce_sum3A_1099 = vector.broadcast %reduce_sum3A_1098 : i1 to vector<16xi1>
        %reduce_sum3A_1100 = tpu.scan <sum>, %add3A_1094 masked %reduce_sum3A_1099 : vector<16xf32>, vector<16xi1> -> vector<16xf32>
        %reduce_sum3A_1101 = vector.extract %reduce_sum3A_1100[15] : f32 from vector<16xf32>
        %broadcast_in_dim3A_1102 = vector.broadcast %reduce_sum3A_1101 : f32 to vector<16xf32>
        %select_n3A_1103 = arith.select %eq3A_1097, %broadcast_in_dim3A_1102, %select_n3A_1051 : vector<16xi1>, vector<16xf32>
        %mul3A_1104 = arith.constant 16 : i32
        %mul3A_1105 = arith.muli %add3A_272, %mul3A_1104 : i32
        %swap3A = arith.index_cast %mul3A_1105 : i32 to index
        %swap3A_1106 = tpu.vector_load %arg23[%swap3A] {strides = array<i32>} : memref<96xf32, #tpu.memory_space<vmem>>, vector<16xf32>,
        tpu.vector_store %arg23[%swap3A], %select_n3A_1103 {strides = array<i32>} : memref<96xf32, #tpu.memory_space<vmem>>, vector<16xf32>,
      }
      %scan3A_252 = arith.constant 6 : i32
      %scan3A_253 = arith.constant 0 : i32
      %scan3A_254 = arith.constant 6 : i32
      %scan3A_255 = arith.addi %scan3A_253, %scan3A_254 : i32
      %scan3A_256 = arith.constant 1 : i32
      scf.for %scan3A_268 = %scan3A_253 to %scan3A_255 step %scan3A_256  : i32 {
        %mul3A_269 = arith.constant 1 : i32
        %mul3A_270 = arith.muli %scan3A_268, %mul3A_269 : i32
        %add3A_271 = arith.constant 0 : i32
        %add3A_272 = arith.addi %add3A_271, %mul3A_270 : i32
        %broadcast_in_dim3A = arith.constant 0.000000e+00 : f32
        %broadcast_in_dim3A_273 = vector.broadcast %broadcast_in_dim3A : f32 to vector<16xf32>
        %mul3A_274 = arith.constant 16 : i32
        %mul3A_275 = arith.muli %add3A_272, %mul3A_274 : i32
        %add3A_276 = arith.constant 0 : i32
        %add3A_277 = arith.addi %mul3A_275, %add3A_276 : i32
        %get3A_278 = arith.index_cast %add3A_277 : i32 to index
        %get3A_279 = arith.constant 0 : index
        %get3A_280 = tpu.vector_load %arg18[%get3A_278, %get3A_279] {strides = array<i32>} : memref<96x128xf32, #tpu.memory_space<vmem>>, vector<16xf32>,
        %mul3A_281 = arith.mulf %get3A_280, %get3A_202 : vector<16xf32>
        %get3A_282 = arith.index_cast %add3A_277 : i32 to index
        %get3A_283 = arith.constant 16 : index
        %get3A_284 = tpu.vector_load %arg18[%get3A_282, %get3A_283] {strides = array<i32>} : memref<96x128xf32, #tpu.memory_space<vmem>>, vector<16xf32>,
        %mul3A_285 = arith.mulf %get3A_284, %get3A_205 : vector<16xf32>
        %add3A_286 = arith.addf %mul3A_281, %mul3A_285 : vector<16xf32>
        %get3A_287 = arith.index_cast %add3A_277 : i32 to index
        %get3A_288 = arith.constant 32 : index
        %get3A_289 = tpu.vector_load %arg18[%get3A_287, %get3A_288] {strides = array<i32>} : memref<96x128xf32, #tpu.memory_space<vmem>>, vector<16xf32>,
        %mul3A_290 = arith.mulf %get3A_289, %get3A_208 : vector<16xf32>
        %add3A_291 = arith.addf %add3A_286, %mul3A_290 : vector<16xf32>
        %get3A_292 = arith.index_cast %add3A_277 : i32 to index
        %get3A_293 = arith.constant 48 : index
        %get3A_294 = tpu.vector_load %arg18[%get3A_292, %get3A_293] {strides = array<i32>} : memref<96x128xf32, #tpu.memory_space<vmem>>, vector<16xf32>,
        %mul3A_295 = arith.mulf %get3A_294, %get3A_211 : vector<16xf32>
        %add3A_296 = arith.addf %add3A_291, %mul3A_295 : vector<16xf32>
        %get3A_297 = arith.index_cast %add3A_277 : i32 to index
        %get3A_298 = arith.constant 64 : index
        %get3A_299 = tpu.vector_load %arg18[%get3A_297, %get3A_298] {strides = array<i32>} : memref<96x128xf32, #tpu.memory_space<vmem>>, vector<16xf32>,
        %mul3A_300 = arith.mulf %get3A_299, %get3A_214 : vector<16xf32>
        %add3A_301 = arith.addf %add3A_296, %mul3A_300 : vector<16xf32>
        %get3A_302 = arith.index_cast %add3A_277 : i32 to index
        %get3A_303 = arith.constant 80 : index
        %get3A_304 = tpu.vector_load %arg18[%get3A_302, %get3A_303] {strides = array<i32>} : memref<96x128xf32, #tpu.memory_space<vmem>>, vector<16xf32>,
        %mul3A_305 = arith.mulf %get3A_304, %get3A_217 : vector<16xf32>
        %add3A_306 = arith.addf %add3A_301, %mul3A_305 : vector<16xf32>
        %get3A_307 = arith.index_cast %add3A_277 : i32 to index
        %get3A_308 = arith.constant 96 : index
        %get3A_309 = tpu.vector_load %arg18[%get3A_307, %get3A_308] {strides = array<i32>} : memref<96x128xf32, #tpu.memory_space<vmem>>, vector<16xf32>,
        %mul3A_310 = arith.mulf %get3A_309, %get3A_220 : vector<16xf32>
        %add3A_311 = arith.addf %add3A_306, %mul3A_310 : vector<16xf32>
        %get3A_312 = arith.index_cast %add3A_277 : i32 to index
        %get3A_313 = arith.constant 112 : index
        %get3A_314 = tpu.vector_load %arg18[%get3A_312, %get3A_313] {strides = array<i32>} : memref<96x128xf32, #tpu.memory_space<vmem>>, vector<16xf32>,
        %mul3A_315 = arith.mulf %get3A_314, %get3A_223 : vector<16xf32>
        %add3A_316 = arith.addf %add3A_311, %mul3A_315 : vector<16xf32>
        %eq3A = arith.constant 0 : i32
        %eq3A_317 = vector.broadcast %eq3A : i32 to vector<16xi32>
        %eq3A_318 = arith.cmpi eq, %iota3A, %eq3A_317 : vector<16xi32>
        %reduce_sum3A = arith.constant true
        %reduce_sum3A_319 = vector.broadcast %reduce_sum3A : i1 to vector<16xi1>
        %reduce_sum3A_320 = tpu.scan <sum>, %add3A_316 masked %reduce_sum3A_319 : vector<16xf32>, vector<16xi1> -> vector<16xf32>
        %reduce_sum3A_321 = vector.extract %reduce_sum3A_320[15] : f32 from vector<16xf32>
        %broadcast_in_dim3A_322 = vector.broadcast %reduce_sum3A_321 : f32 to vector<16xf32>
        %select_n3A_323 = arith.select %eq3A_318, %broadcast_in_dim3A_322, %broadcast_in_dim3A_273 : vector<16xi1>, vector<16xf32>
        %mul3A_324 = arith.constant 16 : i32
        %mul3A_325 = arith.muli %add3A_272, %mul3A_324 : i32
        %add3A_326 = arith.constant 1 : i32
        %add3A_327 = arith.addi %mul3A_325, %add3A_326 : i32
        %get3A_328 = arith.index_cast %add3A_327 : i32 to index
        %get3A_329 = arith.constant 0 : index
        %get3A_330 = tpu.vector_load %arg18[%get3A_328, %get3A_329] {strides = array<i32>} : memref<96x128xf32, #tpu.memory_space<vmem>>, vector<16xf32>,
        %mul3A_331 = arith.mulf %get3A_330, %get3A_202 : vector<16xf32>
        %get3A_332 = arith.index_cast %add3A_327 : i32 to index
        %get3A_333 = arith.constant 16 : index
        %get3A_334 = tpu.vector_load %arg18[%get3A_332, %get3A_333] {strides = array<i32>} : memref<96x128xf32, #tpu.memory_space<vmem>>, vector<16xf32>,
        %mul3A_335 = arith.mulf %get3A_334, %get3A_205 : vector<16xf32>
        %add3A_336 = arith.addf %mul3A_331, %mul3A_335 : vector<16xf32>
        %get3A_337 = arith.index_cast %add3A_327 : i32 to index
        %get3A_338 = arith.constant 32 : index
        %get3A_339 = tpu.vector_load %arg18[%get3A_337, %get3A_338] {strides = array<i32>} : memref<96x128xf32, #tpu.memory_space<vmem>>, vector<16xf32>,
        %mul3A_340 = arith.mulf %get3A_339, %get3A_208 : vector<16xf32>
        %add3A_341 = arith.addf %add3A_336, %mul3A_340 : vector<16xf32>
        %get3A_342 = arith.index_cast %add3A_327 : i32 to index
        %get3A_343 = arith.constant 48 : index
        %get3A_344 = tpu.vector_load %arg18[%get3A_342, %get3A_343] {strides = array<i32>} : memref<96x128xf32, #tpu.memory_space<vmem>>, vector<16xf32>,
        %mul3A_345 = arith.mulf %get3A_344, %get3A_211 : vector<16xf32>
        %add3A_346 = arith.addf %add3A_341, %mul3A_345 : vector<16xf32>
        %get3A_347 = arith.index_cast %add3A_327 : i32 to index
        %get3A_348 = arith.constant 64 : index
        %get3A_349 = tpu.vector_load %arg18[%get3A_347, %get3A_348] {strides = array<i32>} : memref<96x128xf32, #tpu.memory_space<vmem>>, vector<16xf32>,
        %mul3A_350 = arith.mulf %get3A_349, %get3A_214 : vector<16xf32>
        %add3A_351 = arith.addf %add3A_346, %mul3A_350 : vector<16xf32>
        %get3A_352 = arith.index_cast %add3A_327 : i32 to index
        %get3A_353 = arith.constant 80 : index
        %get3A_354 = tpu.vector_load %arg18[%get3A_352, %get3A_353] {strides = array<i32>} : memref<96x128xf32, #tpu.memory_space<vmem>>, vector<16xf32>,
        %mul3A_355 = arith.mulf %get3A_354, %get3A_217 : vector<16xf32>
        %add3A_356 = arith.addf %add3A_351, %mul3A_355 : vector<16xf32>
        %get3A_357 = arith.index_cast %add3A_327 : i32 to index
        %get3A_358 = arith.constant 96 : index
        %get3A_359 = tpu.vector_load %arg18[%get3A_357, %get3A_358] {strides = array<i32>} : memref<96x128xf32, #tpu.memory_space<vmem>>, vector<16xf32>,
        %mul3A_360 = arith.mulf %get3A_359, %get3A_220 : vector<16xf32>
        %add3A_361 = arith.addf %add3A_356, %mul3A_360 : vector<16xf32>
        %get3A_362 = arith.index_cast %add3A_327 : i32 to index
        %get3A_363 = arith.constant 112 : index
        %get3A_364 = tpu.vector_load %arg18[%get3A_362, %get3A_363] {strides = array<i32>} : memref<96x128xf32, #tpu.memory_space<vmem>>, vector<16xf32>,
        %mul3A_365 = arith.mulf %get3A_364, %get3A_223 : vector<16xf32>
        %add3A_366 = arith.addf %add3A_361, %mul3A_365 : vector<16xf32>
        %eq3A_367 = arith.constant 1 : i32
        %eq3A_368 = vector.broadcast %eq3A_367 : i32 to vector<16xi32>
        %eq3A_369 = arith.cmpi eq, %iota3A, %eq3A_368 : vector<16xi32>
        %reduce_sum3A_370 = arith.constant true
        %reduce_sum3A_371 = vector.broadcast %reduce_sum3A_370 : i1 to vector<16xi1>
        %reduce_sum3A_372 = tpu.scan <sum>, %add3A_366 masked %reduce_sum3A_371 : vector<16xf32>, vector<16xi1> -> vector<16xf32>
        %reduce_sum3A_373 = vector.extract %reduce_sum3A_372[15] : f32 from vector<16xf32>
        %broadcast_in_dim3A_374 = vector.broadcast %reduce_sum3A_373 : f32 to vector<16xf32>
        %select_n3A_375 = arith.select %eq3A_369, %broadcast_in_dim3A_374, %select_n3A_323 : vector<16xi1>, vector<16xf32>
        %mul3A_376 = arith.constant 16 : i32
        %mul3A_377 = arith.muli %add3A_272, %mul3A_376 : i32
        %add3A_378 = arith.constant 2 : i32
        %add3A_379 = arith.addi %mul3A_377, %add3A_378 : i32
        %get3A_380 = arith.index_cast %add3A_379 : i32 to index
        %get3A_381 = arith.constant 0 : index
        %get3A_382 = tpu.vector_load %arg18[%get3A_380, %get3A_381] {strides = array<i32>} : memref<96x128xf32, #tpu.memory_space<vmem>>, vector<16xf32>,
        %mul3A_383 = arith.mulf %get3A_382, %get3A_202 : vector<16xf32>
        %get3A_384 = arith.index_cast %add3A_379 : i32 to index
        %get3A_385 = arith.constant 16 : index
        %get3A_386 = tpu.vector_load %arg18[%get3A_384, %get3A_385] {strides = array<i32>} : memref<96x128xf32, #tpu.memory_space<vmem>>, vector<16xf32>,
        %mul3A_387 = arith.mulf %get3A_386, %get3A_205 : vector<16xf32>
        %add3A_388 = arith.addf %mul3A_383, %mul3A_387 : vector<16xf32>
        %get3A_389 = arith.index_cast %add3A_379 : i32 to index
        %get3A_390 = arith.constant 32 : index
        %get3A_391 = tpu.vector_load %arg18[%get3A_389, %get3A_390] {strides = array<i32>} : memref<96x128xf32, #tpu.memory_space<vmem>>, vector<16xf32>,
        %mul3A_392 = arith.mulf %get3A_391, %get3A_208 : vector<16xf32>
        %add3A_393 = arith.addf %add3A_388, %mul3A_392 : vector<16xf32>
        %get3A_394 = arith.index_cast %add3A_379 : i32 to index
        %get3A_395 = arith.constant 48 : index
        %get3A_396 = tpu.vector_load %arg18[%get3A_394, %get3A_395] {strides = array<i32>} : memref<96x128xf32, #tpu.memory_space<vmem>>, vector<16xf32>,
        %mul3A_397 = arith.mulf %get3A_396, %get3A_211 : vector<16xf32>
        %add3A_398 = arith.addf %add3A_393, %mul3A_397 : vector<16xf32>
        %get3A_399 = arith.index_cast %add3A_379 : i32 to index
        %get3A_400 = arith.constant 64 : index
        %get3A_401 = tpu.vector_load %arg18[%get3A_399, %get3A_400] {strides = array<i32>} : memref<96x128xf32, #tpu.memory_space<vmem>>, vector<16xf32>,
        %mul3A_402 = arith.mulf %get3A_401, %get3A_214 : vector<16xf32>
        %add3A_403 = arith.addf %add3A_398, %mul3A_402 : vector<16xf32>
        %get3A_404 = arith.index_cast %add3A_379 : i32 to index
        %get3A_405 = arith.constant 80 : index
        %get3A_406 = tpu.vector_load %arg18[%get3A_404, %get3A_405] {strides = array<i32>} : memref<96x128xf32, #tpu.memory_space<vmem>>, vector<16xf32>,
        %mul3A_407 = arith.mulf %get3A_406, %get3A_217 : vector<16xf32>
        %add3A_408 = arith.addf %add3A_403, %mul3A_407 : vector<16xf32>
        %get3A_409 = arith.index_cast %add3A_379 : i32 to index
        %get3A_410 = arith.constant 96 : index
        %get3A_411 = tpu.vector_load %arg18[%get3A_409, %get3A_410] {strides = array<i32>} : memref<96x128xf32, #tpu.memory_space<vmem>>, vector<16xf32>,
        %mul3A_412 = arith.mulf %get3A_411, %get3A_220 : vector<16xf32>
        %add3A_413 = arith.addf %add3A_408, %mul3A_412 : vector<16xf32>
        %get3A_414 = arith.index_cast %add3A_379 : i32 to index
        %get3A_415 = arith.constant 112 : index
        %get3A_416 = tpu.vector_load %arg18[%get3A_414, %get3A_415] {strides = array<i32>} : memref<96x128xf32, #tpu.memory_space<vmem>>, vector<16xf32>,
        %mul3A_417 = arith.mulf %get3A_416, %get3A_223 : vector<16xf32>
        %add3A_418 = arith.addf %add3A_413, %mul3A_417 : vector<16xf32>
        %eq3A_419 = arith.constant 2 : i32
        %eq3A_420 = vector.broadcast %eq3A_419 : i32 to vector<16xi32>
        %eq3A_421 = arith.cmpi eq, %iota3A, %eq3A_420 : vector<16xi32>
        %reduce_sum3A_422 = arith.constant true
        %reduce_sum3A_423 = vector.broadcast %reduce_sum3A_422 : i1 to vector<16xi1>
        %reduce_sum3A_424 = tpu.scan <sum>, %add3A_418 masked %reduce_sum3A_423 : vector<16xf32>, vector<16xi1> -> vector<16xf32>
        %reduce_sum3A_425 = vector.extract %reduce_sum3A_424[15] : f32 from vector<16xf32>
        %broadcast_in_dim3A_426 = vector.broadcast %reduce_sum3A_425 : f32 to vector<16xf32>
        %select_n3A_427 = arith.select %eq3A_421, %broadcast_in_dim3A_426, %select_n3A_375 : vector<16xi1>, vector<16xf32>
        %mul3A_428 = arith.constant 16 : i32
        %mul3A_429 = arith.muli %add3A_272, %mul3A_428 : i32
        %add3A_430 = arith.constant 3 : i32
        %add3A_431 = arith.addi %mul3A_429, %add3A_430 : i32
        %get3A_432 = arith.index_cast %add3A_431 : i32 to index
        %get3A_433 = arith.constant 0 : index
        %get3A_434 = tpu.vector_load %arg18[%get3A_432, %get3A_433] {strides = array<i32>} : memref<96x128xf32, #tpu.memory_space<vmem>>, vector<16xf32>,
        %mul3A_435 = arith.mulf %get3A_434, %get3A_202 : vector<16xf32>
        %get3A_436 = arith.index_cast %add3A_431 : i32 to index
        %get3A_437 = arith.constant 16 : index
        %get3A_438 = tpu.vector_load %arg18[%get3A_436, %get3A_437] {strides = array<i32>} : memref<96x128xf32, #tpu.memory_space<vmem>>, vector<16xf32>,
        %mul3A_439 = arith.mulf %get3A_438, %get3A_205 : vector<16xf32>
        %add3A_440 = arith.addf %mul3A_435, %mul3A_439 : vector<16xf32>
        %get3A_441 = arith.index_cast %add3A_431 : i32 to index
        %get3A_442 = arith.constant 32 : index
        %get3A_443 = tpu.vector_load %arg18[%get3A_441, %get3A_442] {strides = array<i32>} : memref<96x128xf32, #tpu.memory_space<vmem>>, vector<16xf32>,
        %mul3A_444 = arith.mulf %get3A_443, %get3A_208 : vector<16xf32>
        %add3A_445 = arith.addf %add3A_440, %mul3A_444 : vector<16xf32>
        %get3A_446 = arith.index_cast %add3A_431 : i32 to index
        %get3A_447 = arith.constant 48 : index
        %get3A_448 = tpu.vector_load %arg18[%get3A_446, %get3A_447] {strides = array<i32>} : memref<96x128xf32, #tpu.memory_space<vmem>>, vector<16xf32>,
        %mul3A_449 = arith.mulf %get3A_448, %get3A_211 : vector<16xf32>
        %add3A_450 = arith.addf %add3A_445, %mul3A_449 : vector<16xf32>
        %get3A_451 = arith.index_cast %add3A_431 : i32 to index
        %get3A_452 = arith.constant 64 : index
        %get3A_453 = tpu.vector_load %arg18[%get3A_451, %get3A_452] {strides = array<i32>} : memref<96x128xf32, #tpu.memory_space<vmem>>, vector<16xf32>,
        %mul3A_454 = arith.mulf %get3A_453, %get3A_214 : vector<16xf32>
        %add3A_455 = arith.addf %add3A_450, %mul3A_454 : vector<16xf32>
        %get3A_456 = arith.index_cast %add3A_431 : i32 to index
        %get3A_457 = arith.constant 80 : index
        %get3A_458 = tpu.vector_load %arg18[%get3A_456, %get3A_457] {strides = array<i32>} : memref<96x128xf32, #tpu.memory_space<vmem>>, vector<16xf32>,
        %mul3A_459 = arith.mulf %get3A_458, %get3A_217 : vector<16xf32>
        %add3A_460 = arith.addf %add3A_455, %mul3A_459 : vector<16xf32>
        %get3A_461 = arith.index_cast %add3A_431 : i32 to index
        %get3A_462 = arith.constant 96 : index
        %get3A_463 = tpu.vector_load %arg18[%get3A_461, %get3A_462] {strides = array<i32>} : memref<96x128xf32, #tpu.memory_space<vmem>>, vector<16xf32>,
        %mul3A_464 = arith.mulf %get3A_463, %get3A_220 : vector<16xf32>
        %add3A_465 = arith.addf %add3A_460, %mul3A_464 : vector<16xf32>
        %get3A_466 = arith.index_cast %add3A_431 : i32 to index
        %get3A_467 = arith.constant 112 : index
        %get3A_468 = tpu.vector_load %arg18[%get3A_466, %get3A_467] {strides = array<i32>} : memref<96x128xf32, #tpu.memory_space<vmem>>, vector<16xf32>,
        %mul3A_469 = arith.mulf %get3A_468, %get3A_223 : vector<16xf32>
        %add3A_470 = arith.addf %add3A_465, %mul3A_469 : vector<16xf32>
        %eq3A_471 = arith.constant 3 : i32
        %eq3A_472 = vector.broadcast %eq3A_471 : i32 to vector<16xi32>
        %eq3A_473 = arith.cmpi eq, %iota3A, %eq3A_472 : vector<16xi32>
        %reduce_sum3A_474 = arith.constant true
        %reduce_sum3A_475 = vector.broadcast %reduce_sum3A_474 : i1 to vector<16xi1>
        %reduce_sum3A_476 = tpu.scan <sum>, %add3A_470 masked %reduce_sum3A_475 : vector<16xf32>, vector<16xi1> -> vector<16xf32>
        %reduce_sum3A_477 = vector.extract %reduce_sum3A_476[15] : f32 from vector<16xf32>
        %broadcast_in_dim3A_478 = vector.broadcast %reduce_sum3A_477 : f32 to vector<16xf32>
        %select_n3A_479 = arith.select %eq3A_473, %broadcast_in_dim3A_478, %select_n3A_427 : vector<16xi1>, vector<16xf32>
        %mul3A_480 = arith.constant 16 : i32
        %mul3A_481 = arith.muli %add3A_272, %mul3A_480 : i32
        %add3A_482 = arith.constant 4 : i32
        %add3A_483 = arith.addi %mul3A_481, %add3A_482 : i32
        %get3A_484 = arith.index_cast %add3A_483 : i32 to index
        %get3A_485 = arith.constant 0 : index
        %get3A_486 = tpu.vector_load %arg18[%get3A_484, %get3A_485] {strides = array<i32>} : memref<96x128xf32, #tpu.memory_space<vmem>>, vector<16xf32>,
        %mul3A_487 = arith.mulf %get3A_486, %get3A_202 : vector<16xf32>
        %get3A_488 = arith.index_cast %add3A_483 : i32 to index
        %get3A_489 = arith.constant 16 : index
        %get3A_490 = tpu.vector_load %arg18[%get3A_488, %get3A_489] {strides = array<i32>} : memref<96x128xf32, #tpu.memory_space<vmem>>, vector<16xf32>,
        %mul3A_491 = arith.mulf %get3A_490, %get3A_205 : vector<16xf32>
        %add3A_492 = arith.addf %mul3A_487, %mul3A_491 : vector<16xf32>
        %get3A_493 = arith.index_cast %add3A_483 : i32 to index
        %get3A_494 = arith.constant 32 : index
        %get3A_495 = tpu.vector_load %arg18[%get3A_493, %get3A_494] {strides = array<i32>} : memref<96x128xf32, #tpu.memory_space<vmem>>, vector<16xf32>,
        %mul3A_496 = arith.mulf %get3A_495, %get3A_208 : vector<16xf32>
        %add3A_497 = arith.addf %add3A_492, %mul3A_496 : vector<16xf32>
        %get3A_498 = arith.index_cast %add3A_483 : i32 to index
        %get3A_499 = arith.constant 48 : index
        %get3A_500 = tpu.vector_load %arg18[%get3A_498, %get3A_499] {strides = array<i32>} : memref<96x128xf32, #tpu.memory_space<vmem>>, vector<16xf32>,
        %mul3A_501 = arith.mulf %get3A_500, %get3A_211 : vector<16xf32>
        %add3A_502 = arith.addf %add3A_497, %mul3A_501 : vector<16xf32>
        %get3A_503 = arith.index_cast %add3A_483 : i32 to index
        %get3A_504 = arith.constant 64 : index
        %get3A_505 = tpu.vector_load %arg18[%get3A_503, %get3A_504] {strides = array<i32>} : memref<96x128xf32, #tpu.memory_space<vmem>>, vector<16xf32>,
        %mul3A_506 = arith.mulf %get3A_505, %get3A_214 : vector<16xf32>
        %add3A_507 = arith.addf %add3A_502, %mul3A_506 : vector<16xf32>
        %get3A_508 = arith.index_cast %add3A_483 : i32 to index
        %get3A_509 = arith.constant 80 : index
        %get3A_510 = tpu.vector_load %arg18[%get3A_508, %get3A_509] {strides = array<i32>} : memref<96x128xf32, #tpu.memory_space<vmem>>, vector<16xf32>,
        %mul3A_511 = arith.mulf %get3A_510, %get3A_217 : vector<16xf32>
        %add3A_512 = arith.addf %add3A_507, %mul3A_511 : vector<16xf32>
        %get3A_513 = arith.index_cast %add3A_483 : i32 to index
        %get3A_514 = arith.constant 96 : index
        %get3A_515 = tpu.vector_load %arg18[%get3A_513, %get3A_514] {strides = array<i32>} : memref<96x128xf32, #tpu.memory_space<vmem>>, vector<16xf32>,
        %mul3A_516 = arith.mulf %get3A_515, %get3A_220 : vector<16xf32>
        %add3A_517 = arith.addf %add3A_512, %mul3A_516 : vector<16xf32>
        %get3A_518 = arith.index_cast %add3A_483 : i32 to index
        %get3A_519 = arith.constant 112 : index
        %get3A_520 = tpu.vector_load %arg18[%get3A_518, %get3A_519] {strides = array<i32>} : memref<96x128xf32, #tpu.memory_space<vmem>>, vector<16xf32>,
        %mul3A_521 = arith.mulf %get3A_520, %get3A_223 : vector<16xf32>
        %add3A_522 = arith.addf %add3A_517, %mul3A_521 : vector<16xf32>
        %eq3A_523 = arith.constant 4 : i32
        %eq3A_524 = vector.broadcast %eq3A_523 : i32 to vector<16xi32>
        %eq3A_525 = arith.cmpi eq, %iota3A, %eq3A_524 : vector<16xi32>
        %reduce_sum3A_526 = arith.constant true
        %reduce_sum3A_527 = vector.broadcast %reduce_sum3A_526 : i1 to vector<16xi1>
        %reduce_sum3A_528 = tpu.scan <sum>, %add3A_522 masked %reduce_sum3A_527 : vector<16xf32>, vector<16xi1> -> vector<16xf32>
        %reduce_sum3A_529 = vector.extract %reduce_sum3A_528[15] : f32 from vector<16xf32>
        %broadcast_in_dim3A_530 = vector.broadcast %reduce_sum3A_529 : f32 to vector<16xf32>
        %select_n3A_531 = arith.select %eq3A_525, %broadcast_in_dim3A_530, %select_n3A_479 : vector<16xi1>, vector<16xf32>
        %mul3A_532 = arith.constant 16 : i32
        %mul3A_533 = arith.muli %add3A_272, %mul3A_532 : i32
        %add3A_534 = arith.constant 5 : i32
        %add3A_535 = arith.addi %mul3A_533, %add3A_534 : i32
        %get3A_536 = arith.index_cast %add3A_535 : i32 to index
        %get3A_537 = arith.constant 0 : index
        %get3A_538 = tpu.vector_load %arg18[%get3A_536, %get3A_537] {strides = array<i32>} : memref<96x128xf32, #tpu.memory_space<vmem>>, vector<16xf32>,
        %mul3A_539 = arith.mulf %get3A_538, %get3A_202 : vector<16xf32>
        %get3A_540 = arith.index_cast %add3A_535 : i32 to index
        %get3A_541 = arith.constant 16 : index
        %get3A_542 = tpu.vector_load %arg18[%get3A_540, %get3A_541] {strides = array<i32>} : memref<96x128xf32, #tpu.memory_space<vmem>>, vector<16xf32>,
        %mul3A_543 = arith.mulf %get3A_542, %get3A_205 : vector<16xf32>
        %add3A_544 = arith.addf %mul3A_539, %mul3A_543 : vector<16xf32>
        %get3A_545 = arith.index_cast %add3A_535 : i32 to index
        %get3A_546 = arith.constant 32 : index
        %get3A_547 = tpu.vector_load %arg18[%get3A_545, %get3A_546] {strides = array<i32>} : memref<96x128xf32, #tpu.memory_space<vmem>>, vector<16xf32>,
        %mul3A_548 = arith.mulf %get3A_547, %get3A_208 : vector<16xf32>
        %add3A_549 = arith.addf %add3A_544, %mul3A_548 : vector<16xf32>
        %get3A_550 = arith.index_cast %add3A_535 : i32 to index
        %get3A_551 = arith.constant 48 : index
        %get3A_552 = tpu.vector_load %arg18[%get3A_550, %get3A_551] {strides = array<i32>} : memref<96x128xf32, #tpu.memory_space<vmem>>, vector<16xf32>,
        %mul3A_553 = arith.mulf %get3A_552, %get3A_211 : vector<16xf32>
        %add3A_554 = arith.addf %add3A_549, %mul3A_553 : vector<16xf32>
        %get3A_555 = arith.index_cast %add3A_535 : i32 to index
        %get3A_556 = arith.constant 64 : index
        %get3A_557 = tpu.vector_load %arg18[%get3A_555, %get3A_556] {strides = array<i32>} : memref<96x128xf32, #tpu.memory_space<vmem>>, vector<16xf32>,
        %mul3A_558 = arith.mulf %get3A_557, %get3A_214 : vector<16xf32>
        %add3A_559 = arith.addf %add3A_554, %mul3A_558 : vector<16xf32>
        %get3A_560 = arith.index_cast %add3A_535 : i32 to index
        %get3A_561 = arith.constant 80 : index
        %get3A_562 = tpu.vector_load %arg18[%get3A_560, %get3A_561] {strides = array<i32>} : memref<96x128xf32, #tpu.memory_space<vmem>>, vector<16xf32>,
        %mul3A_563 = arith.mulf %get3A_562, %get3A_217 : vector<16xf32>
        %add3A_564 = arith.addf %add3A_559, %mul3A_563 : vector<16xf32>
        %get3A_565 = arith.index_cast %add3A_535 : i32 to index
        %get3A_566 = arith.constant 96 : index
        %get3A_567 = tpu.vector_load %arg18[%get3A_565, %get3A_566] {strides = array<i32>} : memref<96x128xf32, #tpu.memory_space<vmem>>, vector<16xf32>,
        %mul3A_568 = arith.mulf %get3A_567, %get3A_220 : vector<16xf32>
        %add3A_569 = arith.addf %add3A_564, %mul3A_568 : vector<16xf32>
        %get3A_570 = arith.index_cast %add3A_535 : i32 to index
        %get3A_571 = arith.constant 112 : index
        %get3A_572 = tpu.vector_load %arg18[%get3A_570, %get3A_571] {strides = array<i32>} : memref<96x128xf32, #tpu.memory_space<vmem>>, vector<16xf32>,
        %mul3A_573 = arith.mulf %get3A_572, %get3A_223 : vector<16xf32>
        %add3A_574 = arith.addf %add3A_569, %mul3A_573 : vector<16xf32>
        %eq3A_575 = arith.constant 5 : i32
        %eq3A_576 = vector.broadcast %eq3A_575 : i32 to vector<16xi32>
        %eq3A_577 = arith.cmpi eq, %iota3A, %eq3A_576 : vector<16xi32>
        %reduce_sum3A_578 = arith.constant true
        %reduce_sum3A_579 = vector.broadcast %reduce_sum3A_578 : i1 to vector<16xi1>
        %reduce_sum3A_580 = tpu.scan <sum>, %add3A_574 masked %reduce_sum3A_579 : vector<16xf32>, vector<16xi1> -> vector<16xf32>
        %reduce_sum3A_581 = vector.extract %reduce_sum3A_580[15] : f32 from vector<16xf32>
        %broadcast_in_dim3A_582 = vector.broadcast %reduce_sum3A_581 : f32 to vector<16xf32>
        %select_n3A_583 = arith.select %eq3A_577, %broadcast_in_dim3A_582, %select_n3A_531 : vector<16xi1>, vector<16xf32>
        %mul3A_584 = arith.constant 16 : i32
        %mul3A_585 = arith.muli %add3A_272, %mul3A_584 : i32
        %add3A_586 = arith.constant 6 : i32
        %add3A_587 = arith.addi %mul3A_585, %add3A_586 : i32
        %get3A_588 = arith.index_cast %add3A_587 : i32 to index
        %get3A_589 = arith.constant 0 : index
        %get3A_590 = tpu.vector_load %arg18[%get3A_588, %get3A_589] {strides = array<i32>} : memref<96x128xf32, #tpu.memory_space<vmem>>, vector<16xf32>,
        %mul3A_591 = arith.mulf %get3A_590, %get3A_202 : vector<16xf32>
        %get3A_592 = arith.index_cast %add3A_587 : i32 to index
        %get3A_593 = arith.constant 16 : index
        %get3A_594 = tpu.vector_load %arg18[%get3A_592, %get3A_593] {strides = array<i32>} : memref<96x128xf32, #tpu.memory_space<vmem>>, vector<16xf32>,
        %mul3A_595 = arith.mulf %get3A_594, %get3A_205 : vector<16xf32>
        %add3A_596 = arith.addf %mul3A_591, %mul3A_595 : vector<16xf32>
        %get3A_597 = arith.index_cast %add3A_587 : i32 to index
        %get3A_598 = arith.constant 32 : index
        %get3A_599 = tpu.vector_load %arg18[%get3A_597, %get3A_598] {strides = array<i32>} : memref<96x128xf32, #tpu.memory_space<vmem>>, vector<16xf32>,
        %mul3A_600 = arith.mulf %get3A_599, %get3A_208 : vector<16xf32>
        %add3A_601 = arith.addf %add3A_596, %mul3A_600 : vector<16xf32>
        %get3A_602 = arith.index_cast %add3A_587 : i32 to index
        %get3A_603 = arith.constant 48 : index
        %get3A_604 = tpu.vector_load %arg18[%get3A_602, %get3A_603] {strides = array<i32>} : memref<96x128xf32, #tpu.memory_space<vmem>>, vector<16xf32>,
        %mul3A_605 = arith.mulf %get3A_604, %get3A_211 : vector<16xf32>
        %add3A_606 = arith.addf %add3A_601, %mul3A_605 : vector<16xf32>
        %get3A_607 = arith.index_cast %add3A_587 : i32 to index
        %get3A_608 = arith.constant 64 : index
        %get3A_609 = tpu.vector_load %arg18[%get3A_607, %get3A_608] {strides = array<i32>} : memref<96x128xf32, #tpu.memory_space<vmem>>, vector<16xf32>,
        %mul3A_610 = arith.mulf %get3A_609, %get3A_214 : vector<16xf32>
        %add3A_611 = arith.addf %add3A_606, %mul3A_610 : vector<16xf32>
        %get3A_612 = arith.index_cast %add3A_587 : i32 to index
        %get3A_613 = arith.constant 80 : index
        %get3A_614 = tpu.vector_load %arg18[%get3A_612, %get3A_613] {strides = array<i32>} : memref<96x128xf32, #tpu.memory_space<vmem>>, vector<16xf32>,
        %mul3A_615 = arith.mulf %get3A_614, %get3A_217 : vector<16xf32>
        %add3A_616 = arith.addf %add3A_611, %mul3A_615 : vector<16xf32>
        %get3A_617 = arith.index_cast %add3A_587 : i32 to index
        %get3A_618 = arith.constant 96 : index
        %get3A_619 = tpu.vector_load %arg18[%get3A_617, %get3A_618] {strides = array<i32>} : memref<96x128xf32, #tpu.memory_space<vmem>>, vector<16xf32>,
        %mul3A_620 = arith.mulf %get3A_619, %get3A_220 : vector<16xf32>
        %add3A_621 = arith.addf %add3A_616, %mul3A_620 : vector<16xf32>
        %get3A_622 = arith.index_cast %add3A_587 : i32 to index
        %get3A_623 = arith.constant 112 : index
        %get3A_624 = tpu.vector_load %arg18[%get3A_622, %get3A_623] {strides = array<i32>} : memref<96x128xf32, #tpu.memory_space<vmem>>, vector<16xf32>,
        %mul3A_625 = arith.mulf %get3A_624, %get3A_223 : vector<16xf32>
        %add3A_626 = arith.addf %add3A_621, %mul3A_625 : vector<16xf32>
        %eq3A_627 = arith.constant 6 : i32
        %eq3A_628 = vector.broadcast %eq3A_627 : i32 to vector<16xi32>
        %eq3A_629 = arith.cmpi eq, %iota3A, %eq3A_628 : vector<16xi32>
        %reduce_sum3A_630 = arith.constant true
        %reduce_sum3A_631 = vector.broadcast %reduce_sum3A_630 : i1 to vector<16xi1>
        %reduce_sum3A_632 = tpu.scan <sum>, %add3A_626 masked %reduce_sum3A_631 : vector<16xf32>, vector<16xi1> -> vector<16xf32>
        %reduce_sum3A_633 = vector.extract %reduce_sum3A_632[15] : f32 from vector<16xf32>
        %broadcast_in_dim3A_634 = vector.broadcast %reduce_sum3A_633 : f32 to vector<16xf32>
        %select_n3A_635 = arith.select %eq3A_629, %broadcast_in_dim3A_634, %select_n3A_583 : vector<16xi1>, vector<16xf32>
        %mul3A_636 = arith.constant 16 : i32
        %mul3A_637 = arith.muli %add3A_272, %mul3A_636 : i32
        %add3A_638 = arith.constant 7 : i32
        %add3A_639 = arith.addi %mul3A_637, %add3A_638 : i32
        %get3A_640 = arith.index_cast %add3A_639 : i32 to index
        %get3A_641 = arith.constant 0 : index
        %get3A_642 = tpu.vector_load %arg18[%get3A_640, %get3A_641] {strides = array<i32>} : memref<96x128xf32, #tpu.memory_space<vmem>>, vector<16xf32>,
        %mul3A_643 = arith.mulf %get3A_642, %get3A_202 : vector<16xf32>
        %get3A_644 = arith.index_cast %add3A_639 : i32 to index
        %get3A_645 = arith.constant 16 : index
        %get3A_646 = tpu.vector_load %arg18[%get3A_644, %get3A_645] {strides = array<i32>} : memref<96x128xf32, #tpu.memory_space<vmem>>, vector<16xf32>,
        %mul3A_647 = arith.mulf %get3A_646, %get3A_205 : vector<16xf32>
        %add3A_648 = arith.addf %mul3A_643, %mul3A_647 : vector<16xf32>
        %get3A_649 = arith.index_cast %add3A_639 : i32 to index
        %get3A_650 = arith.constant 32 : index
        %get3A_651 = tpu.vector_load %arg18[%get3A_649, %get3A_650] {strides = array<i32>} : memref<96x128xf32, #tpu.memory_space<vmem>>, vector<16xf32>,
        %mul3A_652 = arith.mulf %get3A_651, %get3A_208 : vector<16xf32>
        %add3A_653 = arith.addf %add3A_648, %mul3A_652 : vector<16xf32>
        %get3A_654 = arith.index_cast %add3A_639 : i32 to index
        %get3A_655 = arith.constant 48 : index
        %get3A_656 = tpu.vector_load %arg18[%get3A_654, %get3A_655] {strides = array<i32>} : memref<96x128xf32, #tpu.memory_space<vmem>>, vector<16xf32>,
        %mul3A_657 = arith.mulf %get3A_656, %get3A_211 : vector<16xf32>
        %add3A_658 = arith.addf %add3A_653, %mul3A_657 : vector<16xf32>
        %get3A_659 = arith.index_cast %add3A_639 : i32 to index
        %get3A_660 = arith.constant 64 : index
        %get3A_661 = tpu.vector_load %arg18[%get3A_659, %get3A_660] {strides = array<i32>} : memref<96x128xf32, #tpu.memory_space<vmem>>, vector<16xf32>,
        %mul3A_662 = arith.mulf %get3A_661, %get3A_214 : vector<16xf32>
        %add3A_663 = arith.addf %add3A_658, %mul3A_662 : vector<16xf32>
        %get3A_664 = arith.index_cast %add3A_639 : i32 to index
        %get3A_665 = arith.constant 80 : index
        %get3A_666 = tpu.vector_load %arg18[%get3A_664, %get3A_665] {strides = array<i32>} : memref<96x128xf32, #tpu.memory_space<vmem>>, vector<16xf32>,
        %mul3A_667 = arith.mulf %get3A_666, %get3A_217 : vector<16xf32>
        %add3A_668 = arith.addf %add3A_663, %mul3A_667 : vector<16xf32>
        %get3A_669 = arith.index_cast %add3A_639 : i32 to index
        %get3A_670 = arith.constant 96 : index
        %get3A_671 = tpu.vector_load %arg18[%get3A_669, %get3A_670] {strides = array<i32>} : memref<96x128xf32, #tpu.memory_space<vmem>>, vector<16xf32>,
        %mul3A_672 = arith.mulf %get3A_671, %get3A_220 : vector<16xf32>
        %add3A_673 = arith.addf %add3A_668, %mul3A_672 : vector<16xf32>
        %get3A_674 = arith.index_cast %add3A_639 : i32 to index
        %get3A_675 = arith.constant 112 : index
        %get3A_676 = tpu.vector_load %arg18[%get3A_674, %get3A_675] {strides = array<i32>} : memref<96x128xf32, #tpu.memory_space<vmem>>, vector<16xf32>,
        %mul3A_677 = arith.mulf %get3A_676, %get3A_223 : vector<16xf32>
        %add3A_678 = arith.addf %add3A_673, %mul3A_677 : vector<16xf32>
        %eq3A_679 = arith.constant 7 : i32
        %eq3A_680 = vector.broadcast %eq3A_679 : i32 to vector<16xi32>
        %eq3A_681 = arith.cmpi eq, %iota3A, %eq3A_680 : vector<16xi32>
        %reduce_sum3A_682 = arith.constant true
        %reduce_sum3A_683 = vector.broadcast %reduce_sum3A_682 : i1 to vector<16xi1>
        %reduce_sum3A_684 = tpu.scan <sum>, %add3A_678 masked %reduce_sum3A_683 : vector<16xf32>, vector<16xi1> -> vector<16xf32>
        %reduce_sum3A_685 = vector.extract %reduce_sum3A_684[15] : f32 from vector<16xf32>
        %broadcast_in_dim3A_686 = vector.broadcast %reduce_sum3A_685 : f32 to vector<16xf32>
        %select_n3A_687 = arith.select %eq3A_681, %broadcast_in_dim3A_686, %select_n3A_635 : vector<16xi1>, vector<16xf32>
        %mul3A_688 = arith.constant 16 : i32
        %mul3A_689 = arith.muli %add3A_272, %mul3A_688 : i32
        %add3A_690 = arith.constant 8 : i32
        %add3A_691 = arith.addi %mul3A_689, %add3A_690 : i32
        %get3A_692 = arith.index_cast %add3A_691 : i32 to index
        %get3A_693 = arith.constant 0 : index
        %get3A_694 = tpu.vector_load %arg18[%get3A_692, %get3A_693] {strides = array<i32>} : memref<96x128xf32, #tpu.memory_space<vmem>>, vector<16xf32>,
        %mul3A_695 = arith.mulf %get3A_694, %get3A_202 : vector<16xf32>
        %get3A_696 = arith.index_cast %add3A_691 : i32 to index
        %get3A_697 = arith.constant 16 : index
        %get3A_698 = tpu.vector_load %arg18[%get3A_696, %get3A_697] {strides = array<i32>} : memref<96x128xf32, #tpu.memory_space<vmem>>, vector<16xf32>,
        %mul3A_699 = arith.mulf %get3A_698, %get3A_205 : vector<16xf32>
        %add3A_700 = arith.addf %mul3A_695, %mul3A_699 : vector<16xf32>
        %get3A_701 = arith.index_cast %add3A_691 : i32 to index
        %get3A_702 = arith.constant 32 : index
        %get3A_703 = tpu.vector_load %arg18[%get3A_701, %get3A_702] {strides = array<i32>} : memref<96x128xf32, #tpu.memory_space<vmem>>, vector<16xf32>,
        %mul3A_704 = arith.mulf %get3A_703, %get3A_208 : vector<16xf32>
        %add3A_705 = arith.addf %add3A_700, %mul3A_704 : vector<16xf32>
        %get3A_706 = arith.index_cast %add3A_691 : i32 to index
        %get3A_707 = arith.constant 48 : index
        %get3A_708 = tpu.vector_load %arg18[%get3A_706, %get3A_707] {strides = array<i32>} : memref<96x128xf32, #tpu.memory_space<vmem>>, vector<16xf32>,
        %mul3A_709 = arith.mulf %get3A_708, %get3A_211 : vector<16xf32>
        %add3A_710 = arith.addf %add3A_705, %mul3A_709 : vector<16xf32>
        %get3A_711 = arith.index_cast %add3A_691 : i32 to index
        %get3A_712 = arith.constant 64 : index
        %get3A_713 = tpu.vector_load %arg18[%get3A_711, %get3A_712] {strides = array<i32>} : memref<96x128xf32, #tpu.memory_space<vmem>>, vector<16xf32>,
        %mul3A_714 = arith.mulf %get3A_713, %get3A_214 : vector<16xf32>
        %add3A_715 = arith.addf %add3A_710, %mul3A_714 : vector<16xf32>
        %get3A_716 = arith.index_cast %add3A_691 : i32 to index
        %get3A_717 = arith.constant 80 : index
        %get3A_718 = tpu.vector_load %arg18[%get3A_716, %get3A_717] {strides = array<i32>} : memref<96x128xf32, #tpu.memory_space<vmem>>, vector<16xf32>,
        %mul3A_719 = arith.mulf %get3A_718, %get3A_217 : vector<16xf32>
        %add3A_720 = arith.addf %add3A_715, %mul3A_719 : vector<16xf32>
        %get3A_721 = arith.index_cast %add3A_691 : i32 to index
        %get3A_722 = arith.constant 96 : index
        %get3A_723 = tpu.vector_load %arg18[%get3A_721, %get3A_722] {strides = array<i32>} : memref<96x128xf32, #tpu.memory_space<vmem>>, vector<16xf32>,
        %mul3A_724 = arith.mulf %get3A_723, %get3A_220 : vector<16xf32>
        %add3A_725 = arith.addf %add3A_720, %mul3A_724 : vector<16xf32>
        %get3A_726 = arith.index_cast %add3A_691 : i32 to index
        %get3A_727 = arith.constant 112 : index
        %get3A_728 = tpu.vector_load %arg18[%get3A_726, %get3A_727] {strides = array<i32>} : memref<96x128xf32, #tpu.memory_space<vmem>>, vector<16xf32>,
        %mul3A_729 = arith.mulf %get3A_728, %get3A_223 : vector<16xf32>
        %add3A_730 = arith.addf %add3A_725, %mul3A_729 : vector<16xf32>
        %eq3A_731 = arith.constant 8 : i32
        %eq3A_732 = vector.broadcast %eq3A_731 : i32 to vector<16xi32>
        %eq3A_733 = arith.cmpi eq, %iota3A, %eq3A_732 : vector<16xi32>
        %reduce_sum3A_734 = arith.constant true
        %reduce_sum3A_735 = vector.broadcast %reduce_sum3A_734 : i1 to vector<16xi1>
        %reduce_sum3A_736 = tpu.scan <sum>, %add3A_730 masked %reduce_sum3A_735 : vector<16xf32>, vector<16xi1> -> vector<16xf32>
        %reduce_sum3A_737 = vector.extract %reduce_sum3A_736[15] : f32 from vector<16xf32>
        %broadcast_in_dim3A_738 = vector.broadcast %reduce_sum3A_737 : f32 to vector<16xf32>
        %select_n3A_739 = arith.select %eq3A_733, %broadcast_in_dim3A_738, %select_n3A_687 : vector<16xi1>, vector<16xf32>
        %mul3A_740 = arith.constant 16 : i32
        %mul3A_741 = arith.muli %add3A_272, %mul3A_740 : i32
        %add3A_742 = arith.constant 9 : i32
        %add3A_743 = arith.addi %mul3A_741, %add3A_742 : i32
        %get3A_744 = arith.index_cast %add3A_743 : i32 to index
        %get3A_745 = arith.constant 0 : index
        %get3A_746 = tpu.vector_load %arg18[%get3A_744, %get3A_745] {strides = array<i32>} : memref<96x128xf32, #tpu.memory_space<vmem>>, vector<16xf32>,
        %mul3A_747 = arith.mulf %get3A_746, %get3A_202 : vector<16xf32>
        %get3A_748 = arith.index_cast %add3A_743 : i32 to index
        %get3A_749 = arith.constant 16 : index
        %get3A_750 = tpu.vector_load %arg18[%get3A_748, %get3A_749] {strides = array<i32>} : memref<96x128xf32, #tpu.memory_space<vmem>>, vector<16xf32>,
        %mul3A_751 = arith.mulf %get3A_750, %get3A_205 : vector<16xf32>
        %add3A_752 = arith.addf %mul3A_747, %mul3A_751 : vector<16xf32>
        %get3A_753 = arith.index_cast %add3A_743 : i32 to index
        %get3A_754 = arith.constant 32 : index
        %get3A_755 = tpu.vector_load %arg18[%get3A_753, %get3A_754] {strides = array<i32>} : memref<96x128xf32, #tpu.memory_space<vmem>>, vector<16xf32>,
        %mul3A_756 = arith.mulf %get3A_755, %get3A_208 : vector<16xf32>
        %add3A_757 = arith.addf %add3A_752, %mul3A_756 : vector<16xf32>
        %get3A_758 = arith.index_cast %add3A_743 : i32 to index
        %get3A_759 = arith.constant 48 : index
        %get3A_760 = tpu.vector_load %arg18[%get3A_758, %get3A_759] {strides = array<i32>} : memref<96x128xf32, #tpu.memory_space<vmem>>, vector<16xf32>,
        %mul3A_761 = arith.mulf %get3A_760, %get3A_211 : vector<16xf32>
        %add3A_762 = arith.addf %add3A_757, %mul3A_761 : vector<16xf32>
        %get3A_763 = arith.index_cast %add3A_743 : i32 to index
        %get3A_764 = arith.constant 64 : index
        %get3A_765 = tpu.vector_load %arg18[%get3A_763, %get3A_764] {strides = array<i32>} : memref<96x128xf32, #tpu.memory_space<vmem>>, vector<16xf32>,
        %mul3A_766 = arith.mulf %get3A_765, %get3A_214 : vector<16xf32>
        %add3A_767 = arith.addf %add3A_762, %mul3A_766 : vector<16xf32>
        %get3A_768 = arith.index_cast %add3A_743 : i32 to index
        %get3A_769 = arith.constant 80 : index
        %get3A_770 = tpu.vector_load %arg18[%get3A_768, %get3A_769] {strides = array<i32>} : memref<96x128xf32, #tpu.memory_space<vmem>>, vector<16xf32>,
        %mul3A_771 = arith.mulf %get3A_770, %get3A_217 : vector<16xf32>
        %add3A_772 = arith.addf %add3A_767, %mul3A_771 : vector<16xf32>
        %get3A_773 = arith.index_cast %add3A_743 : i32 to index
        %get3A_774 = arith.constant 96 : index
        %get3A_775 = tpu.vector_load %arg18[%get3A_773, %get3A_774] {strides = array<i32>} : memref<96x128xf32, #tpu.memory_space<vmem>>, vector<16xf32>,
        %mul3A_776 = arith.mulf %get3A_775, %get3A_220 : vector<16xf32>
        %add3A_777 = arith.addf %add3A_772, %mul3A_776 : vector<16xf32>
        %get3A_778 = arith.index_cast %add3A_743 : i32 to index
        %get3A_779 = arith.constant 112 : index
        %get3A_780 = tpu.vector_load %arg18[%get3A_778, %get3A_779] {strides = array<i32>} : memref<96x128xf32, #tpu.memory_space<vmem>>, vector<16xf32>,
        %mul3A_781 = arith.mulf %get3A_780, %get3A_223 : vector<16xf32>
        %add3A_782 = arith.addf %add3A_777, %mul3A_781 : vector<16xf32>
        %eq3A_783 = arith.constant 9 : i32
        %eq3A_784 = vector.broadcast %eq3A_783 : i32 to vector<16xi32>
        %eq3A_785 = arith.cmpi eq, %iota3A, %eq3A_784 : vector<16xi32>
        %reduce_sum3A_786 = arith.constant true
        %reduce_sum3A_787 = vector.broadcast %reduce_sum3A_786 : i1 to vector<16xi1>
        %reduce_sum3A_788 = tpu.scan <sum>, %add3A_782 masked %reduce_sum3A_787 : vector<16xf32>, vector<16xi1> -> vector<16xf32>
        %reduce_sum3A_789 = vector.extract %reduce_sum3A_788[15] : f32 from vector<16xf32>
        %broadcast_in_dim3A_790 = vector.broadcast %reduce_sum3A_789 : f32 to vector<16xf32>
        %select_n3A_791 = arith.select %eq3A_785, %broadcast_in_dim3A_790, %select_n3A_739 : vector<16xi1>, vector<16xf32>
        %mul3A_792 = arith.constant 16 : i32
        %mul3A_793 = arith.muli %add3A_272, %mul3A_792 : i32
        %add3A_794 = arith.constant 10 : i32
        %add3A_795 = arith.addi %mul3A_793, %add3A_794 : i32
        %get3A_796 = arith.index_cast %add3A_795 : i32 to index
        %get3A_797 = arith.constant 0 : index
        %get3A_798 = tpu.vector_load %arg18[%get3A_796, %get3A_797] {strides = array<i32>} : memref<96x128xf32, #tpu.memory_space<vmem>>, vector<16xf32>,
        %mul3A_799 = arith.mulf %get3A_798, %get3A_202 : vector<16xf32>
        %get3A_800 = arith.index_cast %add3A_795 : i32 to index
        %get3A_801 = arith.constant 16 : index
        %get3A_802 = tpu.vector_load %arg18[%get3A_800, %get3A_801] {strides = array<i32>} : memref<96x128xf32, #tpu.memory_space<vmem>>, vector<16xf32>,
        %mul3A_803 = arith.mulf %get3A_802, %get3A_205 : vector<16xf32>
        %add3A_804 = arith.addf %mul3A_799, %mul3A_803 : vector<16xf32>
        %get3A_805 = arith.index_cast %add3A_795 : i32 to index
        %get3A_806 = arith.constant 32 : index
        %get3A_807 = tpu.vector_load %arg18[%get3A_805, %get3A_806] {strides = array<i32>} : memref<96x128xf32, #tpu.memory_space<vmem>>, vector<16xf32>,
        %mul3A_808 = arith.mulf %get3A_807, %get3A_208 : vector<16xf32>
        %add3A_809 = arith.addf %add3A_804, %mul3A_808 : vector<16xf32>
        %get3A_810 = arith.index_cast %add3A_795 : i32 to index
        %get3A_811 = arith.constant 48 : index
        %get3A_812 = tpu.vector_load %arg18[%get3A_810, %get3A_811] {strides = array<i32>} : memref<96x128xf32, #tpu.memory_space<vmem>>, vector<16xf32>,
        %mul3A_813 = arith.mulf %get3A_812, %get3A_211 : vector<16xf32>
        %add3A_814 = arith.addf %add3A_809, %mul3A_813 : vector<16xf32>
        %get3A_815 = arith.index_cast %add3A_795 : i32 to index
        %get3A_816 = arith.constant 64 : index
        %get3A_817 = tpu.vector_load %arg18[%get3A_815, %get3A_816] {strides = array<i32>} : memref<96x128xf32, #tpu.memory_space<vmem>>, vector<16xf32>,
        %mul3A_818 = arith.mulf %get3A_817, %get3A_214 : vector<16xf32>
        %add3A_819 = arith.addf %add3A_814, %mul3A_818 : vector<16xf32>
        %get3A_820 = arith.index_cast %add3A_795 : i32 to index
        %get3A_821 = arith.constant 80 : index
        %get3A_822 = tpu.vector_load %arg18[%get3A_820, %get3A_821] {strides = array<i32>} : memref<96x128xf32, #tpu.memory_space<vmem>>, vector<16xf32>,
        %mul3A_823 = arith.mulf %get3A_822, %get3A_217 : vector<16xf32>
        %add3A_824 = arith.addf %add3A_819, %mul3A_823 : vector<16xf32>
        %get3A_825 = arith.index_cast %add3A_795 : i32 to index
        %get3A_826 = arith.constant 96 : index
        %get3A_827 = tpu.vector_load %arg18[%get3A_825, %get3A_826] {strides = array<i32>} : memref<96x128xf32, #tpu.memory_space<vmem>>, vector<16xf32>,
        %mul3A_828 = arith.mulf %get3A_827, %get3A_220 : vector<16xf32>
        %add3A_829 = arith.addf %add3A_824, %mul3A_828 : vector<16xf32>
        %get3A_830 = arith.index_cast %add3A_795 : i32 to index
        %get3A_831 = arith.constant 112 : index
        %get3A_832 = tpu.vector_load %arg18[%get3A_830, %get3A_831] {strides = array<i32>} : memref<96x128xf32, #tpu.memory_space<vmem>>, vector<16xf32>,
        %mul3A_833 = arith.mulf %get3A_832, %get3A_223 : vector<16xf32>
        %add3A_834 = arith.addf %add3A_829, %mul3A_833 : vector<16xf32>
        %eq3A_835 = arith.constant 10 : i32
        %eq3A_836 = vector.broadcast %eq3A_835 : i32 to vector<16xi32>
        %eq3A_837 = arith.cmpi eq, %iota3A, %eq3A_836 : vector<16xi32>
        %reduce_sum3A_838 = arith.constant true
        %reduce_sum3A_839 = vector.broadcast %reduce_sum3A_838 : i1 to vector<16xi1>
        %reduce_sum3A_840 = tpu.scan <sum>, %add3A_834 masked %reduce_sum3A_839 : vector<16xf32>, vector<16xi1> -> vector<16xf32>
        %reduce_sum3A_841 = vector.extract %reduce_sum3A_840[15] : f32 from vector<16xf32>
        %broadcast_in_dim3A_842 = vector.broadcast %reduce_sum3A_841 : f32 to vector<16xf32>
        %select_n3A_843 = arith.select %eq3A_837, %broadcast_in_dim3A_842, %select_n3A_791 : vector<16xi1>, vector<16xf32>
        %mul3A_844 = arith.constant 16 : i32
        %mul3A_845 = arith.muli %add3A_272, %mul3A_844 : i32
        %add3A_846 = arith.constant 11 : i32
        %add3A_847 = arith.addi %mul3A_845, %add3A_846 : i32
        %get3A_848 = arith.index_cast %add3A_847 : i32 to index
        %get3A_849 = arith.constant 0 : index
        %get3A_850 = tpu.vector_load %arg18[%get3A_848, %get3A_849] {strides = array<i32>} : memref<96x128xf32, #tpu.memory_space<vmem>>, vector<16xf32>,
        %mul3A_851 = arith.mulf %get3A_850, %get3A_202 : vector<16xf32>
        %get3A_852 = arith.index_cast %add3A_847 : i32 to index
        %get3A_853 = arith.constant 16 : index
        %get3A_854 = tpu.vector_load %arg18[%get3A_852, %get3A_853] {strides = array<i32>} : memref<96x128xf32, #tpu.memory_space<vmem>>, vector<16xf32>,
        %mul3A_855 = arith.mulf %get3A_854, %get3A_205 : vector<16xf32>
        %add3A_856 = arith.addf %mul3A_851, %mul3A_855 : vector<16xf32>
        %get3A_857 = arith.index_cast %add3A_847 : i32 to index
        %get3A_858 = arith.constant 32 : index
        %get3A_859 = tpu.vector_load %arg18[%get3A_857, %get3A_858] {strides = array<i32>} : memref<96x128xf32, #tpu.memory_space<vmem>>, vector<16xf32>,
        %mul3A_860 = arith.mulf %get3A_859, %get3A_208 : vector<16xf32>
        %add3A_861 = arith.addf %add3A_856, %mul3A_860 : vector<16xf32>
        %get3A_862 = arith.index_cast %add3A_847 : i32 to index
        %get3A_863 = arith.constant 48 : index
        %get3A_864 = tpu.vector_load %arg18[%get3A_862, %get3A_863] {strides = array<i32>} : memref<96x128xf32, #tpu.memory_space<vmem>>, vector<16xf32>,
        %mul3A_865 = arith.mulf %get3A_864, %get3A_211 : vector<16xf32>
        %add3A_866 = arith.addf %add3A_861, %mul3A_865 : vector<16xf32>
        %get3A_867 = arith.index_cast %add3A_847 : i32 to index
        %get3A_868 = arith.constant 64 : index
        %get3A_869 = tpu.vector_load %arg18[%get3A_867, %get3A_868] {strides = array<i32>} : memref<96x128xf32, #tpu.memory_space<vmem>>, vector<16xf32>,
        %mul3A_870 = arith.mulf %get3A_869, %get3A_214 : vector<16xf32>
        %add3A_871 = arith.addf %add3A_866, %mul3A_870 : vector<16xf32>
        %get3A_872 = arith.index_cast %add3A_847 : i32 to index
        %get3A_873 = arith.constant 80 : index
        %get3A_874 = tpu.vector_load %arg18[%get3A_872, %get3A_873] {strides = array<i32>} : memref<96x128xf32, #tpu.memory_space<vmem>>, vector<16xf32>,
        %mul3A_875 = arith.mulf %get3A_874, %get3A_217 : vector<16xf32>
        %add3A_876 = arith.addf %add3A_871, %mul3A_875 : vector<16xf32>
        %get3A_877 = arith.index_cast %add3A_847 : i32 to index
        %get3A_878 = arith.constant 96 : index
        %get3A_879 = tpu.vector_load %arg18[%get3A_877, %get3A_878] {strides = array<i32>} : memref<96x128xf32, #tpu.memory_space<vmem>>, vector<16xf32>,
        %mul3A_880 = arith.mulf %get3A_879, %get3A_220 : vector<16xf32>
        %add3A_881 = arith.addf %add3A_876, %mul3A_880 : vector<16xf32>
        %get3A_882 = arith.index_cast %add3A_847 : i32 to index
        %get3A_883 = arith.constant 112 : index
        %get3A_884 = tpu.vector_load %arg18[%get3A_882, %get3A_883] {strides = array<i32>} : memref<96x128xf32, #tpu.memory_space<vmem>>, vector<16xf32>,
        %mul3A_885 = arith.mulf %get3A_884, %get3A_223 : vector<16xf32>
        %add3A_886 = arith.addf %add3A_881, %mul3A_885 : vector<16xf32>
        %eq3A_887 = arith.constant 11 : i32
        %eq3A_888 = vector.broadcast %eq3A_887 : i32 to vector<16xi32>
        %eq3A_889 = arith.cmpi eq, %iota3A, %eq3A_888 : vector<16xi32>
        %reduce_sum3A_890 = arith.constant true
        %reduce_sum3A_891 = vector.broadcast %reduce_sum3A_890 : i1 to vector<16xi1>
        %reduce_sum3A_892 = tpu.scan <sum>, %add3A_886 masked %reduce_sum3A_891 : vector<16xf32>, vector<16xi1> -> vector<16xf32>
        %reduce_sum3A_893 = vector.extract %reduce_sum3A_892[15] : f32 from vector<16xf32>
        %broadcast_in_dim3A_894 = vector.broadcast %reduce_sum3A_893 : f32 to vector<16xf32>
        %select_n3A_895 = arith.select %eq3A_889, %broadcast_in_dim3A_894, %select_n3A_843 : vector<16xi1>, vector<16xf32>
        %mul3A_896 = arith.constant 16 : i32
        %mul3A_897 = arith.muli %add3A_272, %mul3A_896 : i32
        %add3A_898 = arith.constant 12 : i32
        %add3A_899 = arith.addi %mul3A_897, %add3A_898 : i32
        %get3A_900 = arith.index_cast %add3A_899 : i32 to index
        %get3A_901 = arith.constant 0 : index
        %get3A_902 = tpu.vector_load %arg18[%get3A_900, %get3A_901] {strides = array<i32>} : memref<96x128xf32, #tpu.memory_space<vmem>>, vector<16xf32>,
        %mul3A_903 = arith.mulf %get3A_902, %get3A_202 : vector<16xf32>
        %get3A_904 = arith.index_cast %add3A_899 : i32 to index
        %get3A_905 = arith.constant 16 : index
        %get3A_906 = tpu.vector_load %arg18[%get3A_904, %get3A_905] {strides = array<i32>} : memref<96x128xf32, #tpu.memory_space<vmem>>, vector<16xf32>,
        %mul3A_907 = arith.mulf %get3A_906, %get3A_205 : vector<16xf32>
        %add3A_908 = arith.addf %mul3A_903, %mul3A_907 : vector<16xf32>
        %get3A_909 = arith.index_cast %add3A_899 : i32 to index
        %get3A_910 = arith.constant 32 : index
        %get3A_911 = tpu.vector_load %arg18[%get3A_909, %get3A_910] {strides = array<i32>} : memref<96x128xf32, #tpu.memory_space<vmem>>, vector<16xf32>,
        %mul3A_912 = arith.mulf %get3A_911, %get3A_208 : vector<16xf32>
        %add3A_913 = arith.addf %add3A_908, %mul3A_912 : vector<16xf32>
        %get3A_914 = arith.index_cast %add3A_899 : i32 to index
        %get3A_915 = arith.constant 48 : index
        %get3A_916 = tpu.vector_load %arg18[%get3A_914, %get3A_915] {strides = array<i32>} : memref<96x128xf32, #tpu.memory_space<vmem>>, vector<16xf32>,
        %mul3A_917 = arith.mulf %get3A_916, %get3A_211 : vector<16xf32>
        %add3A_918 = arith.addf %add3A_913, %mul3A_917 : vector<16xf32>
        %get3A_919 = arith.index_cast %add3A_899 : i32 to index
        %get3A_920 = arith.constant 64 : index
        %get3A_921 = tpu.vector_load %arg18[%get3A_919, %get3A_920] {strides = array<i32>} : memref<96x128xf32, #tpu.memory_space<vmem>>, vector<16xf32>,
        %mul3A_922 = arith.mulf %get3A_921, %get3A_214 : vector<16xf32>
        %add3A_923 = arith.addf %add3A_918, %mul3A_922 : vector<16xf32>
        %get3A_924 = arith.index_cast %add3A_899 : i32 to index
        %get3A_925 = arith.constant 80 : index
        %get3A_926 = tpu.vector_load %arg18[%get3A_924, %get3A_925] {strides = array<i32>} : memref<96x128xf32, #tpu.memory_space<vmem>>, vector<16xf32>,
        %mul3A_927 = arith.mulf %get3A_926, %get3A_217 : vector<16xf32>
        %add3A_928 = arith.addf %add3A_923, %mul3A_927 : vector<16xf32>
        %get3A_929 = arith.index_cast %add3A_899 : i32 to index
        %get3A_930 = arith.constant 96 : index
        %get3A_931 = tpu.vector_load %arg18[%get3A_929, %get3A_930] {strides = array<i32>} : memref<96x128xf32, #tpu.memory_space<vmem>>, vector<16xf32>,
        %mul3A_932 = arith.mulf %get3A_931, %get3A_220 : vector<16xf32>
        %add3A_933 = arith.addf %add3A_928, %mul3A_932 : vector<16xf32>
        %get3A_934 = arith.index_cast %add3A_899 : i32 to index
        %get3A_935 = arith.constant 112 : index
        %get3A_936 = tpu.vector_load %arg18[%get3A_934, %get3A_935] {strides = array<i32>} : memref<96x128xf32, #tpu.memory_space<vmem>>, vector<16xf32>,
        %mul3A_937 = arith.mulf %get3A_936, %get3A_223 : vector<16xf32>
        %add3A_938 = arith.addf %add3A_933, %mul3A_937 : vector<16xf32>
        %eq3A_939 = arith.constant 12 : i32
        %eq3A_940 = vector.broadcast %eq3A_939 : i32 to vector<16xi32>
        %eq3A_941 = arith.cmpi eq, %iota3A, %eq3A_940 : vector<16xi32>
        %reduce_sum3A_942 = arith.constant true
        %reduce_sum3A_943 = vector.broadcast %reduce_sum3A_942 : i1 to vector<16xi1>
        %reduce_sum3A_944 = tpu.scan <sum>, %add3A_938 masked %reduce_sum3A_943 : vector<16xf32>, vector<16xi1> -> vector<16xf32>
        %reduce_sum3A_945 = vector.extract %reduce_sum3A_944[15] : f32 from vector<16xf32>
        %broadcast_in_dim3A_946 = vector.broadcast %reduce_sum3A_945 : f32 to vector<16xf32>
        %select_n3A_947 = arith.select %eq3A_941, %broadcast_in_dim3A_946, %select_n3A_895 : vector<16xi1>, vector<16xf32>
        %mul3A_948 = arith.constant 16 : i32
        %mul3A_949 = arith.muli %add3A_272, %mul3A_948 : i32
        %add3A_950 = arith.constant 13 : i32
        %add3A_951 = arith.addi %mul3A_949, %add3A_950 : i32
        %get3A_952 = arith.index_cast %add3A_951 : i32 to index
        %get3A_953 = arith.constant 0 : index
        %get3A_954 = tpu.vector_load %arg18[%get3A_952, %get3A_953] {strides = array<i32>} : memref<96x128xf32, #tpu.memory_space<vmem>>, vector<16xf32>,
        %mul3A_955 = arith.mulf %get3A_954, %get3A_202 : vector<16xf32>
        %get3A_956 = arith.index_cast %add3A_951 : i32 to index
        %get3A_957 = arith.constant 16 : index
        %get3A_958 = tpu.vector_load %arg18[%get3A_956, %get3A_957] {strides = array<i32>} : memref<96x128xf32, #tpu.memory_space<vmem>>, vector<16xf32>,
        %mul3A_959 = arith.mulf %get3A_958, %get3A_205 : vector<16xf32>
        %add3A_960 = arith.addf %mul3A_955, %mul3A_959 : vector<16xf32>
        %get3A_961 = arith.index_cast %add3A_951 : i32 to index
        %get3A_962 = arith.constant 32 : index
        %get3A_963 = tpu.vector_load %arg18[%get3A_961, %get3A_962] {strides = array<i32>} : memref<96x128xf32, #tpu.memory_space<vmem>>, vector<16xf32>,
        %mul3A_964 = arith.mulf %get3A_963, %get3A_208 : vector<16xf32>
        %add3A_965 = arith.addf %add3A_960, %mul3A_964 : vector<16xf32>
        %get3A_966 = arith.index_cast %add3A_951 : i32 to index
        %get3A_967 = arith.constant 48 : index
        %get3A_968 = tpu.vector_load %arg18[%get3A_966, %get3A_967] {strides = array<i32>} : memref<96x128xf32, #tpu.memory_space<vmem>>, vector<16xf32>,
        %mul3A_969 = arith.mulf %get3A_968, %get3A_211 : vector<16xf32>
        %add3A_970 = arith.addf %add3A_965, %mul3A_969 : vector<16xf32>
        %get3A_971 = arith.index_cast %add3A_951 : i32 to index
        %get3A_972 = arith.constant 64 : index
        %get3A_973 = tpu.vector_load %arg18[%get3A_971, %get3A_972] {strides = array<i32>} : memref<96x128xf32, #tpu.memory_space<vmem>>, vector<16xf32>,
        %mul3A_974 = arith.mulf %get3A_973, %get3A_214 : vector<16xf32>
        %add3A_975 = arith.addf %add3A_970, %mul3A_974 : vector<16xf32>
        %get3A_976 = arith.index_cast %add3A_951 : i32 to index
        %get3A_977 = arith.constant 80 : index
        %get3A_978 = tpu.vector_load %arg18[%get3A_976, %get3A_977] {strides = array<i32>} : memref<96x128xf32, #tpu.memory_space<vmem>>, vector<16xf32>,
        %mul3A_979 = arith.mulf %get3A_978, %get3A_217 : vector<16xf32>
        %add3A_980 = arith.addf %add3A_975, %mul3A_979 : vector<16xf32>
        %get3A_981 = arith.index_cast %add3A_951 : i32 to index
        %get3A_982 = arith.constant 96 : index
        %get3A_983 = tpu.vector_load %arg18[%get3A_981, %get3A_982] {strides = array<i32>} : memref<96x128xf32, #tpu.memory_space<vmem>>, vector<16xf32>,
        %mul3A_984 = arith.mulf %get3A_983, %get3A_220 : vector<16xf32>
        %add3A_985 = arith.addf %add3A_980, %mul3A_984 : vector<16xf32>
        %get3A_986 = arith.index_cast %add3A_951 : i32 to index
        %get3A_987 = arith.constant 112 : index
        %get3A_988 = tpu.vector_load %arg18[%get3A_986, %get3A_987] {strides = array<i32>} : memref<96x128xf32, #tpu.memory_space<vmem>>, vector<16xf32>,
        %mul3A_989 = arith.mulf %get3A_988, %get3A_223 : vector<16xf32>
        %add3A_990 = arith.addf %add3A_985, %mul3A_989 : vector<16xf32>
        %eq3A_991 = arith.constant 13 : i32
        %eq3A_992 = vector.broadcast %eq3A_991 : i32 to vector<16xi32>
        %eq3A_993 = arith.cmpi eq, %iota3A, %eq3A_992 : vector<16xi32>
        %reduce_sum3A_994 = arith.constant true
        %reduce_sum3A_995 = vector.broadcast %reduce_sum3A_994 : i1 to vector<16xi1>
        %reduce_sum3A_996 = tpu.scan <sum>, %add3A_990 masked %reduce_sum3A_995 : vector<16xf32>, vector<16xi1> -> vector<16xf32>
        %reduce_sum3A_997 = vector.extract %reduce_sum3A_996[15] : f32 from vector<16xf32>
        %broadcast_in_dim3A_998 = vector.broadcast %reduce_sum3A_997 : f32 to vector<16xf32>
        %select_n3A_999 = arith.select %eq3A_993, %broadcast_in_dim3A_998, %select_n3A_947 : vector<16xi1>, vector<16xf32>
        %mul3A_1000 = arith.constant 16 : i32
        %mul3A_1001 = arith.muli %add3A_272, %mul3A_1000 : i32
        %add3A_1002 = arith.constant 14 : i32
        %add3A_1003 = arith.addi %mul3A_1001, %add3A_1002 : i32
        %get3A_1004 = arith.index_cast %add3A_1003 : i32 to index
        %get3A_1005 = arith.constant 0 : index
        %get3A_1006 = tpu.vector_load %arg18[%get3A_1004, %get3A_1005] {strides = array<i32>} : memref<96x128xf32, #tpu.memory_space<vmem>>, vector<16xf32>,
        %mul3A_1007 = arith.mulf %get3A_1006, %get3A_202 : vector<16xf32>
        %get3A_1008 = arith.index_cast %add3A_1003 : i32 to index
        %get3A_1009 = arith.constant 16 : index
        %get3A_1010 = tpu.vector_load %arg18[%get3A_1008, %get3A_1009] {strides = array<i32>} : memref<96x128xf32, #tpu.memory_space<vmem>>, vector<16xf32>,
        %mul3A_1011 = arith.mulf %get3A_1010, %get3A_205 : vector<16xf32>
        %add3A_1012 = arith.addf %mul3A_1007, %mul3A_1011 : vector<16xf32>
        %get3A_1013 = arith.index_cast %add3A_1003 : i32 to index
        %get3A_1014 = arith.constant 32 : index
        %get3A_1015 = tpu.vector_load %arg18[%get3A_1013, %get3A_1014] {strides = array<i32>} : memref<96x128xf32, #tpu.memory_space<vmem>>, vector<16xf32>,
        %mul3A_1016 = arith.mulf %get3A_1015, %get3A_208 : vector<16xf32>
        %add3A_1017 = arith.addf %add3A_1012, %mul3A_1016 : vector<16xf32>
        %get3A_1018 = arith.index_cast %add3A_1003 : i32 to index
        %get3A_1019 = arith.constant 48 : index
        %get3A_1020 = tpu.vector_load %arg18[%get3A_1018, %get3A_1019] {strides = array<i32>} : memref<96x128xf32, #tpu.memory_space<vmem>>, vector<16xf32>,
        %mul3A_1021 = arith.mulf %get3A_1020, %get3A_211 : vector<16xf32>
        %add3A_1022 = arith.addf %add3A_1017, %mul3A_1021 : vector<16xf32>
        %get3A_1023 = arith.index_cast %add3A_1003 : i32 to index
        %get3A_1024 = arith.constant 64 : index
        %get3A_1025 = tpu.vector_load %arg18[%get3A_1023, %get3A_1024] {strides = array<i32>} : memref<96x128xf32, #tpu.memory_space<vmem>>, vector<16xf32>,
        %mul3A_1026 = arith.mulf %get3A_1025, %get3A_214 : vector<16xf32>
        %add3A_1027 = arith.addf %add3A_1022, %mul3A_1026 : vector<16xf32>
        %get3A_1028 = arith.index_cast %add3A_1003 : i32 to index
        %get3A_1029 = arith.constant 80 : index
        %get3A_1030 = tpu.vector_load %arg18[%get3A_1028, %get3A_1029] {strides = array<i32>} : memref<96x128xf32, #tpu.memory_space<vmem>>, vector<16xf32>,
        %mul3A_1031 = arith.mulf %get3A_1030, %get3A_217 : vector<16xf32>
        %add3A_1032 = arith.addf %add3A_1027, %mul3A_1031 : vector<16xf32>
        %get3A_1033 = arith.index_cast %add3A_1003 : i32 to index
        %get3A_1034 = arith.constant 96 : index
        %get3A_1035 = tpu.vector_load %arg18[%get3A_1033, %get3A_1034] {strides = array<i32>} : memref<96x128xf32, #tpu.memory_space<vmem>>, vector<16xf32>,
        %mul3A_1036 = arith.mulf %get3A_1035, %get3A_220 : vector<16xf32>
        %add3A_1037 = arith.addf %add3A_1032, %mul3A_1036 : vector<16xf32>
        %get3A_1038 = arith.index_cast %add3A_1003 : i32 to index
        %get3A_1039 = arith.constant 112 : index
        %get3A_1040 = tpu.vector_load %arg18[%get3A_1038, %get3A_1039] {strides = array<i32>} : memref<96x128xf32, #tpu.memory_space<vmem>>, vector<16xf32>,
        %mul3A_1041 = arith.mulf %get3A_1040, %get3A_223 : vector<16xf32>
        %add3A_1042 = arith.addf %add3A_1037, %mul3A_1041 : vector<16xf32>
        %eq3A_1043 = arith.constant 14 : i32
        %eq3A_1044 = vector.broadcast %eq3A_1043 : i32 to vector<16xi32>
        %eq3A_1045 = arith.cmpi eq, %iota3A, %eq3A_1044 : vector<16xi32>
        %reduce_sum3A_1046 = arith.constant true
        %reduce_sum3A_1047 = vector.broadcast %reduce_sum3A_1046 : i1 to vector<16xi1>
        %reduce_sum3A_1048 = tpu.scan <sum>, %add3A_1042 masked %reduce_sum3A_1047 : vector<16xf32>, vector<16xi1> -> vector<16xf32>
        %reduce_sum3A_1049 = vector.extract %reduce_sum3A_1048[15] : f32 from vector<16xf32>
        %broadcast_in_dim3A_1050 = vector.broadcast %reduce_sum3A_1049 : f32 to vector<16xf32>
        %select_n3A_1051 = arith.select %eq3A_1045, %broadcast_in_dim3A_1050, %select_n3A_999 : vector<16xi1>, vector<16xf32>
        %mul3A_1052 = arith.constant 16 : i32
        %mul3A_1053 = arith.muli %add3A_272, %mul3A_1052 : i32
        %add3A_1054 = arith.constant 15 : i32
        %add3A_1055 = arith.addi %mul3A_1053, %add3A_1054 : i32
        %get3A_1056 = arith.index_cast %add3A_1055 : i32 to index
        %get3A_1057 = arith.constant 0 : index
        %get3A_1058 = tpu.vector_load %arg18[%get3A_1056, %get3A_1057] {strides = array<i32>} : memref<96x128xf32, #tpu.memory_space<vmem>>, vector<16xf32>,
        %mul3A_1059 = arith.mulf %get3A_1058, %get3A_202 : vector<16xf32>
        %get3A_1060 = arith.index_cast %add3A_1055 : i32 to index
        %get3A_1061 = arith.constant 16 : index
        %get3A_1062 = tpu.vector_load %arg18[%get3A_1060, %get3A_1061] {strides = array<i32>} : memref<96x128xf32, #tpu.memory_space<vmem>>, vector<16xf32>,
        %mul3A_1063 = arith.mulf %get3A_1062, %get3A_205 : vector<16xf32>
        %add3A_1064 = arith.addf %mul3A_1059, %mul3A_1063 : vector<16xf32>
        %get3A_1065 = arith.index_cast %add3A_1055 : i32 to index
        %get3A_1066 = arith.constant 32 : index
        %get3A_1067 = tpu.vector_load %arg18[%get3A_1065, %get3A_1066] {strides = array<i32>} : memref<96x128xf32, #tpu.memory_space<vmem>>, vector<16xf32>,
        %mul3A_1068 = arith.mulf %get3A_1067, %get3A_208 : vector<16xf32>
        %add3A_1069 = arith.addf %add3A_1064, %mul3A_1068 : vector<16xf32>
        %get3A_1070 = arith.index_cast %add3A_1055 : i32 to index
        %get3A_1071 = arith.constant 48 : index
        %get3A_1072 = tpu.vector_load %arg18[%get3A_1070, %get3A_1071] {strides = array<i32>} : memref<96x128xf32, #tpu.memory_space<vmem>>, vector<16xf32>,
        %mul3A_1073 = arith.mulf %get3A_1072, %get3A_211 : vector<16xf32>
        %add3A_1074 = arith.addf %add3A_1069, %mul3A_1073 : vector<16xf32>
        %get3A_1075 = arith.index_cast %add3A_1055 : i32 to index
        %get3A_1076 = arith.constant 64 : index
        %get3A_1077 = tpu.vector_load %arg18[%get3A_1075, %get3A_1076] {strides = array<i32>} : memref<96x128xf32, #tpu.memory_space<vmem>>, vector<16xf32>,
        %mul3A_1078 = arith.mulf %get3A_1077, %get3A_214 : vector<16xf32>
        %add3A_1079 = arith.addf %add3A_1074, %mul3A_1078 : vector<16xf32>
        %get3A_1080 = arith.index_cast %add3A_1055 : i32 to index
        %get3A_1081 = arith.constant 80 : index
        %get3A_1082 = tpu.vector_load %arg18[%get3A_1080, %get3A_1081] {strides = array<i32>} : memref<96x128xf32, #tpu.memory_space<vmem>>, vector<16xf32>,
        %mul3A_1083 = arith.mulf %get3A_1082, %get3A_217 : vector<16xf32>
        %add3A_1084 = arith.addf %add3A_1079, %mul3A_1083 : vector<16xf32>
        %get3A_1085 = arith.index_cast %add3A_1055 : i32 to index
        %get3A_1086 = arith.constant 96 : index
        %get3A_1087 = tpu.vector_load %arg18[%get3A_1085, %get3A_1086] {strides = array<i32>} : memref<96x128xf32, #tpu.memory_space<vmem>>, vector<16xf32>,
        %mul3A_1088 = arith.mulf %get3A_1087, %get3A_220 : vector<16xf32>
        %add3A_1089 = arith.addf %add3A_1084, %mul3A_1088 : vector<16xf32>
        %get3A_1090 = arith.index_cast %add3A_1055 : i32 to index
        %get3A_1091 = arith.constant 112 : index
        %get3A_1092 = tpu.vector_load %arg18[%get3A_1090, %get3A_1091] {strides = array<i32>} : memref<96x128xf32, #tpu.memory_space<vmem>>, vector<16xf32>,
        %mul3A_1093 = arith.mulf %get3A_1092, %get3A_223 : vector<16xf32>
        %add3A_1094 = arith.addf %add3A_1089, %mul3A_1093 : vector<16xf32>
        %eq3A_1095 = arith.constant 15 : i32
        %eq3A_1096 = vector.broadcast %eq3A_1095 : i32 to vector<16xi32>
        %eq3A_1097 = arith.cmpi eq, %iota3A, %eq3A_1096 : vector<16xi32>
        %reduce_sum3A_1098 = arith.constant true
        %reduce_sum3A_1099 = vector.broadcast %reduce_sum3A_1098 : i1 to vector<16xi1>
        %reduce_sum3A_1100 = tpu.scan <sum>, %add3A_1094 masked %reduce_sum3A_1099 : vector<16xf32>, vector<16xi1> -> vector<16xf32>
        %reduce_sum3A_1101 = vector.extract %reduce_sum3A_1100[15] : f32 from vector<16xf32>
        %broadcast_in_dim3A_1102 = vector.broadcast %reduce_sum3A_1101 : f32 to vector<16xf32>
        %select_n3A_1103 = arith.select %eq3A_1097, %broadcast_in_dim3A_1102, %select_n3A_1051 : vector<16xi1>, vector<16xf32>
        %mul3A_1104 = arith.constant 16 : i32
        %mul3A_1105 = arith.muli %add3A_272, %mul3A_1104 : i32
        %swap3A = arith.index_cast %mul3A_1105 : i32 to index
        %swap3A_1106 = tpu.vector_load %arg24[%swap3A] {strides = array<i32>} : memref<96xf32, #tpu.memory_space<vmem>>, vector<16xf32>,
        tpu.vector_store %arg24[%swap3A], %select_n3A_1103 {strides = array<i32>} : memref<96xf32, #tpu.memory_space<vmem>>, vector<16xf32>,
      }
      %scan3A_257 = arith.constant 6 : i32
      %mul3A_258 = arith.constant 96 : i32
      %mul3A_259 = arith.muli %add3A_175, %mul3A_258 : i32
      %add3A_260 = arith.addi %mul3A_4, %mul3A_259 : i32
      %dma_start3A_261 = tpu.memref_slice %arg10[%add3A_260] : memref<1081344xf32, #tpu.memory_space<hbm>> -> memref<96xf32, #tpu.memory_space<hbm>>
      %dma_start3A_262 = tpu.memref_slice %arg10[%add3A_260] : memref<1081344xf32, #tpu.memory_space<hbm>> -> memref<96xf32, #tpu.memory_space<hbm>>
      tpu.enqueue_dma source(%arg23 : memref<96xf32, #tpu.memory_space<vmem>>) target(%dma_start3A_262 : memref<96xf32, #tpu.memory_space<hbm>>) target_semaphore(%arg32 : memref<!tpu.dma_semaphore, #tpu.memory_space<semaphore_mem>>)
      %mul3A_263 = arith.constant 96 : i32
      %mul3A_264 = arith.muli %add3A_175, %mul3A_263 : i32
      %add3A_265 = arith.addi %mul3A_4, %mul3A_264 : i32
      %dma_start3A_266 = tpu.memref_slice %arg11[%add3A_265] : memref<1081344xf32, #tpu.memory_space<hbm>> -> memref<96xf32, #tpu.memory_space<hbm>>
      %dma_start3A_267 = tpu.memref_slice %arg11[%add3A_265] : memref<1081344xf32, #tpu.memory_space<hbm>> -> memref<96xf32, #tpu.memory_space<hbm>>
      tpu.enqueue_dma source(%arg24 : memref<96xf32, #tpu.memory_space<vmem>>) target(%dma_start3A_267 : memref<96xf32, #tpu.memory_space<hbm>>) target_semaphore(%arg32 : memref<!tpu.dma_semaphore, #tpu.memory_space<semaphore_mem>>)
    }
    %scan3A_30 = arith.constant 176 : i32
    %dma_wait3A_31 = tpu.memref_slice %arg10[%mul3A_4] : memref<1081344xf32, #tpu.memory_space<hbm>> -> memref<96xf32, #tpu.memory_space<hbm>>
    %dma_wait3A_32 = tpu.memref_slice %arg10[%mul3A_4] : memref<1081344xf32, #tpu.memory_space<hbm>> -> memref<96xf32, #tpu.memory_space<hbm>>
    tpu.wait_dma2 semaphore(%arg31 : memref<!tpu.dma_semaphore, #tpu.memory_space<semaphore_mem>>) src(%arg21 : memref<96xf32, #tpu.memory_space<vmem>>) dst(%dma_wait3A_32 : memref<96xf32, #tpu.memory_space<hbm>>)
    %dma_wait3A_33 = tpu.memref_slice %arg11[%mul3A_4] : memref<1081344xf32, #tpu.memory_space<hbm>> -> memref<96xf32, #tpu.memory_space<hbm>>
    %dma_wait3A_34 = tpu.memref_slice %arg11[%mul3A_4] : memref<1081344xf32, #tpu.memory_space<hbm>> -> memref<96xf32, #tpu.memory_space<hbm>>
    tpu.wait_dma2 semaphore(%arg31 : memref<!tpu.dma_semaphore, #tpu.memory_space<semaphore_mem>>) src(%arg22 : memref<96xf32, #tpu.memory_space<vmem>>) dst(%dma_wait3A_34 : memref<96xf32, #tpu.memory_space<hbm>>)
    %dma_wait3A_35 = tpu.memref_slice %arg10[%mul3A_4] : memref<1081344xf32, #tpu.memory_space<hbm>> -> memref<96xf32, #tpu.memory_space<hbm>>
    %dma_wait3A_36 = tpu.memref_slice %arg10[%mul3A_4] : memref<1081344xf32, #tpu.memory_space<hbm>> -> memref<96xf32, #tpu.memory_space<hbm>>
    tpu.wait_dma2 semaphore(%arg32 : memref<!tpu.dma_semaphore, #tpu.memory_space<semaphore_mem>>) src(%arg23 : memref<96xf32, #tpu.memory_space<vmem>>) dst(%dma_wait3A_36 : memref<96xf32, #tpu.memory_space<hbm>>)
    %dma_wait3A_37 = tpu.memref_slice %arg11[%mul3A_4] : memref<1081344xf32, #tpu.memory_space<hbm>> -> memref<96xf32, #tpu.memory_space<hbm>>
    %dma_wait3A_38 = tpu.memref_slice %arg11[%mul3A_4] : memref<1081344xf32, #tpu.memory_space<hbm>> -> memref<96xf32, #tpu.memory_space<hbm>>
    tpu.wait_dma2 semaphore(%arg32 : memref<!tpu.dma_semaphore, #tpu.memory_space<semaphore_mem>>) src(%arg24 : memref<96xf32, #tpu.memory_space<vmem>>) dst(%dma_wait3A_38 : memref<96xf32, #tpu.memory_space<hbm>>)
    return
  }
}

module attributes {stable_mosaic.version = 14 : i64} {
  func.func @body(%arg0: i32, %arg1: memref<1000x128xf32, #tpu.memory_space<vmem>>, %arg2: memref<1000x128xf32, #tpu.memory_space<vmem>>, %arg3: memref<1000x128xf32, #tpu.memory_space<vmem>>, %arg4: memref<1000x128xf32, #tpu.memory_space<vmem>>) attributes {dimension_semantics = [#tpu.dimension_semantics<arbitrary>], iteration_bounds = array<i64: 100>, scalar_prefetch = 0 : i64, scratch_operands = 0 : i64, tpu.core_type = #tpu.core_type<tc>, window_params = [{transform_indices = @transform_0, window_bounds = array<i64: 1000, 128>}, {transform_indices = @transform_1, window_bounds = array<i64: 1000, 128>}, {transform_indices = @transform_2, window_bounds = array<i64: 1000, 128>}, {transform_indices = @transform_3, window_bounds = array<i64: 1000, 128>}]} {
    %get3A = arith.constant 0 : index
    %get3A_0 = arith.constant 0 : index
    %get3A_1 = vector.load %arg1[%get3A, %get3A_0] : memref<1000x128xf32, #tpu.memory_space<vmem>>, vector<1000x128xf32>
    %convert_element_type3A = arith.truncf %get3A_1 : vector<1000x128xf32> to vector<1000x128xbf16>
    %convert_element_type3A_2 = arith.extf %convert_element_type3A : vector<1000x128xbf16> to vector<1000x128xf32>
    %swap3A = arith.constant 0 : index
    %swap3A_3 = arith.constant 0 : index
    %swap3A_4 = vector.load %arg3[%swap3A, %swap3A_3] : memref<1000x128xf32, #tpu.memory_space<vmem>>, vector<1000x128xf32>
    tpu.vector_store %arg3[%swap3A, %swap3A_3], %convert_element_type3A_2 {strides = array<i32>} : memref<1000x128xf32, #tpu.memory_space<vmem>>, vector<1000x128xf32>,
    %get3A_5 = arith.constant 0 : index
    %get3A_6 = arith.constant 0 : index
    %get3A_7 = vector.load %arg2[%get3A_5, %get3A_6] : memref<1000x128xf32, #tpu.memory_space<vmem>>, vector<1000x128xf32>
    %convert_element_type3A_8 = arith.truncf %get3A_7 : vector<1000x128xf32> to vector<1000x128xbf16>
    %convert_element_type3A_9 = arith.extf %convert_element_type3A_8 : vector<1000x128xbf16> to vector<1000x128xf32>
    %swap3A_10 = arith.constant 0 : index
    %swap3A_11 = arith.constant 0 : index
    %swap3A_12 = vector.load %arg4[%swap3A_10, %swap3A_11] : memref<1000x128xf32, #tpu.memory_space<vmem>>, vector<1000x128xf32>
    tpu.vector_store %arg4[%swap3A_10, %swap3A_11], %convert_element_type3A_9 {strides = array<i32>} : memref<1000x128xf32, #tpu.memory_space<vmem>>, vector<1000x128xf32>,
    return
  }
  func.func @transform_0(%arg0: i32) -> (i32, i32) {
    %c0_i32 = arith.constant 0 : i32
    %c0_i32_0 = arith.constant 0 : i32
    return %arg0, %c0_i32 : i32, i32
  }
  func.func @transform_1(%arg0: i32) -> (i32, i32) {
    %c0_i32 = arith.constant 0 : i32
    %c0_i32_0 = arith.constant 0 : i32
    return %arg0, %c0_i32 : i32, i32
  }
  func.func @transform_2(%arg0: i32) -> (i32, i32) {
    %c0_i32 = arith.constant 0 : i32
    %c0_i32_0 = arith.constant 0 : i32
    return %arg0, %c0_i32 : i32, i32
  }
  func.func @transform_3(%arg0: i32) -> (i32, i32) {
    %c0_i32 = arith.constant 0 : i32
    %c0_i32_0 = arith.constant 0 : i32
    return %arg0, %c0_i32 : i32, i32
  }
}

module attributes {stable_mosaic.version = 14 : i64} {
  func.func @body(%arg0: memref<1024x128xf32, #tpu.memory_space<vmem>>, %arg1: memref<1024x128xf32, #tpu.memory_space<vmem>>, %arg2: memref<1024x128xf32, #tpu.memory_space<vmem>>, %arg3: memref<1024x128xf32, #tpu.memory_space<vmem>>) attributes {dimension_semantics = [], scalar_prefetch = 0 : i64, scratch_operands = 0 : i64, tpu.core_type = #tpu.core_type<tc>} {
    %get3A = arith.constant 0 : index
    %get3A_0 = arith.constant 0 : index
    %get3A_1 = vector.load %arg0[%get3A, %get3A_0] : memref<1024x128xf32, #tpu.memory_space<vmem>>, vector<1024x128xf32>
    %convert_element_type3A = arith.truncf %get3A_1 : vector<1024x128xf32> to vector<1024x128xbf16>
    %convert_element_type3A_2 = arith.extf %convert_element_type3A : vector<1024x128xbf16> to vector<1024x128xf32>
    %swap3A = arith.constant 0 : index
    %swap3A_3 = arith.constant 0 : index
    %swap3A_4 = vector.load %arg2[%swap3A, %swap3A_3] : memref<1024x128xf32, #tpu.memory_space<vmem>>, vector<1024x128xf32>
    tpu.vector_store %arg2[%swap3A, %swap3A_3], %convert_element_type3A_2 {strides = array<i32>} : memref<1024x128xf32, #tpu.memory_space<vmem>>, vector<1024x128xf32>,
    %get3A_5 = arith.constant 0 : index
    %get3A_6 = arith.constant 0 : index
    %get3A_7 = vector.load %arg1[%get3A_5, %get3A_6] : memref<1024x128xf32, #tpu.memory_space<vmem>>, vector<1024x128xf32>
    %convert_element_type3A_8 = arith.truncf %get3A_7 : vector<1024x128xf32> to vector<1024x128xbf16>
    %convert_element_type3A_9 = arith.extf %convert_element_type3A_8 : vector<1024x128xbf16> to vector<1024x128xf32>
    %swap3A_10 = arith.constant 0 : index
    %swap3A_11 = arith.constant 0 : index
    %swap3A_12 = vector.load %arg3[%swap3A_10, %swap3A_11] : memref<1024x128xf32, #tpu.memory_space<vmem>>, vector<1024x128xf32>
    tpu.vector_store %arg3[%swap3A_10, %swap3A_11], %convert_element_type3A_9 {strides = array<i32>} : memref<1024x128xf32, #tpu.memory_space<vmem>>, vector<1024x128xf32>,
    return
  }
}

module attributes {stable_mosaic.version = 14 : i64} {
  func.func @body(%arg0: memref<1024x1056xf32, #tpu.memory_space<vmem>>, %arg1: memref<1024x1056xf32, #tpu.memory_space<vmem>>, %arg2: memref<1024x128xf32, #tpu.memory_space<vmem>>, %arg3: memref<1024x128xf32, #tpu.memory_space<vmem>>, %arg4: memref<1024x128xf32, #tpu.memory_space<vmem>>, %arg5: memref<1024x128xf32, #tpu.memory_space<vmem>>, %arg6: memref<1024x1056xf32, #tpu.memory_space<vmem>>, %arg7: memref<1024x1056xf32, #tpu.memory_space<vmem>>, %arg8: memref<1024x128xf32, #tpu.memory_space<vmem>>, %arg9: memref<1024x128xf32, #tpu.memory_space<vmem>>) attributes {dimension_semantics = [], scalar_prefetch = 0 : i64, scratch_operands = 0 : i64, tpu.core_type = #tpu.core_type<tc>} {
    %iota3A = tpu.iota {dimensions = array<i32: 1>} : vector<1024x1056xi32>
    %lt3A = arith.constant 1025 : i32
    %lt3A_0 = vector.broadcast %lt3A : i32 to vector<1024x1056xi32>
    %lt3A_1 = arith.cmpi slt, %iota3A, %lt3A_0 : vector<1024x1056xi32>
    %get3A = arith.constant 0 : index
    %get3A_2 = arith.constant 0 : index
    %get3A_3 = vector.load %arg0[%get3A, %get3A_2] : memref<1024x1056xf32, #tpu.memory_space<vmem>>, vector<1024x1056xf32>
    %div3A = arith.constant 7.000000e-02 : f32
    %div3A_4 = vector.broadcast %div3A : f32 to vector<1024x1056xf32>
    %div3A_5 = arith.divf %get3A_3, %div3A_4 : vector<1024x1056xf32>
    %exp3A = math.exp %div3A_5 : vector<1024x1056xf32>
    %jit3A = arith.constant 0.000000e+00 : f32
    %broadcast_in_dim3A = vector.broadcast %jit3A : f32 to vector<1024x1056xf32>
    %select_n3A = arith.select %lt3A_1, %exp3A, %broadcast_in_dim3A : vector<1024x1056xi1>, vector<1024x1056xf32>
    %get3A_6 = arith.constant 0 : index
    %get3A_7 = arith.constant 0 : index
    %get3A_8 = vector.load %arg1[%get3A_6, %get3A_7] : memref<1024x1056xf32, #tpu.memory_space<vmem>>, vector<1024x1056xf32>
    %div3A_9 = arith.constant 7.000000e-02 : f32
    %div3A_10 = vector.broadcast %div3A_9 : f32 to vector<1024x1056xf32>
    %div3A_11 = arith.divf %get3A_8, %div3A_10 : vector<1024x1056xf32>
    %exp3A_12 = math.exp %div3A_11 : vector<1024x1056xf32>
    %jit3A_13 = arith.constant 0.000000e+00 : f32
    %broadcast_in_dim3A_14 = vector.broadcast %jit3A_13 : f32 to vector<1024x1056xf32>
    %select_n3A_15 = arith.select %lt3A_1, %exp3A_12, %broadcast_in_dim3A_14 : vector<1024x1056xi1>, vector<1024x1056xf32>
    %reduce_sum3A = vector.shape_cast %select_n3A : vector<1024x1056xf32> to vector<1x1024x1056xf32>
    %reduce_sum3A_16 = arith.constant dense<0.000000e+00> : vector<1xf32>
    %reduce_sum3A_17 = vector.multi_reduction <add>, %reduce_sum3A, %reduce_sum3A_16 [1, 2] : vector<1x1024x1056xf32> to vector<1xf32>
    %reduce_sum3A_18 = vector.shape_cast %reduce_sum3A_17 : vector<1xf32> to vector<1x1x1xf32>
    %reduce_sum3A_19 = vector.extract %reduce_sum3A_18[0, 0, 0] : f32 from vector<1x1x1xf32>
    %div3A_20 = arith.constant 1.049600e+06 : f32
    %div3A_21 = arith.divf %reduce_sum3A_19, %div3A_20 : f32
    %mul3A = arith.constant 1.000000e+05 : f32
    %mul3A_22 = arith.mulf %div3A_21, %mul3A : f32
    %reduce_sum3A_23 = vector.shape_cast %select_n3A_15 : vector<1024x1056xf32> to vector<1x1024x1056xf32>
    %reduce_sum3A_24 = arith.constant dense<0.000000e+00> : vector<1xf32>
    %reduce_sum3A_25 = vector.multi_reduction <add>, %reduce_sum3A_23, %reduce_sum3A_24 [1, 2] : vector<1x1024x1056xf32> to vector<1xf32>
    %reduce_sum3A_26 = vector.shape_cast %reduce_sum3A_25 : vector<1xf32> to vector<1x1x1xf32>
    %reduce_sum3A_27 = vector.extract %reduce_sum3A_26[0, 0, 0] : f32 from vector<1x1x1xf32>
    %div3A_28 = arith.constant 1.049600e+06 : f32
    %div3A_29 = arith.divf %reduce_sum3A_27, %div3A_28 : f32
    %mul3A_30 = arith.constant 1.000000e+05 : f32
    %mul3A_31 = arith.mulf %div3A_29, %mul3A_30 : f32
    %div3A_32 = vector.broadcast %mul3A_22 : f32 to vector<1024x1056xf32>
    %div3A_33 = arith.divf %select_n3A, %div3A_32 : vector<1024x1056xf32>
    %swap3A = arith.constant 0 : index
    %swap3A_34 = arith.constant 0 : index
    %swap3A_35 = vector.load %arg6[%swap3A, %swap3A_34] : memref<1024x1056xf32, #tpu.memory_space<vmem>>, vector<1024x1056xf32>
    tpu.vector_store %arg6[%swap3A, %swap3A_34], %div3A_33 {strides = array<i32>} : memref<1024x1056xf32, #tpu.memory_space<vmem>>, vector<1024x1056xf32>,
    %div3A_36 = vector.broadcast %mul3A_31 : f32 to vector<1024x1056xf32>
    %div3A_37 = arith.divf %select_n3A_15, %div3A_36 : vector<1024x1056xf32>
    %swap3A_38 = arith.constant 0 : index
    %swap3A_39 = arith.constant 0 : index
    %swap3A_40 = vector.load %arg7[%swap3A_38, %swap3A_39] : memref<1024x1056xf32, #tpu.memory_space<vmem>>, vector<1024x1056xf32>
    tpu.vector_store %arg7[%swap3A_38, %swap3A_39], %div3A_37 {strides = array<i32>} : memref<1024x1056xf32, #tpu.memory_space<vmem>>, vector<1024x1056xf32>,
    %get3A_41 = arith.constant 0 : index
    %get3A_42 = arith.constant 0 : index
    %get3A_43 = vector.load %arg2[%get3A_41, %get3A_42] : memref<1024x128xf32, #tpu.memory_space<vmem>>, vector<1024x128xf32>
    %mul3A_44 = arith.constant 5.000000e-01 : f32
    %mul3A_45 = vector.broadcast %mul3A_44 : f32 to vector<1024x128xf32>
    %mul3A_46 = arith.mulf %get3A_43, %mul3A_45 : vector<1024x128xf32>
    %get3A_47 = arith.constant 0 : index
    %get3A_48 = arith.constant 0 : index
    %get3A_49 = vector.load %arg4[%get3A_47, %get3A_48] : memref<1024x128xf32, #tpu.memory_space<vmem>>, vector<1024x128xf32>
    %mul3A_50 = arith.constant 5.000000e-01 : f32
    %mul3A_51 = vector.broadcast %mul3A_50 : f32 to vector<1024x128xf32>
    %mul3A_52 = arith.mulf %get3A_49, %mul3A_51 : vector<1024x128xf32>
    %add3A = arith.addf %mul3A_46, %mul3A_52 : vector<1024x128xf32>
    %mul3A_53 = arith.mulf %add3A, %add3A : vector<1024x128xf32>
    %reduce_sum3A_54 = arith.constant dense<0.000000e+00> : vector<1024xf32>
    %reduce_sum3A_55 = vector.multi_reduction <add>, %mul3A_53, %reduce_sum3A_54 [1] : vector<1024x128xf32> to vector<1024xf32>
    %broadcast_in_dim3A_56 = vector.shape_cast %reduce_sum3A_55 : vector<1024xf32> to vector<1024x1xf32>
    %sqrt3A = math.sqrt %broadcast_in_dim3A_56 : vector<1024x1xf32>
    %div3A_57 = vector.broadcast %sqrt3A : vector<1024x1xf32> to vector<1024x128xf32>
    %div3A_58 = arith.divf %add3A, %div3A_57 : vector<1024x128xf32>
    %swap3A_59 = arith.constant 0 : index
    %swap3A_60 = arith.constant 0 : index
    %swap3A_61 = vector.load %arg8[%swap3A_59, %swap3A_60] : memref<1024x128xf32, #tpu.memory_space<vmem>>, vector<1024x128xf32>
    tpu.vector_store %arg8[%swap3A_59, %swap3A_60], %div3A_58 {strides = array<i32>} : memref<1024x128xf32, #tpu.memory_space<vmem>>, vector<1024x128xf32>,
    %get3A_62 = arith.constant 0 : index
    %get3A_63 = arith.constant 0 : index
    %get3A_64 = vector.load %arg3[%get3A_62, %get3A_63] : memref<1024x128xf32, #tpu.memory_space<vmem>>, vector<1024x128xf32>
    %mul3A_65 = arith.constant 5.000000e-01 : f32
    %mul3A_66 = vector.broadcast %mul3A_65 : f32 to vector<1024x128xf32>
    %mul3A_67 = arith.mulf %get3A_64, %mul3A_66 : vector<1024x128xf32>
    %get3A_68 = arith.constant 0 : index
    %get3A_69 = arith.constant 0 : index
    %get3A_70 = vector.load %arg5[%get3A_68, %get3A_69] : memref<1024x128xf32, #tpu.memory_space<vmem>>, vector<1024x128xf32>
    %mul3A_71 = arith.constant 5.000000e-01 : f32
    %mul3A_72 = vector.broadcast %mul3A_71 : f32 to vector<1024x128xf32>
    %mul3A_73 = arith.mulf %get3A_70, %mul3A_72 : vector<1024x128xf32>
    %add3A_74 = arith.addf %mul3A_67, %mul3A_73 : vector<1024x128xf32>
    %mul3A_75 = arith.mulf %add3A_74, %add3A_74 : vector<1024x128xf32>
    %reduce_sum3A_76 = arith.constant dense<0.000000e+00> : vector<1024xf32>
    %reduce_sum3A_77 = vector.multi_reduction <add>, %mul3A_75, %reduce_sum3A_76 [1] : vector<1024x128xf32> to vector<1024xf32>
    %broadcast_in_dim3A_78 = vector.shape_cast %reduce_sum3A_77 : vector<1024xf32> to vector<1024x1xf32>
    %sqrt3A_79 = math.sqrt %broadcast_in_dim3A_78 : vector<1024x1xf32>
    %div3A_80 = vector.broadcast %sqrt3A_79 : vector<1024x1xf32> to vector<1024x128xf32>
    %div3A_81 = arith.divf %add3A_74, %div3A_80 : vector<1024x128xf32>
    %swap3A_82 = arith.constant 0 : index
    %swap3A_83 = arith.constant 0 : index
    %swap3A_84 = vector.load %arg9[%swap3A_82, %swap3A_83] : memref<1024x128xf32, #tpu.memory_space<vmem>>, vector<1024x128xf32>
    tpu.vector_store %arg9[%swap3A_82, %swap3A_83], %div3A_81 {strides = array<i32>} : memref<1024x128xf32, #tpu.memory_space<vmem>>, vector<1024x128xf32>,
    return
  }
}

module attributes {stable_mosaic.version = 14 : i64} {
  func.func @body(%arg0: memref<1024xi32, #tpu.memory_space<smem>>, %arg1: memref<1024xi32, #tpu.memory_space<smem>>, %arg2: memref<1024x128xf32, #tpu.memory_space<vmem>>, %arg3: memref<1024x128xf32, #tpu.memory_space<vmem>>, %arg4: memref<100000x128xf32, #tpu.memory_space<any>>, %arg5: memref<100000x128xf32, #tpu.memory_space<any>>, %arg6: memref<100000x128xf32, #tpu.memory_space<any>>, %arg7: memref<100000x128xf32, #tpu.memory_space<any>>, %arg8: memref<!tpu.dma_semaphore, #tpu.memory_space<semaphore_mem>>) attributes {dimension_semantics = [], scalar_prefetch = 0 : i64, scratch_operands = 1 : i64, tpu.core_type = #tpu.core_type<tc>} {
    %scan3A = arith.constant 0 : i32
    %scan3A_0 = arith.constant 1024 : i32
    %scan3A_1 = arith.addi %scan3A, %scan3A_0 : i32
    %scan3A_2 = arith.constant 1 : i32
    scf.for %scan3A_8 = %scan3A to %scan3A_1 step %scan3A_2  : i32 {
      %get3A = arith.index_cast %scan3A_8 : i32 to index
      %get3A_9 = memref.load %arg0[%get3A] : memref<1024xi32, #tpu.memory_space<smem>>
      %get3A_10 = arith.index_cast %scan3A_8 : i32 to index
      %get3A_11 = memref.load %arg1[%get3A_10] : memref<1024xi32, #tpu.memory_space<smem>>
      %dma_start3A = arith.constant 0 : i32
      %dma_start3A_12 = tpu.memref_slice %arg6[%get3A_9, %dma_start3A] : memref<100000x128xf32, #tpu.memory_space<any>> -> memref<1x128xf32, #tpu.memory_space<any>>
      %dma_start3A_13 = tpu.memref_squeeze %dma_start3A_12 : memref<1x128xf32, #tpu.memory_space<any>> -> memref<128xf32, #tpu.memory_space<any>>
      %dma_start3A_14 = arith.constant 0 : i32
      %dma_start3A_15 = tpu.memref_slice %arg2[%get3A_11, %dma_start3A_14] : memref<1024x128xf32, #tpu.memory_space<vmem>> -> memref<1x128xf32, #tpu.memory_space<vmem>>
      %dma_start3A_16 = tpu.memref_squeeze %dma_start3A_15 : memref<1x128xf32, #tpu.memory_space<vmem>> -> memref<128xf32, #tpu.memory_space<vmem>>
      tpu.enqueue_dma source(%dma_start3A_16 : memref<128xf32, #tpu.memory_space<vmem>>) target(%dma_start3A_13 : memref<128xf32, #tpu.memory_space<any>>) target_semaphore(%arg8 : memref<!tpu.dma_semaphore, #tpu.memory_space<semaphore_mem>>)
      %dma_start3A_17 = arith.constant 0 : i32
      %dma_start3A_18 = tpu.memref_slice %arg7[%get3A_9, %dma_start3A_17] : memref<100000x128xf32, #tpu.memory_space<any>> -> memref<1x128xf32, #tpu.memory_space<any>>
      %dma_start3A_19 = tpu.memref_squeeze %dma_start3A_18 : memref<1x128xf32, #tpu.memory_space<any>> -> memref<128xf32, #tpu.memory_space<any>>
      %dma_start3A_20 = arith.constant 0 : i32
      %dma_start3A_21 = tpu.memref_slice %arg3[%get3A_11, %dma_start3A_20] : memref<1024x128xf32, #tpu.memory_space<vmem>> -> memref<1x128xf32, #tpu.memory_space<vmem>>
      %dma_start3A_22 = tpu.memref_squeeze %dma_start3A_21 : memref<1x128xf32, #tpu.memory_space<vmem>> -> memref<128xf32, #tpu.memory_space<vmem>>
      tpu.enqueue_dma source(%dma_start3A_22 : memref<128xf32, #tpu.memory_space<vmem>>) target(%dma_start3A_19 : memref<128xf32, #tpu.memory_space<any>>) target_semaphore(%arg8 : memref<!tpu.dma_semaphore, #tpu.memory_space<semaphore_mem>>)
    }
    %scan3A_3 = arith.constant 1024 : i32
    %scan3A_4 = arith.constant 0 : i32
    %scan3A_5 = arith.constant 1024 : i32
    %scan3A_6 = arith.addi %scan3A_4, %scan3A_5 : i32
    %scan3A_7 = arith.constant 1 : i32
    scf.for %scan3A_8 = %scan3A_4 to %scan3A_6 step %scan3A_7  : i32 {
      %dma_wait3A = arith.constant 0 : i32
      %dma_wait3A_9 = arith.constant 0 : i32
      %dma_wait3A_10 = arith.constant 0 : i32
      %dma_wait3A_11 = tpu.memref_slice %arg6[%dma_wait3A_9, %dma_wait3A_10] : memref<100000x128xf32, #tpu.memory_space<any>> -> memref<1x128xf32, #tpu.memory_space<any>>
      %dma_wait3A_12 = tpu.memref_squeeze %dma_wait3A_11 : memref<1x128xf32, #tpu.memory_space<any>> -> memref<128xf32, #tpu.memory_space<any>>
      %dma_wait3A_13 = arith.constant 0 : i32
      %dma_wait3A_14 = tpu.memref_slice %arg2[%dma_wait3A, %dma_wait3A_13] : memref<1024x128xf32, #tpu.memory_space<vmem>> -> memref<1x128xf32, #tpu.memory_space<vmem>>
      %dma_wait3A_15 = tpu.memref_squeeze %dma_wait3A_14 : memref<1x128xf32, #tpu.memory_space<vmem>> -> memref<128xf32, #tpu.memory_space<vmem>>
      tpu.wait_dma2 semaphore(%arg8 : memref<!tpu.dma_semaphore, #tpu.memory_space<semaphore_mem>>) src(%dma_wait3A_15 : memref<128xf32, #tpu.memory_space<vmem>>) dst(%dma_wait3A_12 : memref<128xf32, #tpu.memory_space<any>>)
      %dma_wait3A_16 = arith.constant 0 : i32
      %dma_wait3A_17 = arith.constant 0 : i32
      %dma_wait3A_18 = arith.constant 0 : i32
      %dma_wait3A_19 = tpu.memref_slice %arg7[%dma_wait3A_17, %dma_wait3A_18] : memref<100000x128xf32, #tpu.memory_space<any>> -> memref<1x128xf32, #tpu.memory_space<any>>
      %dma_wait3A_20 = tpu.memref_squeeze %dma_wait3A_19 : memref<1x128xf32, #tpu.memory_space<any>> -> memref<128xf32, #tpu.memory_space<any>>
      %dma_wait3A_21 = arith.constant 0 : i32
      %dma_wait3A_22 = tpu.memref_slice %arg3[%dma_wait3A_16, %dma_wait3A_21] : memref<1024x128xf32, #tpu.memory_space<vmem>> -> memref<1x128xf32, #tpu.memory_space<vmem>>
      %dma_wait3A_23 = tpu.memref_squeeze %dma_wait3A_22 : memref<1x128xf32, #tpu.memory_space<vmem>> -> memref<128xf32, #tpu.memory_space<vmem>>
      tpu.wait_dma2 semaphore(%arg8 : memref<!tpu.dma_semaphore, #tpu.memory_space<semaphore_mem>>) src(%dma_wait3A_23 : memref<128xf32, #tpu.memory_space<vmem>>) dst(%dma_wait3A_20 : memref<128xf32, #tpu.memory_space<any>>)
    }
    return
  }
}

</mosaic_0001>

<sc_bundles>
// kernel: kernel.7.cloned.1.call-start
scs
__scs_entry_jumppad:
0x0: {  	(pc) =	sbr.rel $0x88, $3  }
0x1: {  	(tag) =	ssettag $0x0;
	lr =	simm.s32 $0x1  }
0x2: {  	[smem:$0x3F9B] =	sst lr;
	_ =	strace $0xD0000000  }
0x3: {  	_ = 	snop  }
0x4: {  	_ = 	snop  }
0x5: {  	_ = 	snop  }
0x6: {  	_ = 	snop  }
0x7: {  	_ = 	snop  }
__scs_overlays_trampoline_lowered:
0x8: {  	[smem:$0x3FAA] =	sst s0  }
0x9: {  	[smem:$0x3FAB] =	sst s1  }
0xa: {  	[smem:$0x3FAC] =	sst s2  }
0xb: {  	[smem:$0x3FAD] =	sst s3  }
0xc: {  	[smem:$0x3FAE] =	sst s4  }
0xd: {  	[smem:$0x3FAF] =	sst s5  }
0xe: {  	[smem:$0x3FB0] =	sst s6  }
0xf: {  	[smem:$0x3FB1] =	sst s7  }
0x10: {  	[smem:$0x3FB2] =	sst s8  }
0x11: {  	[smem:$0x3FB3] =	sst s9;
	s0 =	simm.s32 @!p0 $0x0  }
0x12: {  	s1 =	sld [smem:$0x3F99];
	s0 =	simm.s32 @p0 $0x1  }
0x13: {  	[smem:$0x3FB4] =	sst s0;
	s0 =	simm.s32 @!p1 $0x0  }
0x14: {  	s2 =	sld [smem:$0x3F98];
	s0 =	simm.s32 @p1 $0x1  }
0x15: {  	[smem:$0x3FB5] =	sst s0;
	s0 =	simm.s32 @!p2 $0x0  }
0x16: {  	s3 =	sld [smem:$0x3FDB];
	s0 =	simm.s32 @p2 $0x1  }
0x17: {  	s4 =	simm.s32 $0x1BF5;
	[smem:$0x3FB7] =	sst s0  }
0x18: {  	s0 =	sld [smem:$0x3F9A];
	_ =	swait.ge [sflag:s4], $0x0  }
0x19: {  	s7 =	sld [smem:$0x3F9B]  }
0x1a: {  	s8 =	sadd.s32 $0xFFFFE003, lr  }
0x1b: {  	s9 =	sadd.s32 $0xFFFFFEF7, lr;
	s5 =	simm.s32 $0xFFFFFFFF;
	p2 =	slt.u32 s8, $0xFFFFF086  }
0x1c: {  	p1 =	slt.u32 s9, $0xF7A;
	s5 =	simm.s32 @!p2 $0x0  }
0x1d: {  	s5 =	simm.s32 @p1 $0x1;
	p0 =	seq.s32 s7, s2  }
0x1e: {  	s7 =	smul.u32 @!p0 $0xF7A, s2;
	p2 =	seq.s32 @!p0 s5, $0x0  }
0x1f: {  	s9 =	smul.u32 $0xF7A, s1;
	s8 =	simm.s32 @!p0 $0x1BF5;
	p2 =	por !p2, p0  }
0x20: {  	[sflag:s8] =	ssyncset.s32 @!p0 $0xFFFFF086;
	s6 =	sadd.s32 @!p0 s3, s7;
	s7 =	simm.s32 @!p0 $0x108  }
0x21: {  	s3 =	sadd.s32 s3, s9;
	s6 =	sadd.s32 @!p0 $0x88, s6;
	s7 =	simm.s32 @p2 $0x1082  }
0x22: {  	[simem:s7], [sflag:s8] =	dma.local @!p0 [hbm:s6], $0xF7A  }
0x23: {  	s9 =	sor.u32 $0xD0000000, s2;
	s6 =	simm.s32 $0x108;
	_ =	swait.ge @!p0 [sflag:s8], $0x0  }
0x24: {  	s3 =	sadd.s32 $0x88, s3;
	s6 =	simm.s32 @!p1 $0x1082;
	[sflag:s4] =	ssyncset.s32 $0xFFFFF086  }
0x25: {  	[simem:s6], [sflag:s4] =	dma.local [hbm:s3], $0xF7A  }
0x26: {  	[smem:$0x3F9B] =	sst s1;
	(tag) =	ssettag s2;
	_ =	strace s9  }
0x27: {  	s1 =	sld [smem:$0x3FAB]  }
0x28: {  	s2 =	sld [smem:$0x3FAC]  }
0x29: {  	s4 =	sld [smem:$0x3FAE]  }
0x2a: {  	p0 =	seq.s32 s5, $0x0;
	s5 =	sld [smem:$0x3FAF]  }
0x2b: {  	s6 =	sld [smem:$0x3FB0]  }
0x2c: {  	s7 =	sld [smem:$0x3FB1]  }
0x2d: {  	s3 =	simm.s32 $0x108;
	s8 =	sld [smem:$0x3FB2]  }
0x2e: {  	s3 =	simm.s32 @!p0 $0x1082;
	s9 =	sld [smem:$0x3FB3]  }
0x2f: {  	lr =	sadd.s32 s0, s3;
	s0 =	sld [smem:$0x3FAA]  }
0x30: {  	s3 =	sld [smem:$0x3FAD]  }
0x31: {  	[smem:$0x3FB6] =	sst s10  }
0x32: {  	s10 =	sld [smem:$0x3FB4];
	_ =	sdelay $0x3  }
0x33: {  	p0 =	seq.s32 s10, $0x1;
	s10 =	sld [smem:$0x3FB6];
	_ =	sdelay $0x3  }
0x34: {  	[smem:$0x3FB6] =	sst s10  }
0x35: {  	s10 =	sld [smem:$0x3FB5];
	_ =	sdelay $0x3  }
0x36: {  	p1 =	seq.s32 s10, $0x1;
	s10 =	sld [smem:$0x3FB6];
	_ =	sdelay $0x3  }
0x37: {  	[smem:$0x3FB6] =	sst s10  }
0x38: {  	s10 =	sld [smem:$0x3FB7]  }
0x39: {  	_ = 	snop;
	(pc) =	sbr.ind lr, $3  }
0x3a: {  	_ = 	snop  }
0x3b: {  	_ = 	snop  }
0x3c: {  	p2 =	seq.s32 s10, $0x1;
	s10 =	sld [smem:$0x3FB6]  }
0x3d: {  	_ =	shalt  }
0x3e: {  	_ =	shalt  }
0x3f: {  	_ =	shalt  }
0x40: {  	_ =	shalt  }
0x41: {  	_ =	shalt  }
0x42: {  	_ =	shalt  }
0x43: {  	_ =	shalt  }
0x44: {  	_ =	shalt  }
0x45: {  	_ =	shalt  }
0x46: {  	_ =	shalt  }
0x47: {  	_ =	shalt  }
0x48: {  	_ =	shalt  }
0x49: {  	_ =	shalt  }
0x4a: {  	_ =	shalt  }
0x4b: {  	_ =	shalt  }
0x4c: {  	_ =	shalt  }
0x4d: {  	_ =	shalt  }
0x4e: {  	_ =	shalt  }
0x4f: {  	_ =	shalt  }
0x50: {  	_ =	shalt  }
0x51: {  	_ =	shalt  }
0x52: {  	_ =	shalt  }
0x53: {  	_ =	shalt  }
0x54: {  	_ =	shalt  }
0x55: {  	_ =	shalt  }
0x56: {  	_ =	shalt  }
0x57: {  	_ =	shalt  }
0x58: {  	_ =	shalt  }
0x59: {  	_ =	shalt  }
0x5a: {  	_ =	shalt  }
0x5b: {  	_ =	shalt  }
0x5c: {  	_ =	shalt  }
0x5d: {  	_ =	shalt  }
0x5e: {  	_ =	shalt  }
0x5f: {  	_ =	shalt  }
0x60: {  	_ =	shalt  }
0x61: {  	_ =	shalt  }
0x62: {  	_ =	shalt  }
0x63: {  	_ =	shalt  }
0x64: {  	_ =	shalt  }
0x65: {  	_ =	shalt  }
0x66: {  	_ =	shalt  }
0x67: {  	_ =	shalt  }
0x68: {  	_ =	shalt  }
0x69: {  	_ =	shalt  }
0x6a: {  	_ =	shalt  }
0x6b: {  	_ =	shalt  }
0x6c: {  	_ =	shalt  }
0x6d: {  	_ =	shalt  }
0x6e: {  	_ =	shalt  }
0x6f: {  	_ =	shalt  }
0x70: {  	_ =	shalt  }
0x71: {  	_ =	shalt  }
0x72: {  	_ =	shalt  }
0x73: {  	_ =	shalt  }
0x74: {  	_ =	shalt  }
0x75: {  	_ =	shalt  }
0x76: {  	_ =	shalt  }
0x77: {  	_ =	shalt  }
0x78: {  	_ =	shalt  }
0x79: {  	_ =	shalt  }
0x7a: {  	_ =	shalt  }
0x7b: {  	_ =	shalt  }
0x7c: {  	_ =	shalt  }
0x7d: {  	_ =	shalt  }
0x7e: {  	_ =	shalt  }
0x7f: {  	_ =	shalt  }
0x80: {  	_ =	shalt  }
0x81: {  	_ =	shalt  }
0x82: {  	_ =	shalt  }
0x83: {  	_ =	shalt  }
0x84: {  	_ =	shalt  }
0x85: {  	_ =	shalt  }
0x86: {  	_ =	shalt  }
0x87: {  	_ =	shalt  }
.Lfunc_end0:
.L_simem_size_0:
called_computation_lowered:
.L_overlay_start_0:
0x88: {  	s2 =	sld [smem:$0x3FD9]  }
0x89: {  	s3 =	sld [smem:$0x3FFE];
	_ =	sdelay $0x1  }
0x8a: {  	s1 =	srdreg.scid  }
0x8b: {  	s0 =	sand.u32 $0x1, s1  }
0x8c: {  	s14 =	sshll.u32 s0, $0xA;
	s2 =	sadd.s32 s3, s2  }
0x8d: {  	s2 =	sadd.s32 s2, s14  }
0x8e: {  	[smem:$0x3FC2] =	sst s2  }
0x8f: {  	_ = 	snop  }
0x90: {  	s2 =	sld [smem:$0x3FD0];
	_ =	sdelay $0x2  }
0x91: {  	s4 =	simm.s32 $0xA;
	s5 =	simm.s32 $0x10;
	s15 =	sld [smem:$0x3FC7]  }
0x92: {  	[smem:s5], [sflag:s4] =	dma.local [hbm:s2], $0x1  }
0x93: {  	_ =	swait.eq [sflag:s4], $0x1  }
0x94: {  	s16 =	sld [smem:$0x10]  }
0x95: {  	s17 =	sld [smem:$0x11];
	[sflag:s4] =	ssyncset.done $0x0  }
0x96: {  	s6 =	sld [smem:$0x12];
	[sflag:s4] =	ssyncadd.s32 $0xFFFFFFFF  }
0x97: {  	s18 =	sld [smem:$0x13];
	(tm) =	ssettm $0x1  }
0x98: {  	s7 =	sld [smem:$0x3FFB];
	_ =	sdelay $0x3  }
0x99: {  	_ =	strace s7  }
0x9a: {  	s7 =	sld [smem:$0x3FFC];
	_ =	sdelay $0x3  }
0x9b: {  	_ =	strace s7  }
0x9c: {  	s7 =	sld [smem:$0x3FFD];
	_ =	sdelay $0x3  }
0x9d: {  	_ =	strace s7  }
0x9e: {  	_ =	strace $0x8FFFFFFF  }
0x9f: {  	s19 =	sld [smem:$0x3FDB];
	_ =	sdelay $0x1  }
0xa0: {  	s8 =	simm.s32 $_scs_section_size  }
0xa1: {  	s9 =	simm.s32 $_size__tile_overlayer_lowered;
	s10 =	simm.s32 $_tile_overlayer_lowered  }
0xa2: {  	s22 =	simm.s32 $0x1BFF;
	s21 =	sshll.u32 s10, $0x1;
	s7 =	sadd.s32 s8, s19  }
0xa3: {  	s11 =	simm.s32 $0x0;
	s20 =	sshll.u32 s9, $0x1;
	s9 =	sadd.s32 s21, s7  }
0xa4: {  	[timem:s11], [sflag:s22] =	dma.local [hbm:s9], s20  }
0xa5: {  	_ =	swait.ge [sflag:s22], s20  }
0xa6: {  	s8 =	ssub.s32 $0x0, s20;
	[sflag:s22] =	ssyncset.done $0x0  }
0xa7: {  	[sflag:s22] =	ssyncadd.s32 s8;
	_ =	sdelay $0x1  }
0xa8: {  	s23 =	simm.s32 $0x1B8B  }
0xa9: {  	_ =	swait.ge [sflag:s23], $0x1  }
0xaa: {  	[sflag:s23] =	ssyncset.done $0x0  }
0xab: {  	s25 =	simm.s32 $0x1B8E;
	s24 =	sld [smem:$0x3FFE];
	[sflag:s23] =	ssyncadd.s32 $0xFFFFFFFF  }
0xac: {  	s26 =	simm.s32 $execute0_lowered;
	[smem:$0x3FD2] =	sst s25  }
0xad: {  	s9 =	sshll.u32 s26, $0x1;
	_ =	strace $0x80000046;
	[dreg:$0x1] =	wrdreg $0xFFFFFFFF  }
0xae: {  	s28 =	simm.s32 $_size_execute0_lowered;
	s7 =	sadd.s32 s7, s9;
	[dreg:$0x0] =	wrdreg $0x0  }
0xaf: {  	s9 =	sshll.u32 s28, $0x1;
	[dreg:$0x2] =	wrdreg s7  }
0xb0: {  	[dreg:$0x3] =	wrdreg s9  }
0xb1: {  	[dreg:$0x4] =	wrdreg $0xC0  }
0xb2: {  	_ =	task [dreg:s11], $0x5FFFF  }
0xb3: {  	[dreg:$0x1] =	wrdreg $0xFFFFFFFF  }
0xb4: {  	[dreg:$0x0] =	wrdreg $0x60  }
0xb5: {  	[dreg:$0x2] =	wrdreg s24  }
0xb6: {  	[dreg:$0x3] =	wrdreg s6  }
0xb7: {  	[dreg:$0x4] =	wrdreg s18  }
0xb8: {  	[dreg:$0x5] =	wrdreg s15  }
0xb9: {  	[dreg:$0x6] =	wrdreg s17  }
0xba: {  	[dreg:$0x7] =	wrdreg s16  }
0xbb: {  	[dreg:$0x8] =	wrdreg $0x9  }
0xbc: {  	_ =	task.clear_ibuf [dreg:s11], $0x9FFFF;
	_ =	strace $0x90000046  }
0xbd: {  	s29 =	simm.s32 $0x9;
	_ =	strace $0x80000048  }
0xbe: {  	_ =	swait.ge [sflag:s29], $0x1  }
0xbf: {  	[sflag:s29] =	ssyncadd.s32 $0xFFFFFFFF  }
0xc0: {  	_ =	strace $0x90000048  }
0xc1: {  	_ =	sfence  }
0xc2: {  	s30 =	sld [smem:$0x0];
	_ =	sdelay $0x2  }
0xc3: {  	s31 =	sshll.u32 s1, $0xD;
	s1 =	sshrl.u32 s1, $0x2  }
0xc4: {  	s3 =	sand.u32 $0x4000, s31;
	s1 =	sadd.s32 s1, s30  }
0xc5: {  	s0 =	sor.u32 s3, s0;
	s1 =	sshll.u32 s1, $0x11  }
0xc6: {  	s0 =	sor.u32 s1, s0  }
0xc7: {  	s0 =	sadd.s32 $0x8F2B, s0  }
0xc8: {  	[sflag:s0] =	ssyncadd.remote.s32 $0x1  }
0xc9: {  	_ =	sfence.sel $0xFFFF  }
0xca: {  	[dreg:$0x0] =	wrdreg $0xFFFFFFFF;
	(pc) =	sbr.abs _section_cstart, $3  }
0xcb: {  	[dreg:$0x1] =	wrdreg $0xFFFFFFFF  }
0xcc: {  	_ =	task.clear_ibuf [dreg:s11], $0x2FFFF;
	_ =	strace $0x9FFFFFFF  }
0xcd: {  	(tm) =	ssettm $0x7FFFFFFF  }
tec
execute0_lowered:
.L_overlay_start_1:
0x0: {  	(tag) =	ssettag $0x1  }
0x1: {  	s0 =	rddreg [dreg:$0x0]  }
0x2: {  	s1 =	rddreg [dreg:$0x3]  }
0x3: {  	s2 =	srdreg.scid;
	s3 =	rddreg [dreg:$0x4]  }
0x4: {  	s4 =	stileid.u32;
	s10 =	rddreg [dreg:$0x5];
	s17 =	simm.s32 $0x16600  }
0x5: {  	s18 =	simm.s32 $0x7;
	s20 =	simm.s32 $0x16680;
	s21 =	simm.s32 $0x1  }
0x6: {  	s28 =	simm.s32 $0xE400;
	s29 =	simm.s32 $0x11400;
	s30 =	simm.s32 $0x2  }
0x7: {  	s31 =	simm.s32 $0x16400;
	s22 =	simm.s32 $0x16580;
	s2 =	sand.u32 $0x1, s2  }
0x8: {  	s4 =	sshll.u32 s4, $0x1;
	s6 =	sadd.s32 $0x24200, s0;
	s7 =	sadd.s32 $0x1AAC00, s0  }
0x9: {  	s9 =	sadd.s32 $0x352600, s0;
	s11 =	sor.u32 s2, s4;
	s4 =	simm.s32 $0x0  }
0xa: {  	s2 =	ssub.s32 $0x2, s2;
	s5 =	smul.u32 $0x8400, s11;
	[smem:$0x7FF] =	sst s4  }
0xb: {  	s13 =	sshll.u32 s11, $0x9;
	s14 =	sshrl.u32 s2, $0x1;
	s11 =	sshll.u32 s11, $0x2  }
0xc: {  	_ =	strace $0x80000047;
	s2 =	ssub.s32 s2, s14;
	s1 =	sadd.s32 s1, s11  }
0xd: {  	s25 =	sadd.s32 s3, s13;
	s26 =	sadd.s32 s10, s13;
	[dreg:$0x7] =	wrdreg s1  }
0xe: {  	s3 =	simm.s32 $0x16480;
	s8 =	sshrl.u32 s5, $0x3;
	[dreg:$0xb] =	wrdreg s25  }
0xf: {  	s12 =	sadd.s32 s8, s0;
	s8 =	sadd.s32 $0x331600, s0;
	s0 =	sadd.s32 s13, s0  }
0x10: {  	vm0 =	vmmov $0x1;
	vm1 =	vmmov $0x3;
	vm2 =	vmmov $0x7;
	[dreg:$0xc] =	wrdreg s26;
	s16 =	smax.u32 s2, $0x1;
	s23 =	sadd.s32 $0x373600, s0  }
0x11: {  	vm3 =	vmmov $0xf;
	vm4 =	vmmov $0x1f;
	vm5 =	vmmov $0x3f;
	s1 =	simm.s32 $0x4;
	s0 =	sadd.s32 $0x377600, s0;
	[dreg:$0x8] =	wrdreg s23  }
0x12: {  	vm6 =	vmmov $0x7f;
	vm7 =	vmmov $0xff;
	vm8 =	vmmov $0x1ff;
	s2 =	simm.s32 $0x16500;
	s24 =	sadd.s32 $0x3200, s12;
	[dreg:$0x9] =	wrdreg s0  }
0x13: {  	vm9 =	vmmov $0x3ff;
	vm10 =	vmmov $0x7ff;
	vm11 =	vmmov $0xfff;
	s25 =	simm.s32 $0x6;
	s26 =	simm.s32 $0x0;
	[dreg:$0xa] =	wrdreg s24  }
0x14: {  	vm12 =	vmmov $0x1fff;
	vm13 =	vmmov $0x3fff;
	vm14 =	vmmov $0x7fff;
	s24 =	simm.s32 $0x60;
	s0 =	simm.s32 $0x3;
	s23 =	simm.s32 $0x5  }
.LBB2_1:
0x15: {  	s10 =	rddreg [dreg:$0x7]  }
0x16: {  	[tilespmem:s17], [sflag:$0x7] =	stream.linear.gather [hbm4b:s10+s4], $0x20, $0x38;
	[tilespmem:$0x17680] =	vst v63  }
0x17: {  	_ =	swait.ge [sflag:s18], $0x20  }
0x18: {  	[sflag:s18] =	ssyncset.done $0x0  }
0x19: {  	[sflag:s18] =	ssyncadd.s32 $0xFFFFFFE0  }
0x1a: {  	s11 =	simm.s32 $0x20;
	s12 =	rddreg [dreg:$0x1]  }
0x1b: {  	[tilespmem:s20], [sflag:$0x1] =	stream.indirect.gather [hbm4b:s12+s11], $0x80, s17, s11, $0xb8;
	[tilespmem:$0x17680] =	vst v63  }
0x1c: {  	_ =	swait.ge [sflag:s21], $0x1000  }
0x1d: {  	[sflag:s21] =	ssyncset.done $0x0  }
0x1e: {  	s13 =	rddreg [dreg:$0x8];
	[sflag:s21] =	ssyncadd.s32 $0xFFFFF000  }
0x1f: {  	[hbm4b:s13+s4] =	stream.linear.scatter [tilespmem:s20], [sflag:$0x7], $0x1000, $0x38;
	[tilespmem:$0x17680] =	vst v63  }
0x20: {  	_ =	swait.ge [sflag:s18], $0x1000  }
0x21: {  	[sflag:s18] =	ssyncset.done $0x0  }
0x22: {  	[sflag:s18] =	ssyncadd.s32 $0xFFFFF000  }
0x23: {  	s14 =	rddreg [dreg:$0x2]  }
0x24: {  	[tilespmem:s20], [sflag:$0x1] =	stream.indirect.gather [hbm4b:s14+s11], $0x80, s17, s11, $0xb8;
	[tilespmem:$0x17680] =	vst v63  }
0x25: {  	_ =	swait.ge [sflag:s21], $0x1000  }
0x26: {  	[sflag:s21] =	ssyncset.done $0x0  }
0x27: {  	s15 =	rddreg [dreg:$0x9];
	[sflag:s21] =	ssyncadd.s32 $0xFFFFF000  }
0x28: {  	[hbm4b:s15+s4] =	stream.linear.scatter [tilespmem:s20], [sflag:$0x7], $0x1000, $0x38;
	[tilespmem:$0x17680] =	vst v63  }
0x29: {  	_ =	swait.ge [sflag:s18], $0x1000  }
0x2a: {  	[sflag:s18] =	ssyncset.done $0x0  }
0x2b: {  	s19 =	rddreg [dreg:$0xa];
	[sflag:s18] =	ssyncadd.s32 $0xFFFFF000  }
0x2c: {  	[tilespmem:s4], [sflag:$0x7] =	stream.linear.gather [hbm4b:s19+s4], $0x8400, $0x38;
	[tilespmem:$0x17680] =	vst v63  }
0x2d: {  	_ =	swait.ge [sflag:s18], $0x8400  }
0x2e: {  	[sflag:s18] =	ssyncset.done $0x0  }
0x2f: {  	s12 =	simm.s32 $0x14400;
	s11 =	rddreg [dreg:$0xb];
	[sflag:s18] =	ssyncadd.s32 $0xFFFF7C00  }
0x30: {  	[tilespmem:s12], [sflag:$0x7] =	stream.linear.gather [hbm4b:s11+s4], $0x1000, $0x38;
	[tilespmem:$0x17680] =	vst v63  }
0x31: {  	_ =	swait.ge [sflag:s18], $0x1000  }
0x32: {  	[sflag:s18] =	ssyncset.done $0x0  }
0x33: {  	s14 =	simm.s32 $0x15400;
	s13 =	rddreg [dreg:$0xc];
	[sflag:s18] =	ssyncadd.s32 $0xFFFFF000  }
0x34: {  	[tilespmem:s14], [sflag:$0x7] =	stream.linear.gather [hbm4b:s13+s4], $0x1000, $0x38;
	[tilespmem:$0x17680] =	vst v63  }
0x35: {  	_ =	swait.ge [sflag:s18], $0x1000  }
0x36: {  	[sflag:s18] =	ssyncset.done $0x0  }
0x37: {  	s15 =	simm.s32 $0x8400;
	[sflag:s18] =	ssyncadd.s32 $0xFFFFF000  }
0x38: {  	[tilespmem:s15], [sflag:$0x1] =	stream.indirect.gather [hbm4b:s6+s24], $0x80, s4, s24, $0xb8;
	[tilespmem:$0x17680] =	vst v63  }
0x39: {  	s19 =	simm.s32 $0xB400  }
0x3a: {  	[tilespmem:s19], [sflag:$0x2] =	stream.indirect.gather [hbm4b:s7+s24], $0x80, s4, s24, $0xb8;
	[tilespmem:$0x17680] =	vst v63  }
0x3b: {  	s19 =	simm.s32 $0x0  }
.LBB2_2:
0x3c: {  	s11 =	sshllo.u32 s19, $0x1  }
0x3d: {  	s10 =	smul.u32 $0x60, s11;
	_ =	sdelay $0x1  }
0x3e: {  	[tilespmem:s28], [sflag:$0x3] =	stream.indirect.gather [hbm4b:s6+s24], $0x80, s10, s24, $0xb8;
	[tilespmem:$0x17680] =	vst v63  }
0x3f: {  	_ = 	snop  }
0x40: {  	[tilespmem:s29], [sflag:$0x4] =	stream.indirect.gather [hbm4b:s7+s24], $0x80, s10, s24, $0xb8;
	[tilespmem:$0x17680] =	vst v63  }
0x41: {  	_ =	swait.ge [sflag:s21], $0x3000  }
0x42: {  	[sflag:s21] =	ssyncset.done $0x0  }
0x43: {  	[sflag:s21] =	ssyncadd.s32 $0xFFFFD000  }
0x44: {  	_ =	swait.ge [sflag:s30], $0x3000  }
0x45: {  	p0 =	seq.s32 s19, $0x0;
	[sflag:s30] =	ssyncset.done $0x0  }
0x46: {  	s12 =	simm.s32 @!p0 $0x5;
	[sflag:s30] =	ssyncadd.s32 $0xFFFFD000  }
0x47: {  	_ =	swait.ge @!p0 [sflag:s12], $0x60  }
0x48: {  	s13 =	sshll.u32 s19, $0x1;
	[sflag:s12] =	ssyncset.done @!p0 $0x0  }
0x49: {  	s13 =	smul.u32 $0xBA2F, s13;
	[sflag:s12] =	ssyncadd.s32 @!p0 $0xFFFFFFA0  }
0x4a: {  	_ =	swait.ge @!p0 [sflag:s12], $0x60  }
0x4b: {  	s13 =	sshrl.u32 s13, $0xC;
	[sflag:s12] =	ssyncset.done @!p0 $0x0  }
0x4c: {  	s15 =	sand.u32 $0xFF80, s13;
	[sflag:s12] =	ssyncadd.s32 @!p0 $0xFFFFFFA0  }
0x4d: {  	v6 =	vld [tilespmem:s15+$0x14400]  }
0x4e: {  	v7 =	vld [tilespmem:s15+$0x14410]  }
0x4f: {  	v5 =	vld [tilespmem:s15+$0x14420]  }
0x50: {  	v4 =	vld [tilespmem:s15+$0x14430]  }
0x51: {  	v3 =	vld [tilespmem:s15+$0x14440]  }
0x52: {  	v2 =	vld [tilespmem:s15+$0x14450]  }
0x53: {  	v1 =	vld [tilespmem:s15+$0x14460]  }
0x54: {  	v0 =	vld [tilespmem:s15+$0x14470]  }
0x55: {  	v26 =	vld [tilespmem:s15+$0x15400]  }
0x56: {  	v9 =	vld [tilespmem:s15+$0x15410]  }
0x57: {  	v10 =	vld [tilespmem:s15+$0x15420]  }
0x58: {  	v11 =	vld [tilespmem:s15+$0x15430]  }
0x59: {  	v12 =	vld [tilespmem:s15+$0x15440]  }
0x5a: {  	v13 =	vld [tilespmem:s15+$0x15450]  }
0x5b: {  	v14 =	vld [tilespmem:s15+$0x15460]  }
0x5c: {  	s14 =	simm.s32 $0x0;
	s13 =	simm.s32 $0x8800;
	s12 =	simm.s32 $0x0;
	v15 =	vld [tilespmem:s15+$0x15470]  }
.LBB2_3:
0x5d: {  	v16 =	vld [tilespmem:s13+$0xFFFFFC00]  }
0x5e: {  	v17 =	vld [tilespmem:s13+$0xFFFFFC10]  }
0x5f: {  	v18 =	vld [tilespmem:s13+$0xFFFFFC20]  }
0x60: {  	v19 =	vld [tilespmem:s13+$0xFFFFFC30]  }
0x61: {  	v27 =	vld [tilespmem:s13+$0xFFFFFC40]  }
0x62: {  	v28 =	vld [tilespmem:s13+$0xFFFFFC50]  }
0x63: {  	v29 =	vld [tilespmem:s13+$0xFFFFFC60]  }
0x64: {  	v30 =	vld [tilespmem:s13+$0xFFFFFC70]  }
0x65: {  	v21 =	vld [tilespmem:s13+$0xFFFFFC80]  }
0x66: {  	v23 =	vld [tilespmem:s13+$0xFFFFFC90]  }
0x67: {  	v31 =	vld [tilespmem:s13+$0xFFFFFCA0]  }
0x68: {  	v32 =	vld [tilespmem:s13+$0xFFFFFCB0]  }
0x69: {  	v33 =	vld [tilespmem:s13+$0xFFFFFCC0]  }
0x6a: {  	v34 =	vld [tilespmem:s13+$0xFFFFFCD0]  }
0x6b: {  	v35 =	vld [tilespmem:s13+$0xFFFFFCE0]  }
0x6c: {  	v36 =	vld [tilespmem:s13+$0xFFFFFCF0]  }
0x6d: {  	v37 =	vld [tilespmem:s13+$0xFFFFFD00]  }
0x6e: {  	v38 =	vld [tilespmem:s13+$0xFFFFFD10]  }
0x6f: {  	v39 =	vld [tilespmem:s13+$0xFFFFFD20]  }
0x70: {  	v40 =	vld [tilespmem:s13+$0xFFFFFD30]  }
0x71: {  	v41 =	vld [tilespmem:s13+$0xFFFFFD40]  }
0x72: {  	v42 =	vld [tilespmem:s13+$0xFFFFFD50]  }
0x73: {  	v43 =	vld [tilespmem:s13+$0xFFFFFD60]  }
0x74: {  	v44 =	vld [tilespmem:s13+$0xFFFFFD70]  }
0x75: {  	v45 =	vld [tilespmem:s13+$0xFFFFFD80]  }
0x76: {  	v46 =	vld [tilespmem:s13+$0xFFFFFD90]  }
0x77: {  	v47 =	vld [tilespmem:s13+$0xFFFFFDA0]  }
0x78: {  	v48 =	vld [tilespmem:s13+$0xFFFFFDB0]  }
0x79: {  	v49 =	vld [tilespmem:s13+$0xFFFFFDC0]  }
0x7a: {  	v50 =	vld [tilespmem:s13+$0xFFFFFDD0]  }
0x7b: {  	v51 =	vld [tilespmem:s13+$0xFFFFFDE0]  }
0x7c: {  	v52 =	vld [tilespmem:s13+$0xFFFFFDF0]  }
0x7d: {  	v53 =	vld [tilespmem:s13+$0xFFFFFE00]  }
0x7e: {  	v54 =	vld [tilespmem:s13+$0xFFFFFE10]  }
0x7f: {  	v8 =	vld [tilespmem:s13+$0xFFFFFE70]  }
0x80: {  	v55 =	vld [tilespmem:s13+$0xFFFFFE20]  }
0x81: {  	v56 =	vld [tilespmem:s13+$0xFFFFFE30]  }
0x82: {  	v57 =	vld [tilespmem:s13+$0xFFFFFE40]  }
0x83: {  	v58 =	vld [tilespmem:s13+$0xFFFFFE50]  }
0x84: {  	[tilespmem:$0x1FFB0] =	vst v8;
	v8 =	vld [tilespmem:s13+$0xFFFFFEE0]  }
0x85: {  	v59 =	vld [tilespmem:s13+$0xFFFFFE60]  }
0x86: {  	v60 =	vld [tilespmem:s13+$0xFFFFFE80]  }
0x87: {  	v61 =	vld [tilespmem:s13+$0xFFFFFE90]  }
0x88: {  	v62 =	vld [tilespmem:s13+$0xFFFFFEA0]  }
0x89: {  	v16 =	vmul.f32 v16, v26;
	v17 =	vmul.f32 v17, v9;
	[tilespmem:$0x1FFD0] =	vst v8;
	v8 =	vld [tilespmem:s13+$0xFFFFFEF0]  }
0x8a: {  	v63 =	vld [tilespmem:s13+$0xFFFFFEB0]  }
0x8b: {  	v20 =	vld [tilespmem:s13+$0xFFFFFEC0];
	v18 =	vmul.f32 v18, v10;
	v16 =	vadd.f32 v17, v16  }
0x8c: {  	v22 =	vld [tilespmem:s13+$0xFFFFFED0]  }
0x8d: {  	v24 =	vld [tilespmem:s13+$0xFFFFFF00];
	v19 =	vmul.f32 v19, v11;
	v18 =	vadd.f32 v18, v16  }
0x8e: {  	[tilespmem:$0x1FFE0] =	vst v8;
	v8 =	vld [tilespmem:s13+$0xFFFFFF20]  }
0x8f: {  	v25 =	vld [tilespmem:s13+$0xFFFFFF10];
	v18 =	vadd.f32 v19, v18;
	v19 =	vmul.f32 v27, v12  }
0x90: {  	v17 =	vld [tilespmem:s13+$0xFFFFFF40];
	v27 =	vmul.f32 v32, v11  }
0x91: {  	v16 =	vld [tilespmem:s13+$0xFFFFFF80];
	v18 =	vadd.f32 v19, v18;
	v19 =	vmul.f32 v28, v13;
	v28 =	vmul.f32 v29, v14  }
0x92: {  	v32 =	vld [tilespmem:s13+$0xFFFFFFA0];
	v29 =	vmul.f32 v34, v13;
	v34 =	vmul.f32 v38, v9  }
0x93: {  	v38 =	vmul.f32 v46, v9;
	v18 =	vadd.f32 v19, v18;
	v19 =	vmul.f32 v37, v26;
	[tilespmem:$0x1FFA0] =	vst v8;
	v8 =	vld [tilespmem:s13+$0xFFFFFF30]  }
0x94: {  	v46 =	vmul.f32 v39, v10;
	v39 =	vmul.f32 v40, v11;
	v40 =	vld [tilespmem:s13+$0x0]  }
0x95: {  	v37 =	vld [tilespmem:s13+$0xFFFFFFC0];
	v19 =	vadd.f32 v34, v19  }
0x96: {  	v24 =	vmul.f32 v24, v26;
	v25 =	vmul.f32 v25, v9;
	v34 =	vld [tilespmem:s13+$0xFFFFFFE0]  }
0x97: {  	v30 =	vmul.f32 v30, v15;
	v18 =	vadd.f32 v28, v18;
	v19 =	vadd.f32 v46, v19;
	v46 =	vld [tilespmem:s13+$0x10]  }
0x98: {  	v21 =	vmul.f32 v21, v26;
	v24 =	vadd.f32 v25, v24;
	v25 =	vld [tilespmem:$0x1FFA0];
	[tilespmem:$0x1FFC0] =	vst v8;
	v8 =	vmul.f32 v23, v9  }
0x99: {  	v31 =	vmul.f32 v31, v10;
	v28 =	vadd.f32 v30, v18;
	v30 =	vld [tilespmem:s13+$0x20]  }
0x9a: {  	v18 =	vadd.f32 v39, v19;
	v39 =	vld [tilespmem:s13+$0x40];
	v19 =	vmul.f32 v53, v26;
	v8 =	vadd.f32 v8, v21  }
0x9b: {  	v53 =	vmul.f32 v54, v9;
	v54 =	vmul.f32 v51, v14;
	v51 =	vld [tilespmem:s13+$0xA0]  }
0x9c: {  	v23 =	vld [tilespmem:s13+$0xFFFFFF50];
	v8 =	vadd.f32 v31, v8  }
0x9d: {  	v19 =	vadd.f32 v53, v19;
	v53 =	vld [tilespmem:s13+$0xB0];
	v25 =	vmul.f32 v25, v10  }
0x9e: {  	v21 =	vld [tilespmem:s13+$0xFFFFFF70];
	v8 =	vadd.f32 v27, v8;
	v27 =	vmul.f32 v33, v12  }
0x9f: {  	v24 =	vadd.f32 v25, v24;
	v25 =	vld [tilespmem:$0x1FFC0]  }
0xa0: {  	v31 =	vld [tilespmem:s13+$0xFFFFFF90];
	v8 =	vadd.f32 v27, v8;
	v27 =	vmul.f32 v45, v26  }
0xa1: {  	[tilespmem:$0x1FFF0] =	vst v23;
	v23 =	vld [tilespmem:s13+$0xFFFFFF60]  }
0xa2: {  	v47 =	vmul.f32 v47, v10;
	v33 =	vld [tilespmem:s13+$0xFFFFFFB0];
	v27 =	vadd.f32 v38, v27  }
0xa3: {  	v35 =	vmul.f32 v35, v14;
	v45 =	vld [tilespmem:s13+$0xFFFFFFD0];
	v8 =	vadd.f32 v29, v8  }
0xa4: {  	v48 =	vmul.f32 v48, v11;
	v36 =	vmul.f32 v36, v15;
	v38 =	vld [tilespmem:s13+$0xFFFFFFF0];
	v27 =	vadd.f32 v47, v27  }
0xa5: {  	v47 =	vmul.f32 v41, v12;
	v8 =	vadd.f32 v35, v8;
	v35 =	vld [tilespmem:s13+$0x30];
	v41 =	vmul.f32 v43, v14  }
0xa6: {  	v43 =	vld [tilespmem:s13+$0x50];
	v27 =	vadd.f32 v48, v27;
	v48 =	vmul.f32 v49, v12;
	v49 =	vmul.f32 v42, v13  }
0xa7: {  	v42 =	vmul.f32 v50, v13;
	v29 =	vadd.f32 v36, v8;
	v36 =	vmul.f32 v60, v26;
	v50 =	vld [tilespmem:s13+$0xC0]  }
0xa8: {  	v18 =	vadd.f32 v47, v18;
	v60 =	vmul.f32 v61, v9;
	v61 =	vmul.f32 v56, v11;
	v47 =	vld [tilespmem:s13+$0xD0]  }
0xa9: {  	v56 =	vmul.f32 v57, v12;
	v57 =	vmul.f32 v63, v11;
	v63 =	vld [tilespmem:$0x1FFD0]  }
0xaa: {  	v27 =	vadd.f32 v48, v27;
	v48 =	vld [tilespmem:s13+$0x60]  }
0xab: {  	v18 =	vadd.f32 v49, v18;
	v49 =	vld [tilespmem:s13+$0x90]  }
0xac: {  	v36 =	vadd.f32 v60, v36;
	v60 =	vmul.f32 v31, v9;
	v31 =	vld [tilespmem:s13+$0x110]  }
0xad: {  	v55 =	vmul.f32 v55, v10;
	v8 =	vadd.f32 v42, v27;
	v27 =	vld [tilespmem:s13+$0x70]  }
0xae: {  	v16 =	vmul.f32 v16, v26;
	v25 =	vmul.f32 v25, v11;
	v42 =	vld [tilespmem:s13+$0x80]  }
0xaf: {  	v44 =	vmul.f32 v44, v15;
	v18 =	vadd.f32 v41, v18;
	v41 =	vadd.f32 v55, v19;
	v55 =	vld [tilespmem:s13+$0x140]  }
0xb0: {  	v52 =	vmul.f32 v52, v15;
	v16 =	vadd.f32 v60, v16;
	v60 =	vadd.f32 v25, v24;
	v24 =	vld [tilespmem:s13+$0x160]  }
0xb1: {  	v62 =	vmul.f32 v62, v10;
	v58 =	vmul.f32 v58, v13;
	v8 =	vadd.f32 v54, v8;
	v54 =	vld [tilespmem:s13+$0xE0]  }
0xb2: {  	v59 =	vmul.f32 v59, v14;
	v20 =	vmul.f32 v20, v12;
	v19 =	vadd.f32 v44, v18;
	v44 =	vld [tilespmem:s13+$0x100]  }
0xb3: {  	v22 =	vmul.f32 v22, v13;
	v41 =	vadd.f32 v61, v41;
	v61 =	vmul.f32 v32, v10;
	v32 =	vld [tilespmem:s13+$0x130]  }
0xb4: {  	v17 =	vmul.f32 v17, v12;
	v18 =	vadd.f32 v52, v8;
	v8 =	vadd.f32 v62, v36;
	v36 =	vld [tilespmem:s13+$0xF0]  }
0xb5: {  	v40 =	vmul.f32 v40, v26;
	v46 =	vmul.f32 v46, v9;
	v52 =	vld [tilespmem:s13+$0x120]  }
0xb6: {  	v30 =	vmul.f32 v30, v10;
	v51 =	vmul.f32 v51, v10;
	v62 =	vld [tilespmem:$0x1FFB0]  }
0xb7: {  	v33 =	vmul.f32 v33, v11;
	v16 =	vadd.f32 v61, v16;
	v61 =	vld [tilespmem:$0x1FFE0];
	v8 =	vadd.f32 v57, v8  }
0xb8: {  	v41 =	vadd.f32 v56, v41;
	v56 =	vmul.f32 v63, v14;
	v63 =	vadd.f32 v46, v40;
	v40 =	vld [tilespmem:s13+$0x1D0]  }
0xb9: {  	v46 =	vmul.f32 v49, v9;
	v49 =	vmul.f32 v35, v11;
	v35 =	vld [tilespmem:s13+$0x1E0];
	v8 =	vadd.f32 v20, v8  }
0xba: {  	v21 =	vmul.f32 v21, v15;
	v25 =	vmul.f32 v37, v12;
	v57 =	vld [tilespmem:s13+$0x150]  }
0xbb: {  	v16 =	vadd.f32 v33, v16;
	v8 =	vadd.f32 v22, v8;
	v22 =	vmul.f32 v62, v15;
	v62 =	vld [tilespmem:$0x1FFF0]  }
0xbc: {  	v23 =	vmul.f32 v23, v14;
	v38 =	vmul.f32 v38, v15;
	v41 =	vadd.f32 v58, v41;
	v33 =	vld [tilespmem:s13+$0x170]  }
0xbd: {  	v17 =	vadd.f32 v17, v60;
	v16 =	vadd.f32 v25, v16;
	v25 =	vmul.f32 v45, v13;
	v45 =	vld [tilespmem:s13+$0x190]  }
0xbe: {  	v60 =	vmul.f32 v53, v11;
	v41 =	vadd.f32 v59, v41;
	v59 =	vmul.f32 v39, v12;
	v39 =	vld [tilespmem:s13+$0x260]  }
0xbf: {  	v37 =	vmul.f32 v61, v15;
	v61 =	vmul.f32 v43, v13;
	v43 =	vld [tilespmem:s13+$0x220]  }
0xc0: {  	v31 =	vmul.f32 v31, v9;
	v20 =	vadd.f32 v22, v41;
	v41 =	vld [tilespmem:s13+$0x180];
	v22 =	vmul.f32 v62, v13  }
0xc1: {  	v27 =	vmul.f32 v27, v15;
	v24 =	vmul.f32 v24, v14;
	v8 =	vadd.f32 v56, v8;
	v56 =	vld [tilespmem:s13+$0x1A0]  }
0xc2: {  	v62 =	vmul.f32 v48, v14;
	v48 =	vmul.f32 v47, v13;
	v47 =	vld [tilespmem:s13+$0x230];
	v17 =	vadd.f32 v22, v17  }
0xc3: {  	v22 =	vadd.f32 v37, v8;
	v8 =	vadd.f32 v25, v16;
	v16 =	vmul.f32 v34, v14;
	v25 =	vld [tilespmem:s13+$0x1B0]  }
0xc4: {  	v53 =	vmul.f32 v52, v10;
	v34 =	vld [tilespmem:s13+$0x1C0];
	v17 =	vadd.f32 v23, v17;
	v23 =	vadd.f32 v30, v63  }
0xc5: {  	v36 =	vmul.f32 v36, v15;
	v8 =	vadd.f32 v16, v8;
	v16 =	vmul.f32 v42, v26;
	v42 =	vld [tilespmem:s13+$0x1F0]  }
0xc6: {  	v33 =	vmul.f32 v33, v15;
	v56 =	vmul.f32 v56, v10;
	v30 =	vld [tilespmem:s13+$0x200];
	v58 =	vadd.f32 v49, v23  }
0xc7: {  	v63 =	vmul.f32 v50, v12;
	v16 =	vadd.f32 v46, v16;
	v8 =	vadd.f32 v38, v8;
	v38 =	vld [tilespmem:s13+$0x210]  }
0xc8: {  	v17 =	vadd.f32 v21, v17;
	v49 =	vmul.f32 v44, v26;
	v44 =	vld [tilespmem:s13+$0x240];
	v21 =	vadd.f32 v59, v58  }
0xc9: {  	v50 =	vmul.f32 v41, v26;
	v46 =	vld [tilespmem:s13+$0x270];
	v25 =	vmul.f32 v25, v11;
	v16 =	vadd.f32 v51, v16  }
0xca: {  	v51 =	vmul.f32 v45, v9;
	v45 =	vld [tilespmem:s13+$0x250];
	v23 =	vadd.f32 v31, v49;
	v21 =	vadd.f32 v61, v21  }
0xcb: {  	v34 =	vmul.f32 v34, v12;
	v58 =	vmul.f32 v32, v11;
	v59 =	vld [tilespmem:s13+$0x280]  }
0xcc: {  	v42 =	vmul.f32 v42, v15;
	v23 =	vadd.f32 v53, v23;
	v61 =	vld [tilespmem:s13+$0x290];
	v21 =	vadd.f32 v62, v21  }
0xcd: {  	v16 =	vadd.f32 v60, v16;
	v37 =	vadd.f32 v51, v50;
	v51 =	vld [tilespmem:s13+$0x2D0];
	v53 =	vmul.f32 v35, v14  }
0xce: {  	v35 =	vld [tilespmem:s13+$0x2F0];
	v23 =	vadd.f32 v58, v23;
	v21 =	vadd.f32 v27, v21;
	v27 =	vmul.f32 v55, v12  }
0xcf: {  	v60 =	vmul.f32 v54, v14;
	v52 =	vmul.f32 v38, v9;
	v38 =	vld [tilespmem:s13+$0x2E0]  }
0xd0: {  	v16 =	vadd.f32 v63, v16;
	v62 =	vld [tilespmem:s13+$0x2A0];
	v23 =	vadd.f32 v27, v23;
	v27 =	vmul.f32 v57, v13  }
0xd1: {  	v50 =	vmul.f32 v40, v13;
	v37 =	vadd.f32 v56, v37;
	v63 =	vld [tilespmem:s13+$0x2B0];
	v32 =	vmul.f32 v59, v26  }
0xd2: {  	(xrf2) =	vadd.scan.msk.f32 $0xffff, v28;
	v56 =	vld [tilespmem:s13+$0x310];
	v16 =	vadd.f32 v48, v16;
	v23 =	vadd.f32 v27, v23;
	v27 =	vmul.f32 v30, v26  }
0xd3: {  	(xrf2) =	vadd.scan.msk.f32 $0xffff, v29;
	v54 =	vld [tilespmem:s13+$0x300];
	v25 =	vadd.f32 v25, v37;
	v55 =	vmul.f32 v61, v9;
	v51 =	vmul.f32 v51, v13  }
0xd4: {  	(xrf2) =	vadd.scan.msk.f32 $0xffff, v19;
	v58 =	vld [tilespmem:s13+$0x380];
	v23 =	vadd.f32 v24, v23;
	v24 =	vadd.f32 v52, v27;
	v27 =	vmul.f32 v43, v10  }
0xd5: {  	(xrf2) =	vadd.scan.msk.f32 $0xffff, v18;
	v48 =	vld [tilespmem:s13+$0x2C0];
	v16 =	vadd.f32 v60, v16;
	v25 =	vadd.f32 v34, v25;
	v37 =	vmul.f32 v38, v14  }
0xd6: {  	(xrf2) =	vadd.scan.msk.f32 $0xffff, v20;
	v59 =	vld [tilespmem:s13+$0x390];
	v31 =	vmul.f32 v62, v10;
	v24 =	vadd.f32 v27, v24;
	v27 =	vmul.f32 v47, v11  }
0xd7: {  	(xrf2) =	vadd.scan.msk.f32 $0xffff, v22;
	v57 =	vld [tilespmem:s13+$0x320];
	v32 =	vadd.f32 v55, v32;
	v60 =	vmul.f32 v63, v11;
	v62 =	vmul.f32 v56, v9  }
0xd8: {  	(xrf2) =	vadd.scan.msk.f32 $0xffff, v17;
	v38 =	vld [tilespmem:s13+$0x370];
	v16 =	vadd.f32 v36, v16;
	v24 =	vadd.f32 v27, v24;
	v27 =	vmul.f32 v44, v12  }
0xd9: {  	(xrf2) =	vadd.scan.msk.f32 $0xffff, v8;
	v61 =	vld [tilespmem:s13+$0x330];
	v56 =	vmul.f32 v58, v26;
	v25 =	vadd.f32 v50, v25;
	v31 =	vadd.f32 v31, v32  }
0xda: {  	(xrf2) =	vadd.scan.msk.f32 $0xffff, v21;
	v63 =	vld [tilespmem:s13+$0x3A0];
	v49 =	vmul.f32 v48, v12;
	v24 =	vadd.f32 v27, v24;
	v27 =	vmul.f32 v54, v26  }
0xdb: {  	v50 =	vld [tilespmem:s13+$0x340];
	v25 =	vadd.f32 v53, v25;
	(xrf2) =	vadd.scan.msk.f32 $0xffff, v16;
	v16 =	vmul.f32 v35, v15;
	v31 =	vadd.f32 v60, v31  }
0xdc: {  	v53 =	vld [tilespmem:s13+$0x3B0];
	v52 =	vmul.f32 v57, v10;
	v47 =	vmul.f32 v45, v13;
	v27 =	vadd.f32 v62, v27  }
0xdd: {  	v55 =	vld [tilespmem:s13+$0x350];
	v48 =	vmul.f32 v38, v15;
	v23 =	vadd.f32 v33, v23;
	v33 =	vmul.f32 v59, v9  }
0xde: {  	v58 =	vld [tilespmem:s13+$0x3C0];
	v57 =	vadd.f32 v47, v24;
	v24 =	vadd.f32 v52, v27;
	v27 =	vmul.f32 v61, v11  }
0xdf: {  	v36 =	vld [tilespmem:s13+$0x3D0];
	v25 =	vadd.f32 v42, v25;
	v60 =	vadd.f32 v33, v56;
	v62 =	vmul.f32 v63, v10  }
0xe0: {  	v54 =	vadd.f32 v49, v31;
	v61 =	vld [tilespmem:s13+$0x360];
	v24 =	vadd.f32 v27, v24;
	v27 =	vmul.f32 v50, v12  }
0xe1: {  	v63 =	vmul.f32 v39, v14;
	v39 =	vmul.f32 v53, v11;
	v28 =	vadd.f32 v62, v60  }
0xe2: {  	v41 =	vmul.f32 v55, v13;
	v59 =	vadd.f32 v51, v54;
	v40 =	vadd.f32 v27, v24;
	v24 =	vld [tilespmem:s13+$0x3E0]  }
0xe3: {  	v43 =	vmul.f32 v58, v12;
	v44 =	vmul.f32 v46, v15;
	v42 =	vadd.f32 v39, v28;
	v27 =	vld [tilespmem:s13+$0x3F0]  }
0xe4: {  	v46 =	vmul.f32 v36, v13;
	v47, _, _ =	vpop (xrf2);
	v17 =	vadd.f32 v63, v57;
	v8 =	vadd.f32 v37, v59  }
0xe5: {  	v49, _, _ =	vpop (xrf2);
	v18 =	vadd.f32 v43, v42;
	v45 =	vmul.f32 v61, v14;
	v19 =	vadd.f32 v41, v40  }
0xe6: {  	(xrf2) =	vadd.scan.msk.f32 $0xffff, v23;
	v21 =	vbroadcast v49, $0xF;
	v17 =	vadd.f32 v44, v17;
	v8 =	vadd.f32 v16, v8  }
0xe7: {  	(xrf2) =	vadd.scan.msk.f32 $0xffff, v25;
	v16 =	vadd.f32 v46, v18;
	v19 =	vadd.f32 v45, v19;
	v50 =	vmul.f32 v24, v14  }
0xe8: {  	v51, _, _ =	vpop (xrf2);
	(xrf2) =	vadd.scan.msk.f32 $0xffff, v17;
	v17 =	vbroadcast v47, $0xF;
	v53 =	vmul.f32 v27, v15  }
0xe9: {  	v52, _, _ =	vpop (xrf2);
	(xrf2) =	vadd.scan.msk.f32 $0xffff, v8;
	v19 =	vadd.f32 v48, v19;
	v8 =	vadd.f32 v50, v16;
	v16 =	vbroadcast v51, $0xF  }
0xea: {  	v20 =	vbroadcast v52, $0xF;
	v54, _, _ =	vpop (xrf2);
	v17 =	vsel vm0, v17, v21  }
0xeb: {  	v55, _, _ =	vpop (xrf2);
	(xrf2) =	vadd.scan.msk.f32 $0xffff, v19;
	v16 =	vsel vm1, v17, v16;
	v17 =	vbroadcast v54, $0xF;
	v8 =	vadd.f32 v53, v8  }
0xec: {  	v56, _, _ =	vpop (xrf2);
	v16 =	vsel vm2, v16, v20  }
0xed: {  	v19 =	vbroadcast v55, $0xF;
	v16 =	vsel vm3, v16, v17;
	v17 =	vbroadcast v56, $0xF  }
0xee: {  	v57, _, _ =	vpop (xrf2)  }
0xef: {  	v18 =	vbroadcast v57, $0xF;
	(xrf2) =	vadd.scan.msk.f32 $0xffff, v8;
	v16 =	vsel vm4, v16, v19;
	v8, _, _ =	vpop (xrf2)  }
0xf0: {  	v16 =	vsel vm5, v16, v17;
	v58, _, _ =	vpop (xrf2);
	v8 =	vbroadcast v8, $0xF  }
0xf1: {  	v16 =	vsel vm6, v16, v18;
	v17, _, _ =	vpop (xrf2);
	v59 =	vbroadcast v58, $0xF  }
0xf2: {  	v60, _, _ =	vpop (xrf2);
	v8 =	vsel vm7, v16, v8;
	v16 =	vbroadcast v17, $0xF  }
0xf3: {  	v17, _, _ =	vpop (xrf2);
	v8 =	vsel vm8, v8, v59;
	v61 =	vbroadcast v60, $0xF  }
0xf4: {  	v62, _, _ =	vpop (xrf2);
	v8 =	vsel vm9, v8, v16;
	v16 =	vbroadcast v17, $0xF  }
0xf5: {  	v17, _, _ =	vpop (xrf2);
	v8 =	vsel vm10, v8, v61  }
0xf6: {  	v8 =	vsel vm11, v8, v16;
	v16 =	vbroadcast v17, $0xF  }
0xf7: {  	p1 =	sne.s32 s14, $0x140;
	v63 =	vbroadcast v62, $0xF  }
.Ltmp0:
0xf8: {  	_ = 	snop;
	(pc) =	sbr.rel @p1 .LBB2_3-.Ltmp0, $4  }
0xf9: {  	v8 =	vsel vm12, v8, v63  }
0xfa: {  	v8 =	vsel vm13, v8, v16;
	v16, _, _ =	vpop (xrf2)  }
0xfb: {  	s15 =	sshra.s32 s14, $0x2;
	v8 =	vsel vm14, v8, v16  }
0xfc: {  	s14 =	sadd.s32 $0x40, s14;
	s13 =	sadd.s32 $0x800, s13;
	[tilespmem:s15+$0x16400] =	vst v8  }
0xfd: {  	s13 =	simm.s32 $0xB800  }
0xfe: {  	v10 =	vld [tilespmem:s13+$0x370]  }
0xff: {  	v14 =	vld [tilespmem:s13+$0x360]  }
0x100: {  	v61 =	vld [tilespmem:s13+$0x3C0]  }
0x101: {  	v32 =	vld [tilespmem:s13+$0x270]  }
0x102: {  	v24 =	vld [tilespmem:s13+$0x350]  }
0x103: {  	v9 =	vld [tilespmem:s13+$0x3B0]  }
0x104: {  	v33 =	vld [tilespmem:s13+$0x1F0]  }
0x105: {  	v34 =	vld [tilespmem:s13+$0x260]  }
0x106: {  	v25 =	vld [tilespmem:s13+$0x340]  }
0x107: {  	v11 =	vld [tilespmem:s13+$0x3A0]  }
0x108: {  	v35 =	vld [tilespmem:s13+$0x1E0]  }
0x109: {  	v36 =	vld [tilespmem:s13+$0x250]  }
0x10a: {  	v12 =	vld [tilespmem:s13+$0x2C0]  }
0x10b: {  	v21 =	vld [tilespmem:s13+$0x330]  }
0x10c: {  	v27 =	vld [tilespmem:s13+$0x380]  }
0x10d: {  	v37 =	vld [tilespmem:s13+$0x390]  }
0x10e: {  	v18 =	vld [tilespmem:s13+$0xF0]  }
0x10f: {  	v38 =	vld [tilespmem:s13+$0x1D0]  }
0x110: {  	v39 =	vld [tilespmem:s13+$0x240]  }
0x111: {  	v8 =	vld [tilespmem:s13+$0x2B0]  }
0x112: {  	v23 =	vld [tilespmem:s13+$0x320]  }
0x113: {  	v15 =	vld [tilespmem:s13+$0x70]  }
0x114: {  	v31 =	vld [tilespmem:s13+$0xE0]  }
0x115: {  	v40 =	vld [tilespmem:s13+$0x1C0]  }
0x116: {  	v41 =	vld [tilespmem:s13+$0x230]  }
0x117: {  	v29 =	vld [tilespmem:s13+$0x2A0]  }
0x118: {  	v26 =	vld [tilespmem:s13+$0x300]  }
0x119: {  	v42 =	vld [tilespmem:s13+$0x310]  }
0x11a: {  	v30 =	vld [tilespmem:s13+$0x60]  }
0x11b: {  	v43 =	vld [tilespmem:s13+$0xD0]  }
0x11c: {  	v16 =	vld [tilespmem:s13+$0x140]  }
0x11d: {  	v44 =	vld [tilespmem:s13+$0x1B0]  }
0x11e: {  	v45 =	vld [tilespmem:s13+$0x220]  }
0x11f: {  	v46 =	vld [tilespmem:s13+$0x280]  }
0x120: {  	v47 =	vld [tilespmem:s13+$0x290]  }
0x121: {  	v22 =	vld [tilespmem:s13+$0xFFFFFF70]  }
0x122: {  	v48 =	vld [tilespmem:s13+$0x50]  }
0x123: {  	v49 =	vld [tilespmem:s13+$0xC0]  }
0x124: {  	v17 =	vld [tilespmem:s13+$0x130]  }
0x125: {  	v50 =	vld [tilespmem:s13+$0x1A0]  }
0x126: {  	v51 =	vld [tilespmem:s13+$0x200]  }
0x127: {  	v52 =	vld [tilespmem:s13+$0x210]  }
0x128: {  	v28 =	vld [tilespmem:s13+$0xFFFFFEF0]  }
0x129: {  	v19 =	vld [tilespmem:s13+$0xFFFFFF60]  }
0x12a: {  	v53 =	vld [tilespmem:s13+$0x40]  }
0x12b: {  	v54 =	vld [tilespmem:s13+$0xB0]  }
0x12c: {  	v20 =	vld [tilespmem:s13+$0x120]  }
0x12d: {  	v55 =	vld [tilespmem:s13+$0x180]  }
0x12e: {  	v56 =	vld [tilespmem:s13+$0x190]  }
0x12f: {  	v58 =	vld [tilespmem:s13+$0x30];
	v26 =	vmul.f32 v26, v6;
	v42 =	vmul.f32 v42, v7  }
0x130: {  	v60 =	vld [tilespmem:s13+$0x100];
	v57 =	vmul.f32 v23, v5;
	v63 =	vmul.f32 v21, v4  }
0x131: {  	v23 =	vld [tilespmem:s13+$0xFFFFFF50];
	v25 =	vmul.f32 v25, v3;
	v59 =	vmul.f32 v24, v2  }
0x132: {  	v21 =	vld [tilespmem:s13+$0xFFFFFFC0];
	v51 =	vmul.f32 v51, v6;
	v52 =	vmul.f32 v52, v7  }
0x133: {  	v14 =	vmul.f32 v14, v1;
	v24 =	vld [tilespmem:s13+$0xFFFFFDF0];
	v55 =	vmul.f32 v55, v6;
	v42 =	vadd.f32 v42, v26  }
0x134: {  	v56 =	vmul.f32 v56, v7;
	v45 =	vmul.f32 v45, v5;
	v26 =	vld [tilespmem:s13+$0xFFFFFEE0];
	v51 =	vadd.f32 v52, v51  }
0x135: {  	v27 =	vmul.f32 v27, v6;
	v50 =	vmul.f32 v50, v5;
	v52 =	vld [tilespmem:s13+$0xFFFFFF40];
	v42 =	vadd.f32 v57, v42  }
0x136: {  	v37 =	vmul.f32 v37, v7;
	v41 =	vmul.f32 v41, v4;
	v45 =	vadd.f32 v45, v51;
	v51 =	vld [tilespmem:s13+$0x90]  }
0x137: {  	v44 =	vmul.f32 v44, v4;
	v55 =	vadd.f32 v56, v55;
	v56 =	vld [tilespmem:s13+$0x80];
	v42 =	vadd.f32 v63, v42  }
0x138: {  	v39 =	vmul.f32 v39, v3;
	v36 =	vmul.f32 v36, v2;
	v57 =	vld [tilespmem:s13+$0xA0]  }
0x139: {  	v38 =	vmul.f32 v38, v2;
	v50 =	vadd.f32 v50, v55;
	v55 =	vld [tilespmem:s13+$0xFFFFFFB0];
	v25 =	vadd.f32 v25, v42  }
0x13a: {  	v46 =	vmul.f32 v46, v6;
	v47 =	vmul.f32 v47, v7;
	v42 =	vld [tilespmem:s13+$0x110]  }
0x13b: {  	v34 =	vmul.f32 v34, v1;
	v62 =	vmul.f32 v51, v7;
	v51 =	vld [tilespmem:s13+$0xFFFFFEC0];
	v59 =	vadd.f32 v59, v25  }
0x13c: {  	v35 =	vmul.f32 v35, v1;
	v32 =	vmul.f32 v32, v0;
	v25 =	vld [tilespmem:s13+$0xFFFFFED0]  }
0x13d: {  	v14 =	vadd.f32 v14, v59;
	v59 =	vmul.f32 v10, v0;
	v10 =	vadd.f32 v41, v45;
	v41 =	vld [tilespmem:s13+$0x20]  }
0x13e: {  	v33 =	vmul.f32 v33, v0;
	v54 =	vmul.f32 v54, v4;
	v63 =	vadd.f32 v37, v27;
	v45 =	vld [tilespmem:s13+$0x0]  }
0x13f: {  	v9 =	vmul.f32 v9, v4;
	v27 =	vadd.f32 v59, v14;
	v59 =	vadd.f32 v44, v50;
	v44 =	vld [tilespmem:s13+$0xFFFFFD70]  }
0x140: {  	v43 =	vmul.f32 v43, v2;
	v14 =	vmul.f32 v40, v3;
	v37 =	vadd.f32 v39, v10;
	v39 =	vld [tilespmem:s13+$0xFFFFFDE0]  }
0x141: {  	v10 =	vmul.f32 v57, v5;
	v57 =	vmul.f32 v49, v3;
	v49 =	vld [tilespmem:s13+$0xFFFFFC60]  }
0x142: {  	v40 =	vadd.f32 v14, v59;
	v14 =	vmul.f32 v56, v6;
	v36 =	vadd.f32 v36, v37;
	v37 =	vld [tilespmem:s13+$0x10]  }
0x143: {  	v31 =	vmul.f32 v31, v1;
	v56 =	vmul.f32 v45, v6;
	v45 =	vld [tilespmem:s13+$0xFFFFFF00]  }
0x144: {  	v59 =	vmul.f32 v11, v5;
	v50 =	vadd.f32 v62, v14;
	v38 =	vadd.f32 v38, v40;
	v40 =	vld [tilespmem:s13+$0xFFFFFF30]  }
0x145: {  	v8 =	vmul.f32 v8, v4;
	v30 =	vmul.f32 v30, v1;
	v62 =	vadd.f32 v47, v46;
	v46 =	vld [tilespmem:s13+$0xFFFFFFA0]  }
0x146: {  	v13 =	vmul.f32 v16, v3;
	v17 =	vmul.f32 v17, v4;
	[tilespmem:$0x1FF80] =	vst v59;
	v59 =	vld [tilespmem:s13+$0xFFFFFE90];
	v10 =	vadd.f32 v10, v50  }
0x147: {  	[tilespmem:$0x1FF70] =	vst v9;
	v9 =	vmul.f32 v53, v3;
	v34 =	vadd.f32 v34, v36;
	v47 =	vld [tilespmem:s13+$0xFFFFFF20];
	v35 =	vadd.f32 v35, v38  }
0x148: {  	v42 =	vmul.f32 v42, v7;
	v38 =	vld [tilespmem:s13+$0xFFFFFC70];
	v37 =	vmul.f32 v37, v7;
	v36 =	vadd.f32 v54, v10  }
0x149: {  	v11 =	vmul.f32 v60, v6;
	v50 =	vadd.f32 v32, v34;
	v34 =	vld [tilespmem:s13+$0xFFFFFD60];
	v35 =	vadd.f32 v33, v35  }
0x14a: {  	v41 =	vmul.f32 v41, v5;
	v33 =	vld [tilespmem:s13+$0xFFFFFDD0];
	v32 =	vadd.f32 v37, v56;
	v36 =	vadd.f32 v57, v36  }
0x14b: {  	v57 =	vmul.f32 v58, v4;
	v58 =	vmul.f32 v18, v0;
	v18 =	vadd.f32 v42, v11;
	v11 =	vld [tilespmem:s13+$0xFFFFFEA0]  }
0x14c: {  	v53 =	vmul.f32 v15, v0;
	v15 =	vmul.f32 v29, v5;
	v32 =	vadd.f32 v41, v32;
	v41 =	vld [tilespmem:s13+$0xFFFFFF10]  }
0x14d: {  	v24 =	vmul.f32 v24, v0;
	v60 =	vmul.f32 v12, v3;
	v36 =	vadd.f32 v43, v36;
	v43 =	vld [tilespmem:s13+$0xFFFFFE80]  }
0x14e: {  	v10 =	vmul.f32 v48, v2;
	v45 =	vmul.f32 v45, v6;
	v48 =	vld [tilespmem:s13+$0xFFFFFD40];
	v32 =	vadd.f32 v57, v32  }
0x14f: {  	v37 =	vld [tilespmem:s13+$0xFFFFFEB0];
	v56 =	vmul.f32 v28, v0;
	v42 =	vmul.f32 v59, v7;
	v29 =	vadd.f32 v31, v36  }
0x150: {  	v59 =	vld [tilespmem:s13+$0xFFFFFDB0];
	v36 =	vmul.f32 v33, v2;
	v32 =	vadd.f32 v9, v32;
	v11 =	vmul.f32 v11, v5  }
0x151: {  	v57 =	vld [tilespmem:s13+$0xFFFFFDC0];
	v54 =	vadd.f32 v58, v29;
	v41 =	vmul.f32 v41, v7;
	v58 =	vmul.f32 v26, v1  }
0x152: {  	v31 =	vld [tilespmem:s13+$0xFFFFFF80];
	v32 =	vadd.f32 v10, v32;
	v9 =	vmul.f32 v43, v6;
	v43 =	vmul.f32 v22, v0  }
0x153: {  	v29 =	vld [tilespmem:s13+$0xFFFFFF90];
	v10 =	vmul.f32 v47, v5;
	v22 =	vadd.f32 v41, v45;
	v41 =	vmul.f32 v19, v1  }
0x154: {  	v47 =	vld [tilespmem:s13+$0xFFFFFC50];
	v19 =	vmul.f32 v20, v5;
	v20 =	vmul.f32 v21, v3  }
0x155: {  	v45 =	vld [tilespmem:s13+$0xFFFFFD50];
	v21 =	vmul.f32 v52, v3;
	v28 =	vadd.f32 v42, v9;
	v30 =	vadd.f32 v30, v32  }
0x156: {  	v52 =	vld [tilespmem:s13+$0xFFFFFE00];
	v9 =	vmul.f32 v23, v2;
	v23 =	vmul.f32 v37, v4;
	v22 =	vadd.f32 v10, v22  }
0x157: {  	v32 =	vld [tilespmem:s13+$0xFFFFFD30];
	v10 =	vmul.f32 v25, v2;
	v26 =	vadd.f32 v11, v28;
	v28 =	vmul.f32 v40, v4  }
0x158: {  	v37 =	vld [tilespmem:s13+$0xFFFFFD80];
	v25 =	vmul.f32 v38, v0;
	v38 =	vmul.f32 v48, v3  }
0x159: {  	v40 =	vld [tilespmem:s13+$0xFFFFFD90];
	v33 =	vmul.f32 v47, v2;
	v47 =	vmul.f32 v59, v4;
	v22 =	vadd.f32 v28, v22  }
0x15a: {  	v42 =	vld [tilespmem:s13+$0xFFFFFC00];
	v23 =	vadd.f32 v23, v26;
	v26 =	vmul.f32 v31, v6;
	v28 =	vmul.f32 v29, v7  }
0x15b: {  	v30 =	vadd.f32 v53, v30;
	v29 =	vmul.f32 v51, v3;
	v51 =	vld [tilespmem:s13+$0xFFFFFDA0];
	v48 =	vmul.f32 v52, v6  }
0x15c: {  	v31 =	vadd.f32 v21, v22;
	v26 =	vadd.f32 v28, v26;
	v28 =	vmul.f32 v39, v1;
	v39 =	vld [tilespmem:s13+$0xFFFFFE10]  }
0x15d: {  	v37 =	vmul.f32 v37, v6;
	v29 =	vadd.f32 v29, v23;
	v23 =	vmul.f32 v46, v5;
	v46 =	vld [tilespmem:s13+$0xFFFFFD00]  }
0x15e: {  	v22 =	vmul.f32 v44, v0;
	v40 =	vmul.f32 v40, v7;
	v11 =	vadd.f32 v9, v31;
	v9 =	vld [tilespmem:s13+$0xFFFFFD10]  }
0x15f: {  	[tilespmem:$0x1FF90] =	vst v8;
	v44 =	vadd.f32 v10, v29;
	v31 =	vmul.f32 v34, v1;
	v34 =	vmul.f32 v45, v2;
	v45 =	vld [tilespmem:s13+$0xFFFFFC10]  }
0x160: {  	(xrf2) =	vadd.scan.msk.f32 $0xffff, v27;
	v21 =	vmul.f32 v55, v4;
	v29 =	vmul.f32 v49, v1;
	v10 =	vadd.f32 v41, v11;
	v41 =	vld [tilespmem:s13+$0xFFFFFD20]  }
0x161: {  	(xrf2) =	vadd.scan.msk.f32 $0xffff, v50;
	v11 =	vadd.f32 v40, v37;
	v27 =	vadd.f32 v58, v44;
	v58 =	vmul.f32 v51, v5;
	v44 =	vld [tilespmem:s13+$0xFFFFFC80]  }
0x162: {  	(xrf2) =	vadd.scan.msk.f32 $0xffff, v35;
	v40 =	vmul.f32 v57, v3;
	v50 =	vmul.f32 v46, v6;
	v46 =	vld [tilespmem:s13+$0xFFFFFC90];
	v37 =	vadd.f32 v43, v10  }
0x163: {  	s14 =	simm.s32 $0x40;
	(xrf2) =	vadd.scan.msk.f32 $0xffff, v54;
	v43 =	vld [tilespmem:s13+$0xFFFFFC20];
	v49 =	vadd.f32 v58, v11;
	v35 =	vadd.f32 v56, v27;
	v51 =	vmul.f32 v9, v7  }
.LBB2_5:
0x164: {  	v23 =	vadd.f32 v23, v26  }
0x165: {  	v50 =	vadd.f32 v51, v50;
	v47 =	vadd.f32 v47, v49  }
0x166: {  	v58 =	vld [tilespmem:s13+$0xFFFFFCA0];
	v18 =	vadd.f32 v19, v18;
	v21 =	vadd.f32 v21, v23;
	v41 =	vmul.f32 v41, v5  }
0x167: {  	v52 =	vld [tilespmem:s13+$0xFFFFFC30];
	v40 =	vadd.f32 v40, v47;
	v39 =	vmul.f32 v39, v7;
	v42 =	vmul.f32 v42, v6  }
0x168: {  	v59 =	vld [tilespmem:s13+$0xFFFFFC40];
	v17 =	vadd.f32 v17, v18;
	v45 =	vmul.f32 v45, v7;
	v32 =	vmul.f32 v32, v4  }
0x169: {  	v10 =	vld [tilespmem:s13+$0xFFFFFE20];
	v44 =	vmul.f32 v44, v6;
	v46 =	vmul.f32 v46, v7;
	v36 =	vadd.f32 v36, v40  }
0x16a: {  	v43 =	vmul.f32 v43, v5;
	v41 =	vadd.f32 v41, v50;
	v42 =	vadd.f32 v45, v42;
	v50 =	vld [tilespmem:s13+$0xFFFFFCB0]  }
0x16b: {  	v56 =	vmul.f32 v58, v5;
	v39 =	vadd.f32 v39, v48;
	v55 =	vadd.f32 v46, v44  }
0x16c: {  	v54 =	vld [tilespmem:s13+$0xFFFFFCC0];
	v27, _, _ =	vpop (xrf2);
	(xrf2) =	vadd.scan.msk.f32 $0xffff, v30;
	v53 =	vmul.f32 v52, v4;
	v8 =	vadd.f32 v32, v41;
	v42 =	vadd.f32 v43, v42  }
0x16d: {  	v57 =	vld [tilespmem:s13+$0xFFFFFE30];
	v28 =	vadd.f32 v28, v36;
	v11 =	vadd.f32 v56, v55  }
0x16e: {  	v58 =	vmul.f32 v59, v3;
	v59 =	vld [tilespmem:s13+$0xFFFFFCD0];
	v38 =	vadd.f32 v38, v8;
	v42 =	vadd.f32 v53, v42  }
0x16f: {  	v49 =	vld [tilespmem:s13+$0xFFFFFE40];
	v41 =	vmul.f32 v10, v5;
	v28 =	vadd.f32 v24, v28;
	v48 =	vmul.f32 v50, v4  }
0x170: {  	v51 =	vld [tilespmem:s13+$0xFFFFFCE0];
	v34 =	vadd.f32 v34, v38;
	v50 =	vadd.f32 v58, v42  }
0x171: {  	v30, _, _ =	vpop (xrf2);
	(xrf2) =	vadd.scan.msk.f32 $0xffff, v37;
	v8 =	vmul.f32 v54, v3;
	v39 =	vadd.f32 v41, v39;
	v36 =	vadd.f32 v48, v11  }
0x172: {  	v32, _, _ =	vpop (xrf2);
	(xrf2) =	vadd.scan.msk.f32 $0xffff, v35;
	v53 =	vld [tilespmem:s13+$0xFFFFFCF0];
	v31 =	vadd.f32 v31, v34;
	v33 =	vadd.f32 v33, v50  }
0x173: {  	v23 =	vld [tilespmem:s13+$0x150];
	v24, _, _ =	vpop (xrf2);
	v54 =	vmul.f32 v57, v4;
	v55 =	vmul.f32 v59, v2;
	(xrf2) =	vadd.scan.msk.f32 $0xffff, v28;
	v28 =	vadd.f32 v8, v36  }
0x174: {  	v18 =	vld [tilespmem:s13+$0x2D0];
	v38 =	vmul.f32 v49, v3;
	v22 =	vadd.f32 v22, v31;
	v29 =	vadd.f32 v29, v33  }
0x175: {  	v52 =	vld [tilespmem:s13+$0xFFFFFE50];
	v58 =	vmul.f32 v51, v1;
	v8 =	vadd.f32 v54, v39;
	v28 =	vadd.f32 v55, v28  }
0x176: {  	v57 =	vld [tilespmem:s13+$0xFFFFFFD0];
	v56, _, _ =	vpop (xrf2);
	(xrf2) =	vadd.scan.msk.f32 $0xffff, v22;
	v22 =	vadd.f32 v25, v29  }
0x177: {  	v43 =	vmul.f32 v53, v0;
	v31 =	vld [tilespmem:s13+$0xFFFFFE60];
	v25 =	vadd.f32 v38, v8;
	v8 =	vadd.f32 v58, v28  }
0x178: {  	v59 =	vld [tilespmem:s13+$0xFFFFFE70]  }
0x179: {  	v19 =	vadd.f32 v43, v8;
	v8 =	vld [tilespmem:$0x1FF90]  }
0x17a: {  	v26 =	vmul.f32 v52, v2;
	v29 =	vld [tilespmem:s13+$0xFFFFFFE0]  }
0x17b: {  	v44 =	vld [tilespmem:$0x1FF70]  }
0x17c: {  	v14 =	vadd.f32 v15, v62;
	v25 =	vadd.f32 v26, v25;
	v26 =	vmul.f32 v31, v1;
	v31 =	vld [tilespmem:s13+$0xFFFFFFF0]  }
0x17d: {  	v20 =	vadd.f32 v20, v21;
	v16 =	vadd.f32 v13, v17;
	v21 =	vmul.f32 v57, v2;
	v42, _, _ =	vpop (xrf2);
	(xrf2) =	vadd.scan.msk.f32 $0xffff, v22;
	v22 =	vld [tilespmem:s13+$0x160]  }
0x17e: {  	v25 =	vadd.f32 v26, v25;
	v26 =	vmul.f32 v59, v0;
	v13 =	vadd.f32 v8, v14;
	v8 =	vld [tilespmem:$0x1FF80]  }
0x17f: {  	v17 =	vmul.f32 v23, v2;
	v20 =	vadd.f32 v21, v20;
	v28, _, _ =	vpop (xrf2);
	v21 =	vmul.f32 v29, v1;
	v29 =	vld [tilespmem:s13+$0x170];
	(xrf2) =	vadd.scan.msk.f32 $0xffff, v19  }
0x180: {  	v19 =	vld [tilespmem:s13+$0x2E0];
	v9 =	vadd.f32 v26, v25  }
0x181: {  	v16 =	vadd.f32 v17, v16;
	v20 =	vadd.f32 v21, v20;
	v21 =	vmul.f32 v31, v0;
	v14 =	vld [tilespmem:s13+$0x3D0]  }
0x182: {  	v23, _, _ =	vpop (xrf2);
	v17 =	vmul.f32 v22, v1;
	v22 =	vld [tilespmem:s13+$0x2F0];
	(xrf2) =	vadd.scan.msk.f32 $0xffff, v9;
	v12 =	vadd.f32 v60, v13;
	v13 =	vmul.f32 v18, v2  }
0x183: {  	v11 =	vadd.f32 v21, v20;
	v10 =	vadd.f32 v8, v63  }
0x184: {  	v20 =	vadd.f32 v17, v16;
	v17 =	vmul.f32 v29, v0;
	v18 =	vld [tilespmem:s13+$0x3E0];
	v12 =	vadd.f32 v13, v12  }
0x185: {  	v15, _, _ =	vpop (xrf2);
	v13 =	vmul.f32 v19, v1;
	(xrf2) =	vadd.scan.msk.f32 $0xffff, v11;
	v8 =	vmul.f32 v61, v3;
	v9 =	vadd.f32 v44, v10  }
0x186: {  	v45 =	vadd.f32 v17, v20;
	v17 =	vmul.f32 v14, v2;
	v14 =	vld [tilespmem:s13+$0x3F0]  }
0x187: {  	v12 =	vadd.f32 v13, v12;
	v13 =	vmul.f32 v22, v0;
	v8 =	vadd.f32 v8, v9  }
0x188: {  	v16, _, _ =	vpop (xrf2);
	(xrf2) =	vadd.scan.msk.f32 $0xffff, v45  }
0x189: {  	v47 =	vmul.f32 v18, v1;
	v48, _, _ =	vpop (xrf2);
	v46 =	vadd.f32 v13, v12;
	v8 =	vadd.f32 v17, v8  }
0x18a: {  	v16 =	vbroadcast v16, $0xF;
	v11 =	vbroadcast v48, $0xF  }
0x18b: {  	v13 =	vbroadcast v15, $0xF;
	v49 =	vmul.f32 v14, v0;
	(xrf2) =	vadd.scan.msk.f32 $0xffff, v46;
	v8 =	vadd.f32 v47, v8  }
0x18c: {  	v51 =	vbroadcast v23, $0xF;
	v50 =	vsel vm0, v16, v11;
	v12, _, _ =	vpop (xrf2)  }
0x18d: {  	v9 =	vsel vm1, v50, v13;
	v13 =	vbroadcast v12, $0xF;
	v8 =	vadd.f32 v49, v8  }
0x18e: {  	v52 =	vbroadcast v28, $0xF;
	v9 =	vsel vm2, v9, v51  }
0x18f: {  	v9 =	vsel vm3, v9, v13;
	v13 =	vbroadcast v42, $0xF;
	v12, _, _ =	vpop (xrf2);
	(xrf2) =	vadd.scan.msk.f32 $0xffff, v8  }
0x190: {  	v53 =	vbroadcast v12, $0xF;
	v8 =	vsel vm4, v9, v52  }
0x191: {  	v54 =	vbroadcast v56, $0xF;
	v8 =	vsel vm5, v8, v13  }
0x192: {  	v55 =	vbroadcast v24, $0xF;
	v56, _, _ =	vpop (xrf2);
	v8 =	vsel vm6, v8, v53  }
0x193: {  	v57 =	vbroadcast v56, $0xF;
	v8 =	vsel vm7, v8, v54  }
0x194: {  	v58 =	vbroadcast v32, $0xF;
	v8 =	vsel vm8, v8, v55  }
0x195: {  	v59 =	vbroadcast v30, $0xF;
	v60, _, _ =	vpop (xrf2);
	v8 =	vsel vm9, v8, v57  }
0x196: {  	v11 =	vbroadcast v60, $0xF;
	v8 =	vsel vm10, v8, v58  }
0x197: {  	v61 =	vbroadcast v27, $0xF;
	v8 =	vsel vm11, v8, v59  }
0x198: {  	v8 =	vsel vm12, v8, v11  }
0x199: {  	v8 =	vsel vm13, v8, v61;
	v62, _, _ =	vpop (xrf2)  }
0x19a: {  	s15 =	sshra.s32 s12, $0x2;
	v8 =	vsel vm14, v8, v62  }
0x19b: {  	s13 =	sadd.s32 $0x800, s13;
	[tilespmem:s15+$0x16480] =	vst v8  }
0x19c: {  	v9 =	vld [tilespmem:s13+$0x370]  }
0x19d: {  	v10 =	vld [tilespmem:s13+$0x360]  }
0x19e: {  	v8 =	vld [tilespmem:s13+$0x3C0]  }
0x19f: {  	v11 =	vld [tilespmem:s13+$0x270]  }
0x1a0: {  	v12 =	vld [tilespmem:s13+$0x350]  }
0x1a1: {  	v13 =	vld [tilespmem:s13+$0x3B0]  }
0x1a2: {  	v15 =	vld [tilespmem:s13+$0x1F0]  }
0x1a3: {  	v23 =	vld [tilespmem:s13+$0x260]  }
0x1a4: {  	v25 =	vld [tilespmem:s13+$0x340]  }
0x1a5: {  	v26 =	vld [tilespmem:s13+$0x3A0]  }
0x1a6: {  	v27 =	vld [tilespmem:s13+$0x1E0]  }
0x1a7: {  	v31 =	vld [tilespmem:s13+$0x250]  }
0x1a8: {  	v32 =	vld [tilespmem:s13+$0x2C0]  }
0x1a9: {  	v30 =	vld [tilespmem:s13+$0x330]  }
0x1aa: {  	v33 =	vld [tilespmem:s13+$0x380]  }
0x1ab: {  	v34 =	vld [tilespmem:s13+$0x390]  }
0x1ac: {  	v35 =	vld [tilespmem:s13+$0xF0]  }
0x1ad: {  	v36 =	vld [tilespmem:s13+$0x1D0]  }
0x1ae: {  	v37 =	vld [tilespmem:s13+$0x240]  }
0x1af: {  	v38 =	vld [tilespmem:s13+$0x2B0]  }
0x1b0: {  	v39 =	vld [tilespmem:s13+$0x320]  }
0x1b1: {  	v40 =	vld [tilespmem:s13+$0x70]  }
0x1b2: {  	v41 =	vld [tilespmem:s13+$0xE0]  }
0x1b3: {  	v42 =	vld [tilespmem:s13+$0x1C0]  }
0x1b4: {  	v43 =	vld [tilespmem:s13+$0x230]  }
0x1b5: {  	v44 =	vld [tilespmem:s13+$0x2A0]  }
0x1b6: {  	v45 =	vld [tilespmem:s13+$0x300]  }
0x1b7: {  	v46 =	vld [tilespmem:s13+$0x310]  }
0x1b8: {  	v47 =	vld [tilespmem:s13+$0x60]  }
0x1b9: {  	v17 =	vld [tilespmem:s13+$0xD0]  }
0x1ba: {  	v62 =	vld [tilespmem:s13+$0x140]  }
0x1bb: {  	v48 =	vld [tilespmem:s13+$0x1B0]  }
0x1bc: {  	v49 =	vld [tilespmem:s13+$0x220]  }
0x1bd: {  	v50 =	vld [tilespmem:s13+$0x280]  }
0x1be: {  	v51 =	vld [tilespmem:s13+$0x290]  }
0x1bf: {  	v52 =	vld [tilespmem:s13+$0xFFFFFF70]  }
0x1c0: {  	v53 =	vld [tilespmem:s13+$0x50]  }
0x1c1: {  	v54 =	vld [tilespmem:s13+$0xC0]  }
0x1c2: {  	v18 =	vld [tilespmem:s13+$0x130]  }
0x1c3: {  	v55 =	vld [tilespmem:s13+$0x1A0]  }
0x1c4: {  	v56 =	vld [tilespmem:s13+$0x200]  }
0x1c5: {  	v57 =	vld [tilespmem:s13+$0x210]  }
0x1c6: {  	v58 =	vld [tilespmem:s13+$0xFFFFFEF0]  }
0x1c7: {  	v28 =	vld [tilespmem:s13+$0xFFFFFF60]  }
0x1c8: {  	v29 =	vld [tilespmem:s13+$0x40]  }
0x1c9: {  	v24 =	vld [tilespmem:s13+$0xB0]  }
0x1ca: {  	v19 =	vld [tilespmem:s13+$0x120]  }
0x1cb: {  	v59 =	vld [tilespmem:s13+$0x180]  }
0x1cc: {  	v60 =	vld [tilespmem:s13+$0x190]  }
0x1cd: {  	v63 =	vld [tilespmem:s13+$0xFFFFFFC0]  }
0x1ce: {  	v22 =	vld [tilespmem:s13+$0xFFFFFEE0];
	v61 =	vmul.f32 v10, v1  }
0x1cf: {  	v20 =	vld [tilespmem:s13+$0xFFFFFF50];
	[tilespmem:$0x1FF50] =	vst v8;
	v8 =	vmul.f32 v9, v0;
	v14 =	vmul.f32 v11, v0  }
0x1d0: {  	v21 =	vld [tilespmem:s13+$0x30];
	v10 =	vmul.f32 v12, v2;
	v11 =	vmul.f32 v45, v6  }
0x1d1: {  	v16 =	vld [tilespmem:s13+$0x100];
	v12 =	vmul.f32 v46, v7;
	v46 =	vmul.f32 v15, v0  }
0x1d2: {  	[tilespmem:$0x1FF40] =	vst v63;
	v45 =	vld [tilespmem:s13+$0xA0];
	v63 =	vmul.f32 v13, v4;
	v9 =	vmul.f32 v23, v1  }
0x1d3: {  	v13 =	vmul.f32 v39, v5;
	v39 =	vld [tilespmem:s13+$0x110];
	v15 =	vmul.f32 v25, v3  }
0x1d4: {  	v23 =	vmul.f32 v30, v4;
	v30 =	vld [tilespmem:s13+$0xFFFFFED0];
	v25 =	vmul.f32 v32, v3  }
0x1d5: {  	v32 =	vld [tilespmem:s13+$0xFFFFFF40];
	v56 =	vmul.f32 v56, v6;
	v57 =	vmul.f32 v57, v7  }
0x1d6: {  	v49 =	vmul.f32 v49, v5;
	[tilespmem:$0x1FF70] =	vst v63;
	v12 =	vadd.f32 v12, v11;
	v63 =	vmul.f32 v26, v5;
	v26 =	vld [tilespmem:s13+$0xFFFFFDF0]  }
0x1d7: {  	v11 =	vmul.f32 v27, v1;
	v27 =	vmul.f32 v33, v6;
	v33 =	vld [tilespmem:s13+$0xFFFFFFB0];
	v56 =	vadd.f32 v57, v56  }
0x1d8: {  	v57 =	vld [tilespmem:s13+$0xFFFFFFA0];
	v13 =	vadd.f32 v13, v12;
	v12 =	vmul.f32 v31, v2  }
0x1d9: {  	v31 =	vmul.f32 v34, v7;
	v34 =	vmul.f32 v36, v2;
	v36 =	vld [tilespmem:s13+$0x20];
	v49 =	vadd.f32 v49, v56  }
0x1da: {  	[tilespmem:$0x1FF60] =	vst v25;
	v56 =	vld [tilespmem:s13+$0x0];
	v25 =	vadd.f32 v23, v13;
	v23 =	vmul.f32 v35, v0;
	v35 =	vmul.f32 v37, v3  }
0x1db: {  	v13 =	vmul.f32 v38, v4;
	v37 =	vld [tilespmem:s13+$0x80];
	v38 =	vmul.f32 v41, v1  }
0x1dc: {  	v41 =	vmul.f32 v42, v3;
	v42 =	vmul.f32 v43, v4;
	v43 =	vld [tilespmem:s13+$0xFFFFFD70]  }
0x1dd: {  	v50 =	vmul.f32 v50, v6;
	[tilespmem:$0x1FF80] =	vst v63;
	v63 =	vadd.f32 v31, v27;
	v31 =	vmul.f32 v60, v7;
	v60 =	vld [tilespmem:s13+$0xFFFFFEC0]  }
0x1de: {  	v51 =	vmul.f32 v51, v7;
	v15 =	vadd.f32 v15, v25;
	v25 =	vmul.f32 v40, v0;
	v40 =	vld [tilespmem:s13+$0x90]  }
0x1df: {  	v27 =	vmul.f32 v59, v6;
	v42 =	vadd.f32 v42, v49;
	v49 =	vld [tilespmem:s13+$0xFFFFFC70]  }
0x1e0: {  	v55 =	vmul.f32 v55, v5;
	[tilespmem:$0x1FF90] =	vst v13;
	v13 =	vmul.f32 v62, v3;
	v62 =	vadd.f32 v51, v50;
	v50 =	vld [tilespmem:s13+$0xFFFFFD60]  }
0x1e1: {  	v48 =	vmul.f32 v48, v4;
	v27 =	vadd.f32 v31, v27;
	v51 =	vmul.f32 v53, v2;
	v53 =	vld [tilespmem:s13+$0xFFFFFDD0]  }
0x1e2: {  	v15 =	vadd.f32 v10, v15;
	v10 =	vld [tilespmem:s13+$0xFFFFFDE0];
	v42 =	vadd.f32 v35, v42;
	v35 =	vmul.f32 v58, v0  }
0x1e3: {  	v58 =	vmul.f32 v56, v6;
	v56 =	vmul.f32 v32, v3;
	v32 =	vld [tilespmem:s13+$0xFFFFFD30]  }
0x1e4: {  	v55 =	vadd.f32 v55, v27;
	v59 =	vadd.f32 v61, v15;
	v15 =	vmul.f32 v44, v5;
	v44 =	vld [tilespmem:s13+$0xFFFFFF30]  }
0x1e5: {  	v12 =	vadd.f32 v12, v42;
	v42 =	vld [tilespmem:s13+$0xFFFFFF20]  }
0x1e6: {  	v47 =	vmul.f32 v47, v1;
	v29 =	vmul.f32 v29, v3;
	v48 =	vadd.f32 v48, v55;
	v55 =	vld [tilespmem:s13+$0xFFFFFF00]  }
0x1e7: {  	v24 =	vmul.f32 v24, v4;
	v19 =	vmul.f32 v19, v5;
	v31 =	vadd.f32 v8, v59;
	v59 =	vld [tilespmem:s13+$0x10]  }
0x1e8: {  	v37 =	vmul.f32 v37, v6;
	v40 =	vmul.f32 v40, v7;
	v41 =	vadd.f32 v41, v48;
	v48 =	vld [tilespmem:s13+$0xFFFFFEB0]  }
0x1e9: {  	v21 =	vmul.f32 v21, v4;
	v45 =	vmul.f32 v45, v5;
	v9 =	vadd.f32 v9, v12;
	v12 =	vld [tilespmem:s13+$0xFFFFFF90]  }
0x1ea: {  	v27 =	vmul.f32 v52, v0;
	v52 =	vmul.f32 v54, v3;
	v37 =	vadd.f32 v40, v37;
	v40 =	vld [tilespmem:s13+$0xFFFFFE90]  }
0x1eb: {  	v54 =	vmul.f32 v28, v1;
	v61 =	vmul.f32 v17, v2;
	v34 =	vadd.f32 v34, v41;
	v41 =	vld [tilespmem:s13+$0xFFFFFF80]  }
0x1ec: {  	v17 =	vmul.f32 v18, v4;
	v9 =	vadd.f32 v14, v9;
	v14 =	vld [tilespmem:$0x1FF40];
	v28 =	vadd.f32 v45, v37  }
0x1ed: {  	v37 =	vmul.f32 v30, v2;
	v30 =	vld [tilespmem:s13+$0xFFFFFEA0];
	v11 =	vadd.f32 v11, v34;
	v59 =	vmul.f32 v59, v7  }
0x1ee: {  	v8 =	vmul.f32 v16, v6;
	v45 =	vld [tilespmem:s13+$0xFFFFFD50];
	v24 =	vadd.f32 v24, v28;
	v28 =	vmul.f32 v36, v5  }
0x1ef: {  	v34 =	vld [tilespmem:s13+$0xFFFFFC60];
	v11 =	vadd.f32 v46, v11;
	v46 =	vmul.f32 v22, v1;
	v22 =	vadd.f32 v59, v58  }
0x1f0: {  	(xrf2) =	vadd.scan.msk.f32 $0xffff, v31;
	v31 =	vmul.f32 v50, v1;
	v36 =	vld [tilespmem:s13+$0xFFFFFF10];
	v12 =	vmul.f32 v12, v7;
	v24 =	vadd.f32 v52, v24  }
0x1f1: {  	v58 =	vmul.f32 v39, v7;
	v39 =	vld [tilespmem:s13+$0xFFFFFE80];
	v52 =	vmul.f32 v20, v2;
	v22 =	vadd.f32 v28, v22  }
0x1f2: {  	v20 =	vmul.f32 v14, v3;
	v30 =	vmul.f32 v30, v5;
	v28 =	vadd.f32 v61, v24;
	v61 =	vld [tilespmem:$0x1FF50]  }
0x1f3: {  	v18 =	vadd.f32 v58, v8;
	v8 =	vld [tilespmem:s13+$0xFFFFFDC0];
	v24 =	vmul.f32 v26, v0;
	v26 =	vadd.f32 v21, v22  }
0x1f4: {  	v21 =	vmul.f32 v33, v4;
	v59 =	vadd.f32 v38, v28;
	v33 =	vld [tilespmem:s13+$0xFFFFFC50];
	v22 =	vmul.f32 v43, v0  }
0x1f5: {  	v38 =	vld [tilespmem:s13+$0xFFFFFD40];
	v58 =	vadd.f32 v29, v26;
	v26 =	vmul.f32 v55, v6;
	v29 =	vmul.f32 v36, v7  }
0x1f6: {  	v43 =	vld [tilespmem:s13+$0xFFFFFDB0];
	v55 =	vadd.f32 v23, v59;
	v23 =	vmul.f32 v39, v6;
	v59 =	vmul.f32 v40, v7  }
0x1f7: {  	v28 =	vmul.f32 v10, v1;
	v40 =	vmul.f32 v60, v3;
	v60 =	vld [tilespmem:$0x1FF60];
	v10 =	vadd.f32 v51, v58  }
0x1f8: {  	v26 =	vadd.f32 v29, v26;
	v29 =	vmul.f32 v42, v5;
	v51 =	vld [tilespmem:s13+$0xFFFFFDA0];
	v36 =	vadd.f32 v59, v23  }
0x1f9: {  	v23 =	vmul.f32 v57, v5;
	v57 =	vmul.f32 v48, v4;
	v59 =	vld [tilespmem:s13+$0xFFFFFD90]  }
0x1fa: {  	v26 =	vadd.f32 v29, v26;
	v29 =	vmul.f32 v44, v4;
	v44 =	vld [tilespmem:s13+$0xFFFFFD80];
	v36 =	vadd.f32 v30, v36  }
0x1fb: {  	v39 =	vld [tilespmem:s13+$0xFFFFFE10];
	v33 =	vmul.f32 v33, v2;
	v38 =	vmul.f32 v38, v3;
	v10 =	vadd.f32 v47, v10  }
0x1fc: {  	v58 =	vld [tilespmem:s13+$0xFFFFFE00];
	v26 =	vadd.f32 v29, v26;
	v29 =	vmul.f32 v41, v6;
	v47 =	vadd.f32 v57, v36  }
0x1fd: {  	v48 =	vld [tilespmem:s13+$0xFFFFFD00];
	v30 =	vadd.f32 v25, v10;
	v25 =	vmul.f32 v49, v0;
	v36 =	vmul.f32 v53, v2  }
0x1fe: {  	v42 =	vld [tilespmem:s13+$0xFFFFFC00];
	v10 =	vmul.f32 v59, v7;
	v50 =	vadd.f32 v56, v26;
	v53 =	vadd.f32 v40, v47  }
0x1ff: {  	p1 =	sne.s32 s14, $0x140;
	v57 =	vmul.f32 v51, v5;
	v26 =	vadd.f32 v12, v29;
	v12 =	vld [tilespmem:s13+$0xFFFFFD10];
	v56 =	vmul.f32 v44, v6  }
.Ltmp1:
0x200: {  	v41 =	vld [tilespmem:s13+$0xFFFFFD20];
	v40 =	vmul.f32 v8, v3;
	v8 =	vadd.f32 v52, v50;
	v37 =	vadd.f32 v37, v53;
	(pc) =	sbr.rel @p1 .LBB2_5-.Ltmp1, $4  }
0x201: {  	(xrf2) =	vadd.scan.msk.f32 $0xffff, v9;
	v29 =	vmul.f32 v34, v1;
	v34 =	vmul.f32 v45, v2;
	v45 =	vld [tilespmem:s13+$0xFFFFFC10];
	v9 =	vadd.f32 v10, v56  }
0x202: {  	v47 =	vmul.f32 v43, v4;
	v43 =	vld [tilespmem:s13+$0xFFFFFC20];
	v8 =	vadd.f32 v54, v8;
	v59 =	vadd.f32 v46, v37  }
0x203: {  	(xrf2) =	vadd.scan.msk.f32 $0xffff, v11;
	v44 =	vld [tilespmem:s13+$0xFFFFFC80];
	v50 =	vmul.f32 v48, v6;
	v48 =	vmul.f32 v58, v6;
	v49 =	vadd.f32 v57, v9  }
0x204: {  	s12 =	smov.u32 s14;
	s14 =	sadd.s32 $0x40, s14;
	(xrf2) =	vadd.scan.msk.f32 $0xffff, v55;
	v46 =	vld [tilespmem:s13+$0xFFFFFC90];
	v51 =	vmul.f32 v12, v7;
	v37 =	vadd.f32 v27, v8;
	v35 =	vadd.f32 v35, v59  }
0x205: {  	_ = 	snop  }
0x206: {  	v8 =	vld [tilespmem:s13+$0xFFFFFC30];
	v10 =	vmul.f32 v41, v5;
	v9 =	vadd.f32 v51, v50  }
0x207: {  	v12 =	vmul.f32 v42, v6;
	v27 =	vmul.f32 v45, v7;
	v45 =	vld [tilespmem:s13+$0xFFFFFCA0]  }
0x208: {  	v51 =	vld [tilespmem:s13+$0xFFFFFC40];
	v9 =	vadd.f32 v10, v9;
	v10 =	vmul.f32 v32, v4  }
0x209: {  	v11 =	vmul.f32 v39, v7;
	v52 =	vld [tilespmem:s13+$0xFFFFFCB0];
	v12 =	vadd.f32 v27, v12;
	v27 =	vmul.f32 v43, v5  }
0x20a: {  	v6 =	vmul.f32 v44, v6;
	v7 =	vmul.f32 v46, v7;
	v9 =	vadd.f32 v10, v9;
	v10 =	vld [tilespmem:s13+$0xFFFFFE20]  }
0x20b: {  	v23 =	vadd.f32 v23, v26;
	v12 =	vadd.f32 v27, v12;
	v8 =	vmul.f32 v8, v4;
	v27 =	vld [tilespmem:s13+$0xFFFFFCC0]  }
0x20c: {  	v53 =	vld [tilespmem:s13+$0xFFFFFE30];
	v50 =	vadd.f32 v47, v49;
	v6 =	vadd.f32 v7, v6;
	v7 =	vmul.f32 v45, v5  }
0x20d: {  	v54 =	vld [tilespmem:s13+$0xFFFFFCD0];
	v11 =	vadd.f32 v11, v48;
	v8 =	vadd.f32 v8, v12;
	v12 =	vmul.f32 v51, v3  }
0x20e: {  	v55 =	vld [tilespmem:s13+$0xFFFFFE40];
	v21 =	vadd.f32 v21, v23;
	v6 =	vadd.f32 v7, v6;
	v7 =	vmul.f32 v52, v4  }
0x20f: {  	v40 =	vadd.f32 v40, v50;
	v8 =	vadd.f32 v12, v8;
	v12 =	vld [tilespmem:s13+$0xFFFFFCE0];
	v5 =	vmul.f32 v10, v5  }
0x210: {  	v9 =	vadd.f32 v38, v9;
	v6 =	vadd.f32 v7, v6;
	v7 =	vmul.f32 v27, v3;
	v10 =	vld [tilespmem:s13+$0xFFFFFE50]  }
0x211: {  	v36 =	vadd.f32 v36, v40;
	v4 =	vmul.f32 v53, v4;
	v27 =	vld [tilespmem:s13+$0xFFFFFCF0];
	v5 =	vadd.f32 v5, v11  }
0x212: {  	v9 =	vadd.f32 v34, v9;
	v6 =	vadd.f32 v7, v6;
	v7 =	vmul.f32 v54, v2;
	v11 =	vld [tilespmem:s13+$0xFFFFFE60]  }
0x213: {  	v56 =	vld [tilespmem:s13+$0xFFFFFFD0];
	v28 =	vadd.f32 v28, v36;
	v4 =	vadd.f32 v4, v5;
	v5 =	vmul.f32 v55, v3  }
0x214: {  	(xrf2) =	vadd.scan.msk.f32 $0xffff, v30;
	v9 =	vadd.f32 v31, v9;
	v6 =	vadd.f32 v7, v6;
	v7 =	vmul.f32 v12, v1  }
0x215: {  	(xrf2) =	vadd.scan.msk.f32 $0xffff, v37;
	v24 =	vadd.f32 v24, v28;
	v4 =	vadd.f32 v5, v4;
	v5 =	vmul.f32 v10, v2;
	v10 =	vld [tilespmem:s13+$0xFFFFFFE0]  }
0x216: {  	(xrf2) =	vadd.scan.msk.f32 $0xffff, v35;
	v9 =	vadd.f32 v22, v9;
	v6 =	vadd.f32 v7, v6;
	v7 =	vmul.f32 v27, v0  }
0x217: {  	(xrf2) =	vadd.scan.msk.f32 $0xffff, v24;
	v4 =	vadd.f32 v5, v4;
	v5 =	vmul.f32 v11, v1;
	v11 =	vld [tilespmem:s13+$0xFFFFFFF0]  }
0x218: {  	(xrf2) =	vadd.scan.msk.f32 $0xffff, v9;
	v9 =	vmul.f32 v56, v2;
	v6 =	vadd.f32 v7, v6;
	v7 =	vadd.f32 v20, v21  }
0x219: {  	v12 =	vld [tilespmem:s13+$0xFFFFFE70]  }
0x21a: {  	v7 =	vadd.f32 v9, v7;
	v9 =	vmul.f32 v10, v1;
	_ =	sdelay $0x1  }
0x21b: {  	v8 =	vadd.f32 v33, v8;
	v7 =	vadd.f32 v9, v7;
	v9 =	vmul.f32 v11, v0;
	v11 =	vld [tilespmem:$0x1FF90];
	_ =	sdelay $0x1  }
0x21c: {  	v8 =	vadd.f32 v29, v8;
	v4 =	vadd.f32 v5, v4;
	v5 =	vmul.f32 v12, v0;
	v12 =	vld [tilespmem:s13+$0x2D0]  }
0x21d: {  	v57 =	vld [tilespmem:s13+$0x150];
	v14 =	vadd.f32 v15, v62  }
0x21e: {  	v18 =	vadd.f32 v19, v18;
	v15 =	vld [tilespmem:s13+$0x2E0];
	v8 =	vadd.f32 v25, v8  }
0x21f: {  	v11 =	vadd.f32 v11, v14  }
0x220: {  	v58 =	vld [tilespmem:s13+$0x160];
	(xrf2) =	vadd.scan.msk.f32 $0xffff, v8;
	v8 =	vadd.f32 v17, v18  }
0x221: {  	v62 =	vld [tilespmem:$0x1FF80];
	v7 =	vadd.f32 v9, v7;
	v9 =	vadd.f32 v60, v11;
	v11 =	vmul.f32 v12, v2  }
0x222: {  	v10 =	vld [tilespmem:s13+$0x170];
	v4 =	vadd.f32 v5, v4;
	v5 =	vadd.f32 v13, v8  }
0x223: {  	v17, _, _ =	vpop (xrf2);
	v8 =	vmul.f32 v57, v2;
	v9 =	vadd.f32 v11, v9;
	v11 =	vmul.f32 v15, v1;
	v15 =	vld [tilespmem:$0x1FF70]  }
0x224: {  	v59 =	vld [tilespmem:s13+$0x2F0];
	(xrf2) =	vadd.scan.msk.f32 $0xffff, v6;
	v6, _, _ =	vpop (xrf2)  }
0x225: {  	v16, _, _ =	vpop (xrf2);
	v5 =	vadd.f32 v8, v5;
	v8 =	vmul.f32 v58, v1;
	(xrf2) =	vadd.scan.msk.f32 $0xffff, v4  }
0x226: {  	v19 =	vadd.f32 v62, v63  }
0x227: {  	v13 =	vld [tilespmem:s13+$0x3D0];
	v5 =	vadd.f32 v8, v5;
	v8 =	vmul.f32 v10, v0;
	v14, _, _ =	vpop (xrf2)  }
0x228: {  	v3 =	vmul.f32 v61, v3;
	v4, _, _ =	vpop (xrf2);
	v15 =	vadd.f32 v15, v19  }
0x229: {  	v10 =	vld [tilespmem:s13+$0x3E0];
	v5 =	vadd.f32 v8, v5;
	v12, _, _ =	vpop (xrf2);
	v9 =	vadd.f32 v11, v9;
	v11 =	vmul.f32 v59, v0  }
0x22a: {  	(xrf2) =	vadd.scan.msk.f32 $0xffff, v7;
	v63, _, _ =	vpop (xrf2);
	v3 =	vadd.f32 v3, v15  }
0x22b: {  	v8 =	vld [tilespmem:s13+$0x3F0];
	(xrf2) =	vadd.scan.msk.f32 $0xffff, v5;
	v7, _, _ =	vpop (xrf2);
	v5 =	vadd.f32 v11, v9  }
0x22c: {  	v2 =	vmul.f32 v13, v2;
	v13, _, _ =	vpop (xrf2)  }
0x22d: {  	v15, _, _ =	vpop (xrf2)  }
0x22e: {  	v1 =	vmul.f32 v10, v1;
	v10 =	vbroadcast v13, $0xF;
	v2 =	vadd.f32 v2, v3;
	v3, _, _ =	vpop (xrf2)  }
0x22f: {  	v9 =	vbroadcast v15, $0xF;
	(xrf2) =	vadd.scan.msk.f32 $0xffff, v5;
	v3 =	vbroadcast v3, $0xF;
	v5, _, _ =	vpop (xrf2)  }
0x230: {  	v0 =	vmul.f32 v8, v0;
	v1 =	vadd.f32 v1, v2;
	v5 =	vbroadcast v5, $0xF  }
0x231: {  	v2 =	vsel vm0, v9, v3;
	v3 =	vbroadcast v7, $0xF  }
0x232: {  	v0 =	vadd.f32 v0, v1;
	v2 =	vsel vm1, v2, v10  }
0x233: {  	v1 =	vsel vm2, v2, v3;
	v2 =	vbroadcast v63, $0xF;
	v3 =	vbroadcast v12, $0xF  }
0x234: {  	v1 =	vsel vm3, v1, v5;
	v5, _, _ =	vpop (xrf2)  }
0x235: {  	(xrf2) =	vadd.scan.msk.f32 $0xffff, v0;
	v0 =	vsel vm4, v1, v2;
	v1 =	vbroadcast v5, $0xF  }
0x236: {  	v2 =	vbroadcast v4, $0xF;
	v0 =	vsel vm5, v0, v3  }
0x237: {  	v0 =	vsel vm6, v0, v1;
	v1 =	vbroadcast v14, $0xF;
	v3, _, _ =	vpop (xrf2)  }
0x238: {  	v0 =	vsel vm7, v0, v2;
	v2 =	vbroadcast v3, $0xF  }
0x239: {  	v0 =	vsel vm8, v0, v1;
	v1 =	vbroadcast v16, $0xF  }
0x23a: {  	v3, _, _ =	vpop (xrf2);
	v0 =	vsel vm9, v0, v2  }
0x23b: {  	v2 =	vbroadcast v6, $0xF;
	v0 =	vsel vm10, v0, v1;
	v1 =	vbroadcast v3, $0xF;
	_ =	sdelay $0x1  }
0x23c: {  	s15 =	smul.u32 $0xC0, s19;
	v0 =	vsel vm11, v0, v2;
	v2 =	vbroadcast v17, $0xF  }
0x23d: {  	v0 =	vsel vm12, v0, v1  }
0x23e: {  	s13 =	sadd.s32 s5, s15;
	v0 =	vsel vm13, v0, v2;
	v1, _, _ =	vpop (xrf2)  }
0x23f: {  	s12 =	sshra.s32 s12, $0x2;
	p1 =	seq.s32 s19, $0xAF;
	s13 =	sshrl.u32 s13, $0x3;
	v0 =	vsel vm14, v0, v1  }
0x240: {  	s14 =	sadd.s32 s8, s13;
	s15 =	sadd.s32 s9, s13;
	s13 =	smul.u32 @!p1 $0x300, s19;
	[tilespmem:s12+$0x16480] =	vst v0  }
0x241: {  	[hbm4b:s14+s4] =	stream.linear.scatter [tilespmem:s31], [sflag:$0x5], $0x60, $0x38;
	[tilespmem:$0x17680] =	vst v63  }
0x242: {  	s12 =	sshra.s32 @!p1 s13, $0x2  }
0x243: {  	[hbm4b:s15+s4] =	stream.linear.scatter [tilespmem:s3], [sflag:$0x5], $0x60, $0x38;
	[tilespmem:$0x17680] =	vst v63  }
0x244: {  	s13 =	simm.s32 @!p1 $0x60;
	s12 =	sadd.s32 @!p1 $0xC0, s12;
	s14 =	simm.s32 @!p1 $0x8400  }
0x245: {  	[tilespmem:s14], [sflag:$0x1] =	stream.indirect.gather @!p1 [hbm4b:s6+s13], $0x80, s12, s13, $0xb8;
	[tilespmem:$0x17680] =	vst v63  }
0x246: {  	s14 =	simm.s32 @!p1 $0xB400  }
0x247: {  	[tilespmem:s14], [sflag:$0x2] =	stream.indirect.gather @!p1 [hbm4b:s7+s13], $0x80, s12, s13, $0xb8;
	[tilespmem:$0x17680] =	vst v63  }
0x248: {  	_ =	swait.ge [sflag:s0], $0x3000  }
0x249: {  	[sflag:s0] =	ssyncset.done $0x0  }
0x24a: {  	[sflag:s0] =	ssyncadd.s32 $0xFFFFD000  }
0x24b: {  	_ =	swait.ge [sflag:s1], $0x3000  }
0x24c: {  	[sflag:s1] =	ssyncset.done $0x0  }
0x24d: {  	s12 =	simm.s32 @!p0 $0x6;
	[sflag:s1] =	ssyncadd.s32 $0xFFFFD000  }
0x24e: {  	_ =	swait.ge @!p0 [sflag:s12], $0x60  }
0x24f: {  	[sflag:s12] =	ssyncset.done @!p0 $0x0  }
0x250: {  	s11 =	smulhi.u32 $0x2E8BA2E9, s11;
	[sflag:s12] =	ssyncadd.s32 @!p0 $0xFFFFFFA0  }
0x251: {  	_ =	swait.ge @!p0 [sflag:s12], $0x60  }
0x252: {  	s11 =	sshll.u32 s11, $0x6;
	[sflag:s12] =	ssyncset.done @!p0 $0x0  }
0x253: {  	s11 =	sand.u32 $0xFFFFFF80, s11;
	[sflag:s12] =	ssyncadd.s32 @!p0 $0xFFFFFFA0  }
0x254: {  	v6 =	vld [tilespmem:s11+$0x14400]  }
0x255: {  	v7 =	vld [tilespmem:s11+$0x14410]  }
0x256: {  	v5 =	vld [tilespmem:s11+$0x14420]  }
0x257: {  	v4 =	vld [tilespmem:s11+$0x14430]  }
0x258: {  	v3 =	vld [tilespmem:s11+$0x14440]  }
0x259: {  	v2 =	vld [tilespmem:s11+$0x14450]  }
0x25a: {  	v1 =	vld [tilespmem:s11+$0x14460]  }
0x25b: {  	v0 =	vld [tilespmem:s11+$0x14470]  }
0x25c: {  	v26 =	vld [tilespmem:s11+$0x15400]  }
0x25d: {  	v9 =	vld [tilespmem:s11+$0x15410]  }
0x25e: {  	v10 =	vld [tilespmem:s11+$0x15420]  }
0x25f: {  	v11 =	vld [tilespmem:s11+$0x15430]  }
0x260: {  	v12 =	vld [tilespmem:s11+$0x15440]  }
0x261: {  	v13 =	vld [tilespmem:s11+$0x15450]  }
0x262: {  	v14 =	vld [tilespmem:s11+$0x15460]  }
0x263: {  	s13 =	simm.s32 $0x0;
	s12 =	simm.s32 $0xE800;
	v15 =	vld [tilespmem:s11+$0x15470];
	s11 =	simm.s32 $0x0  }
.LBB2_7:
0x264: {  	v16 =	vld [tilespmem:s12+$0xFFFFFC00]  }
0x265: {  	v17 =	vld [tilespmem:s12+$0xFFFFFC10]  }
0x266: {  	v18 =	vld [tilespmem:s12+$0xFFFFFC20]  }
0x267: {  	v19 =	vld [tilespmem:s12+$0xFFFFFC30]  }
0x268: {  	v27 =	vld [tilespmem:s12+$0xFFFFFC40]  }
0x269: {  	v28 =	vld [tilespmem:s12+$0xFFFFFC50]  }
0x26a: {  	v29 =	vld [tilespmem:s12+$0xFFFFFC60]  }
0x26b: {  	v30 =	vld [tilespmem:s12+$0xFFFFFC70]  }
0x26c: {  	v21 =	vld [tilespmem:s12+$0xFFFFFC80]  }
0x26d: {  	v23 =	vld [tilespmem:s12+$0xFFFFFC90]  }
0x26e: {  	v31 =	vld [tilespmem:s12+$0xFFFFFCA0]  }
0x26f: {  	v32 =	vld [tilespmem:s12+$0xFFFFFCB0]  }
0x270: {  	v33 =	vld [tilespmem:s12+$0xFFFFFCC0]  }
0x271: {  	v34 =	vld [tilespmem:s12+$0xFFFFFCD0]  }
0x272: {  	v35 =	vld [tilespmem:s12+$0xFFFFFCE0]  }
0x273: {  	v36 =	vld [tilespmem:s12+$0xFFFFFCF0]  }
0x274: {  	v37 =	vld [tilespmem:s12+$0xFFFFFD00]  }
0x275: {  	v38 =	vld [tilespmem:s12+$0xFFFFFD10]  }
0x276: {  	v39 =	vld [tilespmem:s12+$0xFFFFFD20]  }
0x277: {  	v40 =	vld [tilespmem:s12+$0xFFFFFD30]  }
0x278: {  	v41 =	vld [tilespmem:s12+$0xFFFFFD40]  }
0x279: {  	v42 =	vld [tilespmem:s12+$0xFFFFFD50]  }
0x27a: {  	v43 =	vld [tilespmem:s12+$0xFFFFFD60]  }
0x27b: {  	v44 =	vld [tilespmem:s12+$0xFFFFFD70]  }
0x27c: {  	v45 =	vld [tilespmem:s12+$0xFFFFFD80]  }
0x27d: {  	v46 =	vld [tilespmem:s12+$0xFFFFFD90]  }
0x27e: {  	v47 =	vld [tilespmem:s12+$0xFFFFFDA0]  }
0x27f: {  	v48 =	vld [tilespmem:s12+$0xFFFFFDB0]  }
0x280: {  	v49 =	vld [tilespmem:s12+$0xFFFFFDC0]  }
0x281: {  	v50 =	vld [tilespmem:s12+$0xFFFFFDD0]  }
0x282: {  	v51 =	vld [tilespmem:s12+$0xFFFFFDE0]  }
0x283: {  	v52 =	vld [tilespmem:s12+$0xFFFFFDF0]  }
0x284: {  	v53 =	vld [tilespmem:s12+$0xFFFFFE00]  }
0x285: {  	v54 =	vld [tilespmem:s12+$0xFFFFFE10]  }
0x286: {  	v8 =	vld [tilespmem:s12+$0xFFFFFE70]  }
0x287: {  	v55 =	vld [tilespmem:s12+$0xFFFFFE20]  }
0x288: {  	v56 =	vld [tilespmem:s12+$0xFFFFFE30]  }
0x289: {  	v57 =	vld [tilespmem:s12+$0xFFFFFE40]  }
0x28a: {  	v58 =	vld [tilespmem:s12+$0xFFFFFE50]  }
0x28b: {  	[tilespmem:$0x1FEF0] =	vst v8;
	v8 =	vld [tilespmem:s12+$0xFFFFFEE0]  }
0x28c: {  	v59 =	vld [tilespmem:s12+$0xFFFFFE60]  }
0x28d: {  	v60 =	vld [tilespmem:s12+$0xFFFFFE80]  }
0x28e: {  	v61 =	vld [tilespmem:s12+$0xFFFFFE90]  }
0x28f: {  	v62 =	vld [tilespmem:s12+$0xFFFFFEA0]  }
0x290: {  	v16 =	vmul.f32 v16, v26;
	v17 =	vmul.f32 v17, v9;
	[tilespmem:$0x1FF10] =	vst v8;
	v8 =	vld [tilespmem:s12+$0xFFFFFEF0]  }
0x291: {  	v63 =	vld [tilespmem:s12+$0xFFFFFEB0]  }
0x292: {  	v20 =	vld [tilespmem:s12+$0xFFFFFEC0];
	v18 =	vmul.f32 v18, v10;
	v16 =	vadd.f32 v17, v16  }
0x293: {  	v22 =	vld [tilespmem:s12+$0xFFFFFED0]  }
0x294: {  	v24 =	vld [tilespmem:s12+$0xFFFFFF00];
	v19 =	vmul.f32 v19, v11;
	v18 =	vadd.f32 v18, v16  }
0x295: {  	[tilespmem:$0x1FF20] =	vst v8;
	v8 =	vld [tilespmem:s12+$0xFFFFFF20]  }
0x296: {  	v25 =	vld [tilespmem:s12+$0xFFFFFF10];
	v18 =	vadd.f32 v19, v18;
	v19 =	vmul.f32 v27, v12  }
0x297: {  	v17 =	vld [tilespmem:s12+$0xFFFFFF40];
	v27 =	vmul.f32 v32, v11  }
0x298: {  	v16 =	vld [tilespmem:s12+$0xFFFFFF80];
	v18 =	vadd.f32 v19, v18;
	v19 =	vmul.f32 v28, v13;
	v28 =	vmul.f32 v29, v14  }
0x299: {  	v32 =	vld [tilespmem:s12+$0xFFFFFFA0];
	v29 =	vmul.f32 v34, v13;
	v34 =	vmul.f32 v38, v9  }
0x29a: {  	v38 =	vmul.f32 v46, v9;
	v18 =	vadd.f32 v19, v18;
	v19 =	vmul.f32 v37, v26;
	[tilespmem:$0x1FEE0] =	vst v8;
	v8 =	vld [tilespmem:s12+$0xFFFFFF30]  }
0x29b: {  	v46 =	vmul.f32 v39, v10;
	v39 =	vmul.f32 v40, v11;
	v40 =	vld [tilespmem:s12+$0x0]  }
0x29c: {  	v37 =	vld [tilespmem:s12+$0xFFFFFFC0];
	v19 =	vadd.f32 v34, v19  }
0x29d: {  	v24 =	vmul.f32 v24, v26;
	v25 =	vmul.f32 v25, v9;
	v34 =	vld [tilespmem:s12+$0xFFFFFFE0]  }
0x29e: {  	v30 =	vmul.f32 v30, v15;
	v18 =	vadd.f32 v28, v18;
	v19 =	vadd.f32 v46, v19;
	v46 =	vld [tilespmem:s12+$0x10]  }
0x29f: {  	v21 =	vmul.f32 v21, v26;
	v24 =	vadd.f32 v25, v24;
	v25 =	vld [tilespmem:$0x1FEE0];
	[tilespmem:$0x1FF00] =	vst v8;
	v8 =	vmul.f32 v23, v9  }
0x2a0: {  	v31 =	vmul.f32 v31, v10;
	v28 =	vadd.f32 v30, v18;
	v30 =	vld [tilespmem:s12+$0x20]  }
0x2a1: {  	v18 =	vadd.f32 v39, v19;
	v39 =	vld [tilespmem:s12+$0x40];
	v19 =	vmul.f32 v53, v26;
	v8 =	vadd.f32 v8, v21  }
0x2a2: {  	v53 =	vmul.f32 v54, v9;
	v54 =	vmul.f32 v51, v14;
	v51 =	vld [tilespmem:s12+$0xA0]  }
0x2a3: {  	v23 =	vld [tilespmem:s12+$0xFFFFFF50];
	v8 =	vadd.f32 v31, v8  }
0x2a4: {  	v19 =	vadd.f32 v53, v19;
	v53 =	vld [tilespmem:s12+$0xB0];
	v25 =	vmul.f32 v25, v10  }
0x2a5: {  	v21 =	vld [tilespmem:s12+$0xFFFFFF70];
	v8 =	vadd.f32 v27, v8;
	v27 =	vmul.f32 v33, v12  }
0x2a6: {  	v24 =	vadd.f32 v25, v24;
	v25 =	vld [tilespmem:$0x1FF00]  }
0x2a7: {  	v31 =	vld [tilespmem:s12+$0xFFFFFF90];
	v8 =	vadd.f32 v27, v8;
	v27 =	vmul.f32 v45, v26  }
0x2a8: {  	[tilespmem:$0x1FF30] =	vst v23;
	v23 =	vld [tilespmem:s12+$0xFFFFFF60]  }
0x2a9: {  	v47 =	vmul.f32 v47, v10;
	v33 =	vld [tilespmem:s12+$0xFFFFFFB0];
	v27 =	vadd.f32 v38, v27  }
0x2aa: {  	v35 =	vmul.f32 v35, v14;
	v45 =	vld [tilespmem:s12+$0xFFFFFFD0];
	v8 =	vadd.f32 v29, v8  }
0x2ab: {  	v48 =	vmul.f32 v48, v11;
	v36 =	vmul.f32 v36, v15;
	v38 =	vld [tilespmem:s12+$0xFFFFFFF0];
	v27 =	vadd.f32 v47, v27  }
0x2ac: {  	v47 =	vmul.f32 v41, v12;
	v8 =	vadd.f32 v35, v8;
	v35 =	vld [tilespmem:s12+$0x30];
	v41 =	vmul.f32 v43, v14  }
0x2ad: {  	v43 =	vld [tilespmem:s12+$0x50];
	v27 =	vadd.f32 v48, v27;
	v48 =	vmul.f32 v49, v12;
	v49 =	vmul.f32 v42, v13  }
0x2ae: {  	v42 =	vmul.f32 v50, v13;
	v29 =	vadd.f32 v36, v8;
	v36 =	vmul.f32 v60, v26;
	v50 =	vld [tilespmem:s12+$0xC0]  }
0x2af: {  	v18 =	vadd.f32 v47, v18;
	v60 =	vmul.f32 v61, v9;
	v61 =	vmul.f32 v56, v11;
	v47 =	vld [tilespmem:s12+$0xD0]  }
0x2b0: {  	v56 =	vmul.f32 v57, v12;
	v57 =	vmul.f32 v63, v11;
	v63 =	vld [tilespmem:$0x1FF10]  }
0x2b1: {  	v27 =	vadd.f32 v48, v27;
	v48 =	vld [tilespmem:s12+$0x60]  }
0x2b2: {  	v18 =	vadd.f32 v49, v18;
	v49 =	vld [tilespmem:s12+$0x90]  }
0x2b3: {  	v36 =	vadd.f32 v60, v36;
	v60 =	vmul.f32 v31, v9;
	v31 =	vld [tilespmem:s12+$0x110]  }
0x2b4: {  	v55 =	vmul.f32 v55, v10;
	v8 =	vadd.f32 v42, v27;
	v27 =	vld [tilespmem:s12+$0x70]  }
0x2b5: {  	v16 =	vmul.f32 v16, v26;
	v25 =	vmul.f32 v25, v11;
	v42 =	vld [tilespmem:s12+$0x80]  }
0x2b6: {  	v44 =	vmul.f32 v44, v15;
	v18 =	vadd.f32 v41, v18;
	v41 =	vadd.f32 v55, v19;
	v55 =	vld [tilespmem:s12+$0x140]  }
0x2b7: {  	v52 =	vmul.f32 v52, v15;
	v16 =	vadd.f32 v60, v16;
	v60 =	vadd.f32 v25, v24;
	v24 =	vld [tilespmem:s12+$0x160]  }
0x2b8: {  	v62 =	vmul.f32 v62, v10;
	v58 =	vmul.f32 v58, v13;
	v8 =	vadd.f32 v54, v8;
	v54 =	vld [tilespmem:s12+$0xE0]  }
0x2b9: {  	v59 =	vmul.f32 v59, v14;
	v20 =	vmul.f32 v20, v12;
	v19 =	vadd.f32 v44, v18;
	v44 =	vld [tilespmem:s12+$0x100]  }
0x2ba: {  	v22 =	vmul.f32 v22, v13;
	v41 =	vadd.f32 v61, v41;
	v61 =	vmul.f32 v32, v10;
	v32 =	vld [tilespmem:s12+$0x130]  }
0x2bb: {  	v17 =	vmul.f32 v17, v12;
	v18 =	vadd.f32 v52, v8;
	v8 =	vadd.f32 v62, v36;
	v36 =	vld [tilespmem:s12+$0xF0]  }
0x2bc: {  	v40 =	vmul.f32 v40, v26;
	v46 =	vmul.f32 v46, v9;
	v52 =	vld [tilespmem:s12+$0x120]  }
0x2bd: {  	v30 =	vmul.f32 v30, v10;
	v51 =	vmul.f32 v51, v10;
	v62 =	vld [tilespmem:$0x1FEF0]  }
0x2be: {  	v33 =	vmul.f32 v33, v11;
	v16 =	vadd.f32 v61, v16;
	v61 =	vld [tilespmem:$0x1FF20];
	v8 =	vadd.f32 v57, v8  }
0x2bf: {  	v41 =	vadd.f32 v56, v41;
	v56 =	vmul.f32 v63, v14;
	v63 =	vadd.f32 v46, v40;
	v40 =	vld [tilespmem:s12+$0x1D0]  }
0x2c0: {  	v46 =	vmul.f32 v49, v9;
	v49 =	vmul.f32 v35, v11;
	v35 =	vld [tilespmem:s12+$0x1E0];
	v8 =	vadd.f32 v20, v8  }
0x2c1: {  	v21 =	vmul.f32 v21, v15;
	v25 =	vmul.f32 v37, v12;
	v57 =	vld [tilespmem:s12+$0x150]  }
0x2c2: {  	v16 =	vadd.f32 v33, v16;
	v8 =	vadd.f32 v22, v8;
	v22 =	vmul.f32 v62, v15;
	v62 =	vld [tilespmem:$0x1FF30]  }
0x2c3: {  	v23 =	vmul.f32 v23, v14;
	v38 =	vmul.f32 v38, v15;
	v41 =	vadd.f32 v58, v41;
	v33 =	vld [tilespmem:s12+$0x170]  }
0x2c4: {  	v17 =	vadd.f32 v17, v60;
	v16 =	vadd.f32 v25, v16;
	v25 =	vmul.f32 v45, v13;
	v45 =	vld [tilespmem:s12+$0x190]  }
0x2c5: {  	v60 =	vmul.f32 v53, v11;
	v41 =	vadd.f32 v59, v41;
	v59 =	vmul.f32 v39, v12;
	v39 =	vld [tilespmem:s12+$0x260]  }
0x2c6: {  	v37 =	vmul.f32 v61, v15;
	v61 =	vmul.f32 v43, v13;
	v43 =	vld [tilespmem:s12+$0x220]  }
0x2c7: {  	v31 =	vmul.f32 v31, v9;
	v20 =	vadd.f32 v22, v41;
	v41 =	vld [tilespmem:s12+$0x180];
	v22 =	vmul.f32 v62, v13  }
0x2c8: {  	v27 =	vmul.f32 v27, v15;
	v24 =	vmul.f32 v24, v14;
	v8 =	vadd.f32 v56, v8;
	v56 =	vld [tilespmem:s12+$0x1A0]  }
0x2c9: {  	v62 =	vmul.f32 v48, v14;
	v48 =	vmul.f32 v47, v13;
	v47 =	vld [tilespmem:s12+$0x230];
	v17 =	vadd.f32 v22, v17  }
0x2ca: {  	v22 =	vadd.f32 v37, v8;
	v8 =	vadd.f32 v25, v16;
	v16 =	vmul.f32 v34, v14;
	v25 =	vld [tilespmem:s12+$0x1B0]  }
0x2cb: {  	v53 =	vmul.f32 v52, v10;
	v34 =	vld [tilespmem:s12+$0x1C0];
	v17 =	vadd.f32 v23, v17;
	v23 =	vadd.f32 v30, v63  }
0x2cc: {  	v36 =	vmul.f32 v36, v15;
	v8 =	vadd.f32 v16, v8;
	v16 =	vmul.f32 v42, v26;
	v42 =	vld [tilespmem:s12+$0x1F0]  }
0x2cd: {  	v33 =	vmul.f32 v33, v15;
	v56 =	vmul.f32 v56, v10;
	v30 =	vld [tilespmem:s12+$0x200];
	v58 =	vadd.f32 v49, v23  }
0x2ce: {  	v63 =	vmul.f32 v50, v12;
	v16 =	vadd.f32 v46, v16;
	v8 =	vadd.f32 v38, v8;
	v38 =	vld [tilespmem:s12+$0x210]  }
0x2cf: {  	v17 =	vadd.f32 v21, v17;
	v49 =	vmul.f32 v44, v26;
	v44 =	vld [tilespmem:s12+$0x240];
	v21 =	vadd.f32 v59, v58  }
0x2d0: {  	v50 =	vmul.f32 v41, v26;
	v46 =	vld [tilespmem:s12+$0x270];
	v25 =	vmul.f32 v25, v11;
	v16 =	vadd.f32 v51, v16  }
0x2d1: {  	v51 =	vmul.f32 v45, v9;
	v45 =	vld [tilespmem:s12+$0x250];
	v23 =	vadd.f32 v31, v49;
	v21 =	vadd.f32 v61, v21  }
0x2d2: {  	v34 =	vmul.f32 v34, v12;
	v58 =	vmul.f32 v32, v11;
	v59 =	vld [tilespmem:s12+$0x280]  }
0x2d3: {  	v42 =	vmul.f32 v42, v15;
	v23 =	vadd.f32 v53, v23;
	v61 =	vld [tilespmem:s12+$0x290];
	v21 =	vadd.f32 v62, v21  }
0x2d4: {  	v16 =	vadd.f32 v60, v16;
	v37 =	vadd.f32 v51, v50;
	v51 =	vld [tilespmem:s12+$0x2D0];
	v53 =	vmul.f32 v35, v14  }
0x2d5: {  	v35 =	vld [tilespmem:s12+$0x2F0];
	v23 =	vadd.f32 v58, v23;
	v21 =	vadd.f32 v27, v21;
	v27 =	vmul.f32 v55, v12  }
0x2d6: {  	v60 =	vmul.f32 v54, v14;
	v52 =	vmul.f32 v38, v9;
	v38 =	vld [tilespmem:s12+$0x2E0]  }
0x2d7: {  	v16 =	vadd.f32 v63, v16;
	v62 =	vld [tilespmem:s12+$0x2A0];
	v23 =	vadd.f32 v27, v23;
	v27 =	vmul.f32 v57, v13  }
0x2d8: {  	v50 =	vmul.f32 v40, v13;
	v37 =	vadd.f32 v56, v37;
	v63 =	vld [tilespmem:s12+$0x2B0];
	v32 =	vmul.f32 v59, v26  }
0x2d9: {  	(xrf2) =	vadd.scan.msk.f32 $0xffff, v28;
	v56 =	vld [tilespmem:s12+$0x310];
	v16 =	vadd.f32 v48, v16;
	v23 =	vadd.f32 v27, v23;
	v27 =	vmul.f32 v30, v26  }
0x2da: {  	(xrf2) =	vadd.scan.msk.f32 $0xffff, v29;
	v54 =	vld [tilespmem:s12+$0x300];
	v25 =	vadd.f32 v25, v37;
	v55 =	vmul.f32 v61, v9;
	v51 =	vmul.f32 v51, v13  }
0x2db: {  	(xrf2) =	vadd.scan.msk.f32 $0xffff, v19;
	v58 =	vld [tilespmem:s12+$0x380];
	v23 =	vadd.f32 v24, v23;
	v24 =	vadd.f32 v52, v27;
	v27 =	vmul.f32 v43, v10  }
0x2dc: {  	(xrf2) =	vadd.scan.msk.f32 $0xffff, v18;
	v48 =	vld [tilespmem:s12+$0x2C0];
	v16 =	vadd.f32 v60, v16;
	v25 =	vadd.f32 v34, v25;
	v37 =	vmul.f32 v38, v14  }
0x2dd: {  	(xrf2) =	vadd.scan.msk.f32 $0xffff, v20;
	v59 =	vld [tilespmem:s12+$0x390];
	v31 =	vmul.f32 v62, v10;
	v24 =	vadd.f32 v27, v24;
	v27 =	vmul.f32 v47, v11  }
0x2de: {  	(xrf2) =	vadd.scan.msk.f32 $0xffff, v22;
	v57 =	vld [tilespmem:s12+$0x320];
	v32 =	vadd.f32 v55, v32;
	v60 =	vmul.f32 v63, v11;
	v62 =	vmul.f32 v56, v9  }
0x2df: {  	(xrf2) =	vadd.scan.msk.f32 $0xffff, v17;
	v38 =	vld [tilespmem:s12+$0x370];
	v16 =	vadd.f32 v36, v16;
	v24 =	vadd.f32 v27, v24;
	v27 =	vmul.f32 v44, v12  }
0x2e0: {  	(xrf2) =	vadd.scan.msk.f32 $0xffff, v8;
	v61 =	vld [tilespmem:s12+$0x330];
	v56 =	vmul.f32 v58, v26;
	v25 =	vadd.f32 v50, v25;
	v31 =	vadd.f32 v31, v32  }
0x2e1: {  	(xrf2) =	vadd.scan.msk.f32 $0xffff, v21;
	v63 =	vld [tilespmem:s12+$0x3A0];
	v49 =	vmul.f32 v48, v12;
	v24 =	vadd.f32 v27, v24;
	v27 =	vmul.f32 v54, v26  }
0x2e2: {  	v50 =	vld [tilespmem:s12+$0x340];
	v25 =	vadd.f32 v53, v25;
	(xrf2) =	vadd.scan.msk.f32 $0xffff, v16;
	v16 =	vmul.f32 v35, v15;
	v31 =	vadd.f32 v60, v31  }
0x2e3: {  	v53 =	vld [tilespmem:s12+$0x3B0];
	v52 =	vmul.f32 v57, v10;
	v47 =	vmul.f32 v45, v13;
	v27 =	vadd.f32 v62, v27  }
0x2e4: {  	v55 =	vld [tilespmem:s12+$0x350];
	v48 =	vmul.f32 v38, v15;
	v23 =	vadd.f32 v33, v23;
	v33 =	vmul.f32 v59, v9  }
0x2e5: {  	v58 =	vld [tilespmem:s12+$0x3C0];
	v57 =	vadd.f32 v47, v24;
	v24 =	vadd.f32 v52, v27;
	v27 =	vmul.f32 v61, v11  }
0x2e6: {  	v36 =	vld [tilespmem:s12+$0x3D0];
	v25 =	vadd.f32 v42, v25;
	v60 =	vadd.f32 v33, v56;
	v62 =	vmul.f32 v63, v10  }
0x2e7: {  	v54 =	vadd.f32 v49, v31;
	v61 =	vld [tilespmem:s12+$0x360];
	v24 =	vadd.f32 v27, v24;
	v27 =	vmul.f32 v50, v12  }
0x2e8: {  	v63 =	vmul.f32 v39, v14;
	v39 =	vmul.f32 v53, v11;
	v28 =	vadd.f32 v62, v60  }
0x2e9: {  	v41 =	vmul.f32 v55, v13;
	v59 =	vadd.f32 v51, v54;
	v40 =	vadd.f32 v27, v24;
	v24 =	vld [tilespmem:s12+$0x3E0]  }
0x2ea: {  	v43 =	vmul.f32 v58, v12;
	v44 =	vmul.f32 v46, v15;
	v42 =	vadd.f32 v39, v28;
	v27 =	vld [tilespmem:s12+$0x3F0]  }
0x2eb: {  	v46 =	vmul.f32 v36, v13;
	v47, _, _ =	vpop (xrf2);
	v17 =	vadd.f32 v63, v57;
	v8 =	vadd.f32 v37, v59  }
0x2ec: {  	v49, _, _ =	vpop (xrf2);
	v18 =	vadd.f32 v43, v42;
	v45 =	vmul.f32 v61, v14;
	v19 =	vadd.f32 v41, v40  }
0x2ed: {  	(xrf2) =	vadd.scan.msk.f32 $0xffff, v23;
	v21 =	vbroadcast v49, $0xF;
	v17 =	vadd.f32 v44, v17;
	v8 =	vadd.f32 v16, v8  }
0x2ee: {  	(xrf2) =	vadd.scan.msk.f32 $0xffff, v25;
	v16 =	vadd.f32 v46, v18;
	v19 =	vadd.f32 v45, v19;
	v50 =	vmul.f32 v24, v14  }
0x2ef: {  	v51, _, _ =	vpop (xrf2);
	(xrf2) =	vadd.scan.msk.f32 $0xffff, v17;
	v17 =	vbroadcast v47, $0xF;
	v53 =	vmul.f32 v27, v15  }
0x2f0: {  	v52, _, _ =	vpop (xrf2);
	(xrf2) =	vadd.scan.msk.f32 $0xffff, v8;
	v19 =	vadd.f32 v48, v19;
	v8 =	vadd.f32 v50, v16;
	v16 =	vbroadcast v51, $0xF  }
0x2f1: {  	v20 =	vbroadcast v52, $0xF;
	v54, _, _ =	vpop (xrf2);
	v17 =	vsel vm0, v17, v21  }
0x2f2: {  	v55, _, _ =	vpop (xrf2);
	(xrf2) =	vadd.scan.msk.f32 $0xffff, v19;
	v16 =	vsel vm1, v17, v16;
	v17 =	vbroadcast v54, $0xF;
	v8 =	vadd.f32 v53, v8  }
0x2f3: {  	v56, _, _ =	vpop (xrf2);
	v16 =	vsel vm2, v16, v20  }
0x2f4: {  	v19 =	vbroadcast v55, $0xF;
	v16 =	vsel vm3, v16, v17;
	v17 =	vbroadcast v56, $0xF  }
0x2f5: {  	v57, _, _ =	vpop (xrf2)  }
0x2f6: {  	v18 =	vbroadcast v57, $0xF;
	(xrf2) =	vadd.scan.msk.f32 $0xffff, v8;
	v16 =	vsel vm4, v16, v19;
	v8, _, _ =	vpop (xrf2)  }
0x2f7: {  	v16 =	vsel vm5, v16, v17;
	v58, _, _ =	vpop (xrf2);
	v8 =	vbroadcast v8, $0xF  }
0x2f8: {  	v16 =	vsel vm6, v16, v18;
	v17, _, _ =	vpop (xrf2);
	v59 =	vbroadcast v58, $0xF  }
0x2f9: {  	v60, _, _ =	vpop (xrf2);
	v8 =	vsel vm7, v16, v8;
	v16 =	vbroadcast v17, $0xF  }
0x2fa: {  	v17, _, _ =	vpop (xrf2);
	v8 =	vsel vm8, v8, v59;
	v61 =	vbroadcast v60, $0xF  }
0x2fb: {  	v62, _, _ =	vpop (xrf2);
	v8 =	vsel vm9, v8, v16;
	v16 =	vbroadcast v17, $0xF  }
0x2fc: {  	v17, _, _ =	vpop (xrf2);
	v8 =	vsel vm10, v8, v61  }
0x2fd: {  	v8 =	vsel vm11, v8, v16;
	v16 =	vbroadcast v17, $0xF  }
0x2fe: {  	p0 =	sne.s32 s13, $0x140;
	v63 =	vbroadcast v62, $0xF  }
.Ltmp2:
0x2ff: {  	_ = 	snop;
	(pc) =	sbr.rel @p0 .LBB2_7-.Ltmp2, $4  }
0x300: {  	v8 =	vsel vm12, v8, v63  }
0x301: {  	v8 =	vsel vm13, v8, v16;
	v16, _, _ =	vpop (xrf2)  }
0x302: {  	s14 =	sshra.s32 s13, $0x2;
	v8 =	vsel vm14, v8, v16  }
0x303: {  	s13 =	sadd.s32 $0x40, s13;
	s12 =	sadd.s32 $0x800, s12;
	[tilespmem:s14+$0x16500] =	vst v8  }
0x304: {  	s12 =	simm.s32 $0x11800  }
0x305: {  	v10 =	vld [tilespmem:s12+$0x370]  }
0x306: {  	v14 =	vld [tilespmem:s12+$0x360]  }
0x307: {  	v61 =	vld [tilespmem:s12+$0x3C0]  }
0x308: {  	v32 =	vld [tilespmem:s12+$0x270]  }
0x309: {  	v24 =	vld [tilespmem:s12+$0x350]  }
0x30a: {  	v9 =	vld [tilespmem:s12+$0x3B0]  }
0x30b: {  	v33 =	vld [tilespmem:s12+$0x1F0]  }
0x30c: {  	v34 =	vld [tilespmem:s12+$0x260]  }
0x30d: {  	v25 =	vld [tilespmem:s12+$0x340]  }
0x30e: {  	v11 =	vld [tilespmem:s12+$0x3A0]  }
0x30f: {  	v35 =	vld [tilespmem:s12+$0x1E0]  }
0x310: {  	v36 =	vld [tilespmem:s12+$0x250]  }
0x311: {  	v12 =	vld [tilespmem:s12+$0x2C0]  }
0x312: {  	v21 =	vld [tilespmem:s12+$0x330]  }
0x313: {  	v27 =	vld [tilespmem:s12+$0x380]  }
0x314: {  	v37 =	vld [tilespmem:s12+$0x390]  }
0x315: {  	v18 =	vld [tilespmem:s12+$0xF0]  }
0x316: {  	v38 =	vld [tilespmem:s12+$0x1D0]  }
0x317: {  	v39 =	vld [tilespmem:s12+$0x240]  }
0x318: {  	v8 =	vld [tilespmem:s12+$0x2B0]  }
0x319: {  	v23 =	vld [tilespmem:s12+$0x320]  }
0x31a: {  	v15 =	vld [tilespmem:s12+$0x70]  }
0x31b: {  	v31 =	vld [tilespmem:s12+$0xE0]  }
0x31c: {  	v40 =	vld [tilespmem:s12+$0x1C0]  }
0x31d: {  	v41 =	vld [tilespmem:s12+$0x230]  }
0x31e: {  	v29 =	vld [tilespmem:s12+$0x2A0]  }
0x31f: {  	v26 =	vld [tilespmem:s12+$0x300]  }
0x320: {  	v42 =	vld [tilespmem:s12+$0x310]  }
0x321: {  	v30 =	vld [tilespmem:s12+$0x60]  }
0x322: {  	v43 =	vld [tilespmem:s12+$0xD0]  }
0x323: {  	v16 =	vld [tilespmem:s12+$0x140]  }
0x324: {  	v44 =	vld [tilespmem:s12+$0x1B0]  }
0x325: {  	v45 =	vld [tilespmem:s12+$0x220]  }
0x326: {  	v46 =	vld [tilespmem:s12+$0x280]  }
0x327: {  	v47 =	vld [tilespmem:s12+$0x290]  }
0x328: {  	v22 =	vld [tilespmem:s12+$0xFFFFFF70]  }
0x329: {  	v48 =	vld [tilespmem:s12+$0x50]  }
0x32a: {  	v49 =	vld [tilespmem:s12+$0xC0]  }
0x32b: {  	v17 =	vld [tilespmem:s12+$0x130]  }
0x32c: {  	v50 =	vld [tilespmem:s12+$0x1A0]  }
0x32d: {  	v51 =	vld [tilespmem:s12+$0x200]  }
0x32e: {  	v52 =	vld [tilespmem:s12+$0x210]  }
0x32f: {  	v28 =	vld [tilespmem:s12+$0xFFFFFEF0]  }
0x330: {  	v19 =	vld [tilespmem:s12+$0xFFFFFF60]  }
0x331: {  	v53 =	vld [tilespmem:s12+$0x40]  }
0x332: {  	v54 =	vld [tilespmem:s12+$0xB0]  }
0x333: {  	v20 =	vld [tilespmem:s12+$0x120]  }
0x334: {  	v55 =	vld [tilespmem:s12+$0x180]  }
0x335: {  	v56 =	vld [tilespmem:s12+$0x190]  }
0x336: {  	v58 =	vld [tilespmem:s12+$0x30];
	v26 =	vmul.f32 v26, v6;
	v42 =	vmul.f32 v42, v7  }
0x337: {  	v60 =	vld [tilespmem:s12+$0x100];
	v57 =	vmul.f32 v23, v5;
	v63 =	vmul.f32 v21, v4  }
0x338: {  	v23 =	vld [tilespmem:s12+$0xFFFFFF50];
	v25 =	vmul.f32 v25, v3;
	v59 =	vmul.f32 v24, v2  }
0x339: {  	v21 =	vld [tilespmem:s12+$0xFFFFFFC0];
	v51 =	vmul.f32 v51, v6;
	v52 =	vmul.f32 v52, v7  }
0x33a: {  	v14 =	vmul.f32 v14, v1;
	v24 =	vld [tilespmem:s12+$0xFFFFFDF0];
	v55 =	vmul.f32 v55, v6;
	v42 =	vadd.f32 v42, v26  }
0x33b: {  	v56 =	vmul.f32 v56, v7;
	v45 =	vmul.f32 v45, v5;
	v26 =	vld [tilespmem:s12+$0xFFFFFEE0];
	v51 =	vadd.f32 v52, v51  }
0x33c: {  	v27 =	vmul.f32 v27, v6;
	v50 =	vmul.f32 v50, v5;
	v52 =	vld [tilespmem:s12+$0xFFFFFF40];
	v42 =	vadd.f32 v57, v42  }
0x33d: {  	v37 =	vmul.f32 v37, v7;
	v41 =	vmul.f32 v41, v4;
	v45 =	vadd.f32 v45, v51;
	v51 =	vld [tilespmem:s12+$0x90]  }
0x33e: {  	v44 =	vmul.f32 v44, v4;
	v55 =	vadd.f32 v56, v55;
	v56 =	vld [tilespmem:s12+$0x80];
	v42 =	vadd.f32 v63, v42  }
0x33f: {  	v39 =	vmul.f32 v39, v3;
	v36 =	vmul.f32 v36, v2;
	v57 =	vld [tilespmem:s12+$0xA0]  }
0x340: {  	v38 =	vmul.f32 v38, v2;
	v50 =	vadd.f32 v50, v55;
	v55 =	vld [tilespmem:s12+$0xFFFFFFB0];
	v25 =	vadd.f32 v25, v42  }
0x341: {  	v46 =	vmul.f32 v46, v6;
	v47 =	vmul.f32 v47, v7;
	v42 =	vld [tilespmem:s12+$0x110]  }
0x342: {  	v34 =	vmul.f32 v34, v1;
	v62 =	vmul.f32 v51, v7;
	v51 =	vld [tilespmem:s12+$0xFFFFFEC0];
	v59 =	vadd.f32 v59, v25  }
0x343: {  	v35 =	vmul.f32 v35, v1;
	v32 =	vmul.f32 v32, v0;
	v25 =	vld [tilespmem:s12+$0xFFFFFED0]  }
0x344: {  	v14 =	vadd.f32 v14, v59;
	v59 =	vmul.f32 v10, v0;
	v10 =	vadd.f32 v41, v45;
	v41 =	vld [tilespmem:s12+$0x20]  }
0x345: {  	v33 =	vmul.f32 v33, v0;
	v54 =	vmul.f32 v54, v4;
	v63 =	vadd.f32 v37, v27;
	v45 =	vld [tilespmem:s12+$0x0]  }
0x346: {  	v9 =	vmul.f32 v9, v4;
	v27 =	vadd.f32 v59, v14;
	v59 =	vadd.f32 v44, v50;
	v44 =	vld [tilespmem:s12+$0xFFFFFD70]  }
0x347: {  	v43 =	vmul.f32 v43, v2;
	v14 =	vmul.f32 v40, v3;
	v37 =	vadd.f32 v39, v10;
	v39 =	vld [tilespmem:s12+$0xFFFFFDE0]  }
0x348: {  	v10 =	vmul.f32 v57, v5;
	v57 =	vmul.f32 v49, v3;
	v49 =	vld [tilespmem:s12+$0xFFFFFC60]  }
0x349: {  	v40 =	vadd.f32 v14, v59;
	v14 =	vmul.f32 v56, v6;
	v36 =	vadd.f32 v36, v37;
	v37 =	vld [tilespmem:s12+$0x10]  }
0x34a: {  	v31 =	vmul.f32 v31, v1;
	v56 =	vmul.f32 v45, v6;
	v45 =	vld [tilespmem:s12+$0xFFFFFF00]  }
0x34b: {  	v59 =	vmul.f32 v11, v5;
	v50 =	vadd.f32 v62, v14;
	v38 =	vadd.f32 v38, v40;
	v40 =	vld [tilespmem:s12+$0xFFFFFF30]  }
0x34c: {  	v8 =	vmul.f32 v8, v4;
	v30 =	vmul.f32 v30, v1;
	v62 =	vadd.f32 v47, v46;
	v46 =	vld [tilespmem:s12+$0xFFFFFFA0]  }
0x34d: {  	v13 =	vmul.f32 v16, v3;
	v17 =	vmul.f32 v17, v4;
	[tilespmem:$0x1FEC0] =	vst v59;
	v59 =	vld [tilespmem:s12+$0xFFFFFE90];
	v10 =	vadd.f32 v10, v50  }
0x34e: {  	[tilespmem:$0x1FEB0] =	vst v9;
	v9 =	vmul.f32 v53, v3;
	v34 =	vadd.f32 v34, v36;
	v47 =	vld [tilespmem:s12+$0xFFFFFF20];
	v35 =	vadd.f32 v35, v38  }
0x34f: {  	v42 =	vmul.f32 v42, v7;
	v38 =	vld [tilespmem:s12+$0xFFFFFC70];
	v37 =	vmul.f32 v37, v7;
	v36 =	vadd.f32 v54, v10  }
0x350: {  	v11 =	vmul.f32 v60, v6;
	v50 =	vadd.f32 v32, v34;
	v34 =	vld [tilespmem:s12+$0xFFFFFD60];
	v35 =	vadd.f32 v33, v35  }
0x351: {  	v41 =	vmul.f32 v41, v5;
	v33 =	vld [tilespmem:s12+$0xFFFFFDD0];
	v32 =	vadd.f32 v37, v56;
	v36 =	vadd.f32 v57, v36  }
0x352: {  	v57 =	vmul.f32 v58, v4;
	v58 =	vmul.f32 v18, v0;
	v18 =	vadd.f32 v42, v11;
	v11 =	vld [tilespmem:s12+$0xFFFFFEA0]  }
0x353: {  	v53 =	vmul.f32 v15, v0;
	v15 =	vmul.f32 v29, v5;
	v32 =	vadd.f32 v41, v32;
	v41 =	vld [tilespmem:s12+$0xFFFFFF10]  }
0x354: {  	v24 =	vmul.f32 v24, v0;
	v60 =	vmul.f32 v12, v3;
	v36 =	vadd.f32 v43, v36;
	v43 =	vld [tilespmem:s12+$0xFFFFFE80]  }
0x355: {  	v10 =	vmul.f32 v48, v2;
	v45 =	vmul.f32 v45, v6;
	v48 =	vld [tilespmem:s12+$0xFFFFFD40];
	v32 =	vadd.f32 v57, v32  }
0x356: {  	v37 =	vld [tilespmem:s12+$0xFFFFFEB0];
	v56 =	vmul.f32 v28, v0;
	v42 =	vmul.f32 v59, v7;
	v29 =	vadd.f32 v31, v36  }
0x357: {  	v59 =	vld [tilespmem:s12+$0xFFFFFDB0];
	v36 =	vmul.f32 v33, v2;
	v32 =	vadd.f32 v9, v32;
	v11 =	vmul.f32 v11, v5  }
0x358: {  	v57 =	vld [tilespmem:s12+$0xFFFFFDC0];
	v54 =	vadd.f32 v58, v29;
	v41 =	vmul.f32 v41, v7;
	v58 =	vmul.f32 v26, v1  }
0x359: {  	v31 =	vld [tilespmem:s12+$0xFFFFFF80];
	v32 =	vadd.f32 v10, v32;
	v9 =	vmul.f32 v43, v6;
	v43 =	vmul.f32 v22, v0  }
0x35a: {  	v29 =	vld [tilespmem:s12+$0xFFFFFF90];
	v10 =	vmul.f32 v47, v5;
	v22 =	vadd.f32 v41, v45;
	v41 =	vmul.f32 v19, v1  }
0x35b: {  	v47 =	vld [tilespmem:s12+$0xFFFFFC50];
	v19 =	vmul.f32 v20, v5;
	v20 =	vmul.f32 v21, v3  }
0x35c: {  	v45 =	vld [tilespmem:s12+$0xFFFFFD50];
	v21 =	vmul.f32 v52, v3;
	v28 =	vadd.f32 v42, v9;
	v30 =	vadd.f32 v30, v32  }
0x35d: {  	v52 =	vld [tilespmem:s12+$0xFFFFFE00];
	v9 =	vmul.f32 v23, v2;
	v23 =	vmul.f32 v37, v4;
	v22 =	vadd.f32 v10, v22  }
0x35e: {  	v32 =	vld [tilespmem:s12+$0xFFFFFD30];
	v10 =	vmul.f32 v25, v2;
	v26 =	vadd.f32 v11, v28;
	v28 =	vmul.f32 v40, v4  }
0x35f: {  	v37 =	vld [tilespmem:s12+$0xFFFFFD80];
	v25 =	vmul.f32 v38, v0;
	v38 =	vmul.f32 v48, v3  }
0x360: {  	v40 =	vld [tilespmem:s12+$0xFFFFFD90];
	v33 =	vmul.f32 v47, v2;
	v47 =	vmul.f32 v59, v4;
	v22 =	vadd.f32 v28, v22  }
0x361: {  	v42 =	vld [tilespmem:s12+$0xFFFFFC00];
	v23 =	vadd.f32 v23, v26;
	v26 =	vmul.f32 v31, v6;
	v28 =	vmul.f32 v29, v7  }
0x362: {  	v30 =	vadd.f32 v53, v30;
	v29 =	vmul.f32 v51, v3;
	v51 =	vld [tilespmem:s12+$0xFFFFFDA0];
	v48 =	vmul.f32 v52, v6  }
0x363: {  	v31 =	vadd.f32 v21, v22;
	v26 =	vadd.f32 v28, v26;
	v28 =	vmul.f32 v39, v1;
	v39 =	vld [tilespmem:s12+$0xFFFFFE10]  }
0x364: {  	v37 =	vmul.f32 v37, v6;
	v29 =	vadd.f32 v29, v23;
	v23 =	vmul.f32 v46, v5;
	v46 =	vld [tilespmem:s12+$0xFFFFFD00]  }
0x365: {  	v22 =	vmul.f32 v44, v0;
	v40 =	vmul.f32 v40, v7;
	v11 =	vadd.f32 v9, v31;
	v9 =	vld [tilespmem:s12+$0xFFFFFD10]  }
0x366: {  	[tilespmem:$0x1FED0] =	vst v8;
	v44 =	vadd.f32 v10, v29;
	v31 =	vmul.f32 v34, v1;
	v34 =	vmul.f32 v45, v2;
	v45 =	vld [tilespmem:s12+$0xFFFFFC10]  }
0x367: {  	(xrf2) =	vadd.scan.msk.f32 $0xffff, v27;
	v21 =	vmul.f32 v55, v4;
	v29 =	vmul.f32 v49, v1;
	v10 =	vadd.f32 v41, v11;
	v41 =	vld [tilespmem:s12+$0xFFFFFD20]  }
0x368: {  	(xrf2) =	vadd.scan.msk.f32 $0xffff, v50;
	v11 =	vadd.f32 v40, v37;
	v27 =	vadd.f32 v58, v44;
	v58 =	vmul.f32 v51, v5;
	v44 =	vld [tilespmem:s12+$0xFFFFFC80]  }
0x369: {  	(xrf2) =	vadd.scan.msk.f32 $0xffff, v35;
	v40 =	vmul.f32 v57, v3;
	v50 =	vmul.f32 v46, v6;
	v46 =	vld [tilespmem:s12+$0xFFFFFC90];
	v37 =	vadd.f32 v43, v10  }
0x36a: {  	s13 =	simm.s32 $0x40;
	(xrf2) =	vadd.scan.msk.f32 $0xffff, v54;
	v43 =	vld [tilespmem:s12+$0xFFFFFC20];
	v49 =	vadd.f32 v58, v11;
	v35 =	vadd.f32 v56, v27;
	v51 =	vmul.f32 v9, v7  }
.LBB2_9:
0x36b: {  	v23 =	vadd.f32 v23, v26  }
0x36c: {  	v50 =	vadd.f32 v51, v50;
	v47 =	vadd.f32 v47, v49  }
0x36d: {  	v58 =	vld [tilespmem:s12+$0xFFFFFCA0];
	v18 =	vadd.f32 v19, v18;
	v21 =	vadd.f32 v21, v23;
	v41 =	vmul.f32 v41, v5  }
0x36e: {  	v52 =	vld [tilespmem:s12+$0xFFFFFC30];
	v40 =	vadd.f32 v40, v47;
	v39 =	vmul.f32 v39, v7;
	v42 =	vmul.f32 v42, v6  }
0x36f: {  	v59 =	vld [tilespmem:s12+$0xFFFFFC40];
	v17 =	vadd.f32 v17, v18;
	v45 =	vmul.f32 v45, v7;
	v32 =	vmul.f32 v32, v4  }
0x370: {  	v10 =	vld [tilespmem:s12+$0xFFFFFE20];
	v44 =	vmul.f32 v44, v6;
	v46 =	vmul.f32 v46, v7;
	v36 =	vadd.f32 v36, v40  }
0x371: {  	v43 =	vmul.f32 v43, v5;
	v41 =	vadd.f32 v41, v50;
	v42 =	vadd.f32 v45, v42;
	v50 =	vld [tilespmem:s12+$0xFFFFFCB0]  }
0x372: {  	v56 =	vmul.f32 v58, v5;
	v39 =	vadd.f32 v39, v48;
	v55 =	vadd.f32 v46, v44  }
0x373: {  	v54 =	vld [tilespmem:s12+$0xFFFFFCC0];
	v27, _, _ =	vpop (xrf2);
	(xrf2) =	vadd.scan.msk.f32 $0xffff, v30;
	v53 =	vmul.f32 v52, v4;
	v8 =	vadd.f32 v32, v41;
	v42 =	vadd.f32 v43, v42  }
0x374: {  	v57 =	vld [tilespmem:s12+$0xFFFFFE30];
	v28 =	vadd.f32 v28, v36;
	v11 =	vadd.f32 v56, v55  }
0x375: {  	v58 =	vmul.f32 v59, v3;
	v59 =	vld [tilespmem:s12+$0xFFFFFCD0];
	v38 =	vadd.f32 v38, v8;
	v42 =	vadd.f32 v53, v42  }
0x376: {  	v49 =	vld [tilespmem:s12+$0xFFFFFE40];
	v41 =	vmul.f32 v10, v5;
	v28 =	vadd.f32 v24, v28;
	v48 =	vmul.f32 v50, v4  }
0x377: {  	v51 =	vld [tilespmem:s12+$0xFFFFFCE0];
	v34 =	vadd.f32 v34, v38;
	v50 =	vadd.f32 v58, v42  }
0x378: {  	v30, _, _ =	vpop (xrf2);
	(xrf2) =	vadd.scan.msk.f32 $0xffff, v37;
	v8 =	vmul.f32 v54, v3;
	v39 =	vadd.f32 v41, v39;
	v36 =	vadd.f32 v48, v11  }
0x379: {  	v32, _, _ =	vpop (xrf2);
	(xrf2) =	vadd.scan.msk.f32 $0xffff, v35;
	v53 =	vld [tilespmem:s12+$0xFFFFFCF0];
	v31 =	vadd.f32 v31, v34;
	v33 =	vadd.f32 v33, v50  }
0x37a: {  	v23 =	vld [tilespmem:s12+$0x150];
	v24, _, _ =	vpop (xrf2);
	v54 =	vmul.f32 v57, v4;
	v55 =	vmul.f32 v59, v2;
	(xrf2) =	vadd.scan.msk.f32 $0xffff, v28;
	v28 =	vadd.f32 v8, v36  }
0x37b: {  	v18 =	vld [tilespmem:s12+$0x2D0];
	v38 =	vmul.f32 v49, v3;
	v22 =	vadd.f32 v22, v31;
	v29 =	vadd.f32 v29, v33  }
0x37c: {  	v52 =	vld [tilespmem:s12+$0xFFFFFE50];
	v58 =	vmul.f32 v51, v1;
	v8 =	vadd.f32 v54, v39;
	v28 =	vadd.f32 v55, v28  }
0x37d: {  	v57 =	vld [tilespmem:s12+$0xFFFFFFD0];
	v56, _, _ =	vpop (xrf2);
	(xrf2) =	vadd.scan.msk.f32 $0xffff, v22;
	v22 =	vadd.f32 v25, v29  }
0x37e: {  	v43 =	vmul.f32 v53, v0;
	v31 =	vld [tilespmem:s12+$0xFFFFFE60];
	v25 =	vadd.f32 v38, v8;
	v8 =	vadd.f32 v58, v28  }
0x37f: {  	v59 =	vld [tilespmem:s12+$0xFFFFFE70]  }
0x380: {  	v19 =	vadd.f32 v43, v8;
	v8 =	vld [tilespmem:$0x1FED0]  }
0x381: {  	v26 =	vmul.f32 v52, v2;
	v29 =	vld [tilespmem:s12+$0xFFFFFFE0]  }
0x382: {  	v44 =	vld [tilespmem:$0x1FEB0]  }
0x383: {  	v14 =	vadd.f32 v15, v62;
	v25 =	vadd.f32 v26, v25;
	v26 =	vmul.f32 v31, v1;
	v31 =	vld [tilespmem:s12+$0xFFFFFFF0]  }
0x384: {  	v20 =	vadd.f32 v20, v21;
	v16 =	vadd.f32 v13, v17;
	v21 =	vmul.f32 v57, v2;
	v42, _, _ =	vpop (xrf2);
	(xrf2) =	vadd.scan.msk.f32 $0xffff, v22;
	v22 =	vld [tilespmem:s12+$0x160]  }
0x385: {  	v25 =	vadd.f32 v26, v25;
	v26 =	vmul.f32 v59, v0;
	v13 =	vadd.f32 v8, v14;
	v8 =	vld [tilespmem:$0x1FEC0]  }
0x386: {  	v17 =	vmul.f32 v23, v2;
	v20 =	vadd.f32 v21, v20;
	v28, _, _ =	vpop (xrf2);
	v21 =	vmul.f32 v29, v1;
	v29 =	vld [tilespmem:s12+$0x170];
	(xrf2) =	vadd.scan.msk.f32 $0xffff, v19  }
0x387: {  	v19 =	vld [tilespmem:s12+$0x2E0];
	v9 =	vadd.f32 v26, v25  }
0x388: {  	v16 =	vadd.f32 v17, v16;
	v20 =	vadd.f32 v21, v20;
	v21 =	vmul.f32 v31, v0;
	v14 =	vld [tilespmem:s12+$0x3D0]  }
0x389: {  	v23, _, _ =	vpop (xrf2);
	v17 =	vmul.f32 v22, v1;
	v22 =	vld [tilespmem:s12+$0x2F0];
	(xrf2) =	vadd.scan.msk.f32 $0xffff, v9;
	v12 =	vadd.f32 v60, v13;
	v13 =	vmul.f32 v18, v2  }
0x38a: {  	v11 =	vadd.f32 v21, v20;
	v10 =	vadd.f32 v8, v63  }
0x38b: {  	v20 =	vadd.f32 v17, v16;
	v17 =	vmul.f32 v29, v0;
	v18 =	vld [tilespmem:s12+$0x3E0];
	v12 =	vadd.f32 v13, v12  }
0x38c: {  	v15, _, _ =	vpop (xrf2);
	v13 =	vmul.f32 v19, v1;
	(xrf2) =	vadd.scan.msk.f32 $0xffff, v11;
	v8 =	vmul.f32 v61, v3;
	v9 =	vadd.f32 v44, v10  }
0x38d: {  	v45 =	vadd.f32 v17, v20;
	v17 =	vmul.f32 v14, v2;
	v14 =	vld [tilespmem:s12+$0x3F0]  }
0x38e: {  	v12 =	vadd.f32 v13, v12;
	v13 =	vmul.f32 v22, v0;
	v8 =	vadd.f32 v8, v9  }
0x38f: {  	v16, _, _ =	vpop (xrf2);
	(xrf2) =	vadd.scan.msk.f32 $0xffff, v45  }
0x390: {  	v47 =	vmul.f32 v18, v1;
	v48, _, _ =	vpop (xrf2);
	v46 =	vadd.f32 v13, v12;
	v8 =	vadd.f32 v17, v8  }
0x391: {  	v16 =	vbroadcast v16, $0xF;
	v11 =	vbroadcast v48, $0xF  }
0x392: {  	v13 =	vbroadcast v15, $0xF;
	v49 =	vmul.f32 v14, v0;
	(xrf2) =	vadd.scan.msk.f32 $0xffff, v46;
	v8 =	vadd.f32 v47, v8  }
0x393: {  	v51 =	vbroadcast v23, $0xF;
	v50 =	vsel vm0, v16, v11;
	v12, _, _ =	vpop (xrf2)  }
0x394: {  	v9 =	vsel vm1, v50, v13;
	v13 =	vbroadcast v12, $0xF;
	v8 =	vadd.f32 v49, v8  }
0x395: {  	v52 =	vbroadcast v28, $0xF;
	v9 =	vsel vm2, v9, v51  }
0x396: {  	v9 =	vsel vm3, v9, v13;
	v13 =	vbroadcast v42, $0xF;
	v12, _, _ =	vpop (xrf2);
	(xrf2) =	vadd.scan.msk.f32 $0xffff, v8  }
0x397: {  	v53 =	vbroadcast v12, $0xF;
	v8 =	vsel vm4, v9, v52  }
0x398: {  	v54 =	vbroadcast v56, $0xF;
	v8 =	vsel vm5, v8, v13  }
0x399: {  	v55 =	vbroadcast v24, $0xF;
	v56, _, _ =	vpop (xrf2);
	v8 =	vsel vm6, v8, v53  }
0x39a: {  	v57 =	vbroadcast v56, $0xF;
	v8 =	vsel vm7, v8, v54  }
0x39b: {  	v58 =	vbroadcast v32, $0xF;
	v8 =	vsel vm8, v8, v55  }
0x39c: {  	v59 =	vbroadcast v30, $0xF;
	v60, _, _ =	vpop (xrf2);
	v8 =	vsel vm9, v8, v57  }
0x39d: {  	v11 =	vbroadcast v60, $0xF;
	v8 =	vsel vm10, v8, v58  }
0x39e: {  	v61 =	vbroadcast v27, $0xF;
	v8 =	vsel vm11, v8, v59  }
0x39f: {  	v8 =	vsel vm12, v8, v11  }
0x3a0: {  	v8 =	vsel vm13, v8, v61;
	v62, _, _ =	vpop (xrf2)  }
0x3a1: {  	s14 =	sshra.s32 s11, $0x2;
	v8 =	vsel vm14, v8, v62  }
0x3a2: {  	s12 =	sadd.s32 $0x800, s12;
	[tilespmem:s14+$0x16580] =	vst v8  }
0x3a3: {  	v9 =	vld [tilespmem:s12+$0x370]  }
0x3a4: {  	v10 =	vld [tilespmem:s12+$0x360]  }
0x3a5: {  	v8 =	vld [tilespmem:s12+$0x3C0]  }
0x3a6: {  	v11 =	vld [tilespmem:s12+$0x270]  }
0x3a7: {  	v12 =	vld [tilespmem:s12+$0x350]  }
0x3a8: {  	v13 =	vld [tilespmem:s12+$0x3B0]  }
0x3a9: {  	v15 =	vld [tilespmem:s12+$0x1F0]  }
0x3aa: {  	v23 =	vld [tilespmem:s12+$0x260]  }
0x3ab: {  	v25 =	vld [tilespmem:s12+$0x340]  }
0x3ac: {  	v26 =	vld [tilespmem:s12+$0x3A0]  }
0x3ad: {  	v27 =	vld [tilespmem:s12+$0x1E0]  }
0x3ae: {  	v31 =	vld [tilespmem:s12+$0x250]  }
0x3af: {  	v32 =	vld [tilespmem:s12+$0x2C0]  }
0x3b0: {  	v30 =	vld [tilespmem:s12+$0x330]  }
0x3b1: {  	v33 =	vld [tilespmem:s12+$0x380]  }
0x3b2: {  	v34 =	vld [tilespmem:s12+$0x390]  }
0x3b3: {  	v35 =	vld [tilespmem:s12+$0xF0]  }
0x3b4: {  	v36 =	vld [tilespmem:s12+$0x1D0]  }
0x3b5: {  	v37 =	vld [tilespmem:s12+$0x240]  }
0x3b6: {  	v38 =	vld [tilespmem:s12+$0x2B0]  }
0x3b7: {  	v39 =	vld [tilespmem:s12+$0x320]  }
0x3b8: {  	v40 =	vld [tilespmem:s12+$0x70]  }
0x3b9: {  	v41 =	vld [tilespmem:s12+$0xE0]  }
0x3ba: {  	v42 =	vld [tilespmem:s12+$0x1C0]  }
0x3bb: {  	v43 =	vld [tilespmem:s12+$0x230]  }
0x3bc: {  	v44 =	vld [tilespmem:s12+$0x2A0]  }
0x3bd: {  	v45 =	vld [tilespmem:s12+$0x300]  }
0x3be: {  	v46 =	vld [tilespmem:s12+$0x310]  }
0x3bf: {  	v47 =	vld [tilespmem:s12+$0x60]  }
0x3c0: {  	v17 =	vld [tilespmem:s12+$0xD0]  }
0x3c1: {  	v62 =	vld [tilespmem:s12+$0x140]  }
0x3c2: {  	v48 =	vld [tilespmem:s12+$0x1B0]  }
0x3c3: {  	v49 =	vld [tilespmem:s12+$0x220]  }
0x3c4: {  	v50 =	vld [tilespmem:s12+$0x280]  }
0x3c5: {  	v51 =	vld [tilespmem:s12+$0x290]  }
0x3c6: {  	v52 =	vld [tilespmem:s12+$0xFFFFFF70]  }
0x3c7: {  	v53 =	vld [tilespmem:s12+$0x50]  }
0x3c8: {  	v54 =	vld [tilespmem:s12+$0xC0]  }
0x3c9: {  	v18 =	vld [tilespmem:s12+$0x130]  }
0x3ca: {  	v55 =	vld [tilespmem:s12+$0x1A0]  }
0x3cb: {  	v56 =	vld [tilespmem:s12+$0x200]  }
0x3cc: {  	v57 =	vld [tilespmem:s12+$0x210]  }
0x3cd: {  	v58 =	vld [tilespmem:s12+$0xFFFFFEF0]  }
0x3ce: {  	v28 =	vld [tilespmem:s12+$0xFFFFFF60]  }
0x3cf: {  	v29 =	vld [tilespmem:s12+$0x40]  }
0x3d0: {  	v24 =	vld [tilespmem:s12+$0xB0]  }
0x3d1: {  	v19 =	vld [tilespmem:s12+$0x120]  }
0x3d2: {  	v59 =	vld [tilespmem:s12+$0x180]  }
0x3d3: {  	v60 =	vld [tilespmem:s12+$0x190]  }
0x3d4: {  	v63 =	vld [tilespmem:s12+$0xFFFFFFC0]  }
0x3d5: {  	v22 =	vld [tilespmem:s12+$0xFFFFFEE0];
	v61 =	vmul.f32 v10, v1  }
0x3d6: {  	v20 =	vld [tilespmem:s12+$0xFFFFFF50];
	[tilespmem:$0x1FE90] =	vst v8;
	v8 =	vmul.f32 v9, v0;
	v14 =	vmul.f32 v11, v0  }
0x3d7: {  	v21 =	vld [tilespmem:s12+$0x30];
	v10 =	vmul.f32 v12, v2;
	v11 =	vmul.f32 v45, v6  }
0x3d8: {  	v16 =	vld [tilespmem:s12+$0x100];
	v12 =	vmul.f32 v46, v7;
	v46 =	vmul.f32 v15, v0  }
0x3d9: {  	[tilespmem:$0x1FE80] =	vst v63;
	v45 =	vld [tilespmem:s12+$0xA0];
	v63 =	vmul.f32 v13, v4;
	v9 =	vmul.f32 v23, v1  }
0x3da: {  	v13 =	vmul.f32 v39, v5;
	v39 =	vld [tilespmem:s12+$0x110];
	v15 =	vmul.f32 v25, v3  }
0x3db: {  	v23 =	vmul.f32 v30, v4;
	v30 =	vld [tilespmem:s12+$0xFFFFFED0];
	v25 =	vmul.f32 v32, v3  }
0x3dc: {  	v32 =	vld [tilespmem:s12+$0xFFFFFF40];
	v56 =	vmul.f32 v56, v6;
	v57 =	vmul.f32 v57, v7  }
0x3dd: {  	v49 =	vmul.f32 v49, v5;
	[tilespmem:$0x1FEB0] =	vst v63;
	v12 =	vadd.f32 v12, v11;
	v63 =	vmul.f32 v26, v5;
	v26 =	vld [tilespmem:s12+$0xFFFFFDF0]  }
0x3de: {  	v11 =	vmul.f32 v27, v1;
	v27 =	vmul.f32 v33, v6;
	v33 =	vld [tilespmem:s12+$0xFFFFFFB0];
	v56 =	vadd.f32 v57, v56  }
0x3df: {  	v57 =	vld [tilespmem:s12+$0xFFFFFFA0];
	v13 =	vadd.f32 v13, v12;
	v12 =	vmul.f32 v31, v2  }
0x3e0: {  	v31 =	vmul.f32 v34, v7;
	v34 =	vmul.f32 v36, v2;
	v36 =	vld [tilespmem:s12+$0x20];
	v49 =	vadd.f32 v49, v56  }
0x3e1: {  	[tilespmem:$0x1FEA0] =	vst v25;
	v56 =	vld [tilespmem:s12+$0x0];
	v25 =	vadd.f32 v23, v13;
	v23 =	vmul.f32 v35, v0;
	v35 =	vmul.f32 v37, v3  }
0x3e2: {  	v13 =	vmul.f32 v38, v4;
	v37 =	vld [tilespmem:s12+$0x80];
	v38 =	vmul.f32 v41, v1  }
0x3e3: {  	v41 =	vmul.f32 v42, v3;
	v42 =	vmul.f32 v43, v4;
	v43 =	vld [tilespmem:s12+$0xFFFFFD70]  }
0x3e4: {  	v50 =	vmul.f32 v50, v6;
	[tilespmem:$0x1FEC0] =	vst v63;
	v63 =	vadd.f32 v31, v27;
	v31 =	vmul.f32 v60, v7;
	v60 =	vld [tilespmem:s12+$0xFFFFFEC0]  }
0x3e5: {  	v51 =	vmul.f32 v51, v7;
	v15 =	vadd.f32 v15, v25;
	v25 =	vmul.f32 v40, v0;
	v40 =	vld [tilespmem:s12+$0x90]  }
0x3e6: {  	v27 =	vmul.f32 v59, v6;
	v42 =	vadd.f32 v42, v49;
	v49 =	vld [tilespmem:s12+$0xFFFFFC70]  }
0x3e7: {  	v55 =	vmul.f32 v55, v5;
	[tilespmem:$0x1FED0] =	vst v13;
	v13 =	vmul.f32 v62, v3;
	v62 =	vadd.f32 v51, v50;
	v50 =	vld [tilespmem:s12+$0xFFFFFD60]  }
0x3e8: {  	v48 =	vmul.f32 v48, v4;
	v27 =	vadd.f32 v31, v27;
	v51 =	vmul.f32 v53, v2;
	v53 =	vld [tilespmem:s12+$0xFFFFFDD0]  }
0x3e9: {  	v15 =	vadd.f32 v10, v15;
	v10 =	vld [tilespmem:s12+$0xFFFFFDE0];
	v42 =	vadd.f32 v35, v42;
	v35 =	vmul.f32 v58, v0  }
0x3ea: {  	v58 =	vmul.f32 v56, v6;
	v56 =	vmul.f32 v32, v3;
	v32 =	vld [tilespmem:s12+$0xFFFFFD30]  }
0x3eb: {  	v55 =	vadd.f32 v55, v27;
	v59 =	vadd.f32 v61, v15;
	v15 =	vmul.f32 v44, v5;
	v44 =	vld [tilespmem:s12+$0xFFFFFF30]  }
0x3ec: {  	v12 =	vadd.f32 v12, v42;
	v42 =	vld [tilespmem:s12+$0xFFFFFF20]  }
0x3ed: {  	v47 =	vmul.f32 v47, v1;
	v29 =	vmul.f32 v29, v3;
	v48 =	vadd.f32 v48, v55;
	v55 =	vld [tilespmem:s12+$0xFFFFFF00]  }
0x3ee: {  	v24 =	vmul.f32 v24, v4;
	v19 =	vmul.f32 v19, v5;
	v31 =	vadd.f32 v8, v59;
	v59 =	vld [tilespmem:s12+$0x10]  }
0x3ef: {  	v37 =	vmul.f32 v37, v6;
	v40 =	vmul.f32 v40, v7;
	v41 =	vadd.f32 v41, v48;
	v48 =	vld [tilespmem:s12+$0xFFFFFEB0]  }
0x3f0: {  	v21 =	vmul.f32 v21, v4;
	v45 =	vmul.f32 v45, v5;
	v9 =	vadd.f32 v9, v12;
	v12 =	vld [tilespmem:s12+$0xFFFFFF90]  }
0x3f1: {  	v27 =	vmul.f32 v52, v0;
	v52 =	vmul.f32 v54, v3;
	v37 =	vadd.f32 v40, v37;
	v40 =	vld [tilespmem:s12+$0xFFFFFE90]  }
0x3f2: {  	v54 =	vmul.f32 v28, v1;
	v61 =	vmul.f32 v17, v2;
	v34 =	vadd.f32 v34, v41;
	v41 =	vld [tilespmem:s12+$0xFFFFFF80]  }
0x3f3: {  	v17 =	vmul.f32 v18, v4;
	v9 =	vadd.f32 v14, v9;
	v14 =	vld [tilespmem:$0x1FE80];
	v28 =	vadd.f32 v45, v37  }
0x3f4: {  	v37 =	vmul.f32 v30, v2;
	v30 =	vld [tilespmem:s12+$0xFFFFFEA0];
	v11 =	vadd.f32 v11, v34;
	v59 =	vmul.f32 v59, v7  }
0x3f5: {  	v8 =	vmul.f32 v16, v6;
	v45 =	vld [tilespmem:s12+$0xFFFFFD50];
	v24 =	vadd.f32 v24, v28;
	v28 =	vmul.f32 v36, v5  }
0x3f6: {  	v34 =	vld [tilespmem:s12+$0xFFFFFC60];
	v11 =	vadd.f32 v46, v11;
	v46 =	vmul.f32 v22, v1;
	v22 =	vadd.f32 v59, v58  }
0x3f7: {  	(xrf2) =	vadd.scan.msk.f32 $0xffff, v31;
	v31 =	vmul.f32 v50, v1;
	v36 =	vld [tilespmem:s12+$0xFFFFFF10];
	v12 =	vmul.f32 v12, v7;
	v24 =	vadd.f32 v52, v24  }
0x3f8: {  	v58 =	vmul.f32 v39, v7;
	v39 =	vld [tilespmem:s12+$0xFFFFFE80];
	v52 =	vmul.f32 v20, v2;
	v22 =	vadd.f32 v28, v22  }
0x3f9: {  	v20 =	vmul.f32 v14, v3;
	v30 =	vmul.f32 v30, v5;
	v28 =	vadd.f32 v61, v24;
	v61 =	vld [tilespmem:$0x1FE90]  }
0x3fa: {  	v18 =	vadd.f32 v58, v8;
	v8 =	vld [tilespmem:s12+$0xFFFFFDC0];
	v24 =	vmul.f32 v26, v0;
	v26 =	vadd.f32 v21, v22  }
0x3fb: {  	v21 =	vmul.f32 v33, v4;
	v59 =	vadd.f32 v38, v28;
	v33 =	vld [tilespmem:s12+$0xFFFFFC50];
	v22 =	vmul.f32 v43, v0  }
0x3fc: {  	v38 =	vld [tilespmem:s12+$0xFFFFFD40];
	v58 =	vadd.f32 v29, v26;
	v26 =	vmul.f32 v55, v6;
	v29 =	vmul.f32 v36, v7  }
0x3fd: {  	v43 =	vld [tilespmem:s12+$0xFFFFFDB0];
	v55 =	vadd.f32 v23, v59;
	v23 =	vmul.f32 v39, v6;
	v59 =	vmul.f32 v40, v7  }
0x3fe: {  	v28 =	vmul.f32 v10, v1;
	v40 =	vmul.f32 v60, v3;
	v60 =	vld [tilespmem:$0x1FEA0];
	v10 =	vadd.f32 v51, v58  }
0x3ff: {  	v26 =	vadd.f32 v29, v26;
	v29 =	vmul.f32 v42, v5;
	v51 =	vld [tilespmem:s12+$0xFFFFFDA0];
	v36 =	vadd.f32 v59, v23  }
0x400: {  	v23 =	vmul.f32 v57, v5;
	v57 =	vmul.f32 v48, v4;
	v59 =	vld [tilespmem:s12+$0xFFFFFD90]  }
0x401: {  	v26 =	vadd.f32 v29, v26;
	v29 =	vmul.f32 v44, v4;
	v44 =	vld [tilespmem:s12+$0xFFFFFD80];
	v36 =	vadd.f32 v30, v36  }
0x402: {  	v39 =	vld [tilespmem:s12+$0xFFFFFE10];
	v33 =	vmul.f32 v33, v2;
	v38 =	vmul.f32 v38, v3;
	v10 =	vadd.f32 v47, v10  }
0x403: {  	v58 =	vld [tilespmem:s12+$0xFFFFFE00];
	v26 =	vadd.f32 v29, v26;
	v29 =	vmul.f32 v41, v6;
	v47 =	vadd.f32 v57, v36  }
0x404: {  	v48 =	vld [tilespmem:s12+$0xFFFFFD00];
	v30 =	vadd.f32 v25, v10;
	v25 =	vmul.f32 v49, v0;
	v36 =	vmul.f32 v53, v2  }
0x405: {  	v42 =	vld [tilespmem:s12+$0xFFFFFC00];
	v10 =	vmul.f32 v59, v7;
	v50 =	vadd.f32 v56, v26;
	v53 =	vadd.f32 v40, v47  }
0x406: {  	p0 =	sne.s32 s13, $0x140;
	v57 =	vmul.f32 v51, v5;
	v26 =	vadd.f32 v12, v29;
	v12 =	vld [tilespmem:s12+$0xFFFFFD10];
	v56 =	vmul.f32 v44, v6  }
.Ltmp3:
0x407: {  	v41 =	vld [tilespmem:s12+$0xFFFFFD20];
	v40 =	vmul.f32 v8, v3;
	v8 =	vadd.f32 v52, v50;
	v37 =	vadd.f32 v37, v53;
	(pc) =	sbr.rel @p0 .LBB2_9-.Ltmp3, $4  }
0x408: {  	(xrf2) =	vadd.scan.msk.f32 $0xffff, v9;
	v29 =	vmul.f32 v34, v1;
	v34 =	vmul.f32 v45, v2;
	v45 =	vld [tilespmem:s12+$0xFFFFFC10];
	v9 =	vadd.f32 v10, v56  }
0x409: {  	v47 =	vmul.f32 v43, v4;
	v43 =	vld [tilespmem:s12+$0xFFFFFC20];
	v8 =	vadd.f32 v54, v8;
	v59 =	vadd.f32 v46, v37  }
0x40a: {  	(xrf2) =	vadd.scan.msk.f32 $0xffff, v11;
	v44 =	vld [tilespmem:s12+$0xFFFFFC80];
	v50 =	vmul.f32 v48, v6;
	v48 =	vmul.f32 v58, v6;
	v49 =	vadd.f32 v57, v9  }
0x40b: {  	s11 =	smov.u32 s13;
	s13 =	sadd.s32 $0x40, s13;
	(xrf2) =	vadd.scan.msk.f32 $0xffff, v55;
	v46 =	vld [tilespmem:s12+$0xFFFFFC90];
	v51 =	vmul.f32 v12, v7;
	v37 =	vadd.f32 v27, v8;
	v35 =	vadd.f32 v35, v59  }
0x40c: {  	v8 =	vld [tilespmem:s12+$0xFFFFFC30]  }
0x40d: {  	v10 =	vmul.f32 v41, v5;
	v56 =	vld [tilespmem:s12+$0xFFFFFCA0]  }
0x40e: {  	v11 =	vmul.f32 v39, v7;
	v12 =	vmul.f32 v42, v6;
	v57 =	vadd.f32 v47, v49;
	v58 =	vld [tilespmem:s12+$0xFFFFFC40]  }
0x40f: {  	v59 =	vmul.f32 v32, v4;
	v16 =	vld [tilespmem:s12+$0xFFFFFCB0];
	v23 =	vadd.f32 v23, v26;
	v9 =	vadd.f32 v51, v50  }
0x410: {  	v47 =	vld [tilespmem:s12+$0xFFFFFE20];
	v18 =	vadd.f32 v19, v18;
	v27 =	vmul.f32 v45, v7;
	v11 =	vadd.f32 v11, v48  }
0x411: {  	v52 =	vld [tilespmem:s12+$0xFFFFFCD0];
	v14 =	vmul.f32 v43, v5;
	v40 =	vadd.f32 v40, v57;
	v9 =	vadd.f32 v10, v9  }
0x412: {  	v54 =	vld [tilespmem:s12+$0xFFFFFE40];
	v12 =	vadd.f32 v27, v12;
	v45 =	vmul.f32 v44, v6;
	v46 =	vmul.f32 v46, v7  }
0x413: {  	v48 =	vld [tilespmem:s12+$0xFFFFFCC0];
	v36 =	vadd.f32 v36, v40;
	v9 =	vadd.f32 v59, v9  }
0x414: {  	v50 =	vld [tilespmem:s12+$0xFFFFFE30];
	v12 =	vadd.f32 v14, v12;
	v49 =	vmul.f32 v56, v5;
	v6 =	vadd.f32 v46, v45  }
0x415: {  	v55 =	vld [tilespmem:s12+$0xFFFFFCE0];
	v8 =	vmul.f32 v8, v4;
	v53 =	vmul.f32 v16, v4;
	v14 =	vadd.f32 v15, v62  }
0x416: {  	v42 =	vld [tilespmem:s12+$0xFFFFFFF0];
	v56 =	vmul.f32 v47, v5;
	v28 =	vadd.f32 v28, v36;
	v6 =	vadd.f32 v49, v6  }
0x417: {  	v40 =	vld [tilespmem:s12+$0x150];
	v51 =	vmul.f32 v58, v3;
	v9 =	vadd.f32 v38, v9;
	v8 =	vadd.f32 v8, v12  }
0x418: {  	v58 =	vld [tilespmem:s12+$0xFFFFFE50];
	v57 =	vmul.f32 v48, v3;
	v5 =	vadd.f32 v56, v11;
	v6 =	vadd.f32 v53, v6  }
0x419: {  	v59 =	vld [tilespmem:s12+$0xFFFFFCF0];
	v16 =	vmul.f32 v50, v4;
	v24 =	vadd.f32 v24, v28;
	v9 =	vadd.f32 v34, v9  }
0x41a: {  	v62 =	vld [tilespmem:$0x1FEC0];
	v28 =	vmul.f32 v52, v2;
	v8 =	vadd.f32 v51, v8;
	v6 =	vadd.f32 v57, v6  }
0x41b: {  	v32 =	vmul.f32 v54, v3;
	v4 =	vadd.f32 v16, v5;
	v9 =	vadd.f32 v31, v9;
	v31 =	vld [tilespmem:s12+$0xFFFFFE60]  }
0x41c: {  	(xrf2) =	vadd.scan.msk.f32 $0xffff, v30;
	v34 =	vmul.f32 v55, v1;
	v8 =	vadd.f32 v33, v8;
	v33 =	vld [tilespmem:s12+$0xFFFFFFD0];
	v6 =	vadd.f32 v28, v6  }
0x41d: {  	(xrf2) =	vadd.scan.msk.f32 $0xffff, v37;
	v21 =	vadd.f32 v21, v23;
	v36 =	vld [tilespmem:s12+$0xFFFFFE70];
	v37 =	vmul.f32 v58, v2;
	v4 =	vadd.f32 v32, v4  }
0x41e: {  	v38 =	vld [tilespmem:s12+$0xFFFFFFE0];
	v39 =	vmul.f32 v59, v0;
	v8 =	vadd.f32 v29, v8;
	v6 =	vadd.f32 v34, v6  }
0x41f: {  	(xrf2) =	vadd.scan.msk.f32 $0xffff, v35;
	v45 =	vld [tilespmem:s12+$0x160];
	v9 =	vadd.f32 v22, v9;
	v4 =	vadd.f32 v37, v4  }
0x420: {  	v55 =	vld [tilespmem:$0x1FED0];
	(xrf2) =	vadd.scan.msk.f32 $0xffff, v24;
	v8 =	vadd.f32 v25, v8;
	v41 =	vmul.f32 v31, v1;
	v6 =	vadd.f32 v39, v6  }
0x421: {  	v43 =	vadd.f32 v20, v21;
	v50 =	vld [tilespmem:s12+$0x170];
	(xrf2) =	vadd.scan.msk.f32 $0xffff, v9;
	v44 =	vmul.f32 v33, v2  }
0x422: {  	v47 =	vadd.f32 v17, v18;
	v48 =	vld [tilespmem:s12+$0x2D0];
	v46 =	vmul.f32 v36, v0;
	(xrf2) =	vadd.scan.msk.f32 $0xffff, v8;
	v4 =	vadd.f32 v41, v4  }
0x423: {  	v17, _, _ =	vpop (xrf2);
	v53 =	vld [tilespmem:s12+$0x2E0];
	v49 =	vmul.f32 v38, v1;
	v7 =	vadd.f32 v44, v43;
	(xrf2) =	vadd.scan.msk.f32 $0xffff, v6  }
0x424: {  	v51 =	vadd.f32 v13, v47;
	v52 =	vmul.f32 v40, v2;
	v32 =	vld [tilespmem:$0x1FEB0];
	v4 =	vadd.f32 v46, v4;
	v6, _, _ =	vpop (xrf2)  }
0x425: {  	v54 =	vmul.f32 v42, v0;
	v59 =	vld [tilespmem:s12+$0x2F0];
	v11 =	vadd.f32 v55, v14;
	v7 =	vadd.f32 v49, v7;
	v16, _, _ =	vpop (xrf2)  }
0x426: {  	v56 =	vld [tilespmem:s12+$0x3D0];
	v19 =	vadd.f32 v62, v63;
	v5 =	vadd.f32 v52, v51;
	v58 =	vmul.f32 v45, v1;
	(xrf2) =	vadd.scan.msk.f32 $0xffff, v4;
	v57, _, _ =	vpop (xrf2)  }
0x427: {  	v25 =	vmul.f32 v48, v2;
	v24 =	vadd.f32 v60, v11;
	v7 =	vadd.f32 v54, v7;
	v63, _, _ =	vpop (xrf2)  }
0x428: {  	v27 =	vmul.f32 v50, v0;
	v5 =	vadd.f32 v58, v5;
	v29 =	vld [tilespmem:s12+$0x3E0];
	v28 =	vmul.f32 v61, v3;
	v26, _, _ =	vpop (xrf2)  }
0x429: {  	v31 =	vmul.f32 v53, v1;
	v15 =	vadd.f32 v32, v19;
	v9 =	vadd.f32 v25, v24;
	(xrf2) =	vadd.scan.msk.f32 $0xffff, v7;
	v30, _, _ =	vpop (xrf2)  }
0x42a: {  	v35 =	vld [tilespmem:s12+$0x3F0];
	v5 =	vadd.f32 v27, v5;
	v37 =	vmul.f32 v59, v0;
	v33, _, _ =	vpop (xrf2)  }
0x42b: {  	v34 =	vmul.f32 v56, v2;
	v3 =	vadd.f32 v28, v15;
	v9 =	vadd.f32 v31, v9;
	v36, _, _ =	vpop (xrf2)  }
0x42c: {  	(xrf2) =	vadd.scan.msk.f32 $0xffff, v5;
	v38, _, _ =	vpop (xrf2)  }
0x42d: {  	v40 =	vmul.f32 v29, v1;
	v2 =	vadd.f32 v34, v3;
	v39 =	vadd.f32 v37, v9;
	v41, _, _ =	vpop (xrf2)  }
0x42e: {  	v42 =	vbroadcast v38, $0xF;
	v3 =	vbroadcast v41, $0xF  }
0x42f: {  	v44 =	vmul.f32 v35, v0;
	v1 =	vadd.f32 v40, v2;
	v43 =	vbroadcast v36, $0xF;
	(xrf2) =	vadd.scan.msk.f32 $0xffff, v39  }
0x430: {  	v46 =	vbroadcast v33, $0xF;
	v47, _, _ =	vpop (xrf2);
	v45 =	vsel vm0, v42, v3  }
0x431: {  	v0 =	vadd.f32 v44, v1;
	v5 =	vbroadcast v47, $0xF;
	v2 =	vsel vm1, v45, v43  }
0x432: {  	v49 =	vbroadcast v30, $0xF;
	v48 =	vsel vm2, v2, v46  }
0x433: {  	v50 =	vbroadcast v26, $0xF;
	(xrf2) =	vadd.scan.msk.f32 $0xffff, v0;
	v51, _, _ =	vpop (xrf2);
	v1 =	vsel vm3, v48, v5  }
0x434: {  	v53 =	vbroadcast v51, $0xF;
	v52 =	vsel vm4, v1, v49  }
0x435: {  	v54 =	vbroadcast v63, $0xF;
	v0 =	vsel vm5, v52, v50  }
0x436: {  	v55 =	vbroadcast v57, $0xF;
	v56, _, _ =	vpop (xrf2);
	v0 =	vsel vm6, v0, v53  }
0x437: {  	v57 =	vbroadcast v56, $0xF;
	v0 =	vsel vm7, v0, v54  }
0x438: {  	v58 =	vbroadcast v16, $0xF;
	v0 =	vsel vm8, v0, v55  }
0x439: {  	v59 =	vbroadcast v6, $0xF;
	v60, _, _ =	vpop (xrf2);
	v0 =	vsel vm9, v0, v57  }
0x43a: {  	v61 =	vbroadcast v60, $0xF;
	v0 =	vsel vm10, v0, v58  }
0x43b: {  	v62 =	vbroadcast v17, $0xF;
	v0 =	vsel vm11, v0, v59  }
0x43c: {  	s19 =	sadd.s32 $0x1, s19;
	v0 =	vsel vm12, v0, v61  }
0x43d: {  	s10 =	sadd.s32 s5, s10;
	p0 =	sne.s32 s19, $0xB0;
	v63, _, _ =	vpop (xrf2);
	v0 =	vsel vm13, v0, v62  }
.Ltmp4:
0x43e: {  	s11 =	sshra.s32 s11, $0x2;
	s10 =	sshrl.u32 s10, $0x3;
	v0 =	vsel vm14, v0, v63;
	(pc) =	sbr.rel @p0 .LBB2_2-.Ltmp4, $4  }
0x43f: {  	s15 =	sadd.s32 s8, s10;
	[tilespmem:s11+$0x16580] =	vst v0  }
0x440: {  	[hbm4b:s15+s4] =	stream.linear.scatter [tilespmem:s2], [sflag:$0x6], $0x60, $0x38;
	[tilespmem:$0x17680] =	vst v63  }
0x441: {  	s10 =	sadd.s32 s9, s10  }
0x442: {  	[hbm4b:s10+s4] =	stream.linear.scatter [tilespmem:s22], [sflag:$0x6], $0x60, $0x38;
	[tilespmem:$0x17680] =	vst v63  }
0x443: {  	_ =	swait.ge [sflag:s23], $0x60  }
0x444: {  	[sflag:s23] =	ssyncset.done $0x0  }
0x445: {  	[sflag:s23] =	ssyncadd.s32 $0xFFFFFFA0  }
0x446: {  	_ =	swait.ge [sflag:s23], $0x60  }
0x447: {  	[sflag:s23] =	ssyncset.done $0x0  }
0x448: {  	s26 =	sadd.s32 $0x1, s26;
	[sflag:s23] =	ssyncadd.s32 $0xFFFFFFA0  }
0x449: {  	p0 =	sne.s32 s26, s16;
	_ =	swait.ge [sflag:s25], $0x60  }
.Ltmp5:
0x44a: {  	[sflag:s25] =	ssyncset.done $0x0;
	(pc) =	sbr.rel @p0 .LBB2_1-.Ltmp5, $4  }
0x44b: {  	[sflag:s25] =	ssyncadd.s32 $0xFFFFFFA0  }
0x44c: {  	_ =	swait.ge [sflag:s25], $0x60  }
0x44d: {  	[sflag:s25] =	ssyncset.done $0x0  }
0x44e: {  	[sflag:s25] =	ssyncadd.s32 $0xFFFFFFA0  }
0x44f: {  	_ =	sfence.sel $0x180000  }
0x450: {  	[bflag:$0x0] =	sbarrier.arrive $0xFFFF  }
0x451: {  	_ =	strace $0x90000047  }
0x452: {  	s0 =	stileid.u32;
	[bflag:$0x2] =	sbarrier.arrive $0xFFFF  }
0x453: {  	p0 =	sne.s32 s0, $0x0;
	s0 =	rddreg [dreg:$0x6]  }
0x454: {  	s0 =	sadd.s32 @!p0 $0x100000, s0  }
0x455: {  	[sflag:s0] =	ssyncadd.tile.s32 @!p0 $0x1;
	_ =	shalt  }
.Lfunc_end2:
_tile_overlayer_lowered:
.L_overlay_start_2:
0x456: {  	(tag) =	ssettag $0x2  }
0x457: {  	s0 =	rddreg [dreg:$0x0];
	s2 =	stileid.u32  }
0x458: {  	s1 =	rddreg [dreg:$0x1];
	p0 =	sne.s32 s2, $0x0  }
0x459: {  	s3 =	rddreg [dreg:$0x2];
	[bflag:$0x3] =	sbarrier.arrive $0xFFFF;
	s2 =	simm.s32 @!p0 $0x1C07  }
0x45a: {  	[timem:s3], [sflag:s2] =	dma.local @!p0 [hbm:s0], s1  }
0x45b: {  	s0 =	simm.s32 @!p0 $0x7  }
0x45c: {  	_ =	swait.ge @!p0 [sflag:s0], s1  }
0x45d: {  	s1 =	ssub.s32 @!p0 $0x0, s1;
	[sflag:s0] =	ssyncset.done @!p0 $0x0  }
0x45e: {  	[sflag:s0] =	ssyncadd.s32 @!p0 s1  }
0x45f: {  	[bflag:$0x3] =	sbarrier.arrive $0xFFFF  }
0x460: {  	_ =	shalt  }

</sc_bundles>
